<compile_context>
chip_gen: v7x
topology: tpu7x:2x2x1
jax: 0.10.2.dev20260603
libtpu: 0.0.44.dev20260713+nightly
codegen_flags: <defaults>
</compile_context>

<pallas_src>
import functools

import jax
import jax.numpy as jnp
from jax import lax
from jax.experimental import pallas as pl
from jax.experimental.pallas import tpu as pltpu
from jax.experimental.pallas import tpu_sc as plsc

SCALE_Q = 0.041666666666666664
DV_LATENT = 512
W_PACK = 384
D_UNPACK = 2 * W_PACK
N_CHUNKS_T = 8


@functools.lru_cache(maxsize=None)
def _make_sc_gather(S, T, K):
    info = plsc.get_sparse_core_info()
    nw = info.num_cores * info.num_subcores
    R = T * K
    assert R % nw == 0
    rows_per_w = R // nw
    chunk = 128
    assert rows_per_w % (2 * chunk) == 0 and K % chunk == 0
    n_pairs = rows_per_w // (2 * chunk)
    mesh = plsc.VectorSubcoreMesh(core_axis_name="c", subcore_axis_name="s")

    @functools.partial(
        pl.kernel,
        mesh=mesh,
        out_type=jax.ShapeDtypeStruct((R, W_PACK), jnp.int32),
        scratch_types=[
            pltpu.VMEM((1, rows_per_w), jnp.int32),
            pltpu.VMEM((chunk, W_PACK), jnp.int32),
            pltpu.VMEM((chunk, W_PACK), jnp.int32),
            pltpu.SemaphoreType.DMA,
            pltpu.SemaphoreType.DMA,
            pltpu.SemaphoreType.DMA,
            pltpu.SemaphoreType.DMA,
        ],
    )
    def gather_k(cache_hbm, idx_hbm, out_hbm, idx_v, rows_v0,
                 rows_v1, sem_g0, sem_g1, sem_w0, sem_w1):
        wid = lax.axis_index("s") * info.num_cores + lax.axis_index("c")
        base = wid * rows_per_w
        tok = base // K
        col = base % K
        pltpu.sync_copy(
            idx_hbm.at[pl.ds(tok, 1), pl.ds(col, rows_per_w)], idx_v
        )
        bufs = ((rows_v0, sem_w0), (rows_v1, sem_w1))

        def body(i, carry):
            pair0 = base + i * 2 * chunk

            @pl.when(i > 0)
            def _wait_prev():
                for b in range(2):
                    rows_v, sem_w = bufs[b]
                    pltpu.make_async_copy(
                        rows_v, out_hbm.at[pl.ds(base, chunk)], sem_w
                    ).wait()

            g0 = pltpu.async_copy(
                cache_hbm.at[idx_v.at[0, pl.ds(i * 2 * chunk, chunk)]],
                rows_v0, sem_g0,
            )
            g1 = pltpu.async_copy(
                cache_hbm.at[idx_v.at[0, pl.ds(i * 2 * chunk + chunk, chunk)]],
                rows_v1, sem_g1,
            )
            g0.wait()
            pltpu.async_copy(rows_v0, out_hbm.at[pl.ds(pair0, chunk)], sem_w0)
            g1.wait()
            pltpu.async_copy(
                rows_v1, out_hbm.at[pl.ds(pair0 + chunk, chunk)], sem_w1
            )
            return carry

        lax.fori_loop(0, n_pairs, body, 0)
        for b in range(2):
            rows_v, sem_w = bufs[b]
            pltpu.make_async_copy(
                rows_v, out_hbm.at[pl.ds(base, chunk)], sem_w
            ).wait()

    return gather_k


def _attn_body(q_ref, k_ref, sink_ref, o_ref):
    q = q_ref[0].astype(jnp.bfloat16)
    kw = k_ref[...]
    lo = lax.bitcast_convert_type(
        lax.shift_left(kw, 16), jnp.float32).astype(jnp.bfloat16)
    hi = lax.bitcast_convert_type(kw, jnp.float32).astype(jnp.bfloat16)
    s = sink_ref[...]
    logits = (
        lax.dot_general(q[:, :W_PACK], lo, (((1,), (1,)), ((), ())),
                        preferred_element_type=jnp.float32)
        + lax.dot_general(q[:, W_PACK:], hi, (((1,), (1,)), ((), ())),
                          preferred_element_type=jnp.float32)
    ) * SCALE_Q
    m = jnp.maximum(jnp.max(logits, axis=1, keepdims=True), s)
    p = jnp.exp(logits - m)
    denom = jnp.sum(p, axis=1, keepdims=True) + jnp.exp(s - m)
    attn = (p / denom).astype(jnp.bfloat16)
    out_lo = lax.dot_general(attn, lo, (((1,), (0,)), ((), ())),
                             preferred_element_type=jnp.float32)
    out_hi = lax.dot_general(attn, hi[:, :DV_LATENT - W_PACK],
                             (((1,), (0,)), ((), ())),
                             preferred_element_type=jnp.float32)
    o_ref[0] = jnp.concatenate([out_lo, out_hi], axis=1)


def _tc_attn(q, gathered, sink, interpret=False):
    T, H, D = q.shape
    K = gathered.shape[0] // T
    return pl.pallas_call(
        _attn_body,
        grid=(T,),
        in_specs=[
            pl.BlockSpec((1, H, D), lambda t: (t, 0, 0)),
            pl.BlockSpec((K, W_PACK), lambda t: (t, 0)),
            pl.BlockSpec((H, 1), lambda t: (0, 0)),
        ],
        out_specs=pl.BlockSpec((1, H, DV_LATENT), lambda t: (t, 0, 0)),
        out_shape=jax.ShapeDtypeStruct((T, H, DV_LATENT), jnp.float32),
        interpret=interpret,
    )(q, gathered, sink)


def kernel(q, kv_cache, topk_indices, attn_sink):
    T, H, D = q.shape
    K = topk_indices.shape[1]
    S = kv_cache.shape[0]
    kv16 = kv_cache.astype(jnp.bfloat16)
    kv768 = jnp.pad(kv16, ((0, 0), (0, 2 * W_PACK - D)))
    u_lo = lax.convert_element_type(
        lax.bitcast_convert_type(kv768[:, :W_PACK], jnp.uint16), jnp.uint32)
    u_hi = lax.convert_element_type(
        lax.bitcast_convert_type(kv768[:, W_PACK:], jnp.uint16), jnp.uint32)
    cache_w = lax.bitcast_convert_type(
        jnp.bitwise_or(u_lo, lax.shift_left(u_hi, jnp.uint32(16))), jnp.int32
    )
    q_p = jnp.pad(q, ((0, 0), (0, 0), (0, D_UNPACK - D)))
    sink = attn_sink.reshape(H, 1)
    tc = T // N_CHUNKS_T
    gather = _make_sc_gather(S, tc, K)
    outs = []
    for c in range(N_CHUNKS_T):
        g = gather(cache_w, topk_indices[c * tc:(c + 1) * tc])
        outs.append(_tc_attn(q_p[c * tc:(c + 1) * tc], g, sink))
    return jnp.concatenate(outs, axis=0)

# --- scband reference (transcript-rebuilt; emitter-appended) ---
"""Pipeline reference for scband-deepseek-v4-mlaattention-22754736734455 (READ-ONLY COPY).

The authoritative reference and input builder live on the scoring server;
editing this copy changes nothing except your own understanding.
"""

import jax, jax.numpy as jnp
import numpy as np

SCALE = 0.041666666666666664  # 1/sqrt(576)
DV = 512  # head_dim_v: latent value dim (kv_lora_rank)


def setup_inputs(seed: int = 0) -> dict:
    key = jax.random.key(seed)
    k1, k2, k3, k4 = jax.random.split(key, 4)
    T, H, D, S, K = 64, 64, 576, 32768, 2048
    q = jax.random.normal(k1, (T, H, D), dtype=jnp.float32)
    kv_cache = jax.random.normal(k2, (S, D), dtype=jnp.float32)
    topk_indices = jax.random.randint(k3, (T, K), 0, S, dtype=jnp.int32)
    attn_sink = jax.random.normal(k4, (H,), dtype=jnp.float32)
    return {"q": q, "kv_cache": kv_cache, "topk_indices": topk_indices, "attn_sink": attn_sink}


def reference(q, kv_cache, topk_indices, attn_sink):
    # Sparse MLA decode (flash_mla_with_kvcache path):
    # gather per-token top-k compressed KV entries (576 = 512 latent + 64 rope),
    # MQA: single compressed KV shared across all heads.
    k = jnp.take(kv_cache, topk_indices, axis=0)          # [T, K, 576] gather
    v = k[..., :DV]                                        # [T, K, 512] latent values
    logits = jnp.einsum('thd,tkd->thk', q, k) * SCALE      # [T, H, K]
    sink = attn_sink[None, :, None]                        # [1, H, 1]
    m = jnp.maximum(jnp.max(logits, axis=-1, keepdims=True), sink)
    p = jnp.exp(logits - m)
    denom = jnp.sum(p, axis=-1, keepdims=True) + jnp.exp(sink - m)
    attn = p / denom                                       # softmax with attention sink
    out = jnp.einsum('thk,tkd->thd', attn, v)              # [T, H, 512]
    return out

if __name__ == "__main__":
    import jax
    _d = setup_inputs()
    print(jax.jit(kernel)(*tuple(_d.values())))

</pallas_src>

<mosaic_0001>
#map = affine_map<(d0, d1) -> (0, 0)>
module attributes {stable_mosaic.version = 14 : i64} {
  func.func @gather_k(%arg0: i32, %arg1: i32, %arg2: memref<32768x384xi32, #tpu.memory_space<hbm>>, %arg3: memref<8x2048xi32, #tpu.memory_space<hbm>>, %arg4: memref<16384x384xi32, #tpu.memory_space<hbm>>, %arg5: memref<1x512xi32, #tpu.memory_space<vmem>>, %arg6: memref<128x384xi32, #tpu.memory_space<vmem>>, %arg7: memref<128x384xi32, #tpu.memory_space<vmem>>, %arg8: memref<!tpu.dma_semaphore, #tpu.memory_space<semaphore_mem>>, %arg9: memref<!tpu.dma_semaphore, #tpu.memory_space<semaphore_mem>>, %arg10: memref<!tpu.dma_semaphore, #tpu.memory_space<semaphore_mem>>, %arg11: memref<!tpu.dma_semaphore, #tpu.memory_space<semaphore_mem>>) attributes {dimension_semantics = [#tpu.dimension_semantics<core_parallel>, #tpu.dimension_semantics<subcore_parallel>], iteration_bounds = array<i64: 2, 16>, scalar_prefetch = 0 : i64, scratch_operands = 7 : i64, tpu.core_type = #tpu.core_type<sc_vector_subcore>, window_params = [{transform_indices = #map}, {transform_indices = #map}, {transform_indices = #map}]} {
    %mul3A = arith.constant 2 : i32
    %mul3A_0 = arith.muli %arg1, %mul3A : i32
    %add3A = arith.addi %mul3A_0, %arg0 : i32
    %mul3A_1 = arith.constant 512 : i32
    %mul3A_2 = arith.muli %add3A, %mul3A_1 : i32
    %jit3A = arith.constant 2048 : i32
    %div3A = arith.divsi %mul3A_2, %jit3A : i32
    %sign3A = arith.constant 0 : i32
    %sign3A_3 = arith.cmpi sgt, %mul3A_2, %sign3A : i32
    %sign3A_4 = arith.extui %sign3A_3 : i1 to i32
    %sign3A_5 = arith.constant 0 : i32
    %sign3A_6 = arith.cmpi slt, %mul3A_2, %sign3A_5 : i32
    %sign3A_7 = arith.extui %sign3A_6 : i1 to i32
    %sign3A_8 = arith.subi %sign3A_4, %sign3A_7 : i32
    %sign3A_9 = arith.constant 0 : i32
    %sign3A_10 = arith.cmpi sgt, %jit3A, %sign3A_9 : i32
    %sign3A_11 = arith.extui %sign3A_10 : i1 to i32
    %sign3A_12 = arith.constant 0 : i32
    %sign3A_13 = arith.cmpi slt, %jit3A, %sign3A_12 : i32
    %sign3A_14 = arith.extui %sign3A_13 : i1 to i32
    %sign3A_15 = arith.subi %sign3A_11, %sign3A_14 : i32
    %ne3A = arith.cmpi ne, %sign3A_8, %sign3A_15 : i32
    %rem3A = arith.remsi %mul3A_2, %jit3A : i32
    %ne3A_16 = arith.constant 0 : i32
    %ne3A_17 = arith.cmpi ne, %rem3A, %ne3A_16 : i32
    %and3A = arith.andi %ne3A, %ne3A_17 : i1
    %sub3A = arith.constant 1 : i32
    %sub3A_18 = arith.subi %div3A, %sub3A : i32
    %select_n3A = arith.select %and3A, %sub3A_18, %div3A : i32
    %jit3A_19 = arith.constant 2048 : i32
    %eq3A = arith.constant 0 : i32
    %eq3A_20 = arith.cmpi eq, %jit3A_19, %eq3A : i32
    %jit3A_21 = arith.constant 1 : i32
    %select_n3A_22 = arith.select %eq3A_20, %jit3A_21, %jit3A_19 : i32
    %rem3A_23 = arith.remsi %mul3A_2, %select_n3A_22 : i32
    %ne3A_24 = arith.constant 0 : i32
    %ne3A_25 = arith.cmpi ne, %rem3A_23, %ne3A_24 : i32
    %lt3A = arith.constant 0 : i32
    %lt3A_26 = arith.cmpi slt, %rem3A_23, %lt3A : i32
    %lt3A_27 = arith.constant 0 : i32
    %lt3A_28 = arith.cmpi slt, %select_n3A_22, %lt3A_27 : i32
    %ne3A_29 = arith.xori %lt3A_26, %lt3A_28 : i1
    %and3A_30 = arith.andi %ne3A_29, %ne3A_25 : i1
    %add3A_31 = arith.addi %rem3A_23, %select_n3A_22 : i32
    %select_n3A_32 = arith.select %and3A_30, %add3A_31, %rem3A_23 : i32
    "tpu.region"() ({
      %run_scoped3A = tpu.sem_alloc : memref<!tpu.dma_semaphore, #tpu.memory_space<semaphore_mem>>
      %dma_start3A = tpu.memref_slice %arg3[%select_n3A, %select_n3A_32] : memref<8x2048xi32, #tpu.memory_space<hbm>> -> memref<1x512xi32, #tpu.memory_space<hbm>>
      %dma_start3A_45 = tpu.memref_slice %arg3[%select_n3A, %select_n3A_32] : memref<8x2048xi32, #tpu.memory_space<hbm>> -> memref<1x512xi32, #tpu.memory_space<hbm>>
      tpu.enqueue_dma source(%dma_start3A_45 : memref<1x512xi32, #tpu.memory_space<hbm>>) target(%arg5 : memref<1x512xi32, #tpu.memory_space<vmem>>) target_semaphore(%run_scoped3A : memref<!tpu.dma_semaphore, #tpu.memory_space<semaphore_mem>>)
      %dma_wait3A_46 = tpu.memref_slice %arg3[%select_n3A, %select_n3A_32] : memref<8x2048xi32, #tpu.memory_space<hbm>> -> memref<1x512xi32, #tpu.memory_space<hbm>>
      %dma_wait3A_47 = tpu.memref_slice %arg3[%select_n3A, %select_n3A_32] : memref<8x2048xi32, #tpu.memory_space<hbm>> -> memref<1x512xi32, #tpu.memory_space<hbm>>
      tpu.wait_dma2 semaphore(%run_scoped3A : memref<!tpu.dma_semaphore, #tpu.memory_space<semaphore_mem>>) src(%dma_wait3A_47 : memref<1x512xi32, #tpu.memory_space<hbm>>) dst(%arg5 : memref<1x512xi32, #tpu.memory_space<vmem>>)
      tpu.yield
    }) : () -> ()
    %scan3A = arith.constant 0 : i32
    %scan3A_33 = arith.constant 0 : i32
    %scan3A_34 = arith.constant 2 : i32
    %scan3A_35 = arith.addi %scan3A_33, %scan3A_34 : i32
    %scan3A_36 = arith.constant 1 : i32
    scf.for %scan3A_45 = %scan3A_33 to %scan3A_35 step %scan3A_36  : i32 {
      %mul3A_46 = arith.constant 2 : i32
      %mul3A_47 = arith.muli %scan3A_45, %mul3A_46 : i32
      %mul3A_48 = arith.constant 128 : i32
      %mul3A_49 = arith.muli %mul3A_47, %mul3A_48 : i32
      %add3A_50 = arith.addi %mul3A_2, %mul3A_49 : i32
      %gt3A = arith.constant 0 : i32
      %gt3A_51 = arith.cmpi sgt, %scan3A_45, %gt3A : i32
      %convert_element_type3A = arith.extui %gt3A_51 : i1 to i32
      %cond3A = arith.constant 0 : i32
      %cond3A_52 = arith.cmpi ne, %convert_element_type3A, %cond3A : i32
      scf.if %cond3A_52 {
        %dma_wait3A_96 = arith.constant 0 : i32
        %dma_wait3A_97 = tpu.memref_slice %arg4[%mul3A_2, %dma_wait3A_96] : memref<16384x384xi32, #tpu.memory_space<hbm>> -> memref<128x384xi32, #tpu.memory_space<hbm>>
        %dma_wait3A_98 = arith.constant 0 : i32
        %dma_wait3A_99 = tpu.memref_slice %arg4[%mul3A_2, %dma_wait3A_98] : memref<16384x384xi32, #tpu.memory_space<hbm>> -> memref<128x384xi32, #tpu.memory_space<hbm>>
        tpu.wait_dma2 semaphore(%arg10 : memref<!tpu.dma_semaphore, #tpu.memory_space<semaphore_mem>>) src(%arg6 : memref<128x384xi32, #tpu.memory_space<vmem>>) dst(%dma_wait3A_99 : memref<128x384xi32, #tpu.memory_space<hbm>>)
        %dma_wait3A_100 = arith.constant 0 : i32
        %dma_wait3A_101 = tpu.memref_slice %arg4[%mul3A_2, %dma_wait3A_100] : memref<16384x384xi32, #tpu.memory_space<hbm>> -> memref<128x384xi32, #tpu.memory_space<hbm>>
        %dma_wait3A_102 = arith.constant 0 : i32
        %dma_wait3A_103 = tpu.memref_slice %arg4[%mul3A_2, %dma_wait3A_102] : memref<16384x384xi32, #tpu.memory_space<hbm>> -> memref<128x384xi32, #tpu.memory_space<hbm>>
        tpu.wait_dma2 semaphore(%arg11 : memref<!tpu.dma_semaphore, #tpu.memory_space<semaphore_mem>>) src(%arg7 : memref<128x384xi32, #tpu.memory_space<vmem>>) dst(%dma_wait3A_103 : memref<128x384xi32, #tpu.memory_space<hbm>>)
      } else {
      }
      %mul3A_53 = arith.constant 2 : i32
      %mul3A_54 = arith.muli %scan3A_45, %mul3A_53 : i32
      %mul3A_55 = arith.constant 128 : i32
      %mul3A_56 = arith.muli %mul3A_54, %mul3A_55 : i32
      %dma_start3A = arith.constant 0 : i32
      %dma_start3A_57 = tpu.memref_slice %arg5[%dma_start3A, %mul3A_56] : memref<1x512xi32, #tpu.memory_space<vmem>> -> memref<1x128xi32, #tpu.memory_space<vmem>>
      %dma_start3A_58 = tpu.memref_squeeze %dma_start3A_57 : memref<1x128xi32, #tpu.memory_space<vmem>> -> memref<128xi32, #tpu.memory_space<vmem>>
      %dma_start3A_59 = arith.constant 0 : i32
      %dma_start3A_60 = arith.constant 0 : i32
      %dma_start3A_61 = tpu.memref_slice %arg2[%dma_start3A_59, %dma_start3A_60] : memref<32768x384xi32, #tpu.memory_space<hbm>> -> memref<32768x384xi32, #tpu.memory_space<hbm>>
      tpu.enqueue_indirect_dma source(%dma_start3A_61 : memref<32768x384xi32, #tpu.memory_space<hbm>>) target(%arg6 : memref<128x384xi32, #tpu.memory_space<vmem>>) offsets(%dma_start3A_58 : memref<128xi32, #tpu.memory_space<vmem>>) semaphore(%arg8 : memref<!tpu.dma_semaphore, #tpu.memory_space<semaphore_mem>>)
      %mul3A_62 = arith.constant 2 : i32
      %mul3A_63 = arith.muli %scan3A_45, %mul3A_62 : i32
      %mul3A_64 = arith.constant 128 : i32
      %mul3A_65 = arith.muli %mul3A_63, %mul3A_64 : i32
      %add3A_66 = arith.constant 128 : i32
      %add3A_67 = arith.addi %mul3A_65, %add3A_66 : i32
      %dma_start3A_68 = arith.constant 0 : i32
      %dma_start3A_69 = tpu.memref_slice %arg5[%dma_start3A_68, %add3A_67] : memref<1x512xi32, #tpu.memory_space<vmem>> -> memref<1x128xi32, #tpu.memory_space<vmem>>
      %dma_start3A_70 = tpu.memref_squeeze %dma_start3A_69 : memref<1x128xi32, #tpu.memory_space<vmem>> -> memref<128xi32, #tpu.memory_space<vmem>>
      %dma_start3A_71 = arith.constant 0 : i32
      %dma_start3A_72 = arith.constant 0 : i32
      %dma_start3A_73 = tpu.memref_slice %arg2[%dma_start3A_71, %dma_start3A_72] : memref<32768x384xi32, #tpu.memory_space<hbm>> -> memref<32768x384xi32, #tpu.memory_space<hbm>>
      tpu.enqueue_indirect_dma source(%dma_start3A_73 : memref<32768x384xi32, #tpu.memory_space<hbm>>) target(%arg7 : memref<128x384xi32, #tpu.memory_space<vmem>>) offsets(%dma_start3A_70 : memref<128xi32, #tpu.memory_space<vmem>>) semaphore(%arg9 : memref<!tpu.dma_semaphore, #tpu.memory_space<semaphore_mem>>)
      %dma_wait3A_74 = arith.constant 0 : i32
      %dma_wait3A_75 = tpu.memref_slice %arg5[%dma_wait3A_74, %mul3A_56] : memref<1x512xi32, #tpu.memory_space<vmem>> -> memref<1x128xi32, #tpu.memory_space<vmem>>
      %dma_wait3A_76 = tpu.memref_squeeze %dma_wait3A_75 : memref<1x128xi32, #tpu.memory_space<vmem>> -> memref<128xi32, #tpu.memory_space<vmem>>
      %dma_wait3A_77 = arith.constant 0 : i32
      %dma_wait3A_78 = arith.constant 0 : i32
      %dma_wait3A_79 = tpu.memref_slice %arg2[%dma_wait3A_77, %dma_wait3A_78] : memref<32768x384xi32, #tpu.memory_space<hbm>> -> memref<32768x384xi32, #tpu.memory_space<hbm>>
      tpu.wait_indirect_dma semaphore(%arg8 : memref<!tpu.dma_semaphore, #tpu.memory_space<semaphore_mem>>) src(%dma_wait3A_79 : memref<32768x384xi32, #tpu.memory_space<hbm>>) dst(%arg6 : memref<128x384xi32, #tpu.memory_space<vmem>>)
      %dma_start3A_80 = arith.constant 0 : i32
      %dma_start3A_81 = tpu.memref_slice %arg4[%add3A_50, %dma_start3A_80] : memref<16384x384xi32, #tpu.memory_space<hbm>> -> memref<128x384xi32, #tpu.memory_space<hbm>>
      %dma_start3A_82 = arith.constant 0 : i32
      %dma_start3A_83 = tpu.memref_slice %arg4[%add3A_50, %dma_start3A_82] : memref<16384x384xi32, #tpu.memory_space<hbm>> -> memref<128x384xi32, #tpu.memory_space<hbm>>
      tpu.enqueue_dma source(%arg6 : memref<128x384xi32, #tpu.memory_space<vmem>>) target(%dma_start3A_83 : memref<128x384xi32, #tpu.memory_space<hbm>>) target_semaphore(%arg10 : memref<!tpu.dma_semaphore, #tpu.memory_space<semaphore_mem>>)
      %dma_wait3A_84 = arith.constant 0 : i32
      %dma_wait3A_85 = tpu.memref_slice %arg5[%dma_wait3A_84, %add3A_67] : memref<1x512xi32, #tpu.memory_space<vmem>> -> memref<1x128xi32, #tpu.memory_space<vmem>>
      %dma_wait3A_86 = tpu.memref_squeeze %dma_wait3A_85 : memref<1x128xi32, #tpu.memory_space<vmem>> -> memref<128xi32, #tpu.memory_space<vmem>>
      %dma_wait3A_87 = arith.constant 0 : i32
      %dma_wait3A_88 = arith.constant 0 : i32
      %dma_wait3A_89 = tpu.memref_slice %arg2[%dma_wait3A_87, %dma_wait3A_88] : memref<32768x384xi32, #tpu.memory_space<hbm>> -> memref<32768x384xi32, #tpu.memory_space<hbm>>
      tpu.wait_indirect_dma semaphore(%arg9 : memref<!tpu.dma_semaphore, #tpu.memory_space<semaphore_mem>>) src(%dma_wait3A_89 : memref<32768x384xi32, #tpu.memory_space<hbm>>) dst(%arg7 : memref<128x384xi32, #tpu.memory_space<vmem>>)
      %add3A_90 = arith.constant 128 : i32
      %add3A_91 = arith.addi %add3A_50, %add3A_90 : i32
      %dma_start3A_92 = arith.constant 0 : i32
      %dma_start3A_93 = tpu.memref_slice %arg4[%add3A_91, %dma_start3A_92] : memref<16384x384xi32, #tpu.memory_space<hbm>> -> memref<128x384xi32, #tpu.memory_space<hbm>>
      %dma_start3A_94 = arith.constant 0 : i32
      %dma_start3A_95 = tpu.memref_slice %arg4[%add3A_91, %dma_start3A_94] : memref<16384x384xi32, #tpu.memory_space<hbm>> -> memref<128x384xi32, #tpu.memory_space<hbm>>
      tpu.enqueue_dma source(%arg7 : memref<128x384xi32, #tpu.memory_space<vmem>>) target(%dma_start3A_95 : memref<128x384xi32, #tpu.memory_space<hbm>>) target_semaphore(%arg11 : memref<!tpu.dma_semaphore, #tpu.memory_space<semaphore_mem>>)
    }
    %scan3A_37 = arith.constant 2 : i32
    %dma_wait3A = arith.constant 0 : i32
    %dma_wait3A_38 = tpu.memref_slice %arg4[%mul3A_2, %dma_wait3A] : memref<16384x384xi32, #tpu.memory_space<hbm>> -> memref<128x384xi32, #tpu.memory_space<hbm>>
    %dma_wait3A_39 = arith.constant 0 : i32
    %dma_wait3A_40 = tpu.memref_slice %arg4[%mul3A_2, %dma_wait3A_39] : memref<16384x384xi32, #tpu.memory_space<hbm>> -> memref<128x384xi32, #tpu.memory_space<hbm>>
    tpu.wait_dma2 semaphore(%arg10 : memref<!tpu.dma_semaphore, #tpu.memory_space<semaphore_mem>>) src(%arg6 : memref<128x384xi32, #tpu.memory_space<vmem>>) dst(%dma_wait3A_40 : memref<128x384xi32, #tpu.memory_space<hbm>>)
    %dma_wait3A_41 = arith.constant 0 : i32
    %dma_wait3A_42 = tpu.memref_slice %arg4[%mul3A_2, %dma_wait3A_41] : memref<16384x384xi32, #tpu.memory_space<hbm>> -> memref<128x384xi32, #tpu.memory_space<hbm>>
    %dma_wait3A_43 = arith.constant 0 : i32
    %dma_wait3A_44 = tpu.memref_slice %arg4[%mul3A_2, %dma_wait3A_43] : memref<16384x384xi32, #tpu.memory_space<hbm>> -> memref<128x384xi32, #tpu.memory_space<hbm>>
    tpu.wait_dma2 semaphore(%arg11 : memref<!tpu.dma_semaphore, #tpu.memory_space<semaphore_mem>>) src(%arg7 : memref<128x384xi32, #tpu.memory_space<vmem>>) dst(%dma_wait3A_44 : memref<128x384xi32, #tpu.memory_space<hbm>>)
    return
  }
}

#map = affine_map<(d0, d1) -> (0, 0)>
module attributes {stable_mosaic.version = 14 : i64} {
  func.func @gather_k(%arg0: i32, %arg1: i32, %arg2: memref<32768x384xi32, #tpu.memory_space<hbm>>, %arg3: memref<8x2048xi32, #tpu.memory_space<hbm>>, %arg4: memref<16384x384xi32, #tpu.memory_space<hbm>>, %arg5: memref<1x512xi32, #tpu.memory_space<vmem>>, %arg6: memref<128x384xi32, #tpu.memory_space<vmem>>, %arg7: memref<128x384xi32, #tpu.memory_space<vmem>>, %arg8: memref<!tpu.dma_semaphore, #tpu.memory_space<semaphore_mem>>, %arg9: memref<!tpu.dma_semaphore, #tpu.memory_space<semaphore_mem>>, %arg10: memref<!tpu.dma_semaphore, #tpu.memory_space<semaphore_mem>>, %arg11: memref<!tpu.dma_semaphore, #tpu.memory_space<semaphore_mem>>) attributes {dimension_semantics = [#tpu.dimension_semantics<core_parallel>, #tpu.dimension_semantics<subcore_parallel>], iteration_bounds = array<i64: 2, 16>, scalar_prefetch = 0 : i64, scratch_operands = 7 : i64, tpu.core_type = #tpu.core_type<sc_vector_subcore>, window_params = [{transform_indices = #map}, {transform_indices = #map}, {transform_indices = #map}]} {
    %mul3A = arith.constant 2 : i32
    %mul3A_0 = arith.muli %arg1, %mul3A : i32
    %add3A = arith.addi %mul3A_0, %arg0 : i32
    %mul3A_1 = arith.constant 512 : i32
    %mul3A_2 = arith.muli %add3A, %mul3A_1 : i32
    %jit3A = arith.constant 2048 : i32
    %div3A = arith.divsi %mul3A_2, %jit3A : i32
    %sign3A = arith.constant 0 : i32
    %sign3A_3 = arith.cmpi sgt, %mul3A_2, %sign3A : i32
    %sign3A_4 = arith.extui %sign3A_3 : i1 to i32
    %sign3A_5 = arith.constant 0 : i32
    %sign3A_6 = arith.cmpi slt, %mul3A_2, %sign3A_5 : i32
    %sign3A_7 = arith.extui %sign3A_6 : i1 to i32
    %sign3A_8 = arith.subi %sign3A_4, %sign3A_7 : i32
    %sign3A_9 = arith.constant 0 : i32
    %sign3A_10 = arith.cmpi sgt, %jit3A, %sign3A_9 : i32
    %sign3A_11 = arith.extui %sign3A_10 : i1 to i32
    %sign3A_12 = arith.constant 0 : i32
    %sign3A_13 = arith.cmpi slt, %jit3A, %sign3A_12 : i32
    %sign3A_14 = arith.extui %sign3A_13 : i1 to i32
    %sign3A_15 = arith.subi %sign3A_11, %sign3A_14 : i32
    %ne3A = arith.cmpi ne, %sign3A_8, %sign3A_15 : i32
    %rem3A = arith.remsi %mul3A_2, %jit3A : i32
    %ne3A_16 = arith.constant 0 : i32
    %ne3A_17 = arith.cmpi ne, %rem3A, %ne3A_16 : i32
    %and3A = arith.andi %ne3A, %ne3A_17 : i1
    %sub3A = arith.constant 1 : i32
    %sub3A_18 = arith.subi %div3A, %sub3A : i32
    %select_n3A = arith.select %and3A, %sub3A_18, %div3A : i32
    %jit3A_19 = arith.constant 2048 : i32
    %eq3A = arith.constant 0 : i32
    %eq3A_20 = arith.cmpi eq, %jit3A_19, %eq3A : i32
    %jit3A_21 = arith.constant 1 : i32
    %select_n3A_22 = arith.select %eq3A_20, %jit3A_21, %jit3A_19 : i32
    %rem3A_23 = arith.remsi %mul3A_2, %select_n3A_22 : i32
    %ne3A_24 = arith.constant 0 : i32
    %ne3A_25 = arith.cmpi ne, %rem3A_23, %ne3A_24 : i32
    %lt3A = arith.constant 0 : i32
    %lt3A_26 = arith.cmpi slt, %rem3A_23, %lt3A : i32
    %lt3A_27 = arith.constant 0 : i32
    %lt3A_28 = arith.cmpi slt, %select_n3A_22, %lt3A_27 : i32
    %ne3A_29 = arith.xori %lt3A_26, %lt3A_28 : i1
    %and3A_30 = arith.andi %ne3A_29, %ne3A_25 : i1
    %add3A_31 = arith.addi %rem3A_23, %select_n3A_22 : i32
    %select_n3A_32 = arith.select %and3A_30, %add3A_31, %rem3A_23 : i32
    "tpu.region"() ({
      %run_scoped3A = tpu.sem_alloc : memref<!tpu.dma_semaphore, #tpu.memory_space<semaphore_mem>>
      %dma_start3A = tpu.memref_slice %arg3[%select_n3A, %select_n3A_32] : memref<8x2048xi32, #tpu.memory_space<hbm>> -> memref<1x512xi32, #tpu.memory_space<hbm>>
      %dma_start3A_45 = tpu.memref_slice %arg3[%select_n3A, %select_n3A_32] : memref<8x2048xi32, #tpu.memory_space<hbm>> -> memref<1x512xi32, #tpu.memory_space<hbm>>
      tpu.enqueue_dma source(%dma_start3A_45 : memref<1x512xi32, #tpu.memory_space<hbm>>) target(%arg5 : memref<1x512xi32, #tpu.memory_space<vmem>>) target_semaphore(%run_scoped3A : memref<!tpu.dma_semaphore, #tpu.memory_space<semaphore_mem>>)
      %dma_wait3A_46 = tpu.memref_slice %arg3[%select_n3A, %select_n3A_32] : memref<8x2048xi32, #tpu.memory_space<hbm>> -> memref<1x512xi32, #tpu.memory_space<hbm>>
      %dma_wait3A_47 = tpu.memref_slice %arg3[%select_n3A, %select_n3A_32] : memref<8x2048xi32, #tpu.memory_space<hbm>> -> memref<1x512xi32, #tpu.memory_space<hbm>>
      tpu.wait_dma2 semaphore(%run_scoped3A : memref<!tpu.dma_semaphore, #tpu.memory_space<semaphore_mem>>) src(%dma_wait3A_47 : memref<1x512xi32, #tpu.memory_space<hbm>>) dst(%arg5 : memref<1x512xi32, #tpu.memory_space<vmem>>)
      tpu.yield
    }) : () -> ()
    %scan3A = arith.constant 0 : i32
    %scan3A_33 = arith.constant 0 : i32
    %scan3A_34 = arith.constant 2 : i32
    %scan3A_35 = arith.addi %scan3A_33, %scan3A_34 : i32
    %scan3A_36 = arith.constant 1 : i32
    scf.for %scan3A_45 = %scan3A_33 to %scan3A_35 step %scan3A_36  : i32 {
      %mul3A_46 = arith.constant 2 : i32
      %mul3A_47 = arith.muli %scan3A_45, %mul3A_46 : i32
      %mul3A_48 = arith.constant 128 : i32
      %mul3A_49 = arith.muli %mul3A_47, %mul3A_48 : i32
      %add3A_50 = arith.addi %mul3A_2, %mul3A_49 : i32
      %gt3A = arith.constant 0 : i32
      %gt3A_51 = arith.cmpi sgt, %scan3A_45, %gt3A : i32
      %convert_element_type3A = arith.extui %gt3A_51 : i1 to i32
      %cond3A = arith.constant 0 : i32
      %cond3A_52 = arith.cmpi ne, %convert_element_type3A, %cond3A : i32
      scf.if %cond3A_52 {
        %dma_wait3A_96 = arith.constant 0 : i32
        %dma_wait3A_97 = tpu.memref_slice %arg4[%mul3A_2, %dma_wait3A_96] : memref<16384x384xi32, #tpu.memory_space<hbm>> -> memref<128x384xi32, #tpu.memory_space<hbm>>
        %dma_wait3A_98 = arith.constant 0 : i32
        %dma_wait3A_99 = tpu.memref_slice %arg4[%mul3A_2, %dma_wait3A_98] : memref<16384x384xi32, #tpu.memory_space<hbm>> -> memref<128x384xi32, #tpu.memory_space<hbm>>
        tpu.wait_dma2 semaphore(%arg10 : memref<!tpu.dma_semaphore, #tpu.memory_space<semaphore_mem>>) src(%arg6 : memref<128x384xi32, #tpu.memory_space<vmem>>) dst(%dma_wait3A_99 : memref<128x384xi32, #tpu.memory_space<hbm>>)
        %dma_wait3A_100 = arith.constant 0 : i32
        %dma_wait3A_101 = tpu.memref_slice %arg4[%mul3A_2, %dma_wait3A_100] : memref<16384x384xi32, #tpu.memory_space<hbm>> -> memref<128x384xi32, #tpu.memory_space<hbm>>
        %dma_wait3A_102 = arith.constant 0 : i32
        %dma_wait3A_103 = tpu.memref_slice %arg4[%mul3A_2, %dma_wait3A_102] : memref<16384x384xi32, #tpu.memory_space<hbm>> -> memref<128x384xi32, #tpu.memory_space<hbm>>
        tpu.wait_dma2 semaphore(%arg11 : memref<!tpu.dma_semaphore, #tpu.memory_space<semaphore_mem>>) src(%arg7 : memref<128x384xi32, #tpu.memory_space<vmem>>) dst(%dma_wait3A_103 : memref<128x384xi32, #tpu.memory_space<hbm>>)
      } else {
      }
      %mul3A_53 = arith.constant 2 : i32
      %mul3A_54 = arith.muli %scan3A_45, %mul3A_53 : i32
      %mul3A_55 = arith.constant 128 : i32
      %mul3A_56 = arith.muli %mul3A_54, %mul3A_55 : i32
      %dma_start3A = arith.constant 0 : i32
      %dma_start3A_57 = tpu.memref_slice %arg5[%dma_start3A, %mul3A_56] : memref<1x512xi32, #tpu.memory_space<vmem>> -> memref<1x128xi32, #tpu.memory_space<vmem>>
      %dma_start3A_58 = tpu.memref_squeeze %dma_start3A_57 : memref<1x128xi32, #tpu.memory_space<vmem>> -> memref<128xi32, #tpu.memory_space<vmem>>
      %dma_start3A_59 = arith.constant 0 : i32
      %dma_start3A_60 = arith.constant 0 : i32
      %dma_start3A_61 = tpu.memref_slice %arg2[%dma_start3A_59, %dma_start3A_60] : memref<32768x384xi32, #tpu.memory_space<hbm>> -> memref<32768x384xi32, #tpu.memory_space<hbm>>
      tpu.enqueue_indirect_dma source(%dma_start3A_61 : memref<32768x384xi32, #tpu.memory_space<hbm>>) target(%arg6 : memref<128x384xi32, #tpu.memory_space<vmem>>) offsets(%dma_start3A_58 : memref<128xi32, #tpu.memory_space<vmem>>) semaphore(%arg8 : memref<!tpu.dma_semaphore, #tpu.memory_space<semaphore_mem>>)
      %mul3A_62 = arith.constant 2 : i32
      %mul3A_63 = arith.muli %scan3A_45, %mul3A_62 : i32
      %mul3A_64 = arith.constant 128 : i32
      %mul3A_65 = arith.muli %mul3A_63, %mul3A_64 : i32
      %add3A_66 = arith.constant 128 : i32
      %add3A_67 = arith.addi %mul3A_65, %add3A_66 : i32
      %dma_start3A_68 = arith.constant 0 : i32
      %dma_start3A_69 = tpu.memref_slice %arg5[%dma_start3A_68, %add3A_67] : memref<1x512xi32, #tpu.memory_space<vmem>> -> memref<1x128xi32, #tpu.memory_space<vmem>>
      %dma_start3A_70 = tpu.memref_squeeze %dma_start3A_69 : memref<1x128xi32, #tpu.memory_space<vmem>> -> memref<128xi32, #tpu.memory_space<vmem>>
      %dma_start3A_71 = arith.constant 0 : i32
      %dma_start3A_72 = arith.constant 0 : i32
      %dma_start3A_73 = tpu.memref_slice %arg2[%dma_start3A_71, %dma_start3A_72] : memref<32768x384xi32, #tpu.memory_space<hbm>> -> memref<32768x384xi32, #tpu.memory_space<hbm>>
      tpu.enqueue_indirect_dma source(%dma_start3A_73 : memref<32768x384xi32, #tpu.memory_space<hbm>>) target(%arg7 : memref<128x384xi32, #tpu.memory_space<vmem>>) offsets(%dma_start3A_70 : memref<128xi32, #tpu.memory_space<vmem>>) semaphore(%arg9 : memref<!tpu.dma_semaphore, #tpu.memory_space<semaphore_mem>>)
      %dma_wait3A_74 = arith.constant 0 : i32
      %dma_wait3A_75 = tpu.memref_slice %arg5[%dma_wait3A_74, %mul3A_56] : memref<1x512xi32, #tpu.memory_space<vmem>> -> memref<1x128xi32, #tpu.memory_space<vmem>>
      %dma_wait3A_76 = tpu.memref_squeeze %dma_wait3A_75 : memref<1x128xi32, #tpu.memory_space<vmem>> -> memref<128xi32, #tpu.memory_space<vmem>>
      %dma_wait3A_77 = arith.constant 0 : i32
      %dma_wait3A_78 = arith.constant 0 : i32
      %dma_wait3A_79 = tpu.memref_slice %arg2[%dma_wait3A_77, %dma_wait3A_78] : memref<32768x384xi32, #tpu.memory_space<hbm>> -> memref<32768x384xi32, #tpu.memory_space<hbm>>
      tpu.wait_indirect_dma semaphore(%arg8 : memref<!tpu.dma_semaphore, #tpu.memory_space<semaphore_mem>>) src(%dma_wait3A_79 : memref<32768x384xi32, #tpu.memory_space<hbm>>) dst(%arg6 : memref<128x384xi32, #tpu.memory_space<vmem>>)
      %dma_start3A_80 = arith.constant 0 : i32
      %dma_start3A_81 = tpu.memref_slice %arg4[%add3A_50, %dma_start3A_80] : memref<16384x384xi32, #tpu.memory_space<hbm>> -> memref<128x384xi32, #tpu.memory_space<hbm>>
      %dma_start3A_82 = arith.constant 0 : i32
      %dma_start3A_83 = tpu.memref_slice %arg4[%add3A_50, %dma_start3A_82] : memref<16384x384xi32, #tpu.memory_space<hbm>> -> memref<128x384xi32, #tpu.memory_space<hbm>>
      tpu.enqueue_dma source(%arg6 : memref<128x384xi32, #tpu.memory_space<vmem>>) target(%dma_start3A_83 : memref<128x384xi32, #tpu.memory_space<hbm>>) target_semaphore(%arg10 : memref<!tpu.dma_semaphore, #tpu.memory_space<semaphore_mem>>)
      %dma_wait3A_84 = arith.constant 0 : i32
      %dma_wait3A_85 = tpu.memref_slice %arg5[%dma_wait3A_84, %add3A_67] : memref<1x512xi32, #tpu.memory_space<vmem>> -> memref<1x128xi32, #tpu.memory_space<vmem>>
      %dma_wait3A_86 = tpu.memref_squeeze %dma_wait3A_85 : memref<1x128xi32, #tpu.memory_space<vmem>> -> memref<128xi32, #tpu.memory_space<vmem>>
      %dma_wait3A_87 = arith.constant 0 : i32
      %dma_wait3A_88 = arith.constant 0 : i32
      %dma_wait3A_89 = tpu.memref_slice %arg2[%dma_wait3A_87, %dma_wait3A_88] : memref<32768x384xi32, #tpu.memory_space<hbm>> -> memref<32768x384xi32, #tpu.memory_space<hbm>>
      tpu.wait_indirect_dma semaphore(%arg9 : memref<!tpu.dma_semaphore, #tpu.memory_space<semaphore_mem>>) src(%dma_wait3A_89 : memref<32768x384xi32, #tpu.memory_space<hbm>>) dst(%arg7 : memref<128x384xi32, #tpu.memory_space<vmem>>)
      %add3A_90 = arith.constant 128 : i32
      %add3A_91 = arith.addi %add3A_50, %add3A_90 : i32
      %dma_start3A_92 = arith.constant 0 : i32
      %dma_start3A_93 = tpu.memref_slice %arg4[%add3A_91, %dma_start3A_92] : memref<16384x384xi32, #tpu.memory_space<hbm>> -> memref<128x384xi32, #tpu.memory_space<hbm>>
      %dma_start3A_94 = arith.constant 0 : i32
      %dma_start3A_95 = tpu.memref_slice %arg4[%add3A_91, %dma_start3A_94] : memref<16384x384xi32, #tpu.memory_space<hbm>> -> memref<128x384xi32, #tpu.memory_space<hbm>>
      tpu.enqueue_dma source(%arg7 : memref<128x384xi32, #tpu.memory_space<vmem>>) target(%dma_start3A_95 : memref<128x384xi32, #tpu.memory_space<hbm>>) target_semaphore(%arg11 : memref<!tpu.dma_semaphore, #tpu.memory_space<semaphore_mem>>)
    }
    %scan3A_37 = arith.constant 2 : i32
    %dma_wait3A = arith.constant 0 : i32
    %dma_wait3A_38 = tpu.memref_slice %arg4[%mul3A_2, %dma_wait3A] : memref<16384x384xi32, #tpu.memory_space<hbm>> -> memref<128x384xi32, #tpu.memory_space<hbm>>
    %dma_wait3A_39 = arith.constant 0 : i32
    %dma_wait3A_40 = tpu.memref_slice %arg4[%mul3A_2, %dma_wait3A_39] : memref<16384x384xi32, #tpu.memory_space<hbm>> -> memref<128x384xi32, #tpu.memory_space<hbm>>
    tpu.wait_dma2 semaphore(%arg10 : memref<!tpu.dma_semaphore, #tpu.memory_space<semaphore_mem>>) src(%arg6 : memref<128x384xi32, #tpu.memory_space<vmem>>) dst(%dma_wait3A_40 : memref<128x384xi32, #tpu.memory_space<hbm>>)
    %dma_wait3A_41 = arith.constant 0 : i32
    %dma_wait3A_42 = tpu.memref_slice %arg4[%mul3A_2, %dma_wait3A_41] : memref<16384x384xi32, #tpu.memory_space<hbm>> -> memref<128x384xi32, #tpu.memory_space<hbm>>
    %dma_wait3A_43 = arith.constant 0 : i32
    %dma_wait3A_44 = tpu.memref_slice %arg4[%mul3A_2, %dma_wait3A_43] : memref<16384x384xi32, #tpu.memory_space<hbm>> -> memref<128x384xi32, #tpu.memory_space<hbm>>
    tpu.wait_dma2 semaphore(%arg11 : memref<!tpu.dma_semaphore, #tpu.memory_space<semaphore_mem>>) src(%arg7 : memref<128x384xi32, #tpu.memory_space<vmem>>) dst(%dma_wait3A_44 : memref<128x384xi32, #tpu.memory_space<hbm>>)
    return
  }
}

#map = affine_map<(d0, d1) -> (0, 0)>
module attributes {stable_mosaic.version = 14 : i64} {
  func.func @gather_k(%arg0: i32, %arg1: i32, %arg2: memref<32768x384xi32, #tpu.memory_space<hbm>>, %arg3: memref<8x2048xi32, #tpu.memory_space<hbm>>, %arg4: memref<16384x384xi32, #tpu.memory_space<hbm>>, %arg5: memref<1x512xi32, #tpu.memory_space<vmem>>, %arg6: memref<128x384xi32, #tpu.memory_space<vmem>>, %arg7: memref<128x384xi32, #tpu.memory_space<vmem>>, %arg8: memref<!tpu.dma_semaphore, #tpu.memory_space<semaphore_mem>>, %arg9: memref<!tpu.dma_semaphore, #tpu.memory_space<semaphore_mem>>, %arg10: memref<!tpu.dma_semaphore, #tpu.memory_space<semaphore_mem>>, %arg11: memref<!tpu.dma_semaphore, #tpu.memory_space<semaphore_mem>>) attributes {dimension_semantics = [#tpu.dimension_semantics<core_parallel>, #tpu.dimension_semantics<subcore_parallel>], iteration_bounds = array<i64: 2, 16>, scalar_prefetch = 0 : i64, scratch_operands = 7 : i64, tpu.core_type = #tpu.core_type<sc_vector_subcore>, window_params = [{transform_indices = #map}, {transform_indices = #map}, {transform_indices = #map}]} {
    %mul3A = arith.constant 2 : i32
    %mul3A_0 = arith.muli %arg1, %mul3A : i32
    %add3A = arith.addi %mul3A_0, %arg0 : i32
    %mul3A_1 = arith.constant 512 : i32
    %mul3A_2 = arith.muli %add3A, %mul3A_1 : i32
    %jit3A = arith.constant 2048 : i32
    %div3A = arith.divsi %mul3A_2, %jit3A : i32
    %sign3A = arith.constant 0 : i32
    %sign3A_3 = arith.cmpi sgt, %mul3A_2, %sign3A : i32
    %sign3A_4 = arith.extui %sign3A_3 : i1 to i32
    %sign3A_5 = arith.constant 0 : i32
    %sign3A_6 = arith.cmpi slt, %mul3A_2, %sign3A_5 : i32
    %sign3A_7 = arith.extui %sign3A_6 : i1 to i32
    %sign3A_8 = arith.subi %sign3A_4, %sign3A_7 : i32
    %sign3A_9 = arith.constant 0 : i32
    %sign3A_10 = arith.cmpi sgt, %jit3A, %sign3A_9 : i32
    %sign3A_11 = arith.extui %sign3A_10 : i1 to i32
    %sign3A_12 = arith.constant 0 : i32
    %sign3A_13 = arith.cmpi slt, %jit3A, %sign3A_12 : i32
    %sign3A_14 = arith.extui %sign3A_13 : i1 to i32
    %sign3A_15 = arith.subi %sign3A_11, %sign3A_14 : i32
    %ne3A = arith.cmpi ne, %sign3A_8, %sign3A_15 : i32
    %rem3A = arith.remsi %mul3A_2, %jit3A : i32
    %ne3A_16 = arith.constant 0 : i32
    %ne3A_17 = arith.cmpi ne, %rem3A, %ne3A_16 : i32
    %and3A = arith.andi %ne3A, %ne3A_17 : i1
    %sub3A = arith.constant 1 : i32
    %sub3A_18 = arith.subi %div3A, %sub3A : i32
    %select_n3A = arith.select %and3A, %sub3A_18, %div3A : i32
    %jit3A_19 = arith.constant 2048 : i32
    %eq3A = arith.constant 0 : i32
    %eq3A_20 = arith.cmpi eq, %jit3A_19, %eq3A : i32
    %jit3A_21 = arith.constant 1 : i32
    %select_n3A_22 = arith.select %eq3A_20, %jit3A_21, %jit3A_19 : i32
    %rem3A_23 = arith.remsi %mul3A_2, %select_n3A_22 : i32
    %ne3A_24 = arith.constant 0 : i32
    %ne3A_25 = arith.cmpi ne, %rem3A_23, %ne3A_24 : i32
    %lt3A = arith.constant 0 : i32
    %lt3A_26 = arith.cmpi slt, %rem3A_23, %lt3A : i32
    %lt3A_27 = arith.constant 0 : i32
    %lt3A_28 = arith.cmpi slt, %select_n3A_22, %lt3A_27 : i32
    %ne3A_29 = arith.xori %lt3A_26, %lt3A_28 : i1
    %and3A_30 = arith.andi %ne3A_29, %ne3A_25 : i1
    %add3A_31 = arith.addi %rem3A_23, %select_n3A_22 : i32
    %select_n3A_32 = arith.select %and3A_30, %add3A_31, %rem3A_23 : i32
    "tpu.region"() ({
      %run_scoped3A = tpu.sem_alloc : memref<!tpu.dma_semaphore, #tpu.memory_space<semaphore_mem>>
      %dma_start3A = tpu.memref_slice %arg3[%select_n3A, %select_n3A_32] : memref<8x2048xi32, #tpu.memory_space<hbm>> -> memref<1x512xi32, #tpu.memory_space<hbm>>
      %dma_start3A_45 = tpu.memref_slice %arg3[%select_n3A, %select_n3A_32] : memref<8x2048xi32, #tpu.memory_space<hbm>> -> memref<1x512xi32, #tpu.memory_space<hbm>>
      tpu.enqueue_dma source(%dma_start3A_45 : memref<1x512xi32, #tpu.memory_space<hbm>>) target(%arg5 : memref<1x512xi32, #tpu.memory_space<vmem>>) target_semaphore(%run_scoped3A : memref<!tpu.dma_semaphore, #tpu.memory_space<semaphore_mem>>)
      %dma_wait3A_46 = tpu.memref_slice %arg3[%select_n3A, %select_n3A_32] : memref<8x2048xi32, #tpu.memory_space<hbm>> -> memref<1x512xi32, #tpu.memory_space<hbm>>
      %dma_wait3A_47 = tpu.memref_slice %arg3[%select_n3A, %select_n3A_32] : memref<8x2048xi32, #tpu.memory_space<hbm>> -> memref<1x512xi32, #tpu.memory_space<hbm>>
      tpu.wait_dma2 semaphore(%run_scoped3A : memref<!tpu.dma_semaphore, #tpu.memory_space<semaphore_mem>>) src(%dma_wait3A_47 : memref<1x512xi32, #tpu.memory_space<hbm>>) dst(%arg5 : memref<1x512xi32, #tpu.memory_space<vmem>>)
      tpu.yield
    }) : () -> ()
    %scan3A = arith.constant 0 : i32
    %scan3A_33 = arith.constant 0 : i32
    %scan3A_34 = arith.constant 2 : i32
    %scan3A_35 = arith.addi %scan3A_33, %scan3A_34 : i32
    %scan3A_36 = arith.constant 1 : i32
    scf.for %scan3A_45 = %scan3A_33 to %scan3A_35 step %scan3A_36  : i32 {
      %mul3A_46 = arith.constant 2 : i32
      %mul3A_47 = arith.muli %scan3A_45, %mul3A_46 : i32
      %mul3A_48 = arith.constant 128 : i32
      %mul3A_49 = arith.muli %mul3A_47, %mul3A_48 : i32
      %add3A_50 = arith.addi %mul3A_2, %mul3A_49 : i32
      %gt3A = arith.constant 0 : i32
      %gt3A_51 = arith.cmpi sgt, %scan3A_45, %gt3A : i32
      %convert_element_type3A = arith.extui %gt3A_51 : i1 to i32
      %cond3A = arith.constant 0 : i32
      %cond3A_52 = arith.cmpi ne, %convert_element_type3A, %cond3A : i32
      scf.if %cond3A_52 {
        %dma_wait3A_96 = arith.constant 0 : i32
        %dma_wait3A_97 = tpu.memref_slice %arg4[%mul3A_2, %dma_wait3A_96] : memref<16384x384xi32, #tpu.memory_space<hbm>> -> memref<128x384xi32, #tpu.memory_space<hbm>>
        %dma_wait3A_98 = arith.constant 0 : i32
        %dma_wait3A_99 = tpu.memref_slice %arg4[%mul3A_2, %dma_wait3A_98] : memref<16384x384xi32, #tpu.memory_space<hbm>> -> memref<128x384xi32, #tpu.memory_space<hbm>>
        tpu.wait_dma2 semaphore(%arg10 : memref<!tpu.dma_semaphore, #tpu.memory_space<semaphore_mem>>) src(%arg6 : memref<128x384xi32, #tpu.memory_space<vmem>>) dst(%dma_wait3A_99 : memref<128x384xi32, #tpu.memory_space<hbm>>)
        %dma_wait3A_100 = arith.constant 0 : i32
        %dma_wait3A_101 = tpu.memref_slice %arg4[%mul3A_2, %dma_wait3A_100] : memref<16384x384xi32, #tpu.memory_space<hbm>> -> memref<128x384xi32, #tpu.memory_space<hbm>>
        %dma_wait3A_102 = arith.constant 0 : i32
        %dma_wait3A_103 = tpu.memref_slice %arg4[%mul3A_2, %dma_wait3A_102] : memref<16384x384xi32, #tpu.memory_space<hbm>> -> memref<128x384xi32, #tpu.memory_space<hbm>>
        tpu.wait_dma2 semaphore(%arg11 : memref<!tpu.dma_semaphore, #tpu.memory_space<semaphore_mem>>) src(%arg7 : memref<128x384xi32, #tpu.memory_space<vmem>>) dst(%dma_wait3A_103 : memref<128x384xi32, #tpu.memory_space<hbm>>)
      } else {
      }
      %mul3A_53 = arith.constant 2 : i32
      %mul3A_54 = arith.muli %scan3A_45, %mul3A_53 : i32
      %mul3A_55 = arith.constant 128 : i32
      %mul3A_56 = arith.muli %mul3A_54, %mul3A_55 : i32
      %dma_start3A = arith.constant 0 : i32
      %dma_start3A_57 = tpu.memref_slice %arg5[%dma_start3A, %mul3A_56] : memref<1x512xi32, #tpu.memory_space<vmem>> -> memref<1x128xi32, #tpu.memory_space<vmem>>
      %dma_start3A_58 = tpu.memref_squeeze %dma_start3A_57 : memref<1x128xi32, #tpu.memory_space<vmem>> -> memref<128xi32, #tpu.memory_space<vmem>>
      %dma_start3A_59 = arith.constant 0 : i32
      %dma_start3A_60 = arith.constant 0 : i32
      %dma_start3A_61 = tpu.memref_slice %arg2[%dma_start3A_59, %dma_start3A_60] : memref<32768x384xi32, #tpu.memory_space<hbm>> -> memref<32768x384xi32, #tpu.memory_space<hbm>>
      tpu.enqueue_indirect_dma source(%dma_start3A_61 : memref<32768x384xi32, #tpu.memory_space<hbm>>) target(%arg6 : memref<128x384xi32, #tpu.memory_space<vmem>>) offsets(%dma_start3A_58 : memref<128xi32, #tpu.memory_space<vmem>>) semaphore(%arg8 : memref<!tpu.dma_semaphore, #tpu.memory_space<semaphore_mem>>)
      %mul3A_62 = arith.constant 2 : i32
      %mul3A_63 = arith.muli %scan3A_45, %mul3A_62 : i32
      %mul3A_64 = arith.constant 128 : i32
      %mul3A_65 = arith.muli %mul3A_63, %mul3A_64 : i32
      %add3A_66 = arith.constant 128 : i32
      %add3A_67 = arith.addi %mul3A_65, %add3A_66 : i32
      %dma_start3A_68 = arith.constant 0 : i32
      %dma_start3A_69 = tpu.memref_slice %arg5[%dma_start3A_68, %add3A_67] : memref<1x512xi32, #tpu.memory_space<vmem>> -> memref<1x128xi32, #tpu.memory_space<vmem>>
      %dma_start3A_70 = tpu.memref_squeeze %dma_start3A_69 : memref<1x128xi32, #tpu.memory_space<vmem>> -> memref<128xi32, #tpu.memory_space<vmem>>
      %dma_start3A_71 = arith.constant 0 : i32
      %dma_start3A_72 = arith.constant 0 : i32
      %dma_start3A_73 = tpu.memref_slice %arg2[%dma_start3A_71, %dma_start3A_72] : memref<32768x384xi32, #tpu.memory_space<hbm>> -> memref<32768x384xi32, #tpu.memory_space<hbm>>
      tpu.enqueue_indirect_dma source(%dma_start3A_73 : memref<32768x384xi32, #tpu.memory_space<hbm>>) target(%arg7 : memref<128x384xi32, #tpu.memory_space<vmem>>) offsets(%dma_start3A_70 : memref<128xi32, #tpu.memory_space<vmem>>) semaphore(%arg9 : memref<!tpu.dma_semaphore, #tpu.memory_space<semaphore_mem>>)
      %dma_wait3A_74 = arith.constant 0 : i32
      %dma_wait3A_75 = tpu.memref_slice %arg5[%dma_wait3A_74, %mul3A_56] : memref<1x512xi32, #tpu.memory_space<vmem>> -> memref<1x128xi32, #tpu.memory_space<vmem>>
      %dma_wait3A_76 = tpu.memref_squeeze %dma_wait3A_75 : memref<1x128xi32, #tpu.memory_space<vmem>> -> memref<128xi32, #tpu.memory_space<vmem>>
      %dma_wait3A_77 = arith.constant 0 : i32
      %dma_wait3A_78 = arith.constant 0 : i32
      %dma_wait3A_79 = tpu.memref_slice %arg2[%dma_wait3A_77, %dma_wait3A_78] : memref<32768x384xi32, #tpu.memory_space<hbm>> -> memref<32768x384xi32, #tpu.memory_space<hbm>>
      tpu.wait_indirect_dma semaphore(%arg8 : memref<!tpu.dma_semaphore, #tpu.memory_space<semaphore_mem>>) src(%dma_wait3A_79 : memref<32768x384xi32, #tpu.memory_space<hbm>>) dst(%arg6 : memref<128x384xi32, #tpu.memory_space<vmem>>)
      %dma_start3A_80 = arith.constant 0 : i32
      %dma_start3A_81 = tpu.memref_slice %arg4[%add3A_50, %dma_start3A_80] : memref<16384x384xi32, #tpu.memory_space<hbm>> -> memref<128x384xi32, #tpu.memory_space<hbm>>
      %dma_start3A_82 = arith.constant 0 : i32
      %dma_start3A_83 = tpu.memref_slice %arg4[%add3A_50, %dma_start3A_82] : memref<16384x384xi32, #tpu.memory_space<hbm>> -> memref<128x384xi32, #tpu.memory_space<hbm>>
      tpu.enqueue_dma source(%arg6 : memref<128x384xi32, #tpu.memory_space<vmem>>) target(%dma_start3A_83 : memref<128x384xi32, #tpu.memory_space<hbm>>) target_semaphore(%arg10 : memref<!tpu.dma_semaphore, #tpu.memory_space<semaphore_mem>>)
      %dma_wait3A_84 = arith.constant 0 : i32
      %dma_wait3A_85 = tpu.memref_slice %arg5[%dma_wait3A_84, %add3A_67] : memref<1x512xi32, #tpu.memory_space<vmem>> -> memref<1x128xi32, #tpu.memory_space<vmem>>
      %dma_wait3A_86 = tpu.memref_squeeze %dma_wait3A_85 : memref<1x128xi32, #tpu.memory_space<vmem>> -> memref<128xi32, #tpu.memory_space<vmem>>
      %dma_wait3A_87 = arith.constant 0 : i32
      %dma_wait3A_88 = arith.constant 0 : i32
      %dma_wait3A_89 = tpu.memref_slice %arg2[%dma_wait3A_87, %dma_wait3A_88] : memref<32768x384xi32, #tpu.memory_space<hbm>> -> memref<32768x384xi32, #tpu.memory_space<hbm>>
      tpu.wait_indirect_dma semaphore(%arg9 : memref<!tpu.dma_semaphore, #tpu.memory_space<semaphore_mem>>) src(%dma_wait3A_89 : memref<32768x384xi32, #tpu.memory_space<hbm>>) dst(%arg7 : memref<128x384xi32, #tpu.memory_space<vmem>>)
      %add3A_90 = arith.constant 128 : i32
      %add3A_91 = arith.addi %add3A_50, %add3A_90 : i32
      %dma_start3A_92 = arith.constant 0 : i32
      %dma_start3A_93 = tpu.memref_slice %arg4[%add3A_91, %dma_start3A_92] : memref<16384x384xi32, #tpu.memory_space<hbm>> -> memref<128x384xi32, #tpu.memory_space<hbm>>
      %dma_start3A_94 = arith.constant 0 : i32
      %dma_start3A_95 = tpu.memref_slice %arg4[%add3A_91, %dma_start3A_94] : memref<16384x384xi32, #tpu.memory_space<hbm>> -> memref<128x384xi32, #tpu.memory_space<hbm>>
      tpu.enqueue_dma source(%arg7 : memref<128x384xi32, #tpu.memory_space<vmem>>) target(%dma_start3A_95 : memref<128x384xi32, #tpu.memory_space<hbm>>) target_semaphore(%arg11 : memref<!tpu.dma_semaphore, #tpu.memory_space<semaphore_mem>>)
    }
    %scan3A_37 = arith.constant 2 : i32
    %dma_wait3A = arith.constant 0 : i32
    %dma_wait3A_38 = tpu.memref_slice %arg4[%mul3A_2, %dma_wait3A] : memref<16384x384xi32, #tpu.memory_space<hbm>> -> memref<128x384xi32, #tpu.memory_space<hbm>>
    %dma_wait3A_39 = arith.constant 0 : i32
    %dma_wait3A_40 = tpu.memref_slice %arg4[%mul3A_2, %dma_wait3A_39] : memref<16384x384xi32, #tpu.memory_space<hbm>> -> memref<128x384xi32, #tpu.memory_space<hbm>>
    tpu.wait_dma2 semaphore(%arg10 : memref<!tpu.dma_semaphore, #tpu.memory_space<semaphore_mem>>) src(%arg6 : memref<128x384xi32, #tpu.memory_space<vmem>>) dst(%dma_wait3A_40 : memref<128x384xi32, #tpu.memory_space<hbm>>)
    %dma_wait3A_41 = arith.constant 0 : i32
    %dma_wait3A_42 = tpu.memref_slice %arg4[%mul3A_2, %dma_wait3A_41] : memref<16384x384xi32, #tpu.memory_space<hbm>> -> memref<128x384xi32, #tpu.memory_space<hbm>>
    %dma_wait3A_43 = arith.constant 0 : i32
    %dma_wait3A_44 = tpu.memref_slice %arg4[%mul3A_2, %dma_wait3A_43] : memref<16384x384xi32, #tpu.memory_space<hbm>> -> memref<128x384xi32, #tpu.memory_space<hbm>>
    tpu.wait_dma2 semaphore(%arg11 : memref<!tpu.dma_semaphore, #tpu.memory_space<semaphore_mem>>) src(%arg7 : memref<128x384xi32, #tpu.memory_space<vmem>>) dst(%dma_wait3A_44 : memref<128x384xi32, #tpu.memory_space<hbm>>)
    return
  }
}

#map = affine_map<(d0, d1) -> (0, 0)>
module attributes {stable_mosaic.version = 14 : i64} {
  func.func @gather_k(%arg0: i32, %arg1: i32, %arg2: memref<32768x384xi32, #tpu.memory_space<hbm>>, %arg3: memref<8x2048xi32, #tpu.memory_space<hbm>>, %arg4: memref<16384x384xi32, #tpu.memory_space<hbm>>, %arg5: memref<1x512xi32, #tpu.memory_space<vmem>>, %arg6: memref<128x384xi32, #tpu.memory_space<vmem>>, %arg7: memref<128x384xi32, #tpu.memory_space<vmem>>, %arg8: memref<!tpu.dma_semaphore, #tpu.memory_space<semaphore_mem>>, %arg9: memref<!tpu.dma_semaphore, #tpu.memory_space<semaphore_mem>>, %arg10: memref<!tpu.dma_semaphore, #tpu.memory_space<semaphore_mem>>, %arg11: memref<!tpu.dma_semaphore, #tpu.memory_space<semaphore_mem>>) attributes {dimension_semantics = [#tpu.dimension_semantics<core_parallel>, #tpu.dimension_semantics<subcore_parallel>], iteration_bounds = array<i64: 2, 16>, scalar_prefetch = 0 : i64, scratch_operands = 7 : i64, tpu.core_type = #tpu.core_type<sc_vector_subcore>, window_params = [{transform_indices = #map}, {transform_indices = #map}, {transform_indices = #map}]} {
    %mul3A = arith.constant 2 : i32
    %mul3A_0 = arith.muli %arg1, %mul3A : i32
    %add3A = arith.addi %mul3A_0, %arg0 : i32
    %mul3A_1 = arith.constant 512 : i32
    %mul3A_2 = arith.muli %add3A, %mul3A_1 : i32
    %jit3A = arith.constant 2048 : i32
    %div3A = arith.divsi %mul3A_2, %jit3A : i32
    %sign3A = arith.constant 0 : i32
    %sign3A_3 = arith.cmpi sgt, %mul3A_2, %sign3A : i32
    %sign3A_4 = arith.extui %sign3A_3 : i1 to i32
    %sign3A_5 = arith.constant 0 : i32
    %sign3A_6 = arith.cmpi slt, %mul3A_2, %sign3A_5 : i32
    %sign3A_7 = arith.extui %sign3A_6 : i1 to i32
    %sign3A_8 = arith.subi %sign3A_4, %sign3A_7 : i32
    %sign3A_9 = arith.constant 0 : i32
    %sign3A_10 = arith.cmpi sgt, %jit3A, %sign3A_9 : i32
    %sign3A_11 = arith.extui %sign3A_10 : i1 to i32
    %sign3A_12 = arith.constant 0 : i32
    %sign3A_13 = arith.cmpi slt, %jit3A, %sign3A_12 : i32
    %sign3A_14 = arith.extui %sign3A_13 : i1 to i32
    %sign3A_15 = arith.subi %sign3A_11, %sign3A_14 : i32
    %ne3A = arith.cmpi ne, %sign3A_8, %sign3A_15 : i32
    %rem3A = arith.remsi %mul3A_2, %jit3A : i32
    %ne3A_16 = arith.constant 0 : i32
    %ne3A_17 = arith.cmpi ne, %rem3A, %ne3A_16 : i32
    %and3A = arith.andi %ne3A, %ne3A_17 : i1
    %sub3A = arith.constant 1 : i32
    %sub3A_18 = arith.subi %div3A, %sub3A : i32
    %select_n3A = arith.select %and3A, %sub3A_18, %div3A : i32
    %jit3A_19 = arith.constant 2048 : i32
    %eq3A = arith.constant 0 : i32
    %eq3A_20 = arith.cmpi eq, %jit3A_19, %eq3A : i32
    %jit3A_21 = arith.constant 1 : i32
    %select_n3A_22 = arith.select %eq3A_20, %jit3A_21, %jit3A_19 : i32
    %rem3A_23 = arith.remsi %mul3A_2, %select_n3A_22 : i32
    %ne3A_24 = arith.constant 0 : i32
    %ne3A_25 = arith.cmpi ne, %rem3A_23, %ne3A_24 : i32
    %lt3A = arith.constant 0 : i32
    %lt3A_26 = arith.cmpi slt, %rem3A_23, %lt3A : i32
    %lt3A_27 = arith.constant 0 : i32
    %lt3A_28 = arith.cmpi slt, %select_n3A_22, %lt3A_27 : i32
    %ne3A_29 = arith.xori %lt3A_26, %lt3A_28 : i1
    %and3A_30 = arith.andi %ne3A_29, %ne3A_25 : i1
    %add3A_31 = arith.addi %rem3A_23, %select_n3A_22 : i32
    %select_n3A_32 = arith.select %and3A_30, %add3A_31, %rem3A_23 : i32
    "tpu.region"() ({
      %run_scoped3A = tpu.sem_alloc : memref<!tpu.dma_semaphore, #tpu.memory_space<semaphore_mem>>
      %dma_start3A = tpu.memref_slice %arg3[%select_n3A, %select_n3A_32] : memref<8x2048xi32, #tpu.memory_space<hbm>> -> memref<1x512xi32, #tpu.memory_space<hbm>>
      %dma_start3A_45 = tpu.memref_slice %arg3[%select_n3A, %select_n3A_32] : memref<8x2048xi32, #tpu.memory_space<hbm>> -> memref<1x512xi32, #tpu.memory_space<hbm>>
      tpu.enqueue_dma source(%dma_start3A_45 : memref<1x512xi32, #tpu.memory_space<hbm>>) target(%arg5 : memref<1x512xi32, #tpu.memory_space<vmem>>) target_semaphore(%run_scoped3A : memref<!tpu.dma_semaphore, #tpu.memory_space<semaphore_mem>>)
      %dma_wait3A_46 = tpu.memref_slice %arg3[%select_n3A, %select_n3A_32] : memref<8x2048xi32, #tpu.memory_space<hbm>> -> memref<1x512xi32, #tpu.memory_space<hbm>>
      %dma_wait3A_47 = tpu.memref_slice %arg3[%select_n3A, %select_n3A_32] : memref<8x2048xi32, #tpu.memory_space<hbm>> -> memref<1x512xi32, #tpu.memory_space<hbm>>
      tpu.wait_dma2 semaphore(%run_scoped3A : memref<!tpu.dma_semaphore, #tpu.memory_space<semaphore_mem>>) src(%dma_wait3A_47 : memref<1x512xi32, #tpu.memory_space<hbm>>) dst(%arg5 : memref<1x512xi32, #tpu.memory_space<vmem>>)
      tpu.yield
    }) : () -> ()
    %scan3A = arith.constant 0 : i32
    %scan3A_33 = arith.constant 0 : i32
    %scan3A_34 = arith.constant 2 : i32
    %scan3A_35 = arith.addi %scan3A_33, %scan3A_34 : i32
    %scan3A_36 = arith.constant 1 : i32
    scf.for %scan3A_45 = %scan3A_33 to %scan3A_35 step %scan3A_36  : i32 {
      %mul3A_46 = arith.constant 2 : i32
      %mul3A_47 = arith.muli %scan3A_45, %mul3A_46 : i32
      %mul3A_48 = arith.constant 128 : i32
      %mul3A_49 = arith.muli %mul3A_47, %mul3A_48 : i32
      %add3A_50 = arith.addi %mul3A_2, %mul3A_49 : i32
      %gt3A = arith.constant 0 : i32
      %gt3A_51 = arith.cmpi sgt, %scan3A_45, %gt3A : i32
      %convert_element_type3A = arith.extui %gt3A_51 : i1 to i32
      %cond3A = arith.constant 0 : i32
      %cond3A_52 = arith.cmpi ne, %convert_element_type3A, %cond3A : i32
      scf.if %cond3A_52 {
        %dma_wait3A_96 = arith.constant 0 : i32
        %dma_wait3A_97 = tpu.memref_slice %arg4[%mul3A_2, %dma_wait3A_96] : memref<16384x384xi32, #tpu.memory_space<hbm>> -> memref<128x384xi32, #tpu.memory_space<hbm>>
        %dma_wait3A_98 = arith.constant 0 : i32
        %dma_wait3A_99 = tpu.memref_slice %arg4[%mul3A_2, %dma_wait3A_98] : memref<16384x384xi32, #tpu.memory_space<hbm>> -> memref<128x384xi32, #tpu.memory_space<hbm>>
        tpu.wait_dma2 semaphore(%arg10 : memref<!tpu.dma_semaphore, #tpu.memory_space<semaphore_mem>>) src(%arg6 : memref<128x384xi32, #tpu.memory_space<vmem>>) dst(%dma_wait3A_99 : memref<128x384xi32, #tpu.memory_space<hbm>>)
        %dma_wait3A_100 = arith.constant 0 : i32
        %dma_wait3A_101 = tpu.memref_slice %arg4[%mul3A_2, %dma_wait3A_100] : memref<16384x384xi32, #tpu.memory_space<hbm>> -> memref<128x384xi32, #tpu.memory_space<hbm>>
        %dma_wait3A_102 = arith.constant 0 : i32
        %dma_wait3A_103 = tpu.memref_slice %arg4[%mul3A_2, %dma_wait3A_102] : memref<16384x384xi32, #tpu.memory_space<hbm>> -> memref<128x384xi32, #tpu.memory_space<hbm>>
        tpu.wait_dma2 semaphore(%arg11 : memref<!tpu.dma_semaphore, #tpu.memory_space<semaphore_mem>>) src(%arg7 : memref<128x384xi32, #tpu.memory_space<vmem>>) dst(%dma_wait3A_103 : memref<128x384xi32, #tpu.memory_space<hbm>>)
      } else {
      }
      %mul3A_53 = arith.constant 2 : i32
      %mul3A_54 = arith.muli %scan3A_45, %mul3A_53 : i32
      %mul3A_55 = arith.constant 128 : i32
      %mul3A_56 = arith.muli %mul3A_54, %mul3A_55 : i32
      %dma_start3A = arith.constant 0 : i32
      %dma_start3A_57 = tpu.memref_slice %arg5[%dma_start3A, %mul3A_56] : memref<1x512xi32, #tpu.memory_space<vmem>> -> memref<1x128xi32, #tpu.memory_space<vmem>>
      %dma_start3A_58 = tpu.memref_squeeze %dma_start3A_57 : memref<1x128xi32, #tpu.memory_space<vmem>> -> memref<128xi32, #tpu.memory_space<vmem>>
      %dma_start3A_59 = arith.constant 0 : i32
      %dma_start3A_60 = arith.constant 0 : i32
      %dma_start3A_61 = tpu.memref_slice %arg2[%dma_start3A_59, %dma_start3A_60] : memref<32768x384xi32, #tpu.memory_space<hbm>> -> memref<32768x384xi32, #tpu.memory_space<hbm>>
      tpu.enqueue_indirect_dma source(%dma_start3A_61 : memref<32768x384xi32, #tpu.memory_space<hbm>>) target(%arg6 : memref<128x384xi32, #tpu.memory_space<vmem>>) offsets(%dma_start3A_58 : memref<128xi32, #tpu.memory_space<vmem>>) semaphore(%arg8 : memref<!tpu.dma_semaphore, #tpu.memory_space<semaphore_mem>>)
      %mul3A_62 = arith.constant 2 : i32
      %mul3A_63 = arith.muli %scan3A_45, %mul3A_62 : i32
      %mul3A_64 = arith.constant 128 : i32
      %mul3A_65 = arith.muli %mul3A_63, %mul3A_64 : i32
      %add3A_66 = arith.constant 128 : i32
      %add3A_67 = arith.addi %mul3A_65, %add3A_66 : i32
      %dma_start3A_68 = arith.constant 0 : i32
      %dma_start3A_69 = tpu.memref_slice %arg5[%dma_start3A_68, %add3A_67] : memref<1x512xi32, #tpu.memory_space<vmem>> -> memref<1x128xi32, #tpu.memory_space<vmem>>
      %dma_start3A_70 = tpu.memref_squeeze %dma_start3A_69 : memref<1x128xi32, #tpu.memory_space<vmem>> -> memref<128xi32, #tpu.memory_space<vmem>>
      %dma_start3A_71 = arith.constant 0 : i32
      %dma_start3A_72 = arith.constant 0 : i32
      %dma_start3A_73 = tpu.memref_slice %arg2[%dma_start3A_71, %dma_start3A_72] : memref<32768x384xi32, #tpu.memory_space<hbm>> -> memref<32768x384xi32, #tpu.memory_space<hbm>>
      tpu.enqueue_indirect_dma source(%dma_start3A_73 : memref<32768x384xi32, #tpu.memory_space<hbm>>) target(%arg7 : memref<128x384xi32, #tpu.memory_space<vmem>>) offsets(%dma_start3A_70 : memref<128xi32, #tpu.memory_space<vmem>>) semaphore(%arg9 : memref<!tpu.dma_semaphore, #tpu.memory_space<semaphore_mem>>)
      %dma_wait3A_74 = arith.constant 0 : i32
      %dma_wait3A_75 = tpu.memref_slice %arg5[%dma_wait3A_74, %mul3A_56] : memref<1x512xi32, #tpu.memory_space<vmem>> -> memref<1x128xi32, #tpu.memory_space<vmem>>
      %dma_wait3A_76 = tpu.memref_squeeze %dma_wait3A_75 : memref<1x128xi32, #tpu.memory_space<vmem>> -> memref<128xi32, #tpu.memory_space<vmem>>
      %dma_wait3A_77 = arith.constant 0 : i32
      %dma_wait3A_78 = arith.constant 0 : i32
      %dma_wait3A_79 = tpu.memref_slice %arg2[%dma_wait3A_77, %dma_wait3A_78] : memref<32768x384xi32, #tpu.memory_space<hbm>> -> memref<32768x384xi32, #tpu.memory_space<hbm>>
      tpu.wait_indirect_dma semaphore(%arg8 : memref<!tpu.dma_semaphore, #tpu.memory_space<semaphore_mem>>) src(%dma_wait3A_79 : memref<32768x384xi32, #tpu.memory_space<hbm>>) dst(%arg6 : memref<128x384xi32, #tpu.memory_space<vmem>>)
      %dma_start3A_80 = arith.constant 0 : i32
      %dma_start3A_81 = tpu.memref_slice %arg4[%add3A_50, %dma_start3A_80] : memref<16384x384xi32, #tpu.memory_space<hbm>> -> memref<128x384xi32, #tpu.memory_space<hbm>>
      %dma_start3A_82 = arith.constant 0 : i32
      %dma_start3A_83 = tpu.memref_slice %arg4[%add3A_50, %dma_start3A_82] : memref<16384x384xi32, #tpu.memory_space<hbm>> -> memref<128x384xi32, #tpu.memory_space<hbm>>
      tpu.enqueue_dma source(%arg6 : memref<128x384xi32, #tpu.memory_space<vmem>>) target(%dma_start3A_83 : memref<128x384xi32, #tpu.memory_space<hbm>>) target_semaphore(%arg10 : memref<!tpu.dma_semaphore, #tpu.memory_space<semaphore_mem>>)
      %dma_wait3A_84 = arith.constant 0 : i32
      %dma_wait3A_85 = tpu.memref_slice %arg5[%dma_wait3A_84, %add3A_67] : memref<1x512xi32, #tpu.memory_space<vmem>> -> memref<1x128xi32, #tpu.memory_space<vmem>>
      %dma_wait3A_86 = tpu.memref_squeeze %dma_wait3A_85 : memref<1x128xi32, #tpu.memory_space<vmem>> -> memref<128xi32, #tpu.memory_space<vmem>>
      %dma_wait3A_87 = arith.constant 0 : i32
      %dma_wait3A_88 = arith.constant 0 : i32
      %dma_wait3A_89 = tpu.memref_slice %arg2[%dma_wait3A_87, %dma_wait3A_88] : memref<32768x384xi32, #tpu.memory_space<hbm>> -> memref<32768x384xi32, #tpu.memory_space<hbm>>
      tpu.wait_indirect_dma semaphore(%arg9 : memref<!tpu.dma_semaphore, #tpu.memory_space<semaphore_mem>>) src(%dma_wait3A_89 : memref<32768x384xi32, #tpu.memory_space<hbm>>) dst(%arg7 : memref<128x384xi32, #tpu.memory_space<vmem>>)
      %add3A_90 = arith.constant 128 : i32
      %add3A_91 = arith.addi %add3A_50, %add3A_90 : i32
      %dma_start3A_92 = arith.constant 0 : i32
      %dma_start3A_93 = tpu.memref_slice %arg4[%add3A_91, %dma_start3A_92] : memref<16384x384xi32, #tpu.memory_space<hbm>> -> memref<128x384xi32, #tpu.memory_space<hbm>>
      %dma_start3A_94 = arith.constant 0 : i32
      %dma_start3A_95 = tpu.memref_slice %arg4[%add3A_91, %dma_start3A_94] : memref<16384x384xi32, #tpu.memory_space<hbm>> -> memref<128x384xi32, #tpu.memory_space<hbm>>
      tpu.enqueue_dma source(%arg7 : memref<128x384xi32, #tpu.memory_space<vmem>>) target(%dma_start3A_95 : memref<128x384xi32, #tpu.memory_space<hbm>>) target_semaphore(%arg11 : memref<!tpu.dma_semaphore, #tpu.memory_space<semaphore_mem>>)
    }
    %scan3A_37 = arith.constant 2 : i32
    %dma_wait3A = arith.constant 0 : i32
    %dma_wait3A_38 = tpu.memref_slice %arg4[%mul3A_2, %dma_wait3A] : memref<16384x384xi32, #tpu.memory_space<hbm>> -> memref<128x384xi32, #tpu.memory_space<hbm>>
    %dma_wait3A_39 = arith.constant 0 : i32
    %dma_wait3A_40 = tpu.memref_slice %arg4[%mul3A_2, %dma_wait3A_39] : memref<16384x384xi32, #tpu.memory_space<hbm>> -> memref<128x384xi32, #tpu.memory_space<hbm>>
    tpu.wait_dma2 semaphore(%arg10 : memref<!tpu.dma_semaphore, #tpu.memory_space<semaphore_mem>>) src(%arg6 : memref<128x384xi32, #tpu.memory_space<vmem>>) dst(%dma_wait3A_40 : memref<128x384xi32, #tpu.memory_space<hbm>>)
    %dma_wait3A_41 = arith.constant 0 : i32
    %dma_wait3A_42 = tpu.memref_slice %arg4[%mul3A_2, %dma_wait3A_41] : memref<16384x384xi32, #tpu.memory_space<hbm>> -> memref<128x384xi32, #tpu.memory_space<hbm>>
    %dma_wait3A_43 = arith.constant 0 : i32
    %dma_wait3A_44 = tpu.memref_slice %arg4[%mul3A_2, %dma_wait3A_43] : memref<16384x384xi32, #tpu.memory_space<hbm>> -> memref<128x384xi32, #tpu.memory_space<hbm>>
    tpu.wait_dma2 semaphore(%arg11 : memref<!tpu.dma_semaphore, #tpu.memory_space<semaphore_mem>>) src(%arg7 : memref<128x384xi32, #tpu.memory_space<vmem>>) dst(%dma_wait3A_44 : memref<128x384xi32, #tpu.memory_space<hbm>>)
    return
  }
}

#map = affine_map<(d0, d1) -> (0, 0)>
module attributes {stable_mosaic.version = 14 : i64} {
  func.func @gather_k(%arg0: i32, %arg1: i32, %arg2: memref<32768x384xi32, #tpu.memory_space<hbm>>, %arg3: memref<8x2048xi32, #tpu.memory_space<hbm>>, %arg4: memref<16384x384xi32, #tpu.memory_space<hbm>>, %arg5: memref<1x512xi32, #tpu.memory_space<vmem>>, %arg6: memref<128x384xi32, #tpu.memory_space<vmem>>, %arg7: memref<128x384xi32, #tpu.memory_space<vmem>>, %arg8: memref<!tpu.dma_semaphore, #tpu.memory_space<semaphore_mem>>, %arg9: memref<!tpu.dma_semaphore, #tpu.memory_space<semaphore_mem>>, %arg10: memref<!tpu.dma_semaphore, #tpu.memory_space<semaphore_mem>>, %arg11: memref<!tpu.dma_semaphore, #tpu.memory_space<semaphore_mem>>) attributes {dimension_semantics = [#tpu.dimension_semantics<core_parallel>, #tpu.dimension_semantics<subcore_parallel>], iteration_bounds = array<i64: 2, 16>, scalar_prefetch = 0 : i64, scratch_operands = 7 : i64, tpu.core_type = #tpu.core_type<sc_vector_subcore>, window_params = [{transform_indices = #map}, {transform_indices = #map}, {transform_indices = #map}]} {
    %mul3A = arith.constant 2 : i32
    %mul3A_0 = arith.muli %arg1, %mul3A : i32
    %add3A = arith.addi %mul3A_0, %arg0 : i32
    %mul3A_1 = arith.constant 512 : i32
    %mul3A_2 = arith.muli %add3A, %mul3A_1 : i32
    %jit3A = arith.constant 2048 : i32
    %div3A = arith.divsi %mul3A_2, %jit3A : i32
    %sign3A = arith.constant 0 : i32
    %sign3A_3 = arith.cmpi sgt, %mul3A_2, %sign3A : i32
    %sign3A_4 = arith.extui %sign3A_3 : i1 to i32
    %sign3A_5 = arith.constant 0 : i32
    %sign3A_6 = arith.cmpi slt, %mul3A_2, %sign3A_5 : i32
    %sign3A_7 = arith.extui %sign3A_6 : i1 to i32
    %sign3A_8 = arith.subi %sign3A_4, %sign3A_7 : i32
    %sign3A_9 = arith.constant 0 : i32
    %sign3A_10 = arith.cmpi sgt, %jit3A, %sign3A_9 : i32
    %sign3A_11 = arith.extui %sign3A_10 : i1 to i32
    %sign3A_12 = arith.constant 0 : i32
    %sign3A_13 = arith.cmpi slt, %jit3A, %sign3A_12 : i32
    %sign3A_14 = arith.extui %sign3A_13 : i1 to i32
    %sign3A_15 = arith.subi %sign3A_11, %sign3A_14 : i32
    %ne3A = arith.cmpi ne, %sign3A_8, %sign3A_15 : i32
    %rem3A = arith.remsi %mul3A_2, %jit3A : i32
    %ne3A_16 = arith.constant 0 : i32
    %ne3A_17 = arith.cmpi ne, %rem3A, %ne3A_16 : i32
    %and3A = arith.andi %ne3A, %ne3A_17 : i1
    %sub3A = arith.constant 1 : i32
    %sub3A_18 = arith.subi %div3A, %sub3A : i32
    %select_n3A = arith.select %and3A, %sub3A_18, %div3A : i32
    %jit3A_19 = arith.constant 2048 : i32
    %eq3A = arith.constant 0 : i32
    %eq3A_20 = arith.cmpi eq, %jit3A_19, %eq3A : i32
    %jit3A_21 = arith.constant 1 : i32
    %select_n3A_22 = arith.select %eq3A_20, %jit3A_21, %jit3A_19 : i32
    %rem3A_23 = arith.remsi %mul3A_2, %select_n3A_22 : i32
    %ne3A_24 = arith.constant 0 : i32
    %ne3A_25 = arith.cmpi ne, %rem3A_23, %ne3A_24 : i32
    %lt3A = arith.constant 0 : i32
    %lt3A_26 = arith.cmpi slt, %rem3A_23, %lt3A : i32
    %lt3A_27 = arith.constant 0 : i32
    %lt3A_28 = arith.cmpi slt, %select_n3A_22, %lt3A_27 : i32
    %ne3A_29 = arith.xori %lt3A_26, %lt3A_28 : i1
    %and3A_30 = arith.andi %ne3A_29, %ne3A_25 : i1
    %add3A_31 = arith.addi %rem3A_23, %select_n3A_22 : i32
    %select_n3A_32 = arith.select %and3A_30, %add3A_31, %rem3A_23 : i32
    "tpu.region"() ({
      %run_scoped3A = tpu.sem_alloc : memref<!tpu.dma_semaphore, #tpu.memory_space<semaphore_mem>>
      %dma_start3A = tpu.memref_slice %arg3[%select_n3A, %select_n3A_32] : memref<8x2048xi32, #tpu.memory_space<hbm>> -> memref<1x512xi32, #tpu.memory_space<hbm>>
      %dma_start3A_45 = tpu.memref_slice %arg3[%select_n3A, %select_n3A_32] : memref<8x2048xi32, #tpu.memory_space<hbm>> -> memref<1x512xi32, #tpu.memory_space<hbm>>
      tpu.enqueue_dma source(%dma_start3A_45 : memref<1x512xi32, #tpu.memory_space<hbm>>) target(%arg5 : memref<1x512xi32, #tpu.memory_space<vmem>>) target_semaphore(%run_scoped3A : memref<!tpu.dma_semaphore, #tpu.memory_space<semaphore_mem>>)
      %dma_wait3A_46 = tpu.memref_slice %arg3[%select_n3A, %select_n3A_32] : memref<8x2048xi32, #tpu.memory_space<hbm>> -> memref<1x512xi32, #tpu.memory_space<hbm>>
      %dma_wait3A_47 = tpu.memref_slice %arg3[%select_n3A, %select_n3A_32] : memref<8x2048xi32, #tpu.memory_space<hbm>> -> memref<1x512xi32, #tpu.memory_space<hbm>>
      tpu.wait_dma2 semaphore(%run_scoped3A : memref<!tpu.dma_semaphore, #tpu.memory_space<semaphore_mem>>) src(%dma_wait3A_47 : memref<1x512xi32, #tpu.memory_space<hbm>>) dst(%arg5 : memref<1x512xi32, #tpu.memory_space<vmem>>)
      tpu.yield
    }) : () -> ()
    %scan3A = arith.constant 0 : i32
    %scan3A_33 = arith.constant 0 : i32
    %scan3A_34 = arith.constant 2 : i32
    %scan3A_35 = arith.addi %scan3A_33, %scan3A_34 : i32
    %scan3A_36 = arith.constant 1 : i32
    scf.for %scan3A_45 = %scan3A_33 to %scan3A_35 step %scan3A_36  : i32 {
      %mul3A_46 = arith.constant 2 : i32
      %mul3A_47 = arith.muli %scan3A_45, %mul3A_46 : i32
      %mul3A_48 = arith.constant 128 : i32
      %mul3A_49 = arith.muli %mul3A_47, %mul3A_48 : i32
      %add3A_50 = arith.addi %mul3A_2, %mul3A_49 : i32
      %gt3A = arith.constant 0 : i32
      %gt3A_51 = arith.cmpi sgt, %scan3A_45, %gt3A : i32
      %convert_element_type3A = arith.extui %gt3A_51 : i1 to i32
      %cond3A = arith.constant 0 : i32
      %cond3A_52 = arith.cmpi ne, %convert_element_type3A, %cond3A : i32
      scf.if %cond3A_52 {
        %dma_wait3A_96 = arith.constant 0 : i32
        %dma_wait3A_97 = tpu.memref_slice %arg4[%mul3A_2, %dma_wait3A_96] : memref<16384x384xi32, #tpu.memory_space<hbm>> -> memref<128x384xi32, #tpu.memory_space<hbm>>
        %dma_wait3A_98 = arith.constant 0 : i32
        %dma_wait3A_99 = tpu.memref_slice %arg4[%mul3A_2, %dma_wait3A_98] : memref<16384x384xi32, #tpu.memory_space<hbm>> -> memref<128x384xi32, #tpu.memory_space<hbm>>
        tpu.wait_dma2 semaphore(%arg10 : memref<!tpu.dma_semaphore, #tpu.memory_space<semaphore_mem>>) src(%arg6 : memref<128x384xi32, #tpu.memory_space<vmem>>) dst(%dma_wait3A_99 : memref<128x384xi32, #tpu.memory_space<hbm>>)
        %dma_wait3A_100 = arith.constant 0 : i32
        %dma_wait3A_101 = tpu.memref_slice %arg4[%mul3A_2, %dma_wait3A_100] : memref<16384x384xi32, #tpu.memory_space<hbm>> -> memref<128x384xi32, #tpu.memory_space<hbm>>
        %dma_wait3A_102 = arith.constant 0 : i32
        %dma_wait3A_103 = tpu.memref_slice %arg4[%mul3A_2, %dma_wait3A_102] : memref<16384x384xi32, #tpu.memory_space<hbm>> -> memref<128x384xi32, #tpu.memory_space<hbm>>
        tpu.wait_dma2 semaphore(%arg11 : memref<!tpu.dma_semaphore, #tpu.memory_space<semaphore_mem>>) src(%arg7 : memref<128x384xi32, #tpu.memory_space<vmem>>) dst(%dma_wait3A_103 : memref<128x384xi32, #tpu.memory_space<hbm>>)
      } else {
      }
      %mul3A_53 = arith.constant 2 : i32
      %mul3A_54 = arith.muli %scan3A_45, %mul3A_53 : i32
      %mul3A_55 = arith.constant 128 : i32
      %mul3A_56 = arith.muli %mul3A_54, %mul3A_55 : i32
      %dma_start3A = arith.constant 0 : i32
      %dma_start3A_57 = tpu.memref_slice %arg5[%dma_start3A, %mul3A_56] : memref<1x512xi32, #tpu.memory_space<vmem>> -> memref<1x128xi32, #tpu.memory_space<vmem>>
      %dma_start3A_58 = tpu.memref_squeeze %dma_start3A_57 : memref<1x128xi32, #tpu.memory_space<vmem>> -> memref<128xi32, #tpu.memory_space<vmem>>
      %dma_start3A_59 = arith.constant 0 : i32
      %dma_start3A_60 = arith.constant 0 : i32
      %dma_start3A_61 = tpu.memref_slice %arg2[%dma_start3A_59, %dma_start3A_60] : memref<32768x384xi32, #tpu.memory_space<hbm>> -> memref<32768x384xi32, #tpu.memory_space<hbm>>
      tpu.enqueue_indirect_dma source(%dma_start3A_61 : memref<32768x384xi32, #tpu.memory_space<hbm>>) target(%arg6 : memref<128x384xi32, #tpu.memory_space<vmem>>) offsets(%dma_start3A_58 : memref<128xi32, #tpu.memory_space<vmem>>) semaphore(%arg8 : memref<!tpu.dma_semaphore, #tpu.memory_space<semaphore_mem>>)
      %mul3A_62 = arith.constant 2 : i32
      %mul3A_63 = arith.muli %scan3A_45, %mul3A_62 : i32
      %mul3A_64 = arith.constant 128 : i32
      %mul3A_65 = arith.muli %mul3A_63, %mul3A_64 : i32
      %add3A_66 = arith.constant 128 : i32
      %add3A_67 = arith.addi %mul3A_65, %add3A_66 : i32
      %dma_start3A_68 = arith.constant 0 : i32
      %dma_start3A_69 = tpu.memref_slice %arg5[%dma_start3A_68, %add3A_67] : memref<1x512xi32, #tpu.memory_space<vmem>> -> memref<1x128xi32, #tpu.memory_space<vmem>>
      %dma_start3A_70 = tpu.memref_squeeze %dma_start3A_69 : memref<1x128xi32, #tpu.memory_space<vmem>> -> memref<128xi32, #tpu.memory_space<vmem>>
      %dma_start3A_71 = arith.constant 0 : i32
      %dma_start3A_72 = arith.constant 0 : i32
      %dma_start3A_73 = tpu.memref_slice %arg2[%dma_start3A_71, %dma_start3A_72] : memref<32768x384xi32, #tpu.memory_space<hbm>> -> memref<32768x384xi32, #tpu.memory_space<hbm>>
      tpu.enqueue_indirect_dma source(%dma_start3A_73 : memref<32768x384xi32, #tpu.memory_space<hbm>>) target(%arg7 : memref<128x384xi32, #tpu.memory_space<vmem>>) offsets(%dma_start3A_70 : memref<128xi32, #tpu.memory_space<vmem>>) semaphore(%arg9 : memref<!tpu.dma_semaphore, #tpu.memory_space<semaphore_mem>>)
      %dma_wait3A_74 = arith.constant 0 : i32
      %dma_wait3A_75 = tpu.memref_slice %arg5[%dma_wait3A_74, %mul3A_56] : memref<1x512xi32, #tpu.memory_space<vmem>> -> memref<1x128xi32, #tpu.memory_space<vmem>>
      %dma_wait3A_76 = tpu.memref_squeeze %dma_wait3A_75 : memref<1x128xi32, #tpu.memory_space<vmem>> -> memref<128xi32, #tpu.memory_space<vmem>>
      %dma_wait3A_77 = arith.constant 0 : i32
      %dma_wait3A_78 = arith.constant 0 : i32
      %dma_wait3A_79 = tpu.memref_slice %arg2[%dma_wait3A_77, %dma_wait3A_78] : memref<32768x384xi32, #tpu.memory_space<hbm>> -> memref<32768x384xi32, #tpu.memory_space<hbm>>
      tpu.wait_indirect_dma semaphore(%arg8 : memref<!tpu.dma_semaphore, #tpu.memory_space<semaphore_mem>>) src(%dma_wait3A_79 : memref<32768x384xi32, #tpu.memory_space<hbm>>) dst(%arg6 : memref<128x384xi32, #tpu.memory_space<vmem>>)
      %dma_start3A_80 = arith.constant 0 : i32
      %dma_start3A_81 = tpu.memref_slice %arg4[%add3A_50, %dma_start3A_80] : memref<16384x384xi32, #tpu.memory_space<hbm>> -> memref<128x384xi32, #tpu.memory_space<hbm>>
      %dma_start3A_82 = arith.constant 0 : i32
      %dma_start3A_83 = tpu.memref_slice %arg4[%add3A_50, %dma_start3A_82] : memref<16384x384xi32, #tpu.memory_space<hbm>> -> memref<128x384xi32, #tpu.memory_space<hbm>>
      tpu.enqueue_dma source(%arg6 : memref<128x384xi32, #tpu.memory_space<vmem>>) target(%dma_start3A_83 : memref<128x384xi32, #tpu.memory_space<hbm>>) target_semaphore(%arg10 : memref<!tpu.dma_semaphore, #tpu.memory_space<semaphore_mem>>)
      %dma_wait3A_84 = arith.constant 0 : i32
      %dma_wait3A_85 = tpu.memref_slice %arg5[%dma_wait3A_84, %add3A_67] : memref<1x512xi32, #tpu.memory_space<vmem>> -> memref<1x128xi32, #tpu.memory_space<vmem>>
      %dma_wait3A_86 = tpu.memref_squeeze %dma_wait3A_85 : memref<1x128xi32, #tpu.memory_space<vmem>> -> memref<128xi32, #tpu.memory_space<vmem>>
      %dma_wait3A_87 = arith.constant 0 : i32
      %dma_wait3A_88 = arith.constant 0 : i32
      %dma_wait3A_89 = tpu.memref_slice %arg2[%dma_wait3A_87, %dma_wait3A_88] : memref<32768x384xi32, #tpu.memory_space<hbm>> -> memref<32768x384xi32, #tpu.memory_space<hbm>>
      tpu.wait_indirect_dma semaphore(%arg9 : memref<!tpu.dma_semaphore, #tpu.memory_space<semaphore_mem>>) src(%dma_wait3A_89 : memref<32768x384xi32, #tpu.memory_space<hbm>>) dst(%arg7 : memref<128x384xi32, #tpu.memory_space<vmem>>)
      %add3A_90 = arith.constant 128 : i32
      %add3A_91 = arith.addi %add3A_50, %add3A_90 : i32
      %dma_start3A_92 = arith.constant 0 : i32
      %dma_start3A_93 = tpu.memref_slice %arg4[%add3A_91, %dma_start3A_92] : memref<16384x384xi32, #tpu.memory_space<hbm>> -> memref<128x384xi32, #tpu.memory_space<hbm>>
      %dma_start3A_94 = arith.constant 0 : i32
      %dma_start3A_95 = tpu.memref_slice %arg4[%add3A_91, %dma_start3A_94] : memref<16384x384xi32, #tpu.memory_space<hbm>> -> memref<128x384xi32, #tpu.memory_space<hbm>>
      tpu.enqueue_dma source(%arg7 : memref<128x384xi32, #tpu.memory_space<vmem>>) target(%dma_start3A_95 : memref<128x384xi32, #tpu.memory_space<hbm>>) target_semaphore(%arg11 : memref<!tpu.dma_semaphore, #tpu.memory_space<semaphore_mem>>)
    }
    %scan3A_37 = arith.constant 2 : i32
    %dma_wait3A = arith.constant 0 : i32
    %dma_wait3A_38 = tpu.memref_slice %arg4[%mul3A_2, %dma_wait3A] : memref<16384x384xi32, #tpu.memory_space<hbm>> -> memref<128x384xi32, #tpu.memory_space<hbm>>
    %dma_wait3A_39 = arith.constant 0 : i32
    %dma_wait3A_40 = tpu.memref_slice %arg4[%mul3A_2, %dma_wait3A_39] : memref<16384x384xi32, #tpu.memory_space<hbm>> -> memref<128x384xi32, #tpu.memory_space<hbm>>
    tpu.wait_dma2 semaphore(%arg10 : memref<!tpu.dma_semaphore, #tpu.memory_space<semaphore_mem>>) src(%arg6 : memref<128x384xi32, #tpu.memory_space<vmem>>) dst(%dma_wait3A_40 : memref<128x384xi32, #tpu.memory_space<hbm>>)
    %dma_wait3A_41 = arith.constant 0 : i32
    %dma_wait3A_42 = tpu.memref_slice %arg4[%mul3A_2, %dma_wait3A_41] : memref<16384x384xi32, #tpu.memory_space<hbm>> -> memref<128x384xi32, #tpu.memory_space<hbm>>
    %dma_wait3A_43 = arith.constant 0 : i32
    %dma_wait3A_44 = tpu.memref_slice %arg4[%mul3A_2, %dma_wait3A_43] : memref<16384x384xi32, #tpu.memory_space<hbm>> -> memref<128x384xi32, #tpu.memory_space<hbm>>
    tpu.wait_dma2 semaphore(%arg11 : memref<!tpu.dma_semaphore, #tpu.memory_space<semaphore_mem>>) src(%arg7 : memref<128x384xi32, #tpu.memory_space<vmem>>) dst(%dma_wait3A_44 : memref<128x384xi32, #tpu.memory_space<hbm>>)
    return
  }
}

#map = affine_map<(d0, d1) -> (0, 0)>
module attributes {stable_mosaic.version = 14 : i64} {
  func.func @gather_k(%arg0: i32, %arg1: i32, %arg2: memref<32768x384xi32, #tpu.memory_space<hbm>>, %arg3: memref<8x2048xi32, #tpu.memory_space<hbm>>, %arg4: memref<16384x384xi32, #tpu.memory_space<hbm>>, %arg5: memref<1x512xi32, #tpu.memory_space<vmem>>, %arg6: memref<128x384xi32, #tpu.memory_space<vmem>>, %arg7: memref<128x384xi32, #tpu.memory_space<vmem>>, %arg8: memref<!tpu.dma_semaphore, #tpu.memory_space<semaphore_mem>>, %arg9: memref<!tpu.dma_semaphore, #tpu.memory_space<semaphore_mem>>, %arg10: memref<!tpu.dma_semaphore, #tpu.memory_space<semaphore_mem>>, %arg11: memref<!tpu.dma_semaphore, #tpu.memory_space<semaphore_mem>>) attributes {dimension_semantics = [#tpu.dimension_semantics<core_parallel>, #tpu.dimension_semantics<subcore_parallel>], iteration_bounds = array<i64: 2, 16>, scalar_prefetch = 0 : i64, scratch_operands = 7 : i64, tpu.core_type = #tpu.core_type<sc_vector_subcore>, window_params = [{transform_indices = #map}, {transform_indices = #map}, {transform_indices = #map}]} {
    %mul3A = arith.constant 2 : i32
    %mul3A_0 = arith.muli %arg1, %mul3A : i32
    %add3A = arith.addi %mul3A_0, %arg0 : i32
    %mul3A_1 = arith.constant 512 : i32
    %mul3A_2 = arith.muli %add3A, %mul3A_1 : i32
    %jit3A = arith.constant 2048 : i32
    %div3A = arith.divsi %mul3A_2, %jit3A : i32
    %sign3A = arith.constant 0 : i32
    %sign3A_3 = arith.cmpi sgt, %mul3A_2, %sign3A : i32
    %sign3A_4 = arith.extui %sign3A_3 : i1 to i32
    %sign3A_5 = arith.constant 0 : i32
    %sign3A_6 = arith.cmpi slt, %mul3A_2, %sign3A_5 : i32
    %sign3A_7 = arith.extui %sign3A_6 : i1 to i32
    %sign3A_8 = arith.subi %sign3A_4, %sign3A_7 : i32
    %sign3A_9 = arith.constant 0 : i32
    %sign3A_10 = arith.cmpi sgt, %jit3A, %sign3A_9 : i32
    %sign3A_11 = arith.extui %sign3A_10 : i1 to i32
    %sign3A_12 = arith.constant 0 : i32
    %sign3A_13 = arith.cmpi slt, %jit3A, %sign3A_12 : i32
    %sign3A_14 = arith.extui %sign3A_13 : i1 to i32
    %sign3A_15 = arith.subi %sign3A_11, %sign3A_14 : i32
    %ne3A = arith.cmpi ne, %sign3A_8, %sign3A_15 : i32
    %rem3A = arith.remsi %mul3A_2, %jit3A : i32
    %ne3A_16 = arith.constant 0 : i32
    %ne3A_17 = arith.cmpi ne, %rem3A, %ne3A_16 : i32
    %and3A = arith.andi %ne3A, %ne3A_17 : i1
    %sub3A = arith.constant 1 : i32
    %sub3A_18 = arith.subi %div3A, %sub3A : i32
    %select_n3A = arith.select %and3A, %sub3A_18, %div3A : i32
    %jit3A_19 = arith.constant 2048 : i32
    %eq3A = arith.constant 0 : i32
    %eq3A_20 = arith.cmpi eq, %jit3A_19, %eq3A : i32
    %jit3A_21 = arith.constant 1 : i32
    %select_n3A_22 = arith.select %eq3A_20, %jit3A_21, %jit3A_19 : i32
    %rem3A_23 = arith.remsi %mul3A_2, %select_n3A_22 : i32
    %ne3A_24 = arith.constant 0 : i32
    %ne3A_25 = arith.cmpi ne, %rem3A_23, %ne3A_24 : i32
    %lt3A = arith.constant 0 : i32
    %lt3A_26 = arith.cmpi slt, %rem3A_23, %lt3A : i32
    %lt3A_27 = arith.constant 0 : i32
    %lt3A_28 = arith.cmpi slt, %select_n3A_22, %lt3A_27 : i32
    %ne3A_29 = arith.xori %lt3A_26, %lt3A_28 : i1
    %and3A_30 = arith.andi %ne3A_29, %ne3A_25 : i1
    %add3A_31 = arith.addi %rem3A_23, %select_n3A_22 : i32
    %select_n3A_32 = arith.select %and3A_30, %add3A_31, %rem3A_23 : i32
    "tpu.region"() ({
      %run_scoped3A = tpu.sem_alloc : memref<!tpu.dma_semaphore, #tpu.memory_space<semaphore_mem>>
      %dma_start3A = tpu.memref_slice %arg3[%select_n3A, %select_n3A_32] : memref<8x2048xi32, #tpu.memory_space<hbm>> -> memref<1x512xi32, #tpu.memory_space<hbm>>
      %dma_start3A_45 = tpu.memref_slice %arg3[%select_n3A, %select_n3A_32] : memref<8x2048xi32, #tpu.memory_space<hbm>> -> memref<1x512xi32, #tpu.memory_space<hbm>>
      tpu.enqueue_dma source(%dma_start3A_45 : memref<1x512xi32, #tpu.memory_space<hbm>>) target(%arg5 : memref<1x512xi32, #tpu.memory_space<vmem>>) target_semaphore(%run_scoped3A : memref<!tpu.dma_semaphore, #tpu.memory_space<semaphore_mem>>)
      %dma_wait3A_46 = tpu.memref_slice %arg3[%select_n3A, %select_n3A_32] : memref<8x2048xi32, #tpu.memory_space<hbm>> -> memref<1x512xi32, #tpu.memory_space<hbm>>
      %dma_wait3A_47 = tpu.memref_slice %arg3[%select_n3A, %select_n3A_32] : memref<8x2048xi32, #tpu.memory_space<hbm>> -> memref<1x512xi32, #tpu.memory_space<hbm>>
      tpu.wait_dma2 semaphore(%run_scoped3A : memref<!tpu.dma_semaphore, #tpu.memory_space<semaphore_mem>>) src(%dma_wait3A_47 : memref<1x512xi32, #tpu.memory_space<hbm>>) dst(%arg5 : memref<1x512xi32, #tpu.memory_space<vmem>>)
      tpu.yield
    }) : () -> ()
    %scan3A = arith.constant 0 : i32
    %scan3A_33 = arith.constant 0 : i32
    %scan3A_34 = arith.constant 2 : i32
    %scan3A_35 = arith.addi %scan3A_33, %scan3A_34 : i32
    %scan3A_36 = arith.constant 1 : i32
    scf.for %scan3A_45 = %scan3A_33 to %scan3A_35 step %scan3A_36  : i32 {
      %mul3A_46 = arith.constant 2 : i32
      %mul3A_47 = arith.muli %scan3A_45, %mul3A_46 : i32
      %mul3A_48 = arith.constant 128 : i32
      %mul3A_49 = arith.muli %mul3A_47, %mul3A_48 : i32
      %add3A_50 = arith.addi %mul3A_2, %mul3A_49 : i32
      %gt3A = arith.constant 0 : i32
      %gt3A_51 = arith.cmpi sgt, %scan3A_45, %gt3A : i32
      %convert_element_type3A = arith.extui %gt3A_51 : i1 to i32
      %cond3A = arith.constant 0 : i32
      %cond3A_52 = arith.cmpi ne, %convert_element_type3A, %cond3A : i32
      scf.if %cond3A_52 {
        %dma_wait3A_96 = arith.constant 0 : i32
        %dma_wait3A_97 = tpu.memref_slice %arg4[%mul3A_2, %dma_wait3A_96] : memref<16384x384xi32, #tpu.memory_space<hbm>> -> memref<128x384xi32, #tpu.memory_space<hbm>>
        %dma_wait3A_98 = arith.constant 0 : i32
        %dma_wait3A_99 = tpu.memref_slice %arg4[%mul3A_2, %dma_wait3A_98] : memref<16384x384xi32, #tpu.memory_space<hbm>> -> memref<128x384xi32, #tpu.memory_space<hbm>>
        tpu.wait_dma2 semaphore(%arg10 : memref<!tpu.dma_semaphore, #tpu.memory_space<semaphore_mem>>) src(%arg6 : memref<128x384xi32, #tpu.memory_space<vmem>>) dst(%dma_wait3A_99 : memref<128x384xi32, #tpu.memory_space<hbm>>)
        %dma_wait3A_100 = arith.constant 0 : i32
        %dma_wait3A_101 = tpu.memref_slice %arg4[%mul3A_2, %dma_wait3A_100] : memref<16384x384xi32, #tpu.memory_space<hbm>> -> memref<128x384xi32, #tpu.memory_space<hbm>>
        %dma_wait3A_102 = arith.constant 0 : i32
        %dma_wait3A_103 = tpu.memref_slice %arg4[%mul3A_2, %dma_wait3A_102] : memref<16384x384xi32, #tpu.memory_space<hbm>> -> memref<128x384xi32, #tpu.memory_space<hbm>>
        tpu.wait_dma2 semaphore(%arg11 : memref<!tpu.dma_semaphore, #tpu.memory_space<semaphore_mem>>) src(%arg7 : memref<128x384xi32, #tpu.memory_space<vmem>>) dst(%dma_wait3A_103 : memref<128x384xi32, #tpu.memory_space<hbm>>)
      } else {
      }
      %mul3A_53 = arith.constant 2 : i32
      %mul3A_54 = arith.muli %scan3A_45, %mul3A_53 : i32
      %mul3A_55 = arith.constant 128 : i32
      %mul3A_56 = arith.muli %mul3A_54, %mul3A_55 : i32
      %dma_start3A = arith.constant 0 : i32
      %dma_start3A_57 = tpu.memref_slice %arg5[%dma_start3A, %mul3A_56] : memref<1x512xi32, #tpu.memory_space<vmem>> -> memref<1x128xi32, #tpu.memory_space<vmem>>
      %dma_start3A_58 = tpu.memref_squeeze %dma_start3A_57 : memref<1x128xi32, #tpu.memory_space<vmem>> -> memref<128xi32, #tpu.memory_space<vmem>>
      %dma_start3A_59 = arith.constant 0 : i32
      %dma_start3A_60 = arith.constant 0 : i32
      %dma_start3A_61 = tpu.memref_slice %arg2[%dma_start3A_59, %dma_start3A_60] : memref<32768x384xi32, #tpu.memory_space<hbm>> -> memref<32768x384xi32, #tpu.memory_space<hbm>>
      tpu.enqueue_indirect_dma source(%dma_start3A_61 : memref<32768x384xi32, #tpu.memory_space<hbm>>) target(%arg6 : memref<128x384xi32, #tpu.memory_space<vmem>>) offsets(%dma_start3A_58 : memref<128xi32, #tpu.memory_space<vmem>>) semaphore(%arg8 : memref<!tpu.dma_semaphore, #tpu.memory_space<semaphore_mem>>)
      %mul3A_62 = arith.constant 2 : i32
      %mul3A_63 = arith.muli %scan3A_45, %mul3A_62 : i32
      %mul3A_64 = arith.constant 128 : i32
      %mul3A_65 = arith.muli %mul3A_63, %mul3A_64 : i32
      %add3A_66 = arith.constant 128 : i32
      %add3A_67 = arith.addi %mul3A_65, %add3A_66 : i32
      %dma_start3A_68 = arith.constant 0 : i32
      %dma_start3A_69 = tpu.memref_slice %arg5[%dma_start3A_68, %add3A_67] : memref<1x512xi32, #tpu.memory_space<vmem>> -> memref<1x128xi32, #tpu.memory_space<vmem>>
      %dma_start3A_70 = tpu.memref_squeeze %dma_start3A_69 : memref<1x128xi32, #tpu.memory_space<vmem>> -> memref<128xi32, #tpu.memory_space<vmem>>
      %dma_start3A_71 = arith.constant 0 : i32
      %dma_start3A_72 = arith.constant 0 : i32
      %dma_start3A_73 = tpu.memref_slice %arg2[%dma_start3A_71, %dma_start3A_72] : memref<32768x384xi32, #tpu.memory_space<hbm>> -> memref<32768x384xi32, #tpu.memory_space<hbm>>
      tpu.enqueue_indirect_dma source(%dma_start3A_73 : memref<32768x384xi32, #tpu.memory_space<hbm>>) target(%arg7 : memref<128x384xi32, #tpu.memory_space<vmem>>) offsets(%dma_start3A_70 : memref<128xi32, #tpu.memory_space<vmem>>) semaphore(%arg9 : memref<!tpu.dma_semaphore, #tpu.memory_space<semaphore_mem>>)
      %dma_wait3A_74 = arith.constant 0 : i32
      %dma_wait3A_75 = tpu.memref_slice %arg5[%dma_wait3A_74, %mul3A_56] : memref<1x512xi32, #tpu.memory_space<vmem>> -> memref<1x128xi32, #tpu.memory_space<vmem>>
      %dma_wait3A_76 = tpu.memref_squeeze %dma_wait3A_75 : memref<1x128xi32, #tpu.memory_space<vmem>> -> memref<128xi32, #tpu.memory_space<vmem>>
      %dma_wait3A_77 = arith.constant 0 : i32
      %dma_wait3A_78 = arith.constant 0 : i32
      %dma_wait3A_79 = tpu.memref_slice %arg2[%dma_wait3A_77, %dma_wait3A_78] : memref<32768x384xi32, #tpu.memory_space<hbm>> -> memref<32768x384xi32, #tpu.memory_space<hbm>>
      tpu.wait_indirect_dma semaphore(%arg8 : memref<!tpu.dma_semaphore, #tpu.memory_space<semaphore_mem>>) src(%dma_wait3A_79 : memref<32768x384xi32, #tpu.memory_space<hbm>>) dst(%arg6 : memref<128x384xi32, #tpu.memory_space<vmem>>)
      %dma_start3A_80 = arith.constant 0 : i32
      %dma_start3A_81 = tpu.memref_slice %arg4[%add3A_50, %dma_start3A_80] : memref<16384x384xi32, #tpu.memory_space<hbm>> -> memref<128x384xi32, #tpu.memory_space<hbm>>
      %dma_start3A_82 = arith.constant 0 : i32
      %dma_start3A_83 = tpu.memref_slice %arg4[%add3A_50, %dma_start3A_82] : memref<16384x384xi32, #tpu.memory_space<hbm>> -> memref<128x384xi32, #tpu.memory_space<hbm>>
      tpu.enqueue_dma source(%arg6 : memref<128x384xi32, #tpu.memory_space<vmem>>) target(%dma_start3A_83 : memref<128x384xi32, #tpu.memory_space<hbm>>) target_semaphore(%arg10 : memref<!tpu.dma_semaphore, #tpu.memory_space<semaphore_mem>>)
      %dma_wait3A_84 = arith.constant 0 : i32
      %dma_wait3A_85 = tpu.memref_slice %arg5[%dma_wait3A_84, %add3A_67] : memref<1x512xi32, #tpu.memory_space<vmem>> -> memref<1x128xi32, #tpu.memory_space<vmem>>
      %dma_wait3A_86 = tpu.memref_squeeze %dma_wait3A_85 : memref<1x128xi32, #tpu.memory_space<vmem>> -> memref<128xi32, #tpu.memory_space<vmem>>
      %dma_wait3A_87 = arith.constant 0 : i32
      %dma_wait3A_88 = arith.constant 0 : i32
      %dma_wait3A_89 = tpu.memref_slice %arg2[%dma_wait3A_87, %dma_wait3A_88] : memref<32768x384xi32, #tpu.memory_space<hbm>> -> memref<32768x384xi32, #tpu.memory_space<hbm>>
      tpu.wait_indirect_dma semaphore(%arg9 : memref<!tpu.dma_semaphore, #tpu.memory_space<semaphore_mem>>) src(%dma_wait3A_89 : memref<32768x384xi32, #tpu.memory_space<hbm>>) dst(%arg7 : memref<128x384xi32, #tpu.memory_space<vmem>>)
      %add3A_90 = arith.constant 128 : i32
      %add3A_91 = arith.addi %add3A_50, %add3A_90 : i32
      %dma_start3A_92 = arith.constant 0 : i32
      %dma_start3A_93 = tpu.memref_slice %arg4[%add3A_91, %dma_start3A_92] : memref<16384x384xi32, #tpu.memory_space<hbm>> -> memref<128x384xi32, #tpu.memory_space<hbm>>
      %dma_start3A_94 = arith.constant 0 : i32
      %dma_start3A_95 = tpu.memref_slice %arg4[%add3A_91, %dma_start3A_94] : memref<16384x384xi32, #tpu.memory_space<hbm>> -> memref<128x384xi32, #tpu.memory_space<hbm>>
      tpu.enqueue_dma source(%arg7 : memref<128x384xi32, #tpu.memory_space<vmem>>) target(%dma_start3A_95 : memref<128x384xi32, #tpu.memory_space<hbm>>) target_semaphore(%arg11 : memref<!tpu.dma_semaphore, #tpu.memory_space<semaphore_mem>>)
    }
    %scan3A_37 = arith.constant 2 : i32
    %dma_wait3A = arith.constant 0 : i32
    %dma_wait3A_38 = tpu.memref_slice %arg4[%mul3A_2, %dma_wait3A] : memref<16384x384xi32, #tpu.memory_space<hbm>> -> memref<128x384xi32, #tpu.memory_space<hbm>>
    %dma_wait3A_39 = arith.constant 0 : i32
    %dma_wait3A_40 = tpu.memref_slice %arg4[%mul3A_2, %dma_wait3A_39] : memref<16384x384xi32, #tpu.memory_space<hbm>> -> memref<128x384xi32, #tpu.memory_space<hbm>>
    tpu.wait_dma2 semaphore(%arg10 : memref<!tpu.dma_semaphore, #tpu.memory_space<semaphore_mem>>) src(%arg6 : memref<128x384xi32, #tpu.memory_space<vmem>>) dst(%dma_wait3A_40 : memref<128x384xi32, #tpu.memory_space<hbm>>)
    %dma_wait3A_41 = arith.constant 0 : i32
    %dma_wait3A_42 = tpu.memref_slice %arg4[%mul3A_2, %dma_wait3A_41] : memref<16384x384xi32, #tpu.memory_space<hbm>> -> memref<128x384xi32, #tpu.memory_space<hbm>>
    %dma_wait3A_43 = arith.constant 0 : i32
    %dma_wait3A_44 = tpu.memref_slice %arg4[%mul3A_2, %dma_wait3A_43] : memref<16384x384xi32, #tpu.memory_space<hbm>> -> memref<128x384xi32, #tpu.memory_space<hbm>>
    tpu.wait_dma2 semaphore(%arg11 : memref<!tpu.dma_semaphore, #tpu.memory_space<semaphore_mem>>) src(%arg7 : memref<128x384xi32, #tpu.memory_space<vmem>>) dst(%dma_wait3A_44 : memref<128x384xi32, #tpu.memory_space<hbm>>)
    return
  }
}

#map = affine_map<(d0, d1) -> (0, 0)>
module attributes {stable_mosaic.version = 14 : i64} {
  func.func @gather_k(%arg0: i32, %arg1: i32, %arg2: memref<32768x384xi32, #tpu.memory_space<hbm>>, %arg3: memref<8x2048xi32, #tpu.memory_space<hbm>>, %arg4: memref<16384x384xi32, #tpu.memory_space<hbm>>, %arg5: memref<1x512xi32, #tpu.memory_space<vmem>>, %arg6: memref<128x384xi32, #tpu.memory_space<vmem>>, %arg7: memref<128x384xi32, #tpu.memory_space<vmem>>, %arg8: memref<!tpu.dma_semaphore, #tpu.memory_space<semaphore_mem>>, %arg9: memref<!tpu.dma_semaphore, #tpu.memory_space<semaphore_mem>>, %arg10: memref<!tpu.dma_semaphore, #tpu.memory_space<semaphore_mem>>, %arg11: memref<!tpu.dma_semaphore, #tpu.memory_space<semaphore_mem>>) attributes {dimension_semantics = [#tpu.dimension_semantics<core_parallel>, #tpu.dimension_semantics<subcore_parallel>], iteration_bounds = array<i64: 2, 16>, scalar_prefetch = 0 : i64, scratch_operands = 7 : i64, tpu.core_type = #tpu.core_type<sc_vector_subcore>, window_params = [{transform_indices = #map}, {transform_indices = #map}, {transform_indices = #map}]} {
    %mul3A = arith.constant 2 : i32
    %mul3A_0 = arith.muli %arg1, %mul3A : i32
    %add3A = arith.addi %mul3A_0, %arg0 : i32
    %mul3A_1 = arith.constant 512 : i32
    %mul3A_2 = arith.muli %add3A, %mul3A_1 : i32
    %jit3A = arith.constant 2048 : i32
    %div3A = arith.divsi %mul3A_2, %jit3A : i32
    %sign3A = arith.constant 0 : i32
    %sign3A_3 = arith.cmpi sgt, %mul3A_2, %sign3A : i32
    %sign3A_4 = arith.extui %sign3A_3 : i1 to i32
    %sign3A_5 = arith.constant 0 : i32
    %sign3A_6 = arith.cmpi slt, %mul3A_2, %sign3A_5 : i32
    %sign3A_7 = arith.extui %sign3A_6 : i1 to i32
    %sign3A_8 = arith.subi %sign3A_4, %sign3A_7 : i32
    %sign3A_9 = arith.constant 0 : i32
    %sign3A_10 = arith.cmpi sgt, %jit3A, %sign3A_9 : i32
    %sign3A_11 = arith.extui %sign3A_10 : i1 to i32
    %sign3A_12 = arith.constant 0 : i32
    %sign3A_13 = arith.cmpi slt, %jit3A, %sign3A_12 : i32
    %sign3A_14 = arith.extui %sign3A_13 : i1 to i32
    %sign3A_15 = arith.subi %sign3A_11, %sign3A_14 : i32
    %ne3A = arith.cmpi ne, %sign3A_8, %sign3A_15 : i32
    %rem3A = arith.remsi %mul3A_2, %jit3A : i32
    %ne3A_16 = arith.constant 0 : i32
    %ne3A_17 = arith.cmpi ne, %rem3A, %ne3A_16 : i32
    %and3A = arith.andi %ne3A, %ne3A_17 : i1
    %sub3A = arith.constant 1 : i32
    %sub3A_18 = arith.subi %div3A, %sub3A : i32
    %select_n3A = arith.select %and3A, %sub3A_18, %div3A : i32
    %jit3A_19 = arith.constant 2048 : i32
    %eq3A = arith.constant 0 : i32
    %eq3A_20 = arith.cmpi eq, %jit3A_19, %eq3A : i32
    %jit3A_21 = arith.constant 1 : i32
    %select_n3A_22 = arith.select %eq3A_20, %jit3A_21, %jit3A_19 : i32
    %rem3A_23 = arith.remsi %mul3A_2, %select_n3A_22 : i32
    %ne3A_24 = arith.constant 0 : i32
    %ne3A_25 = arith.cmpi ne, %rem3A_23, %ne3A_24 : i32
    %lt3A = arith.constant 0 : i32
    %lt3A_26 = arith.cmpi slt, %rem3A_23, %lt3A : i32
    %lt3A_27 = arith.constant 0 : i32
    %lt3A_28 = arith.cmpi slt, %select_n3A_22, %lt3A_27 : i32
    %ne3A_29 = arith.xori %lt3A_26, %lt3A_28 : i1
    %and3A_30 = arith.andi %ne3A_29, %ne3A_25 : i1
    %add3A_31 = arith.addi %rem3A_23, %select_n3A_22 : i32
    %select_n3A_32 = arith.select %and3A_30, %add3A_31, %rem3A_23 : i32
    "tpu.region"() ({
      %run_scoped3A = tpu.sem_alloc : memref<!tpu.dma_semaphore, #tpu.memory_space<semaphore_mem>>
      %dma_start3A = tpu.memref_slice %arg3[%select_n3A, %select_n3A_32] : memref<8x2048xi32, #tpu.memory_space<hbm>> -> memref<1x512xi32, #tpu.memory_space<hbm>>
      %dma_start3A_45 = tpu.memref_slice %arg3[%select_n3A, %select_n3A_32] : memref<8x2048xi32, #tpu.memory_space<hbm>> -> memref<1x512xi32, #tpu.memory_space<hbm>>
      tpu.enqueue_dma source(%dma_start3A_45 : memref<1x512xi32, #tpu.memory_space<hbm>>) target(%arg5 : memref<1x512xi32, #tpu.memory_space<vmem>>) target_semaphore(%run_scoped3A : memref<!tpu.dma_semaphore, #tpu.memory_space<semaphore_mem>>)
      %dma_wait3A_46 = tpu.memref_slice %arg3[%select_n3A, %select_n3A_32] : memref<8x2048xi32, #tpu.memory_space<hbm>> -> memref<1x512xi32, #tpu.memory_space<hbm>>
      %dma_wait3A_47 = tpu.memref_slice %arg3[%select_n3A, %select_n3A_32] : memref<8x2048xi32, #tpu.memory_space<hbm>> -> memref<1x512xi32, #tpu.memory_space<hbm>>
      tpu.wait_dma2 semaphore(%run_scoped3A : memref<!tpu.dma_semaphore, #tpu.memory_space<semaphore_mem>>) src(%dma_wait3A_47 : memref<1x512xi32, #tpu.memory_space<hbm>>) dst(%arg5 : memref<1x512xi32, #tpu.memory_space<vmem>>)
      tpu.yield
    }) : () -> ()
    %scan3A = arith.constant 0 : i32
    %scan3A_33 = arith.constant 0 : i32
    %scan3A_34 = arith.constant 2 : i32
    %scan3A_35 = arith.addi %scan3A_33, %scan3A_34 : i32
    %scan3A_36 = arith.constant 1 : i32
    scf.for %scan3A_45 = %scan3A_33 to %scan3A_35 step %scan3A_36  : i32 {
      %mul3A_46 = arith.constant 2 : i32
      %mul3A_47 = arith.muli %scan3A_45, %mul3A_46 : i32
      %mul3A_48 = arith.constant 128 : i32
      %mul3A_49 = arith.muli %mul3A_47, %mul3A_48 : i32
      %add3A_50 = arith.addi %mul3A_2, %mul3A_49 : i32
      %gt3A = arith.constant 0 : i32
      %gt3A_51 = arith.cmpi sgt, %scan3A_45, %gt3A : i32
      %convert_element_type3A = arith.extui %gt3A_51 : i1 to i32
      %cond3A = arith.constant 0 : i32
      %cond3A_52 = arith.cmpi ne, %convert_element_type3A, %cond3A : i32
      scf.if %cond3A_52 {
        %dma_wait3A_96 = arith.constant 0 : i32
        %dma_wait3A_97 = tpu.memref_slice %arg4[%mul3A_2, %dma_wait3A_96] : memref<16384x384xi32, #tpu.memory_space<hbm>> -> memref<128x384xi32, #tpu.memory_space<hbm>>
        %dma_wait3A_98 = arith.constant 0 : i32
        %dma_wait3A_99 = tpu.memref_slice %arg4[%mul3A_2, %dma_wait3A_98] : memref<16384x384xi32, #tpu.memory_space<hbm>> -> memref<128x384xi32, #tpu.memory_space<hbm>>
        tpu.wait_dma2 semaphore(%arg10 : memref<!tpu.dma_semaphore, #tpu.memory_space<semaphore_mem>>) src(%arg6 : memref<128x384xi32, #tpu.memory_space<vmem>>) dst(%dma_wait3A_99 : memref<128x384xi32, #tpu.memory_space<hbm>>)
        %dma_wait3A_100 = arith.constant 0 : i32
        %dma_wait3A_101 = tpu.memref_slice %arg4[%mul3A_2, %dma_wait3A_100] : memref<16384x384xi32, #tpu.memory_space<hbm>> -> memref<128x384xi32, #tpu.memory_space<hbm>>
        %dma_wait3A_102 = arith.constant 0 : i32
        %dma_wait3A_103 = tpu.memref_slice %arg4[%mul3A_2, %dma_wait3A_102] : memref<16384x384xi32, #tpu.memory_space<hbm>> -> memref<128x384xi32, #tpu.memory_space<hbm>>
        tpu.wait_dma2 semaphore(%arg11 : memref<!tpu.dma_semaphore, #tpu.memory_space<semaphore_mem>>) src(%arg7 : memref<128x384xi32, #tpu.memory_space<vmem>>) dst(%dma_wait3A_103 : memref<128x384xi32, #tpu.memory_space<hbm>>)
      } else {
      }
      %mul3A_53 = arith.constant 2 : i32
      %mul3A_54 = arith.muli %scan3A_45, %mul3A_53 : i32
      %mul3A_55 = arith.constant 128 : i32
      %mul3A_56 = arith.muli %mul3A_54, %mul3A_55 : i32
      %dma_start3A = arith.constant 0 : i32
      %dma_start3A_57 = tpu.memref_slice %arg5[%dma_start3A, %mul3A_56] : memref<1x512xi32, #tpu.memory_space<vmem>> -> memref<1x128xi32, #tpu.memory_space<vmem>>
      %dma_start3A_58 = tpu.memref_squeeze %dma_start3A_57 : memref<1x128xi32, #tpu.memory_space<vmem>> -> memref<128xi32, #tpu.memory_space<vmem>>
      %dma_start3A_59 = arith.constant 0 : i32
      %dma_start3A_60 = arith.constant 0 : i32
      %dma_start3A_61 = tpu.memref_slice %arg2[%dma_start3A_59, %dma_start3A_60] : memref<32768x384xi32, #tpu.memory_space<hbm>> -> memref<32768x384xi32, #tpu.memory_space<hbm>>
      tpu.enqueue_indirect_dma source(%dma_start3A_61 : memref<32768x384xi32, #tpu.memory_space<hbm>>) target(%arg6 : memref<128x384xi32, #tpu.memory_space<vmem>>) offsets(%dma_start3A_58 : memref<128xi32, #tpu.memory_space<vmem>>) semaphore(%arg8 : memref<!tpu.dma_semaphore, #tpu.memory_space<semaphore_mem>>)
      %mul3A_62 = arith.constant 2 : i32
      %mul3A_63 = arith.muli %scan3A_45, %mul3A_62 : i32
      %mul3A_64 = arith.constant 128 : i32
      %mul3A_65 = arith.muli %mul3A_63, %mul3A_64 : i32
      %add3A_66 = arith.constant 128 : i32
      %add3A_67 = arith.addi %mul3A_65, %add3A_66 : i32
      %dma_start3A_68 = arith.constant 0 : i32
      %dma_start3A_69 = tpu.memref_slice %arg5[%dma_start3A_68, %add3A_67] : memref<1x512xi32, #tpu.memory_space<vmem>> -> memref<1x128xi32, #tpu.memory_space<vmem>>
      %dma_start3A_70 = tpu.memref_squeeze %dma_start3A_69 : memref<1x128xi32, #tpu.memory_space<vmem>> -> memref<128xi32, #tpu.memory_space<vmem>>
      %dma_start3A_71 = arith.constant 0 : i32
      %dma_start3A_72 = arith.constant 0 : i32
      %dma_start3A_73 = tpu.memref_slice %arg2[%dma_start3A_71, %dma_start3A_72] : memref<32768x384xi32, #tpu.memory_space<hbm>> -> memref<32768x384xi32, #tpu.memory_space<hbm>>
      tpu.enqueue_indirect_dma source(%dma_start3A_73 : memref<32768x384xi32, #tpu.memory_space<hbm>>) target(%arg7 : memref<128x384xi32, #tpu.memory_space<vmem>>) offsets(%dma_start3A_70 : memref<128xi32, #tpu.memory_space<vmem>>) semaphore(%arg9 : memref<!tpu.dma_semaphore, #tpu.memory_space<semaphore_mem>>)
      %dma_wait3A_74 = arith.constant 0 : i32
      %dma_wait3A_75 = tpu.memref_slice %arg5[%dma_wait3A_74, %mul3A_56] : memref<1x512xi32, #tpu.memory_space<vmem>> -> memref<1x128xi32, #tpu.memory_space<vmem>>
      %dma_wait3A_76 = tpu.memref_squeeze %dma_wait3A_75 : memref<1x128xi32, #tpu.memory_space<vmem>> -> memref<128xi32, #tpu.memory_space<vmem>>
      %dma_wait3A_77 = arith.constant 0 : i32
      %dma_wait3A_78 = arith.constant 0 : i32
      %dma_wait3A_79 = tpu.memref_slice %arg2[%dma_wait3A_77, %dma_wait3A_78] : memref<32768x384xi32, #tpu.memory_space<hbm>> -> memref<32768x384xi32, #tpu.memory_space<hbm>>
      tpu.wait_indirect_dma semaphore(%arg8 : memref<!tpu.dma_semaphore, #tpu.memory_space<semaphore_mem>>) src(%dma_wait3A_79 : memref<32768x384xi32, #tpu.memory_space<hbm>>) dst(%arg6 : memref<128x384xi32, #tpu.memory_space<vmem>>)
      %dma_start3A_80 = arith.constant 0 : i32
      %dma_start3A_81 = tpu.memref_slice %arg4[%add3A_50, %dma_start3A_80] : memref<16384x384xi32, #tpu.memory_space<hbm>> -> memref<128x384xi32, #tpu.memory_space<hbm>>
      %dma_start3A_82 = arith.constant 0 : i32
      %dma_start3A_83 = tpu.memref_slice %arg4[%add3A_50, %dma_start3A_82] : memref<16384x384xi32, #tpu.memory_space<hbm>> -> memref<128x384xi32, #tpu.memory_space<hbm>>
      tpu.enqueue_dma source(%arg6 : memref<128x384xi32, #tpu.memory_space<vmem>>) target(%dma_start3A_83 : memref<128x384xi32, #tpu.memory_space<hbm>>) target_semaphore(%arg10 : memref<!tpu.dma_semaphore, #tpu.memory_space<semaphore_mem>>)
      %dma_wait3A_84 = arith.constant 0 : i32
      %dma_wait3A_85 = tpu.memref_slice %arg5[%dma_wait3A_84, %add3A_67] : memref<1x512xi32, #tpu.memory_space<vmem>> -> memref<1x128xi32, #tpu.memory_space<vmem>>
      %dma_wait3A_86 = tpu.memref_squeeze %dma_wait3A_85 : memref<1x128xi32, #tpu.memory_space<vmem>> -> memref<128xi32, #tpu.memory_space<vmem>>
      %dma_wait3A_87 = arith.constant 0 : i32
      %dma_wait3A_88 = arith.constant 0 : i32
      %dma_wait3A_89 = tpu.memref_slice %arg2[%dma_wait3A_87, %dma_wait3A_88] : memref<32768x384xi32, #tpu.memory_space<hbm>> -> memref<32768x384xi32, #tpu.memory_space<hbm>>
      tpu.wait_indirect_dma semaphore(%arg9 : memref<!tpu.dma_semaphore, #tpu.memory_space<semaphore_mem>>) src(%dma_wait3A_89 : memref<32768x384xi32, #tpu.memory_space<hbm>>) dst(%arg7 : memref<128x384xi32, #tpu.memory_space<vmem>>)
      %add3A_90 = arith.constant 128 : i32
      %add3A_91 = arith.addi %add3A_50, %add3A_90 : i32
      %dma_start3A_92 = arith.constant 0 : i32
      %dma_start3A_93 = tpu.memref_slice %arg4[%add3A_91, %dma_start3A_92] : memref<16384x384xi32, #tpu.memory_space<hbm>> -> memref<128x384xi32, #tpu.memory_space<hbm>>
      %dma_start3A_94 = arith.constant 0 : i32
      %dma_start3A_95 = tpu.memref_slice %arg4[%add3A_91, %dma_start3A_94] : memref<16384x384xi32, #tpu.memory_space<hbm>> -> memref<128x384xi32, #tpu.memory_space<hbm>>
      tpu.enqueue_dma source(%arg7 : memref<128x384xi32, #tpu.memory_space<vmem>>) target(%dma_start3A_95 : memref<128x384xi32, #tpu.memory_space<hbm>>) target_semaphore(%arg11 : memref<!tpu.dma_semaphore, #tpu.memory_space<semaphore_mem>>)
    }
    %scan3A_37 = arith.constant 2 : i32
    %dma_wait3A = arith.constant 0 : i32
    %dma_wait3A_38 = tpu.memref_slice %arg4[%mul3A_2, %dma_wait3A] : memref<16384x384xi32, #tpu.memory_space<hbm>> -> memref<128x384xi32, #tpu.memory_space<hbm>>
    %dma_wait3A_39 = arith.constant 0 : i32
    %dma_wait3A_40 = tpu.memref_slice %arg4[%mul3A_2, %dma_wait3A_39] : memref<16384x384xi32, #tpu.memory_space<hbm>> -> memref<128x384xi32, #tpu.memory_space<hbm>>
    tpu.wait_dma2 semaphore(%arg10 : memref<!tpu.dma_semaphore, #tpu.memory_space<semaphore_mem>>) src(%arg6 : memref<128x384xi32, #tpu.memory_space<vmem>>) dst(%dma_wait3A_40 : memref<128x384xi32, #tpu.memory_space<hbm>>)
    %dma_wait3A_41 = arith.constant 0 : i32
    %dma_wait3A_42 = tpu.memref_slice %arg4[%mul3A_2, %dma_wait3A_41] : memref<16384x384xi32, #tpu.memory_space<hbm>> -> memref<128x384xi32, #tpu.memory_space<hbm>>
    %dma_wait3A_43 = arith.constant 0 : i32
    %dma_wait3A_44 = tpu.memref_slice %arg4[%mul3A_2, %dma_wait3A_43] : memref<16384x384xi32, #tpu.memory_space<hbm>> -> memref<128x384xi32, #tpu.memory_space<hbm>>
    tpu.wait_dma2 semaphore(%arg11 : memref<!tpu.dma_semaphore, #tpu.memory_space<semaphore_mem>>) src(%arg7 : memref<128x384xi32, #tpu.memory_space<vmem>>) dst(%dma_wait3A_44 : memref<128x384xi32, #tpu.memory_space<hbm>>)
    return
  }
}

#map = affine_map<(d0, d1) -> (0, 0)>
module attributes {stable_mosaic.version = 14 : i64} {
  func.func @gather_k(%arg0: i32, %arg1: i32, %arg2: memref<32768x384xi32, #tpu.memory_space<hbm>>, %arg3: memref<8x2048xi32, #tpu.memory_space<hbm>>, %arg4: memref<16384x384xi32, #tpu.memory_space<hbm>>, %arg5: memref<1x512xi32, #tpu.memory_space<vmem>>, %arg6: memref<128x384xi32, #tpu.memory_space<vmem>>, %arg7: memref<128x384xi32, #tpu.memory_space<vmem>>, %arg8: memref<!tpu.dma_semaphore, #tpu.memory_space<semaphore_mem>>, %arg9: memref<!tpu.dma_semaphore, #tpu.memory_space<semaphore_mem>>, %arg10: memref<!tpu.dma_semaphore, #tpu.memory_space<semaphore_mem>>, %arg11: memref<!tpu.dma_semaphore, #tpu.memory_space<semaphore_mem>>) attributes {dimension_semantics = [#tpu.dimension_semantics<core_parallel>, #tpu.dimension_semantics<subcore_parallel>], iteration_bounds = array<i64: 2, 16>, scalar_prefetch = 0 : i64, scratch_operands = 7 : i64, tpu.core_type = #tpu.core_type<sc_vector_subcore>, window_params = [{transform_indices = #map}, {transform_indices = #map}, {transform_indices = #map}]} {
    %mul3A = arith.constant 2 : i32
    %mul3A_0 = arith.muli %arg1, %mul3A : i32
    %add3A = arith.addi %mul3A_0, %arg0 : i32
    %mul3A_1 = arith.constant 512 : i32
    %mul3A_2 = arith.muli %add3A, %mul3A_1 : i32
    %jit3A = arith.constant 2048 : i32
    %div3A = arith.divsi %mul3A_2, %jit3A : i32
    %sign3A = arith.constant 0 : i32
    %sign3A_3 = arith.cmpi sgt, %mul3A_2, %sign3A : i32
    %sign3A_4 = arith.extui %sign3A_3 : i1 to i32
    %sign3A_5 = arith.constant 0 : i32
    %sign3A_6 = arith.cmpi slt, %mul3A_2, %sign3A_5 : i32
    %sign3A_7 = arith.extui %sign3A_6 : i1 to i32
    %sign3A_8 = arith.subi %sign3A_4, %sign3A_7 : i32
    %sign3A_9 = arith.constant 0 : i32
    %sign3A_10 = arith.cmpi sgt, %jit3A, %sign3A_9 : i32
    %sign3A_11 = arith.extui %sign3A_10 : i1 to i32
    %sign3A_12 = arith.constant 0 : i32
    %sign3A_13 = arith.cmpi slt, %jit3A, %sign3A_12 : i32
    %sign3A_14 = arith.extui %sign3A_13 : i1 to i32
    %sign3A_15 = arith.subi %sign3A_11, %sign3A_14 : i32
    %ne3A = arith.cmpi ne, %sign3A_8, %sign3A_15 : i32
    %rem3A = arith.remsi %mul3A_2, %jit3A : i32
    %ne3A_16 = arith.constant 0 : i32
    %ne3A_17 = arith.cmpi ne, %rem3A, %ne3A_16 : i32
    %and3A = arith.andi %ne3A, %ne3A_17 : i1
    %sub3A = arith.constant 1 : i32
    %sub3A_18 = arith.subi %div3A, %sub3A : i32
    %select_n3A = arith.select %and3A, %sub3A_18, %div3A : i32
    %jit3A_19 = arith.constant 2048 : i32
    %eq3A = arith.constant 0 : i32
    %eq3A_20 = arith.cmpi eq, %jit3A_19, %eq3A : i32
    %jit3A_21 = arith.constant 1 : i32
    %select_n3A_22 = arith.select %eq3A_20, %jit3A_21, %jit3A_19 : i32
    %rem3A_23 = arith.remsi %mul3A_2, %select_n3A_22 : i32
    %ne3A_24 = arith.constant 0 : i32
    %ne3A_25 = arith.cmpi ne, %rem3A_23, %ne3A_24 : i32
    %lt3A = arith.constant 0 : i32
    %lt3A_26 = arith.cmpi slt, %rem3A_23, %lt3A : i32
    %lt3A_27 = arith.constant 0 : i32
    %lt3A_28 = arith.cmpi slt, %select_n3A_22, %lt3A_27 : i32
    %ne3A_29 = arith.xori %lt3A_26, %lt3A_28 : i1
    %and3A_30 = arith.andi %ne3A_29, %ne3A_25 : i1
    %add3A_31 = arith.addi %rem3A_23, %select_n3A_22 : i32
    %select_n3A_32 = arith.select %and3A_30, %add3A_31, %rem3A_23 : i32
    "tpu.region"() ({
      %run_scoped3A = tpu.sem_alloc : memref<!tpu.dma_semaphore, #tpu.memory_space<semaphore_mem>>
      %dma_start3A = tpu.memref_slice %arg3[%select_n3A, %select_n3A_32] : memref<8x2048xi32, #tpu.memory_space<hbm>> -> memref<1x512xi32, #tpu.memory_space<hbm>>
      %dma_start3A_45 = tpu.memref_slice %arg3[%select_n3A, %select_n3A_32] : memref<8x2048xi32, #tpu.memory_space<hbm>> -> memref<1x512xi32, #tpu.memory_space<hbm>>
      tpu.enqueue_dma source(%dma_start3A_45 : memref<1x512xi32, #tpu.memory_space<hbm>>) target(%arg5 : memref<1x512xi32, #tpu.memory_space<vmem>>) target_semaphore(%run_scoped3A : memref<!tpu.dma_semaphore, #tpu.memory_space<semaphore_mem>>)
      %dma_wait3A_46 = tpu.memref_slice %arg3[%select_n3A, %select_n3A_32] : memref<8x2048xi32, #tpu.memory_space<hbm>> -> memref<1x512xi32, #tpu.memory_space<hbm>>
      %dma_wait3A_47 = tpu.memref_slice %arg3[%select_n3A, %select_n3A_32] : memref<8x2048xi32, #tpu.memory_space<hbm>> -> memref<1x512xi32, #tpu.memory_space<hbm>>
      tpu.wait_dma2 semaphore(%run_scoped3A : memref<!tpu.dma_semaphore, #tpu.memory_space<semaphore_mem>>) src(%dma_wait3A_47 : memref<1x512xi32, #tpu.memory_space<hbm>>) dst(%arg5 : memref<1x512xi32, #tpu.memory_space<vmem>>)
      tpu.yield
    }) : () -> ()
    %scan3A = arith.constant 0 : i32
    %scan3A_33 = arith.constant 0 : i32
    %scan3A_34 = arith.constant 2 : i32
    %scan3A_35 = arith.addi %scan3A_33, %scan3A_34 : i32
    %scan3A_36 = arith.constant 1 : i32
    scf.for %scan3A_45 = %scan3A_33 to %scan3A_35 step %scan3A_36  : i32 {
      %mul3A_46 = arith.constant 2 : i32
      %mul3A_47 = arith.muli %scan3A_45, %mul3A_46 : i32
      %mul3A_48 = arith.constant 128 : i32
      %mul3A_49 = arith.muli %mul3A_47, %mul3A_48 : i32
      %add3A_50 = arith.addi %mul3A_2, %mul3A_49 : i32
      %gt3A = arith.constant 0 : i32
      %gt3A_51 = arith.cmpi sgt, %scan3A_45, %gt3A : i32
      %convert_element_type3A = arith.extui %gt3A_51 : i1 to i32
      %cond3A = arith.constant 0 : i32
      %cond3A_52 = arith.cmpi ne, %convert_element_type3A, %cond3A : i32
      scf.if %cond3A_52 {
        %dma_wait3A_96 = arith.constant 0 : i32
        %dma_wait3A_97 = tpu.memref_slice %arg4[%mul3A_2, %dma_wait3A_96] : memref<16384x384xi32, #tpu.memory_space<hbm>> -> memref<128x384xi32, #tpu.memory_space<hbm>>
        %dma_wait3A_98 = arith.constant 0 : i32
        %dma_wait3A_99 = tpu.memref_slice %arg4[%mul3A_2, %dma_wait3A_98] : memref<16384x384xi32, #tpu.memory_space<hbm>> -> memref<128x384xi32, #tpu.memory_space<hbm>>
        tpu.wait_dma2 semaphore(%arg10 : memref<!tpu.dma_semaphore, #tpu.memory_space<semaphore_mem>>) src(%arg6 : memref<128x384xi32, #tpu.memory_space<vmem>>) dst(%dma_wait3A_99 : memref<128x384xi32, #tpu.memory_space<hbm>>)
        %dma_wait3A_100 = arith.constant 0 : i32
        %dma_wait3A_101 = tpu.memref_slice %arg4[%mul3A_2, %dma_wait3A_100] : memref<16384x384xi32, #tpu.memory_space<hbm>> -> memref<128x384xi32, #tpu.memory_space<hbm>>
        %dma_wait3A_102 = arith.constant 0 : i32
        %dma_wait3A_103 = tpu.memref_slice %arg4[%mul3A_2, %dma_wait3A_102] : memref<16384x384xi32, #tpu.memory_space<hbm>> -> memref<128x384xi32, #tpu.memory_space<hbm>>
        tpu.wait_dma2 semaphore(%arg11 : memref<!tpu.dma_semaphore, #tpu.memory_space<semaphore_mem>>) src(%arg7 : memref<128x384xi32, #tpu.memory_space<vmem>>) dst(%dma_wait3A_103 : memref<128x384xi32, #tpu.memory_space<hbm>>)
      } else {
      }
      %mul3A_53 = arith.constant 2 : i32
      %mul3A_54 = arith.muli %scan3A_45, %mul3A_53 : i32
      %mul3A_55 = arith.constant 128 : i32
      %mul3A_56 = arith.muli %mul3A_54, %mul3A_55 : i32
      %dma_start3A = arith.constant 0 : i32
      %dma_start3A_57 = tpu.memref_slice %arg5[%dma_start3A, %mul3A_56] : memref<1x512xi32, #tpu.memory_space<vmem>> -> memref<1x128xi32, #tpu.memory_space<vmem>>
      %dma_start3A_58 = tpu.memref_squeeze %dma_start3A_57 : memref<1x128xi32, #tpu.memory_space<vmem>> -> memref<128xi32, #tpu.memory_space<vmem>>
      %dma_start3A_59 = arith.constant 0 : i32
      %dma_start3A_60 = arith.constant 0 : i32
      %dma_start3A_61 = tpu.memref_slice %arg2[%dma_start3A_59, %dma_start3A_60] : memref<32768x384xi32, #tpu.memory_space<hbm>> -> memref<32768x384xi32, #tpu.memory_space<hbm>>
      tpu.enqueue_indirect_dma source(%dma_start3A_61 : memref<32768x384xi32, #tpu.memory_space<hbm>>) target(%arg6 : memref<128x384xi32, #tpu.memory_space<vmem>>) offsets(%dma_start3A_58 : memref<128xi32, #tpu.memory_space<vmem>>) semaphore(%arg8 : memref<!tpu.dma_semaphore, #tpu.memory_space<semaphore_mem>>)
      %mul3A_62 = arith.constant 2 : i32
      %mul3A_63 = arith.muli %scan3A_45, %mul3A_62 : i32
      %mul3A_64 = arith.constant 128 : i32
      %mul3A_65 = arith.muli %mul3A_63, %mul3A_64 : i32
      %add3A_66 = arith.constant 128 : i32
      %add3A_67 = arith.addi %mul3A_65, %add3A_66 : i32
      %dma_start3A_68 = arith.constant 0 : i32
      %dma_start3A_69 = tpu.memref_slice %arg5[%dma_start3A_68, %add3A_67] : memref<1x512xi32, #tpu.memory_space<vmem>> -> memref<1x128xi32, #tpu.memory_space<vmem>>
      %dma_start3A_70 = tpu.memref_squeeze %dma_start3A_69 : memref<1x128xi32, #tpu.memory_space<vmem>> -> memref<128xi32, #tpu.memory_space<vmem>>
      %dma_start3A_71 = arith.constant 0 : i32
      %dma_start3A_72 = arith.constant 0 : i32
      %dma_start3A_73 = tpu.memref_slice %arg2[%dma_start3A_71, %dma_start3A_72] : memref<32768x384xi32, #tpu.memory_space<hbm>> -> memref<32768x384xi32, #tpu.memory_space<hbm>>
      tpu.enqueue_indirect_dma source(%dma_start3A_73 : memref<32768x384xi32, #tpu.memory_space<hbm>>) target(%arg7 : memref<128x384xi32, #tpu.memory_space<vmem>>) offsets(%dma_start3A_70 : memref<128xi32, #tpu.memory_space<vmem>>) semaphore(%arg9 : memref<!tpu.dma_semaphore, #tpu.memory_space<semaphore_mem>>)
      %dma_wait3A_74 = arith.constant 0 : i32
      %dma_wait3A_75 = tpu.memref_slice %arg5[%dma_wait3A_74, %mul3A_56] : memref<1x512xi32, #tpu.memory_space<vmem>> -> memref<1x128xi32, #tpu.memory_space<vmem>>
      %dma_wait3A_76 = tpu.memref_squeeze %dma_wait3A_75 : memref<1x128xi32, #tpu.memory_space<vmem>> -> memref<128xi32, #tpu.memory_space<vmem>>
      %dma_wait3A_77 = arith.constant 0 : i32
      %dma_wait3A_78 = arith.constant 0 : i32
      %dma_wait3A_79 = tpu.memref_slice %arg2[%dma_wait3A_77, %dma_wait3A_78] : memref<32768x384xi32, #tpu.memory_space<hbm>> -> memref<32768x384xi32, #tpu.memory_space<hbm>>
      tpu.wait_indirect_dma semaphore(%arg8 : memref<!tpu.dma_semaphore, #tpu.memory_space<semaphore_mem>>) src(%dma_wait3A_79 : memref<32768x384xi32, #tpu.memory_space<hbm>>) dst(%arg6 : memref<128x384xi32, #tpu.memory_space<vmem>>)
      %dma_start3A_80 = arith.constant 0 : i32
      %dma_start3A_81 = tpu.memref_slice %arg4[%add3A_50, %dma_start3A_80] : memref<16384x384xi32, #tpu.memory_space<hbm>> -> memref<128x384xi32, #tpu.memory_space<hbm>>
      %dma_start3A_82 = arith.constant 0 : i32
      %dma_start3A_83 = tpu.memref_slice %arg4[%add3A_50, %dma_start3A_82] : memref<16384x384xi32, #tpu.memory_space<hbm>> -> memref<128x384xi32, #tpu.memory_space<hbm>>
      tpu.enqueue_dma source(%arg6 : memref<128x384xi32, #tpu.memory_space<vmem>>) target(%dma_start3A_83 : memref<128x384xi32, #tpu.memory_space<hbm>>) target_semaphore(%arg10 : memref<!tpu.dma_semaphore, #tpu.memory_space<semaphore_mem>>)
      %dma_wait3A_84 = arith.constant 0 : i32
      %dma_wait3A_85 = tpu.memref_slice %arg5[%dma_wait3A_84, %add3A_67] : memref<1x512xi32, #tpu.memory_space<vmem>> -> memref<1x128xi32, #tpu.memory_space<vmem>>
      %dma_wait3A_86 = tpu.memref_squeeze %dma_wait3A_85 : memref<1x128xi32, #tpu.memory_space<vmem>> -> memref<128xi32, #tpu.memory_space<vmem>>
      %dma_wait3A_87 = arith.constant 0 : i32
      %dma_wait3A_88 = arith.constant 0 : i32
      %dma_wait3A_89 = tpu.memref_slice %arg2[%dma_wait3A_87, %dma_wait3A_88] : memref<32768x384xi32, #tpu.memory_space<hbm>> -> memref<32768x384xi32, #tpu.memory_space<hbm>>
      tpu.wait_indirect_dma semaphore(%arg9 : memref<!tpu.dma_semaphore, #tpu.memory_space<semaphore_mem>>) src(%dma_wait3A_89 : memref<32768x384xi32, #tpu.memory_space<hbm>>) dst(%arg7 : memref<128x384xi32, #tpu.memory_space<vmem>>)
      %add3A_90 = arith.constant 128 : i32
      %add3A_91 = arith.addi %add3A_50, %add3A_90 : i32
      %dma_start3A_92 = arith.constant 0 : i32
      %dma_start3A_93 = tpu.memref_slice %arg4[%add3A_91, %dma_start3A_92] : memref<16384x384xi32, #tpu.memory_space<hbm>> -> memref<128x384xi32, #tpu.memory_space<hbm>>
      %dma_start3A_94 = arith.constant 0 : i32
      %dma_start3A_95 = tpu.memref_slice %arg4[%add3A_91, %dma_start3A_94] : memref<16384x384xi32, #tpu.memory_space<hbm>> -> memref<128x384xi32, #tpu.memory_space<hbm>>
      tpu.enqueue_dma source(%arg7 : memref<128x384xi32, #tpu.memory_space<vmem>>) target(%dma_start3A_95 : memref<128x384xi32, #tpu.memory_space<hbm>>) target_semaphore(%arg11 : memref<!tpu.dma_semaphore, #tpu.memory_space<semaphore_mem>>)
    }
    %scan3A_37 = arith.constant 2 : i32
    %dma_wait3A = arith.constant 0 : i32
    %dma_wait3A_38 = tpu.memref_slice %arg4[%mul3A_2, %dma_wait3A] : memref<16384x384xi32, #tpu.memory_space<hbm>> -> memref<128x384xi32, #tpu.memory_space<hbm>>
    %dma_wait3A_39 = arith.constant 0 : i32
    %dma_wait3A_40 = tpu.memref_slice %arg4[%mul3A_2, %dma_wait3A_39] : memref<16384x384xi32, #tpu.memory_space<hbm>> -> memref<128x384xi32, #tpu.memory_space<hbm>>
    tpu.wait_dma2 semaphore(%arg10 : memref<!tpu.dma_semaphore, #tpu.memory_space<semaphore_mem>>) src(%arg6 : memref<128x384xi32, #tpu.memory_space<vmem>>) dst(%dma_wait3A_40 : memref<128x384xi32, #tpu.memory_space<hbm>>)
    %dma_wait3A_41 = arith.constant 0 : i32
    %dma_wait3A_42 = tpu.memref_slice %arg4[%mul3A_2, %dma_wait3A_41] : memref<16384x384xi32, #tpu.memory_space<hbm>> -> memref<128x384xi32, #tpu.memory_space<hbm>>
    %dma_wait3A_43 = arith.constant 0 : i32
    %dma_wait3A_44 = tpu.memref_slice %arg4[%mul3A_2, %dma_wait3A_43] : memref<16384x384xi32, #tpu.memory_space<hbm>> -> memref<128x384xi32, #tpu.memory_space<hbm>>
    tpu.wait_dma2 semaphore(%arg11 : memref<!tpu.dma_semaphore, #tpu.memory_space<semaphore_mem>>) src(%arg7 : memref<128x384xi32, #tpu.memory_space<vmem>>) dst(%dma_wait3A_44 : memref<128x384xi32, #tpu.memory_space<hbm>>)
    return
  }
}

module attributes {stable_mosaic.version = 14 : i64} {
  func.func @_attn_body(%arg0: i32, %arg1: memref<1x64x768xf32, #tpu.memory_space<vmem>>, %arg2: memref<2048x384xi32, #tpu.memory_space<vmem>>, %arg3: memref<64x1xf32, #tpu.memory_space<vmem>>, %arg4: memref<1x64x512xf32, #tpu.memory_space<vmem>>) attributes {dimension_semantics = [#tpu.dimension_semantics<arbitrary>], iteration_bounds = array<i64: 8>, scalar_prefetch = 0 : i64, scratch_operands = 0 : i64, tpu.core_type = #tpu.core_type<tc>, window_params = [{transform_indices = @transform_0, window_bounds = array<i64: 1, 64, 768>}, {transform_indices = @transform_1, window_bounds = array<i64: 2048, 384>}, {pipeline_mode = #tpu.pipeline_mode<synchronous>, transform_indices = @transform_2, window_bounds = array<i64: 64, 1>}, {transform_indices = @transform_3, window_bounds = array<i64: 1, 64, 512>}]} {
    %get3A = arith.constant 0 : index
    %get3A_0 = arith.constant 0 : index
    %get3A_1 = arith.constant 0 : index
    %get3A_2 = vector.load %arg1[%get3A, %get3A_0, %get3A_1] : memref<1x64x768xf32, #tpu.memory_space<vmem>>, vector<1x64x768xf32>
    %get3A_3 = vector.shape_cast %get3A_2 : vector<1x64x768xf32> to vector<64x768xf32>
    %convert_element_type3A = arith.truncf %get3A_3 : vector<64x768xf32> to vector<64x768xbf16>
    %get3A_4 = arith.constant 0 : index
    %get3A_5 = arith.constant 0 : index
    %get3A_6 = vector.load %arg2[%get3A_4, %get3A_5] : memref<2048x384xi32, #tpu.memory_space<vmem>>, vector<2048x384xi32>
    %shift_left3A = arith.constant 16 : i32
    %shift_left3A_7 = vector.broadcast %shift_left3A : i32 to vector<2048x384xi32>
    %shift_left3A_8 = arith.shli %get3A_6, %shift_left3A_7 : vector<2048x384xi32>
    %bitcast_convert_type3A = tpu.bitcast %shift_left3A_8 : vector<2048x384xi32> -> vector<2048x384xf32>
    %convert_element_type3A_9 = arith.truncf %bitcast_convert_type3A : vector<2048x384xf32> to vector<2048x384xbf16>
    %bitcast_convert_type3A_10 = tpu.bitcast %get3A_6 : vector<2048x384xi32> -> vector<2048x384xf32>
    %convert_element_type3A_11 = arith.truncf %bitcast_convert_type3A_10 : vector<2048x384xf32> to vector<2048x384xbf16>
    %get3A_12 = arith.constant 0 : index
    %get3A_13 = arith.constant 0 : index
    %get3A_14 = vector.load %arg3[%get3A_12, %get3A_13] : memref<64x1xf32, #tpu.memory_space<vmem>>, vector<64x1xf32>
    %slice3A = vector.extract_strided_slice %convert_element_type3A {offsets = [0, 0], sizes = [64, 384], strides = [1, 1]} : vector<64x768xbf16> to vector<64x384xbf16>
    %dot_general3A = arith.constant dense<0.000000e+00> : vector<64x2048xf32>
    %dot_general3A_15 = tpu.matmul %slice3A, %convert_element_type3A_9, %dot_general3A {dimension_numbers = #tpu.dot_dimension_numbers<[1], [1], [0], [0], [0, 0, 1, 0], [], []>, transpose_lhs_hint = false} : vector<64x384xbf16>, vector<2048x384xbf16>, vector<64x2048xf32> -> vector<64x2048xf32>
    %slice3A_16 = vector.extract_strided_slice %convert_element_type3A {offsets = [0, 384], sizes = [64, 384], strides = [1, 1]} : vector<64x768xbf16> to vector<64x384xbf16>
    %dot_general3A_17 = arith.constant dense<0.000000e+00> : vector<64x2048xf32>
    %dot_general3A_18 = tpu.matmul %slice3A_16, %convert_element_type3A_11, %dot_general3A_17 {dimension_numbers = #tpu.dot_dimension_numbers<[1], [1], [0], [0], [0, 0, 1, 0], [], []>, transpose_lhs_hint = false} : vector<64x384xbf16>, vector<2048x384xbf16>, vector<64x2048xf32> -> vector<64x2048xf32>
    %add3A = arith.addf %dot_general3A_15, %dot_general3A_18 : vector<64x2048xf32>
    %mul3A = arith.constant 0.0416666679 : f32
    %mul3A_19 = vector.broadcast %mul3A : f32 to vector<64x2048xf32>
    %mul3A_20 = arith.mulf %add3A, %mul3A_19 : vector<64x2048xf32>
    %reduce_max3A = arith.constant dense<0xFF800000> : vector<64xf32>
    %reduce_max3A_21 = vector.multi_reduction <maximumf>, %mul3A_20, %reduce_max3A [1] : vector<64x2048xf32> to vector<64xf32>
    %broadcast_in_dim3A = vector.shape_cast %reduce_max3A_21 : vector<64xf32> to vector<64x1xf32>
    %max3A = arith.maximumf %broadcast_in_dim3A, %get3A_14 : vector<64x1xf32>
    %sub3A = vector.broadcast %max3A : vector<64x1xf32> to vector<64x2048xf32>
    %sub3A_22 = arith.subf %mul3A_20, %sub3A : vector<64x2048xf32>
    %exp3A = math.exp %sub3A_22 : vector<64x2048xf32>
    %reduce_sum3A = arith.constant dense<0.000000e+00> : vector<64xf32>
    %reduce_sum3A_23 = vector.multi_reduction <add>, %exp3A, %reduce_sum3A [1] : vector<64x2048xf32> to vector<64xf32>
    %broadcast_in_dim3A_24 = vector.shape_cast %reduce_sum3A_23 : vector<64xf32> to vector<64x1xf32>
    %sub3A_25 = arith.subf %get3A_14, %max3A : vector<64x1xf32>
    %exp3A_26 = math.exp %sub3A_25 : vector<64x1xf32>
    %add3A_27 = arith.addf %broadcast_in_dim3A_24, %exp3A_26 : vector<64x1xf32>
    %div3A = vector.broadcast %add3A_27 : vector<64x1xf32> to vector<64x2048xf32>
    %div3A_28 = arith.divf %exp3A, %div3A : vector<64x2048xf32>
    %convert_element_type3A_29 = arith.truncf %div3A_28 : vector<64x2048xf32> to vector<64x2048xbf16>
    %dot_general3A_30 = arith.constant dense<0.000000e+00> : vector<64x384xf32>
    %dot_general3A_31 = tpu.matmul %convert_element_type3A_29, %convert_element_type3A_9, %dot_general3A_30 {dimension_numbers = #tpu.dot_dimension_numbers<[1], [0], [0], [1], [0, 0, 1, 1], [], []>, transpose_lhs_hint = false} : vector<64x2048xbf16>, vector<2048x384xbf16>, vector<64x384xf32> -> vector<64x384xf32>
    %slice3A_32 = vector.extract_strided_slice %convert_element_type3A_11 {offsets = [0, 0], sizes = [2048, 128], strides = [1, 1]} : vector<2048x384xbf16> to vector<2048x128xbf16>
    %dot_general3A_33 = arith.constant dense<0.000000e+00> : vector<64x128xf32>
    %dot_general3A_34 = tpu.matmul %convert_element_type3A_29, %slice3A_32, %dot_general3A_33 {dimension_numbers = #tpu.dot_dimension_numbers<[1], [0], [0], [1], [0, 0, 1, 1], [], []>, transpose_lhs_hint = false} : vector<64x2048xbf16>, vector<2048x128xbf16>, vector<64x128xf32> -> vector<64x128xf32>
    %concatenate3A = tpu.concatenate %dot_general3A_31, %dot_general3A_34 in 1 : vector<64x384xf32>, vector<64x128xf32> -> vector<64x512xf32>
    %swap3A = arith.constant 0 : index
    %swap3A_35 = arith.constant 0 : index
    %swap3A_36 = arith.constant 0 : index
    %swap3A_37 = vector.load %arg4[%swap3A, %swap3A_35, %swap3A_36] : memref<1x64x512xf32, #tpu.memory_space<vmem>>, vector<1x64x512xf32>
    %swap3A_38 = vector.shape_cast %swap3A_37 : vector<1x64x512xf32> to vector<64x512xf32>
    %swap3A_39 = vector.shape_cast %concatenate3A : vector<64x512xf32> to vector<1x64x512xf32>
    tpu.vector_store %arg4[%swap3A, %swap3A_35, %swap3A_36], %swap3A_39 {strides = array<i32>} : memref<1x64x512xf32, #tpu.memory_space<vmem>>, vector<1x64x512xf32>,
    return
  }
  func.func @transform_0(%arg0: i32) -> (i32, i32, i32) {
    %c0_i32 = arith.constant 0 : i32
    %c0_i32_0 = arith.constant 0 : i32
    %c0_i32_1 = arith.constant 0 : i32
    return %arg0, %c0_i32, %c0_i32_0 : i32, i32, i32
  }
  func.func @transform_1(%arg0: i32) -> (i32, i32) {
    %c0_i32 = arith.constant 0 : i32
    %c0_i32_0 = arith.constant 0 : i32
    return %arg0, %c0_i32 : i32, i32
  }
  func.func @transform_2(%arg0: i32) -> (i32, i32) {
    %c0_i32 = arith.constant 0 : i32
    %c0_i32_0 = arith.constant 0 : i32
    %c0_i32_1 = arith.constant 0 : i32
    return %c0_i32, %c0_i32_0 : i32, i32
  }
  func.func @transform_3(%arg0: i32) -> (i32, i32, i32) {
    %c0_i32 = arith.constant 0 : i32
    %c0_i32_0 = arith.constant 0 : i32
    %c0_i32_1 = arith.constant 0 : i32
    return %arg0, %c0_i32, %c0_i32_0 : i32, i32, i32
  }
}

</mosaic_0001>

<sc_bundles>
// kernel: kernel.18.cloned.1.call-start
scs
__scs_entry_jumppad:
0x0: {  	(pc) =	sbr.rel $0x88, $3  }
0x1: {  	(tag) =	ssettag $0x0;
	lr =	simm.s32 $0x1  }
0x2: {  	[smem:$0x3F9D] =	sst lr;
	_ =	strace $0xD0000000  }
0x3: {  	_ = 	snop  }
0x4: {  	_ = 	snop  }
0x5: {  	_ = 	snop  }
0x6: {  	_ = 	snop  }
0x7: {  	_ = 	snop  }
__scs_overlays_trampoline_lowered:
0x8: {  	[smem:$0x3FAC] =	sst s0  }
0x9: {  	[smem:$0x3FAD] =	sst s1  }
0xa: {  	[smem:$0x3FAE] =	sst s2  }
0xb: {  	[smem:$0x3FAF] =	sst s3  }
0xc: {  	[smem:$0x3FB0] =	sst s4  }
0xd: {  	[smem:$0x3FB1] =	sst s5  }
0xe: {  	[smem:$0x3FB2] =	sst s6  }
0xf: {  	[smem:$0x3FB3] =	sst s7  }
0x10: {  	[smem:$0x3FB4] =	sst s8  }
0x11: {  	[smem:$0x3FB5] =	sst s9;
	s0 =	simm.s32 @!p0 $0x0  }
0x12: {  	s1 =	sld [smem:$0x3F9B];
	s0 =	simm.s32 @p0 $0x1  }
0x13: {  	[smem:$0x3FB6] =	sst s0;
	s0 =	simm.s32 @!p1 $0x0  }
0x14: {  	s2 =	sld [smem:$0x3F9A];
	s0 =	simm.s32 @p1 $0x1  }
0x15: {  	[smem:$0x3FB7] =	sst s0;
	s0 =	simm.s32 @!p2 $0x0  }
0x16: {  	s3 =	sld [smem:$0x3FDB];
	s0 =	simm.s32 @p2 $0x1  }
0x17: {  	s4 =	simm.s32 $0x1BF5;
	[smem:$0x3FB9] =	sst s0  }
0x18: {  	s0 =	sld [smem:$0x3F9C];
	_ =	swait.ge [sflag:s4], $0x0  }
0x19: {  	s7 =	sld [smem:$0x3F9D]  }
0x1a: {  	s8 =	sadd.s32 $0xFFFFE003, lr  }
0x1b: {  	s9 =	sadd.s32 $0xFFFFFEF7, lr;
	s5 =	simm.s32 $0xFFFFFFFF;
	p2 =	slt.u32 s8, $0xFFFFF086  }
0x1c: {  	p1 =	slt.u32 s9, $0xF7A;
	s5 =	simm.s32 @!p2 $0x0  }
0x1d: {  	s5 =	simm.s32 @p1 $0x1;
	p0 =	seq.s32 s7, s2  }
0x1e: {  	s7 =	smul.u32 @!p0 $0xF7A, s2;
	p2 =	seq.s32 @!p0 s5, $0x0  }
0x1f: {  	s9 =	smul.u32 $0xF7A, s1;
	s8 =	simm.s32 @!p0 $0x1BF5;
	p2 =	por !p2, p0  }
0x20: {  	[sflag:s8] =	ssyncset.s32 @!p0 $0xFFFFF086;
	s6 =	sadd.s32 @!p0 s3, s7;
	s7 =	simm.s32 @!p0 $0x108  }
0x21: {  	s3 =	sadd.s32 s3, s9;
	s6 =	sadd.s32 @!p0 $0x88, s6;
	s7 =	simm.s32 @p2 $0x1082  }
0x22: {  	[simem:s7], [sflag:s8] =	dma.local @!p0 [hbm:s6], $0xF7A  }
0x23: {  	s9 =	sor.u32 $0xD0000000, s2;
	s6 =	simm.s32 $0x108;
	_ =	swait.ge @!p0 [sflag:s8], $0x0  }
0x24: {  	s3 =	sadd.s32 $0x88, s3;
	s6 =	simm.s32 @!p1 $0x1082;
	[sflag:s4] =	ssyncset.s32 $0xFFFFF086  }
0x25: {  	[simem:s6], [sflag:s4] =	dma.local [hbm:s3], $0xF7A  }
0x26: {  	[smem:$0x3F9D] =	sst s1;
	(tag) =	ssettag s2;
	_ =	strace s9  }
0x27: {  	s1 =	sld [smem:$0x3FAD]  }
0x28: {  	s2 =	sld [smem:$0x3FAE]  }
0x29: {  	s4 =	sld [smem:$0x3FB0]  }
0x2a: {  	p0 =	seq.s32 s5, $0x0;
	s5 =	sld [smem:$0x3FB1]  }
0x2b: {  	s6 =	sld [smem:$0x3FB2]  }
0x2c: {  	s7 =	sld [smem:$0x3FB3]  }
0x2d: {  	s3 =	simm.s32 $0x108;
	s8 =	sld [smem:$0x3FB4]  }
0x2e: {  	s3 =	simm.s32 @!p0 $0x1082;
	s9 =	sld [smem:$0x3FB5]  }
0x2f: {  	lr =	sadd.s32 s0, s3;
	s0 =	sld [smem:$0x3FAC]  }
0x30: {  	s3 =	sld [smem:$0x3FAF]  }
0x31: {  	[smem:$0x3FB8] =	sst s10  }
0x32: {  	s10 =	sld [smem:$0x3FB6];
	_ =	sdelay $0x3  }
0x33: {  	p0 =	seq.s32 s10, $0x1;
	s10 =	sld [smem:$0x3FB8];
	_ =	sdelay $0x3  }
0x34: {  	[smem:$0x3FB8] =	sst s10  }
0x35: {  	s10 =	sld [smem:$0x3FB7];
	_ =	sdelay $0x3  }
0x36: {  	p1 =	seq.s32 s10, $0x1;
	s10 =	sld [smem:$0x3FB8];
	_ =	sdelay $0x3  }
0x37: {  	[smem:$0x3FB8] =	sst s10  }
0x38: {  	s10 =	sld [smem:$0x3FB9]  }
0x39: {  	_ = 	snop;
	(pc) =	sbr.ind lr, $3  }
0x3a: {  	_ = 	snop  }
0x3b: {  	_ = 	snop  }
0x3c: {  	p2 =	seq.s32 s10, $0x1;
	s10 =	sld [smem:$0x3FB8]  }
0x3d: {  	_ =	shalt  }
0x3e: {  	_ =	shalt  }
0x3f: {  	_ =	shalt  }
0x40: {  	_ =	shalt  }
0x41: {  	_ =	shalt  }
0x42: {  	_ =	shalt  }
0x43: {  	_ =	shalt  }
0x44: {  	_ =	shalt  }
0x45: {  	_ =	shalt  }
0x46: {  	_ =	shalt  }
0x47: {  	_ =	shalt  }
0x48: {  	_ =	shalt  }
0x49: {  	_ =	shalt  }
0x4a: {  	_ =	shalt  }
0x4b: {  	_ =	shalt  }
0x4c: {  	_ =	shalt  }
0x4d: {  	_ =	shalt  }
0x4e: {  	_ =	shalt  }
0x4f: {  	_ =	shalt  }
0x50: {  	_ =	shalt  }
0x51: {  	_ =	shalt  }
0x52: {  	_ =	shalt  }
0x53: {  	_ =	shalt  }
0x54: {  	_ =	shalt  }
0x55: {  	_ =	shalt  }
0x56: {  	_ =	shalt  }
0x57: {  	_ =	shalt  }
0x58: {  	_ =	shalt  }
0x59: {  	_ =	shalt  }
0x5a: {  	_ =	shalt  }
0x5b: {  	_ =	shalt  }
0x5c: {  	_ =	shalt  }
0x5d: {  	_ =	shalt  }
0x5e: {  	_ =	shalt  }
0x5f: {  	_ =	shalt  }
0x60: {  	_ =	shalt  }
0x61: {  	_ =	shalt  }
0x62: {  	_ =	shalt  }
0x63: {  	_ =	shalt  }
0x64: {  	_ =	shalt  }
0x65: {  	_ =	shalt  }
0x66: {  	_ =	shalt  }
0x67: {  	_ =	shalt  }
0x68: {  	_ =	shalt  }
0x69: {  	_ =	shalt  }
0x6a: {  	_ =	shalt  }
0x6b: {  	_ =	shalt  }
0x6c: {  	_ =	shalt  }
0x6d: {  	_ =	shalt  }
0x6e: {  	_ =	shalt  }
0x6f: {  	_ =	shalt  }
0x70: {  	_ =	shalt  }
0x71: {  	_ =	shalt  }
0x72: {  	_ =	shalt  }
0x73: {  	_ =	shalt  }
0x74: {  	_ =	shalt  }
0x75: {  	_ =	shalt  }
0x76: {  	_ =	shalt  }
0x77: {  	_ =	shalt  }
0x78: {  	_ =	shalt  }
0x79: {  	_ =	shalt  }
0x7a: {  	_ =	shalt  }
0x7b: {  	_ =	shalt  }
0x7c: {  	_ =	shalt  }
0x7d: {  	_ =	shalt  }
0x7e: {  	_ =	shalt  }
0x7f: {  	_ =	shalt  }
0x80: {  	_ =	shalt  }
0x81: {  	_ =	shalt  }
0x82: {  	_ =	shalt  }
0x83: {  	_ =	shalt  }
0x84: {  	_ =	shalt  }
0x85: {  	_ =	shalt  }
0x86: {  	_ =	shalt  }
0x87: {  	_ =	shalt  }
.Lfunc_end0:
.L_simem_size_0:
called_computation_lowered:
.L_overlay_start_0:
0x88: {  	s2 =	sld [smem:$0x3FD9]  }
0x89: {  	s3 =	sld [smem:$0x3FFE];
	_ =	sdelay $0x1  }
0x8a: {  	s1 =	srdreg.scid  }
0x8b: {  	s0 =	sand.u32 $0x1, s1  }
0x8c: {  	s16 =	sshll.u32 s0, $0xA;
	s2 =	sadd.s32 s3, s2  }
0x8d: {  	s2 =	sadd.s32 s2, s16  }
0x8e: {  	[smem:$0x3FC4] =	sst s2  }
0x8f: {  	_ = 	snop  }
0x90: {  	(tm) =	ssettm $0x1  }
0x91: {  	s17 =	sld [smem:$0x3FFB];
	_ =	sdelay $0x3  }
0x92: {  	_ =	strace s17  }
0x93: {  	s2 =	sld [smem:$0x3FFC];
	_ =	sdelay $0x3  }
0x94: {  	_ =	strace s2  }
0x95: {  	s2 =	sld [smem:$0x3FFD];
	_ =	sdelay $0x3  }
0x96: {  	_ =	strace s2  }
0x97: {  	_ =	strace $0x8FFFFFFF  }
0x98: {  	s18 =	sld [smem:$0x3FDB];
	_ =	sdelay $0x1  }
0x99: {  	s19 =	simm.s32 $_scs_section_size  }
0x9a: {  	s4 =	simm.s32 $_size__tile_overlayer_lowered;
	s5 =	simm.s32 $_tile_overlayer_lowered  }
0x9b: {  	s22 =	simm.s32 $0x1BFF;
	s21 =	sshll.u32 s5, $0x1;
	s2 =	sadd.s32 s19, s18  }
0x9c: {  	s6 =	simm.s32 $0x0;
	s20 =	sshll.u32 s4, $0x1;
	s4 =	sadd.s32 s21, s2  }
0x9d: {  	[timem:s6], [sflag:s22] =	dma.local [hbm:s4], s20  }
0x9e: {  	_ =	swait.ge [sflag:s22], s20  }
0x9f: {  	s3 =	ssub.s32 $0x0, s20;
	[sflag:s22] =	ssyncset.done $0x0  }
0xa0: {  	[sflag:s22] =	ssyncadd.s32 s3;
	_ =	sdelay $0x1  }
0xa1: {  	s23 =	simm.s32 $0x1B8B  }
0xa2: {  	_ =	swait.ge [sflag:s23], $0x1  }
0xa3: {  	[sflag:s23] =	ssyncset.done $0x0  }
0xa4: {  	s25 =	simm.s32 $0x1B8E;
	s24 =	sld [smem:$0x3FFE];
	[sflag:s23] =	ssyncadd.s32 $0xFFFFFFFF  }
0xa5: {  	s26 =	simm.s32 $execute0_lowered;
	[smem:$0x3FD2] =	sst s25  }
0xa6: {  	s4 =	sshll.u32 s26, $0x1;
	_ =	strace $0x80000046;
	[dreg:$0x1] =	wrdreg $0xFFFFFFFF  }
0xa7: {  	s28 =	simm.s32 $_size_execute0_lowered;
	s2 =	sadd.s32 s2, s4;
	[dreg:$0x0] =	wrdreg $0x0  }
0xa8: {  	s4 =	sshll.u32 s28, $0x1;
	[dreg:$0x2] =	wrdreg s2  }
0xa9: {  	[dreg:$0x3] =	wrdreg s4  }
0xaa: {  	[dreg:$0x4] =	wrdreg $0xC0  }
0xab: {  	_ =	task [dreg:s6], $0x5FFFF  }
0xac: {  	[dreg:$0x1] =	wrdreg $0xFFFFFFFF  }
0xad: {  	[dreg:$0x0] =	wrdreg $0x60  }
0xae: {  	[dreg:$0x2] =	wrdreg s24  }
0xaf: {  	[dreg:$0x3] =	wrdreg $0x9  }
0xb0: {  	_ =	task.clear_ibuf [dreg:s6], $0x4FFFF;
	_ =	strace $0x90000046  }
0xb1: {  	s29 =	simm.s32 $0x9;
	_ =	strace $0x80000048  }
0xb2: {  	_ =	swait.ge [sflag:s29], $0x1  }
0xb3: {  	[sflag:s29] =	ssyncadd.s32 $0xFFFFFFFF  }
0xb4: {  	_ =	strace $0x90000048  }
0xb5: {  	_ =	sfence  }
0xb6: {  	s30 =	sld [smem:$0x0];
	_ =	sdelay $0x2  }
0xb7: {  	s31 =	sshll.u32 s1, $0xD;
	s1 =	sshrl.u32 s1, $0x2  }
0xb8: {  	s3 =	sand.u32 $0x4000, s31;
	s1 =	sadd.s32 s1, s30  }
0xb9: {  	s0 =	sor.u32 s3, s0;
	s1 =	sshll.u32 s1, $0x11  }
0xba: {  	s0 =	sor.u32 s1, s0  }
0xbb: {  	s0 =	sadd.s32 $0x8F2B, s0  }
0xbc: {  	[sflag:s0] =	ssyncadd.remote.s32 $0x1  }
0xbd: {  	_ =	sfence.sel $0xFFFF  }
0xbe: {  	[dreg:$0x0] =	wrdreg $0xFFFFFFFF;
	(pc) =	sbr.abs _section_cstart, $3  }
0xbf: {  	[dreg:$0x1] =	wrdreg $0xFFFFFFFF  }
0xc0: {  	_ =	task.clear_ibuf [dreg:s6], $0x2FFFF;
	_ =	strace $0x9FFFFFFF  }
0xc1: {  	(tm) =	ssettm $0x7FFFFFFF  }
tec
execute0_lowered:
.L_overlay_start_1:
0x0: {  	(tag) =	ssettag $0x1  }
0x1: {  	s0 =	rddreg [dreg:$0x0];
	s1 =	simm.s32 $0x0;
	s2 =	srdreg.scid  }
0x2: {  	s5 =	stileid.u32;
	s12 =	simm.s32 $0x200;
	s19 =	simm.s32 $0xC200  }
0x3: {  	s28 =	simm.s32 $0x1;
	s29 =	simm.s32 $0x2;
	s9 =	simm.s32 $0x10A00  }
0x4: {  	s10 =	simm.s32 $0x11200;
	s11 =	simm.s32 $0x12200;
	s13 =	simm.s32 $0x12A00  }
0x5: {  	s14 =	simm.s32 $0x12E00;
	s15 =	simm.s32 $0x13600;
	s16 =	simm.s32 $0x13A00  }
0x6: {  	s17 =	simm.s32 $0x14200;
	s18 =	simm.s32 $0x14600;
	s20 =	simm.s32 $0x14E00  }
0x7: {  	s21 =	simm.s32 $0x15200;
	s22 =	simm.s32 $0x15A00;
	s23 =	simm.s32 $0x15E00  }
0x8: {  	s24 =	simm.s32 $0x16600;
	s25 =	simm.s32 $0x16A00;
	[smem:$0x7FF] =	sst s1  }
0x9: {  	s3 =	sadd.s32 $0x143600, s0;
	s2 =	sand.u32 $0x1, s2;
	s4 =	sshll.u32 s5, $0x3  }
0xa: {  	s5 =	sshll.u32 s5, $0xA;
	_ =	strace $0x80000047;
	s6 =	sshll.u32 s2, $0x9  }
0xb: {  	s7 =	sand.u32 $0x70, s4;
	s2 =	ssub.s32 $0x2, s2;
	s4 =	sor.u32 s6, s5  }
0xc: {  	s26 =	sadd.s32 s7, s0;
	s30 =	sshrl.u32 s2, $0x1;
	s5 =	sadd.s32 $0x6E00, s0  }
0xd: {  	s7 =	sadd.s32 $0x143700, s0;
	s8 =	sand.u32 $0x600, s4;
	s2 =	ssub.s32 s2, s30  }
0xe: {  	v2 =	vlaneseq.u32;
	s6 =	sadd.s32 s8, s26;
	s31 =	smax.u32 s2, $0x1;
	s2 =	simm.s32 $0x0  }
0xf: {  	vm0 =	vmmov $0xffff;
	vm1 =	vmmov $0xff;
	v1 =	vshrl.u32 v2, $0x3;
	s8 =	simm.s32 $0x11E00;
	s6 =	sadd.s32 $0x3600, s6;
	[dreg:$0x3] =	wrdreg s31  }
0x10: {  	v0 =	vand.u32 $0x7, v2;
	v2 =	vor.u32 $0x8, v2;
	v1 =	vmul.u32 $0x8, v1;
	s26 =	simm.s32 $0x17200;
	[dreg:$0x2] =	wrdreg s6;
	s6 =	simm.s32 $0x11600  }
.LBB2_1:
0x11: {  	s30 =	rddreg [dreg:$0x2];
	s31 =	simm.s32 $0x80;
	s0 =	simm.s32 $0x400  }
0x12: {  	[tilespmem:s1], [sflag:$0x5] =	stream.strided.gather [hbm4b:s30+s31], $0x200, s0, s31, $0x38;
	[tilespmem:$0x18200] =	vst v63  }
0x13: {  	[dreg:$0x4] =	wrdreg s2;
	s31 =	simm.s32 $0x5  }
0x14: {  	p0 =	por $0x1, $0x1;
	_ =	swait.ge [sflag:s31], $0x200  }
0x15: {  	p1 =	por $0x0, $0x0;
	s2 =	simm.s32 $0x17E00;
	[sflag:s31] =	ssyncset.done $0x0  }
0x16: {  	s30 =	simm.s32 $0x0;
	s0 =	simm.s32 $0x17600;
	[sflag:s31] =	ssyncadd.s32 $0xFFFFFE00  }
.LBB2_2:
0x17: {  	s31 =	simm.s32 @p1 $0x3  }
0x18: {  	_ =	swait.ge @p1 [sflag:s31], $0xC000  }
0x19: {  	[sflag:s31] =	ssyncset.done @p1 $0x0  }
0x1a: {  	[sflag:s31] =	ssyncadd.s32 @p1 $0xFFFF4000;
	s31 =	simm.s32 @p1 $0x4  }
0x1b: {  	_ =	swait.ge @p1 [sflag:s31], $0xC000  }
0x1c: {  	[sflag:s31] =	ssyncset.done @p1 $0x0  }
0x1d: {  	[sflag:s31] =	ssyncadd.s32 @p1 $0xFFFF4000  }
0x1e: {  	v3 =	vld [tilespmem:s30+$0x0];
	_ =	sdelay $0x4  }
0x1f: {  	v4 =	vshrl.u32 v3, $0x3  }
0x20: {  	v4 =	vmul.u32 $0x18, v4  }
0x21: {  	v3 =	vand.u32 $0x7, v3  }
0x22: {  	v3 =	vor.u32 v3, v4  }
0x23: {  	v4 =	vperm.xlane v3, v0;
	_ =	sdelay $0x1  }
0x24: {  	v4 =	vadd.s32 v1, v4;
	_ =	sdelay $0x1  }
0x25: {  	v3 =	vperm.xlane v3, v2;
	_ =	sdelay $0x1  }
0x26: {  	v3 =	vadd.s32 v1, v3  }
0x27: {  	[tilespmem:s12], [sflag:$0x1] =	stream.indirect_vreg.gather [hbm4b:s3+s1], $0x80, v4, vm0, $0xb8;
	[tilespmem:$0x18200] =	vst v63  }
0x28: {  	s31 =	simm.s32 $0xA00  }
0x29: {  	[tilespmem:s31], [sflag:$0x1] =	stream.indirect_vreg.gather [hbm4b:s7+s1], $0x80, v4, vm1, $0xb8;
	[tilespmem:$0x18200] =	vst v63  }
0x2a: {  	s31 =	simm.s32 $0xE00  }
0x2b: {  	[tilespmem:s31], [sflag:$0x1] =	stream.indirect_vreg.gather [hbm4b:s3+s1], $0x80, v3, vm0, $0xb8;
	[tilespmem:$0x18200] =	vst v63  }
0x2c: {  	s31 =	simm.s32 $0x1600  }
0x2d: {  	[tilespmem:s31], [sflag:$0x1] =	stream.indirect_vreg.gather [hbm4b:s7+s1], $0x80, v3, vm1, $0xb8;
	[tilespmem:$0x18200] =	vst v63  }
0x2e: {  	v3 =	vld [tilespmem:s30+$0x10];
	_ =	sdelay $0x4  }
0x2f: {  	v49 =	vshrl.u32 v3, $0x3  }
0x30: {  	v4 =	vmul.u32 $0x18, v49  }
0x31: {  	v3 =	vand.u32 $0x7, v3  }
0x32: {  	v3 =	vor.u32 v3, v4  }
0x33: {  	v4 =	vperm.xlane v3, v0;
	_ =	sdelay $0x1  }
0x34: {  	v4 =	vadd.s32 v1, v4;
	_ =	sdelay $0x1  }
0x35: {  	v3 =	vperm.xlane v3, v2;
	_ =	sdelay $0x1  }
0x36: {  	s31 =	simm.s32 $0x1A00;
	v3 =	vadd.s32 v1, v3  }
0x37: {  	[tilespmem:s31], [sflag:$0x1] =	stream.indirect_vreg.gather [hbm4b:s3+s1], $0x80, v4, vm0, $0xb8;
	[tilespmem:$0x18200] =	vst v63  }
0x38: {  	s31 =	simm.s32 $0x2200  }
0x39: {  	[tilespmem:s31], [sflag:$0x1] =	stream.indirect_vreg.gather [hbm4b:s7+s1], $0x80, v4, vm1, $0xb8;
	[tilespmem:$0x18200] =	vst v63  }
0x3a: {  	s31 =	simm.s32 $0x2600  }
0x3b: {  	[tilespmem:s31], [sflag:$0x1] =	stream.indirect_vreg.gather [hbm4b:s3+s1], $0x80, v3, vm0, $0xb8;
	[tilespmem:$0x18200] =	vst v63  }
0x3c: {  	s31 =	simm.s32 $0x2E00  }
0x3d: {  	[tilespmem:s31], [sflag:$0x1] =	stream.indirect_vreg.gather [hbm4b:s7+s1], $0x80, v3, vm1, $0xb8;
	[tilespmem:$0x18200] =	vst v63  }
0x3e: {  	v3 =	vld [tilespmem:s30+$0x20];
	_ =	sdelay $0x4  }
0x3f: {  	v50 =	vshrl.u32 v3, $0x3  }
0x40: {  	v4 =	vmul.u32 $0x18, v50  }
0x41: {  	v3 =	vand.u32 $0x7, v3  }
0x42: {  	v3 =	vor.u32 v3, v4  }
0x43: {  	v4 =	vperm.xlane v3, v0;
	_ =	sdelay $0x1  }
0x44: {  	v4 =	vadd.s32 v1, v4;
	_ =	sdelay $0x1  }
0x45: {  	v3 =	vperm.xlane v3, v2;
	_ =	sdelay $0x1  }
0x46: {  	s31 =	simm.s32 $0x3200;
	v3 =	vadd.s32 v1, v3  }
0x47: {  	[tilespmem:s31], [sflag:$0x1] =	stream.indirect_vreg.gather [hbm4b:s3+s1], $0x80, v4, vm0, $0xb8;
	[tilespmem:$0x18200] =	vst v63  }
0x48: {  	s31 =	simm.s32 $0x3A00  }
0x49: {  	[tilespmem:s31], [sflag:$0x1] =	stream.indirect_vreg.gather [hbm4b:s7+s1], $0x80, v4, vm1, $0xb8;
	[tilespmem:$0x18200] =	vst v63  }
0x4a: {  	s31 =	simm.s32 $0x3E00  }
0x4b: {  	[tilespmem:s31], [sflag:$0x1] =	stream.indirect_vreg.gather [hbm4b:s3+s1], $0x80, v3, vm0, $0xb8;
	[tilespmem:$0x18200] =	vst v63  }
0x4c: {  	s31 =	simm.s32 $0x4600  }
0x4d: {  	[tilespmem:s31], [sflag:$0x1] =	stream.indirect_vreg.gather [hbm4b:s7+s1], $0x80, v3, vm1, $0xb8;
	[tilespmem:$0x18200] =	vst v63  }
0x4e: {  	v3 =	vld [tilespmem:s30+$0x30];
	_ =	sdelay $0x4  }
0x4f: {  	v51 =	vshrl.u32 v3, $0x3  }
0x50: {  	v4 =	vmul.u32 $0x18, v51  }
0x51: {  	v3 =	vand.u32 $0x7, v3  }
0x52: {  	v3 =	vor.u32 v3, v4  }
0x53: {  	v4 =	vperm.xlane v3, v0;
	_ =	sdelay $0x1  }
0x54: {  	v4 =	vadd.s32 v1, v4;
	_ =	sdelay $0x1  }
0x55: {  	v3 =	vperm.xlane v3, v2;
	_ =	sdelay $0x1  }
0x56: {  	s31 =	simm.s32 $0x4A00;
	v3 =	vadd.s32 v1, v3  }
0x57: {  	[tilespmem:s31], [sflag:$0x1] =	stream.indirect_vreg.gather [hbm4b:s3+s1], $0x80, v4, vm0, $0xb8;
	[tilespmem:$0x18200] =	vst v63  }
0x58: {  	s31 =	simm.s32 $0x5200  }
0x59: {  	[tilespmem:s31], [sflag:$0x1] =	stream.indirect_vreg.gather [hbm4b:s7+s1], $0x80, v4, vm1, $0xb8;
	[tilespmem:$0x18200] =	vst v63  }
0x5a: {  	s31 =	simm.s32 $0x5600  }
0x5b: {  	[tilespmem:s31], [sflag:$0x1] =	stream.indirect_vreg.gather [hbm4b:s3+s1], $0x80, v3, vm0, $0xb8;
	[tilespmem:$0x18200] =	vst v63  }
0x5c: {  	s31 =	simm.s32 $0x5E00  }
0x5d: {  	[tilespmem:s31], [sflag:$0x1] =	stream.indirect_vreg.gather [hbm4b:s7+s1], $0x80, v3, vm1, $0xb8;
	[tilespmem:$0x18200] =	vst v63  }
0x5e: {  	v3 =	vld [tilespmem:s30+$0x40];
	_ =	sdelay $0x4  }
0x5f: {  	v52 =	vshrl.u32 v3, $0x3  }
0x60: {  	v4 =	vmul.u32 $0x18, v52  }
0x61: {  	v3 =	vand.u32 $0x7, v3  }
0x62: {  	v3 =	vor.u32 v3, v4  }
0x63: {  	v4 =	vperm.xlane v3, v0;
	_ =	sdelay $0x1  }
0x64: {  	v4 =	vadd.s32 v1, v4;
	_ =	sdelay $0x1  }
0x65: {  	v3 =	vperm.xlane v3, v2;
	_ =	sdelay $0x1  }
0x66: {  	s31 =	simm.s32 $0x6200;
	v3 =	vadd.s32 v1, v3  }
0x67: {  	[tilespmem:s31], [sflag:$0x1] =	stream.indirect_vreg.gather [hbm4b:s3+s1], $0x80, v4, vm0, $0xb8;
	[tilespmem:$0x18200] =	vst v63  }
0x68: {  	s31 =	simm.s32 $0x6A00  }
0x69: {  	[tilespmem:s31], [sflag:$0x1] =	stream.indirect_vreg.gather [hbm4b:s7+s1], $0x80, v4, vm1, $0xb8;
	[tilespmem:$0x18200] =	vst v63  }
0x6a: {  	s31 =	simm.s32 $0x6E00  }
0x6b: {  	[tilespmem:s31], [sflag:$0x1] =	stream.indirect_vreg.gather [hbm4b:s3+s1], $0x80, v3, vm0, $0xb8;
	[tilespmem:$0x18200] =	vst v63  }
0x6c: {  	s31 =	simm.s32 $0x7600  }
0x6d: {  	[tilespmem:s31], [sflag:$0x1] =	stream.indirect_vreg.gather [hbm4b:s7+s1], $0x80, v3, vm1, $0xb8;
	[tilespmem:$0x18200] =	vst v63  }
0x6e: {  	v3 =	vld [tilespmem:s30+$0x50];
	_ =	sdelay $0x4  }
0x6f: {  	v53 =	vshrl.u32 v3, $0x3  }
0x70: {  	v4 =	vmul.u32 $0x18, v53  }
0x71: {  	v3 =	vand.u32 $0x7, v3  }
0x72: {  	v3 =	vor.u32 v3, v4  }
0x73: {  	v4 =	vperm.xlane v3, v0;
	_ =	sdelay $0x1  }
0x74: {  	v4 =	vadd.s32 v1, v4;
	_ =	sdelay $0x1  }
0x75: {  	v3 =	vperm.xlane v3, v2;
	_ =	sdelay $0x1  }
0x76: {  	s31 =	simm.s32 $0x7A00;
	v3 =	vadd.s32 v1, v3  }
0x77: {  	[tilespmem:s31], [sflag:$0x1] =	stream.indirect_vreg.gather [hbm4b:s3+s1], $0x80, v4, vm0, $0xb8;
	[tilespmem:$0x18200] =	vst v63  }
0x78: {  	s31 =	simm.s32 $0x8200  }
0x79: {  	[tilespmem:s31], [sflag:$0x1] =	stream.indirect_vreg.gather [hbm4b:s7+s1], $0x80, v4, vm1, $0xb8;
	[tilespmem:$0x18200] =	vst v63  }
0x7a: {  	s31 =	simm.s32 $0x8600  }
0x7b: {  	[tilespmem:s31], [sflag:$0x1] =	stream.indirect_vreg.gather [hbm4b:s3+s1], $0x80, v3, vm0, $0xb8;
	[tilespmem:$0x18200] =	vst v63  }
0x7c: {  	s31 =	simm.s32 $0x8E00  }
0x7d: {  	[tilespmem:s31], [sflag:$0x1] =	stream.indirect_vreg.gather [hbm4b:s7+s1], $0x80, v3, vm1, $0xb8;
	[tilespmem:$0x18200] =	vst v63  }
0x7e: {  	v3 =	vld [tilespmem:s30+$0x60];
	_ =	sdelay $0x4  }
0x7f: {  	v54 =	vshrl.u32 v3, $0x3  }
0x80: {  	v4 =	vmul.u32 $0x18, v54  }
0x81: {  	v3 =	vand.u32 $0x7, v3  }
0x82: {  	v3 =	vor.u32 v3, v4  }
0x83: {  	v4 =	vperm.xlane v3, v0;
	_ =	sdelay $0x1  }
0x84: {  	v4 =	vadd.s32 v1, v4;
	_ =	sdelay $0x1  }
0x85: {  	v3 =	vperm.xlane v3, v2;
	_ =	sdelay $0x1  }
0x86: {  	s31 =	simm.s32 $0x9200;
	v3 =	vadd.s32 v1, v3  }
0x87: {  	[tilespmem:s31], [sflag:$0x1] =	stream.indirect_vreg.gather [hbm4b:s3+s1], $0x80, v4, vm0, $0xb8;
	[tilespmem:$0x18200] =	vst v63  }
0x88: {  	s31 =	simm.s32 $0x9A00  }
0x89: {  	[tilespmem:s31], [sflag:$0x1] =	stream.indirect_vreg.gather [hbm4b:s7+s1], $0x80, v4, vm1, $0xb8;
	[tilespmem:$0x18200] =	vst v63  }
0x8a: {  	s31 =	simm.s32 $0x9E00  }
0x8b: {  	[tilespmem:s31], [sflag:$0x1] =	stream.indirect_vreg.gather [hbm4b:s3+s1], $0x80, v3, vm0, $0xb8;
	[tilespmem:$0x18200] =	vst v63  }
0x8c: {  	s31 =	simm.s32 $0xA600  }
0x8d: {  	[tilespmem:s31], [sflag:$0x1] =	stream.indirect_vreg.gather [hbm4b:s7+s1], $0x80, v3, vm1, $0xb8;
	[tilespmem:$0x18200] =	vst v63  }
0x8e: {  	v3 =	vld [tilespmem:s30+$0x70];
	_ =	sdelay $0x4  }
0x8f: {  	v55 =	vshrl.u32 v3, $0x3  }
0x90: {  	v4 =	vmul.u32 $0x18, v55  }
0x91: {  	v3 =	vand.u32 $0x7, v3  }
0x92: {  	v3 =	vor.u32 v3, v4  }
0x93: {  	v4 =	vperm.xlane v3, v0;
	_ =	sdelay $0x1  }
0x94: {  	v4 =	vadd.s32 v1, v4;
	_ =	sdelay $0x1  }
0x95: {  	v3 =	vperm.xlane v3, v2;
	_ =	sdelay $0x1  }
0x96: {  	s31 =	simm.s32 $0xAA00;
	v3 =	vadd.s32 v1, v3  }
0x97: {  	[tilespmem:s31], [sflag:$0x1] =	stream.indirect_vreg.gather [hbm4b:s3+s1], $0x80, v4, vm0, $0xb8;
	[tilespmem:$0x18200] =	vst v63  }
0x98: {  	s31 =	simm.s32 $0xB200  }
0x99: {  	[tilespmem:s31], [sflag:$0x1] =	stream.indirect_vreg.gather [hbm4b:s7+s1], $0x80, v4, vm1, $0xb8;
	[tilespmem:$0x18200] =	vst v63  }
0x9a: {  	s31 =	simm.s32 $0xB600  }
0x9b: {  	[tilespmem:s31], [sflag:$0x1] =	stream.indirect_vreg.gather [hbm4b:s3+s1], $0x80, v3, vm0, $0xb8;
	[tilespmem:$0x18200] =	vst v63  }
0x9c: {  	s31 =	simm.s32 $0xBE00  }
0x9d: {  	[tilespmem:s31], [sflag:$0x1] =	stream.indirect_vreg.gather [hbm4b:s7+s1], $0x80, v3, vm1, $0xb8;
	[tilespmem:$0x18200] =	vst v63  }
0x9e: {  	v3 =	vld [tilespmem:s30+$0x80];
	_ =	sdelay $0x4  }
0x9f: {  	v56 =	vshrl.u32 v3, $0x3  }
0xa0: {  	v4 =	vmul.u32 $0x18, v56  }
0xa1: {  	v3 =	vand.u32 $0x7, v3  }
0xa2: {  	v3 =	vor.u32 v3, v4  }
0xa3: {  	v4 =	vperm.xlane v3, v0;
	_ =	sdelay $0x1  }
0xa4: {  	v4 =	vadd.s32 v1, v4;
	_ =	sdelay $0x1  }
0xa5: {  	v3 =	vperm.xlane v3, v2;
	_ =	sdelay $0x1  }
0xa6: {  	v3 =	vadd.s32 v1, v3  }
0xa7: {  	[tilespmem:s19], [sflag:$0x2] =	stream.indirect_vreg.gather [hbm4b:s3+s1], $0x80, v4, vm0, $0xb8;
	[tilespmem:$0x18200] =	vst v63  }
0xa8: {  	s31 =	simm.s32 $0xCA00  }
0xa9: {  	[tilespmem:s31], [sflag:$0x2] =	stream.indirect_vreg.gather [hbm4b:s7+s1], $0x80, v4, vm1, $0xb8;
	[tilespmem:$0x18200] =	vst v63  }
0xaa: {  	s31 =	simm.s32 $0xCE00  }
0xab: {  	[tilespmem:s31], [sflag:$0x2] =	stream.indirect_vreg.gather [hbm4b:s3+s1], $0x80, v3, vm0, $0xb8;
	[tilespmem:$0x18200] =	vst v63  }
0xac: {  	s31 =	simm.s32 $0xD600  }
0xad: {  	[tilespmem:s31], [sflag:$0x2] =	stream.indirect_vreg.gather [hbm4b:s7+s1], $0x80, v3, vm1, $0xb8;
	[tilespmem:$0x18200] =	vst v63  }
0xae: {  	v3 =	vld [tilespmem:s30+$0x90];
	_ =	sdelay $0x4  }
0xaf: {  	v57 =	vshrl.u32 v3, $0x3  }
0xb0: {  	v4 =	vmul.u32 $0x18, v57  }
0xb1: {  	v3 =	vand.u32 $0x7, v3  }
0xb2: {  	v3 =	vor.u32 v3, v4  }
0xb3: {  	v4 =	vperm.xlane v3, v0;
	_ =	sdelay $0x1  }
0xb4: {  	v4 =	vadd.s32 v1, v4;
	_ =	sdelay $0x1  }
0xb5: {  	v3 =	vperm.xlane v3, v2;
	_ =	sdelay $0x1  }
0xb6: {  	s31 =	simm.s32 $0xDA00;
	v3 =	vadd.s32 v1, v3  }
0xb7: {  	[tilespmem:s31], [sflag:$0x2] =	stream.indirect_vreg.gather [hbm4b:s3+s1], $0x80, v4, vm0, $0xb8;
	[tilespmem:$0x18200] =	vst v63  }
0xb8: {  	s31 =	simm.s32 $0xE200  }
0xb9: {  	[tilespmem:s31], [sflag:$0x2] =	stream.indirect_vreg.gather [hbm4b:s7+s1], $0x80, v4, vm1, $0xb8;
	[tilespmem:$0x18200] =	vst v63  }
0xba: {  	s31 =	simm.s32 $0xE600  }
0xbb: {  	[tilespmem:s31], [sflag:$0x2] =	stream.indirect_vreg.gather [hbm4b:s3+s1], $0x80, v3, vm0, $0xb8;
	[tilespmem:$0x18200] =	vst v63  }
0xbc: {  	s31 =	simm.s32 $0xEE00  }
0xbd: {  	[tilespmem:s31], [sflag:$0x2] =	stream.indirect_vreg.gather [hbm4b:s7+s1], $0x80, v3, vm1, $0xb8;
	[tilespmem:$0x18200] =	vst v63  }
0xbe: {  	v3 =	vld [tilespmem:s30+$0xA0];
	_ =	sdelay $0x4  }
0xbf: {  	v58 =	vshrl.u32 v3, $0x3  }
0xc0: {  	v4 =	vmul.u32 $0x18, v58  }
0xc1: {  	v3 =	vand.u32 $0x7, v3  }
0xc2: {  	v3 =	vor.u32 v3, v4  }
0xc3: {  	v4 =	vperm.xlane v3, v0;
	_ =	sdelay $0x1  }
0xc4: {  	v4 =	vadd.s32 v1, v4;
	_ =	sdelay $0x1  }
0xc5: {  	v3 =	vperm.xlane v3, v2;
	_ =	sdelay $0x1  }
0xc6: {  	s31 =	simm.s32 $0xF200;
	v3 =	vadd.s32 v1, v3  }
0xc7: {  	[tilespmem:s31], [sflag:$0x2] =	stream.indirect_vreg.gather [hbm4b:s3+s1], $0x80, v4, vm0, $0xb8;
	[tilespmem:$0x18200] =	vst v63  }
0xc8: {  	s31 =	simm.s32 $0xFA00  }
0xc9: {  	[tilespmem:s31], [sflag:$0x2] =	stream.indirect_vreg.gather [hbm4b:s7+s1], $0x80, v4, vm1, $0xb8;
	[tilespmem:$0x18200] =	vst v63  }
0xca: {  	s31 =	simm.s32 $0xFE00  }
0xcb: {  	[tilespmem:s31], [sflag:$0x2] =	stream.indirect_vreg.gather [hbm4b:s3+s1], $0x80, v3, vm0, $0xb8;
	[tilespmem:$0x18200] =	vst v63  }
0xcc: {  	s31 =	simm.s32 $0x10600  }
0xcd: {  	[tilespmem:s31], [sflag:$0x2] =	stream.indirect_vreg.gather [hbm4b:s7+s1], $0x80, v3, vm1, $0xb8;
	[tilespmem:$0x18200] =	vst v63  }
0xce: {  	v3 =	vld [tilespmem:s30+$0xB0];
	_ =	sdelay $0x4  }
0xcf: {  	v59 =	vshrl.u32 v3, $0x3  }
0xd0: {  	v4 =	vmul.u32 $0x18, v59  }
0xd1: {  	v3 =	vand.u32 $0x7, v3  }
0xd2: {  	v3 =	vor.u32 v3, v4  }
0xd3: {  	v4 =	vperm.xlane v3, v0;
	_ =	sdelay $0x1  }
0xd4: {  	v4 =	vadd.s32 v1, v4;
	_ =	sdelay $0x1  }
0xd5: {  	v3 =	vperm.xlane v3, v2;
	_ =	sdelay $0x1  }
0xd6: {  	v3 =	vadd.s32 v1, v3  }
0xd7: {  	[tilespmem:s9], [sflag:$0x2] =	stream.indirect_vreg.gather [hbm4b:s3+s1], $0x80, v4, vm0, $0xb8;
	[tilespmem:$0x18200] =	vst v63  }
0xd8: {  	_ = 	snop  }
0xd9: {  	[tilespmem:s10], [sflag:$0x2] =	stream.indirect_vreg.gather [hbm4b:s7+s1], $0x80, v4, vm1, $0xb8;
	[tilespmem:$0x18200] =	vst v63  }
0xda: {  	_ = 	snop  }
0xdb: {  	[tilespmem:s6], [sflag:$0x2] =	stream.indirect_vreg.gather [hbm4b:s3+s1], $0x80, v3, vm0, $0xb8;
	[tilespmem:$0x18200] =	vst v63  }
0xdc: {  	_ = 	snop  }
0xdd: {  	[tilespmem:s8], [sflag:$0x2] =	stream.indirect_vreg.gather [hbm4b:s7+s1], $0x80, v3, vm1, $0xb8;
	[tilespmem:$0x18200] =	vst v63  }
0xde: {  	v3 =	vld [tilespmem:s30+$0xC0];
	_ =	sdelay $0x4  }
0xdf: {  	v60 =	vshrl.u32 v3, $0x3  }
0xe0: {  	v4 =	vmul.u32 $0x18, v60  }
0xe1: {  	v3 =	vand.u32 $0x7, v3  }
0xe2: {  	v3 =	vor.u32 v3, v4  }
0xe3: {  	v4 =	vperm.xlane v3, v0;
	_ =	sdelay $0x1  }
0xe4: {  	v4 =	vadd.s32 v1, v4;
	_ =	sdelay $0x1  }
0xe5: {  	v3 =	vperm.xlane v3, v2;
	_ =	sdelay $0x1  }
0xe6: {  	v3 =	vadd.s32 v1, v3  }
0xe7: {  	[tilespmem:s11], [sflag:$0x2] =	stream.indirect_vreg.gather [hbm4b:s3+s1], $0x80, v4, vm0, $0xb8;
	[tilespmem:$0x18200] =	vst v63  }
0xe8: {  	_ = 	snop  }
0xe9: {  	[tilespmem:s13], [sflag:$0x2] =	stream.indirect_vreg.gather [hbm4b:s7+s1], $0x80, v4, vm1, $0xb8;
	[tilespmem:$0x18200] =	vst v63  }
0xea: {  	_ = 	snop  }
0xeb: {  	[tilespmem:s14], [sflag:$0x2] =	stream.indirect_vreg.gather [hbm4b:s3+s1], $0x80, v3, vm0, $0xb8;
	[tilespmem:$0x18200] =	vst v63  }
0xec: {  	_ = 	snop  }
0xed: {  	[tilespmem:s15], [sflag:$0x2] =	stream.indirect_vreg.gather [hbm4b:s7+s1], $0x80, v3, vm1, $0xb8;
	[tilespmem:$0x18200] =	vst v63  }
0xee: {  	v3 =	vld [tilespmem:s30+$0xD0];
	_ =	sdelay $0x4  }
0xef: {  	v61 =	vshrl.u32 v3, $0x3  }
0xf0: {  	v4 =	vmul.u32 $0x18, v61  }
0xf1: {  	v3 =	vand.u32 $0x7, v3  }
0xf2: {  	v3 =	vor.u32 v3, v4  }
0xf3: {  	v4 =	vperm.xlane v3, v0;
	_ =	sdelay $0x1  }
0xf4: {  	v4 =	vadd.s32 v1, v4;
	_ =	sdelay $0x1  }
0xf5: {  	v3 =	vperm.xlane v3, v2;
	_ =	sdelay $0x1  }
0xf6: {  	v3 =	vadd.s32 v1, v3  }
0xf7: {  	[tilespmem:s16], [sflag:$0x2] =	stream.indirect_vreg.gather [hbm4b:s3+s1], $0x80, v4, vm0, $0xb8;
	[tilespmem:$0x18200] =	vst v63  }
0xf8: {  	_ = 	snop  }
0xf9: {  	[tilespmem:s17], [sflag:$0x2] =	stream.indirect_vreg.gather [hbm4b:s7+s1], $0x80, v4, vm1, $0xb8;
	[tilespmem:$0x18200] =	vst v63  }
0xfa: {  	_ = 	snop  }
0xfb: {  	[tilespmem:s18], [sflag:$0x2] =	stream.indirect_vreg.gather [hbm4b:s3+s1], $0x80, v3, vm0, $0xb8;
	[tilespmem:$0x18200] =	vst v63  }
0xfc: {  	_ = 	snop  }
0xfd: {  	[tilespmem:s20], [sflag:$0x2] =	stream.indirect_vreg.gather [hbm4b:s7+s1], $0x80, v3, vm1, $0xb8;
	[tilespmem:$0x18200] =	vst v63  }
0xfe: {  	v3 =	vld [tilespmem:s30+$0xE0];
	_ =	sdelay $0x4  }
0xff: {  	v62 =	vshrl.u32 v3, $0x3  }
0x100: {  	v4 =	vmul.u32 $0x18, v62  }
0x101: {  	v3 =	vand.u32 $0x7, v3  }
0x102: {  	v3 =	vor.u32 v3, v4  }
0x103: {  	v4 =	vperm.xlane v3, v0;
	_ =	sdelay $0x1  }
0x104: {  	v4 =	vadd.s32 v1, v4;
	_ =	sdelay $0x1  }
0x105: {  	v3 =	vperm.xlane v3, v2;
	_ =	sdelay $0x1  }
0x106: {  	v3 =	vadd.s32 v1, v3  }
0x107: {  	[tilespmem:s21], [sflag:$0x2] =	stream.indirect_vreg.gather [hbm4b:s3+s1], $0x80, v4, vm0, $0xb8;
	[tilespmem:$0x18200] =	vst v63  }
0x108: {  	_ = 	snop  }
0x109: {  	[tilespmem:s22], [sflag:$0x2] =	stream.indirect_vreg.gather [hbm4b:s7+s1], $0x80, v4, vm1, $0xb8;
	[tilespmem:$0x18200] =	vst v63  }
0x10a: {  	_ = 	snop  }
0x10b: {  	[tilespmem:s23], [sflag:$0x2] =	stream.indirect_vreg.gather [hbm4b:s3+s1], $0x80, v3, vm0, $0xb8;
	[tilespmem:$0x18200] =	vst v63  }
0x10c: {  	_ = 	snop  }
0x10d: {  	[tilespmem:s24], [sflag:$0x2] =	stream.indirect_vreg.gather [hbm4b:s7+s1], $0x80, v3, vm1, $0xb8;
	[tilespmem:$0x18200] =	vst v63  }
0x10e: {  	v3 =	vld [tilespmem:s30+$0xF0];
	_ =	sdelay $0x4  }
0x10f: {  	v63 =	vshrl.u32 v3, $0x3  }
0x110: {  	v4 =	vmul.u32 $0x18, v63  }
0x111: {  	v3 =	vand.u32 $0x7, v3  }
0x112: {  	v3 =	vor.u32 v3, v4  }
0x113: {  	v4 =	vperm.xlane v3, v0;
	_ =	sdelay $0x1  }
0x114: {  	v4 =	vadd.s32 v1, v4;
	_ =	sdelay $0x1  }
0x115: {  	v3 =	vperm.xlane v3, v2;
	_ =	sdelay $0x1  }
0x116: {  	v3 =	vadd.s32 v1, v3  }
0x117: {  	[tilespmem:s25], [sflag:$0x2] =	stream.indirect_vreg.gather [hbm4b:s3+s1], $0x80, v4, vm0, $0xb8;
	[tilespmem:$0x18200] =	vst v63  }
0x118: {  	_ = 	snop  }
0x119: {  	[tilespmem:s26], [sflag:$0x2] =	stream.indirect_vreg.gather [hbm4b:s7+s1], $0x80, v4, vm1, $0xb8;
	[tilespmem:$0x18200] =	vst v63  }
0x11a: {  	s30 =	sor.u32 s4, s30  }
0x11b: {  	[tilespmem:s0], [sflag:$0x2] =	stream.indirect_vreg.gather [hbm4b:s3+s1], $0x80, v3, vm0, $0xb8;
	[tilespmem:$0x18200] =	vst v63  }
0x11c: {  	s30 =	sshrl.u32 s30, $0x3  }
0x11d: {  	[tilespmem:s2], [sflag:$0x2] =	stream.indirect_vreg.gather [hbm4b:s7+s1], $0x80, v3, vm1, $0xb8;
	[tilespmem:$0x18200] =	vst v63  }
0x11e: {  	s31 =	smul.u32 $0x180, s30;
	_ =	swait.ge [sflag:s28], $0xC000  }
0x11f: {  	p2 =	por p0, p0;
	[sflag:s28] =	ssyncset.done $0x0  }
0x120: {  	s30 =	smul.u32 $0xC00, s30;
	s31 =	sadd.s32 s5, s31;
	[sflag:s28] =	ssyncadd.s32 $0xFFFF4000  }
0x121: {  	[hbm4b:s31+s1] =	stream.linear.scatter [tilespmem:s12], [sflag:$0x3], $0xC000, $0x38;
	[tilespmem:$0x18200] =	vst v63  }
.Ltmp0:
0x122: {  	s30 =	sshrl.u32 s30, $0x3;
	_ =	swait.ge [sflag:s29], $0xC000;
	(pc) =	sbr.rel @p2 .LBB2_2-.Ltmp0, $4  }
0x123: {  	s30 =	sadd.s32 s5, s30;
	[sflag:s29] =	ssyncset.done $0x0  }
0x124: {  	s30 =	sadd.s32 $0x1800, s30;
	[sflag:s29] =	ssyncadd.s32 $0xFFFF4000  }
0x125: {  	[hbm4b:s30+s1] =	stream.linear.scatter [tilespmem:s19], [sflag:$0x4], $0xC000, $0x38;
	[tilespmem:$0x18200] =	vst v63  }
0x126: {  	p0 =	por $0x0, $0x0;
	p1 =	por $0x1, $0x1;
	s30 =	simm.s32 $0x100  }
0x127: {  	s0 =	simm.s32 $0x3  }
0x128: {  	_ =	swait.ge [sflag:s0], $0xC000  }
0x129: {  	[sflag:s0] =	ssyncset.done $0x0  }
0x12a: {  	s31 =	simm.s32 $0x4;
	[sflag:s0] =	ssyncadd.s32 $0xFFFF4000  }
0x12b: {  	_ =	swait.ge [sflag:s31], $0xC000  }
0x12c: {  	s2 =	rddreg [dreg:$0x4]  }
0x12d: {  	s30 =	rddreg [dreg:$0x3];
	s2 =	sadd.s32 $0x1, s2  }
0x12e: {  	p0 =	sne.s32 s2, s30  }
.Ltmp1:
0x12f: {  	_ = 	snop;
	(pc) =	sbr.rel @p0 .LBB2_1-.Ltmp1, $3  }
0x130: {  	_ =	sdelay $0x1  }
0x131: {  	[sflag:s31] =	ssyncset.done $0x0  }
0x132: {  	[sflag:s31] =	ssyncadd.s32 $0xFFFF4000  }
0x133: {  	_ =	sfence.sel $0x180000  }
0x134: {  	[bflag:$0x0] =	sbarrier.arrive $0xFFFF  }
0x135: {  	_ =	strace $0x90000047  }
0x136: {  	s0 =	stileid.u32;
	[bflag:$0x2] =	sbarrier.arrive $0xFFFF  }
0x137: {  	p0 =	sne.s32 s0, $0x0;
	s0 =	rddreg [dreg:$0x1]  }
0x138: {  	s0 =	sadd.s32 @!p0 $0x100000, s0  }
0x139: {  	[sflag:s0] =	ssyncadd.tile.s32 @!p0 $0x1;
	_ =	shalt  }
.Lfunc_end2:
_tile_overlayer_lowered:
.L_overlay_start_2:
0x13a: {  	(tag) =	ssettag $0x2  }
0x13b: {  	s0 =	rddreg [dreg:$0x0];
	s2 =	stileid.u32  }
0x13c: {  	s1 =	rddreg [dreg:$0x1];
	p0 =	sne.s32 s2, $0x0  }
0x13d: {  	s3 =	rddreg [dreg:$0x2];
	[bflag:$0x3] =	sbarrier.arrive $0xFFFF;
	s2 =	simm.s32 @!p0 $0x1C05  }
0x13e: {  	[timem:s3], [sflag:s2] =	dma.local @!p0 [hbm:s0], s1  }
0x13f: {  	s0 =	simm.s32 @!p0 $0x5  }
0x140: {  	_ =	swait.ge @!p0 [sflag:s0], s1  }
0x141: {  	s1 =	ssub.s32 @!p0 $0x0, s1;
	[sflag:s0] =	ssyncset.done @!p0 $0x0  }
0x142: {  	[sflag:s0] =	ssyncadd.s32 @!p0 s1  }
0x143: {  	[bflag:$0x3] =	sbarrier.arrive $0xFFFF  }
0x144: {  	_ =	shalt  }

// kernel: kernel.21.cloned.1.call-start
scs
__scs_entry_jumppad:
0x0: {  	(pc) =	sbr.rel $0x88, $3  }
0x1: {  	(tag) =	ssettag $0x0;
	lr =	simm.s32 $0x1  }
0x2: {  	[smem:$0x3F9D] =	sst lr;
	_ =	strace $0xD0000000  }
0x3: {  	_ = 	snop  }
0x4: {  	_ = 	snop  }
0x5: {  	_ = 	snop  }
0x6: {  	_ = 	snop  }
0x7: {  	_ = 	snop  }
__scs_overlays_trampoline_lowered:
0x8: {  	[smem:$0x3FAC] =	sst s0  }
0x9: {  	[smem:$0x3FAD] =	sst s1  }
0xa: {  	[smem:$0x3FAE] =	sst s2  }
0xb: {  	[smem:$0x3FAF] =	sst s3  }
0xc: {  	[smem:$0x3FB0] =	sst s4  }
0xd: {  	[smem:$0x3FB1] =	sst s5  }
0xe: {  	[smem:$0x3FB2] =	sst s6  }
0xf: {  	[smem:$0x3FB3] =	sst s7  }
0x10: {  	[smem:$0x3FB4] =	sst s8  }
0x11: {  	[smem:$0x3FB5] =	sst s9;
	s0 =	simm.s32 @!p0 $0x0  }
0x12: {  	s1 =	sld [smem:$0x3F9B];
	s0 =	simm.s32 @p0 $0x1  }
0x13: {  	[smem:$0x3FB6] =	sst s0;
	s0 =	simm.s32 @!p1 $0x0  }
0x14: {  	s2 =	sld [smem:$0x3F9A];
	s0 =	simm.s32 @p1 $0x1  }
0x15: {  	[smem:$0x3FB7] =	sst s0;
	s0 =	simm.s32 @!p2 $0x0  }
0x16: {  	s3 =	sld [smem:$0x3FDB];
	s0 =	simm.s32 @p2 $0x1  }
0x17: {  	s4 =	simm.s32 $0x1BF5;
	[smem:$0x3FB9] =	sst s0  }
0x18: {  	s0 =	sld [smem:$0x3F9C];
	_ =	swait.ge [sflag:s4], $0x0  }
0x19: {  	s7 =	sld [smem:$0x3F9D]  }
0x1a: {  	s8 =	sadd.s32 $0xFFFFE003, lr  }
0x1b: {  	s9 =	sadd.s32 $0xFFFFFEF7, lr;
	s5 =	simm.s32 $0xFFFFFFFF;
	p2 =	slt.u32 s8, $0xFFFFF086  }
0x1c: {  	p1 =	slt.u32 s9, $0xF7A;
	s5 =	simm.s32 @!p2 $0x0  }
0x1d: {  	s5 =	simm.s32 @p1 $0x1;
	p0 =	seq.s32 s7, s2  }
0x1e: {  	s7 =	smul.u32 @!p0 $0xF7A, s2;
	p2 =	seq.s32 @!p0 s5, $0x0  }
0x1f: {  	s9 =	smul.u32 $0xF7A, s1;
	s8 =	simm.s32 @!p0 $0x1BF5;
	p2 =	por !p2, p0  }
0x20: {  	[sflag:s8] =	ssyncset.s32 @!p0 $0xFFFFF086;
	s6 =	sadd.s32 @!p0 s3, s7;
	s7 =	simm.s32 @!p0 $0x108  }
0x21: {  	s3 =	sadd.s32 s3, s9;
	s6 =	sadd.s32 @!p0 $0x88, s6;
	s7 =	simm.s32 @p2 $0x1082  }
0x22: {  	[simem:s7], [sflag:s8] =	dma.local @!p0 [hbm:s6], $0xF7A  }
0x23: {  	s9 =	sor.u32 $0xD0000000, s2;
	s6 =	simm.s32 $0x108;
	_ =	swait.ge @!p0 [sflag:s8], $0x0  }
0x24: {  	s3 =	sadd.s32 $0x88, s3;
	s6 =	simm.s32 @!p1 $0x1082;
	[sflag:s4] =	ssyncset.s32 $0xFFFFF086  }
0x25: {  	[simem:s6], [sflag:s4] =	dma.local [hbm:s3], $0xF7A  }
0x26: {  	[smem:$0x3F9D] =	sst s1;
	(tag) =	ssettag s2;
	_ =	strace s9  }
0x27: {  	s1 =	sld [smem:$0x3FAD]  }
0x28: {  	s2 =	sld [smem:$0x3FAE]  }
0x29: {  	s4 =	sld [smem:$0x3FB0]  }
0x2a: {  	p0 =	seq.s32 s5, $0x0;
	s5 =	sld [smem:$0x3FB1]  }
0x2b: {  	s6 =	sld [smem:$0x3FB2]  }
0x2c: {  	s7 =	sld [smem:$0x3FB3]  }
0x2d: {  	s3 =	simm.s32 $0x108;
	s8 =	sld [smem:$0x3FB4]  }
0x2e: {  	s3 =	simm.s32 @!p0 $0x1082;
	s9 =	sld [smem:$0x3FB5]  }
0x2f: {  	lr =	sadd.s32 s0, s3;
	s0 =	sld [smem:$0x3FAC]  }
0x30: {  	s3 =	sld [smem:$0x3FAF]  }
0x31: {  	[smem:$0x3FB8] =	sst s10  }
0x32: {  	s10 =	sld [smem:$0x3FB6];
	_ =	sdelay $0x3  }
0x33: {  	p0 =	seq.s32 s10, $0x1;
	s10 =	sld [smem:$0x3FB8];
	_ =	sdelay $0x3  }
0x34: {  	[smem:$0x3FB8] =	sst s10  }
0x35: {  	s10 =	sld [smem:$0x3FB7];
	_ =	sdelay $0x3  }
0x36: {  	p1 =	seq.s32 s10, $0x1;
	s10 =	sld [smem:$0x3FB8];
	_ =	sdelay $0x3  }
0x37: {  	[smem:$0x3FB8] =	sst s10  }
0x38: {  	s10 =	sld [smem:$0x3FB9]  }
0x39: {  	_ = 	snop;
	(pc) =	sbr.ind lr, $3  }
0x3a: {  	_ = 	snop  }
0x3b: {  	_ = 	snop  }
0x3c: {  	p2 =	seq.s32 s10, $0x1;
	s10 =	sld [smem:$0x3FB8]  }
0x3d: {  	_ =	shalt  }
0x3e: {  	_ =	shalt  }
0x3f: {  	_ =	shalt  }
0x40: {  	_ =	shalt  }
0x41: {  	_ =	shalt  }
0x42: {  	_ =	shalt  }
0x43: {  	_ =	shalt  }
0x44: {  	_ =	shalt  }
0x45: {  	_ =	shalt  }
0x46: {  	_ =	shalt  }
0x47: {  	_ =	shalt  }
0x48: {  	_ =	shalt  }
0x49: {  	_ =	shalt  }
0x4a: {  	_ =	shalt  }
0x4b: {  	_ =	shalt  }
0x4c: {  	_ =	shalt  }
0x4d: {  	_ =	shalt  }
0x4e: {  	_ =	shalt  }
0x4f: {  	_ =	shalt  }
0x50: {  	_ =	shalt  }
0x51: {  	_ =	shalt  }
0x52: {  	_ =	shalt  }
0x53: {  	_ =	shalt  }
0x54: {  	_ =	shalt  }
0x55: {  	_ =	shalt  }
0x56: {  	_ =	shalt  }
0x57: {  	_ =	shalt  }
0x58: {  	_ =	shalt  }
0x59: {  	_ =	shalt  }
0x5a: {  	_ =	shalt  }
0x5b: {  	_ =	shalt  }
0x5c: {  	_ =	shalt  }
0x5d: {  	_ =	shalt  }
0x5e: {  	_ =	shalt  }
0x5f: {  	_ =	shalt  }
0x60: {  	_ =	shalt  }
0x61: {  	_ =	shalt  }
0x62: {  	_ =	shalt  }
0x63: {  	_ =	shalt  }
0x64: {  	_ =	shalt  }
0x65: {  	_ =	shalt  }
0x66: {  	_ =	shalt  }
0x67: {  	_ =	shalt  }
0x68: {  	_ =	shalt  }
0x69: {  	_ =	shalt  }
0x6a: {  	_ =	shalt  }
0x6b: {  	_ =	shalt  }
0x6c: {  	_ =	shalt  }
0x6d: {  	_ =	shalt  }
0x6e: {  	_ =	shalt  }
0x6f: {  	_ =	shalt  }
0x70: {  	_ =	shalt  }
0x71: {  	_ =	shalt  }
0x72: {  	_ =	shalt  }
0x73: {  	_ =	shalt  }
0x74: {  	_ =	shalt  }
0x75: {  	_ =	shalt  }
0x76: {  	_ =	shalt  }
0x77: {  	_ =	shalt  }
0x78: {  	_ =	shalt  }
0x79: {  	_ =	shalt  }
0x7a: {  	_ =	shalt  }
0x7b: {  	_ =	shalt  }
0x7c: {  	_ =	shalt  }
0x7d: {  	_ =	shalt  }
0x7e: {  	_ =	shalt  }
0x7f: {  	_ =	shalt  }
0x80: {  	_ =	shalt  }
0x81: {  	_ =	shalt  }
0x82: {  	_ =	shalt  }
0x83: {  	_ =	shalt  }
0x84: {  	_ =	shalt  }
0x85: {  	_ =	shalt  }
0x86: {  	_ =	shalt  }
0x87: {  	_ =	shalt  }
.Lfunc_end0:
.L_simem_size_0:
called_computation.1_lowered:
.L_overlay_start_0:
0x88: {  	s2 =	sld [smem:$0x3FD9]  }
0x89: {  	s3 =	sld [smem:$0x3FFE];
	_ =	sdelay $0x1  }
0x8a: {  	s1 =	srdreg.scid  }
0x8b: {  	s0 =	sand.u32 $0x1, s1  }
0x8c: {  	s17 =	sshll.u32 s0, $0xA;
	s2 =	sadd.s32 s3, s2  }
0x8d: {  	s2 =	sadd.s32 s2, s17  }
0x8e: {  	[smem:$0x3FC4] =	sst s2  }
0x8f: {  	_ = 	snop  }
0x90: {  	(tm) =	ssettm $0x1  }
0x91: {  	s18 =	sld [smem:$0x3FFB];
	_ =	sdelay $0x3  }
0x92: {  	_ =	strace s18  }
0x93: {  	s2 =	sld [smem:$0x3FFC];
	_ =	sdelay $0x3  }
0x94: {  	_ =	strace s2  }
0x95: {  	s2 =	sld [smem:$0x3FFD];
	_ =	sdelay $0x3  }
0x96: {  	_ =	strace s2  }
0x97: {  	_ =	strace $0x8FFFFFFF  }
0x98: {  	s19 =	sld [smem:$0x3FDB];
	_ =	sdelay $0x1  }
0x99: {  	s20 =	simm.s32 $_scs_section_size  }
0x9a: {  	s4 =	simm.s32 $_size__tile_overlayer_lowered;
	s5 =	simm.s32 $_tile_overlayer_lowered  }
0x9b: {  	s6 =	simm.s32 $0x1BFF;
	s21 =	sshll.u32 s5, $0x1;
	s3 =	sadd.s32 s20, s19  }
0x9c: {  	s22 =	simm.s32 $0x0;
	s4 =	sshll.u32 s4, $0x1;
	s5 =	sadd.s32 s21, s3  }
0x9d: {  	[timem:s22], [sflag:s6] =	dma.local [hbm:s5], s4  }
0x9e: {  	_ =	swait.ge [sflag:s6], s4  }
0x9f: {  	s4 =	ssub.s32 $0x0, s4;
	[sflag:s6] =	ssyncset.done $0x0  }
0xa0: {  	[sflag:s6] =	ssyncadd.s32 s4;
	_ =	sdelay $0x1  }
0xa1: {  	s23 =	simm.s32 $0x1B8B  }
0xa2: {  	_ =	swait.ge [sflag:s23], $0x1  }
0xa3: {  	[sflag:s23] =	ssyncset.done $0x0  }
0xa4: {  	[sflag:s23] =	ssyncadd.s32 $0xFFFFFFFF  }
0xa5: {  	s4 =	sld [smem:$0x0]  }
0xa6: {  	s5 =	sand.u32 $0xFFFFFFFE, s1  }
0xa7: {  	p0 =	sne.s32 s1, s5  }
0xa8: {  	s5 =	sshll.u32 @p0 s5, $0xE  }
0xa9: {  	s5 =	sadd.s32 @p0 $0x11B8D, s5;
	s6 =	sshll.u32 @p0 s4, $0x11  }
0xaa: {  	s5 =	sor.u32 @p0 s6, s5  }
0xab: {  	[sflag:s5] =	ssyncadd.remote.s32 @p0 $0x1;
	_ =	sdelay $0x1  }
0xac: {  	s5 =	simm.s32 @p0 $0x1B8D  }
0xad: {  	_ =	swait.eq @p0 [sflag:s5], $0x1  }
0xae: {  	[sflag:s5] =	ssyncadd.s32 @p0 $0xFFFFFFFF  }
0xaf: {  	s6 =	sshll.u32 @!p0 s1, $0xE  }
0xb0: {  	s6 =	sor.u32 @!p0 $0x4000, s6;
	s5 =	simm.s32 @!p0 $0x1B8D  }
0xb1: {  	s4 =	sshll.u32 @!p0 s4, $0x11;
	s6 =	sadd.s32 @!p0 $0x11B8D, s6;
	_ =	swait.eq @!p0 [sflag:s5], $0x1  }
0xb2: {  	s4 =	sor.u32 @!p0 s4, s6;
	[sflag:s5] =	ssyncadd.s32 @!p0 $0xFFFFFFFF  }
0xb3: {  	s25 =	simm.s32 $0x1B8E;
	s24 =	sld [smem:$0x3FFE];
	[sflag:s4] =	ssyncadd.remote.s32 @!p0 $0x1  }
0xb4: {  	s26 =	simm.s32 $execute0_lowered;
	[smem:$0x3FD2] =	sst s25  }
0xb5: {  	s5 =	sshll.u32 s26, $0x1;
	_ =	strace $0x80000049;
	[dreg:$0x1] =	wrdreg $0xFFFFFFFF  }
0xb6: {  	s28 =	simm.s32 $_size_execute0_lowered;
	s3 =	sadd.s32 s3, s5;
	[dreg:$0x0] =	wrdreg $0x0  }
0xb7: {  	s5 =	sshll.u32 s28, $0x1;
	[dreg:$0x2] =	wrdreg s3  }
0xb8: {  	[dreg:$0x3] =	wrdreg s5  }
0xb9: {  	[dreg:$0x4] =	wrdreg $0xC0  }
0xba: {  	_ =	task [dreg:s22], $0x5FFFF  }
0xbb: {  	[dreg:$0x1] =	wrdreg $0xFFFFFFFF  }
0xbc: {  	[dreg:$0x0] =	wrdreg $0x60  }
0xbd: {  	[dreg:$0x2] =	wrdreg s24  }
0xbe: {  	[dreg:$0x3] =	wrdreg $0xA  }
0xbf: {  	_ =	task.clear_ibuf [dreg:s22], $0x4FFFF;
	_ =	strace $0x90000049  }
0xc0: {  	s29 =	simm.s32 $0xA;
	_ =	strace $0x8000004B  }
0xc1: {  	_ =	swait.ge [sflag:s29], $0x1  }
0xc2: {  	[sflag:s29] =	ssyncadd.s32 $0xFFFFFFFF  }
0xc3: {  	_ =	strace $0x9000004B  }
0xc4: {  	_ =	sfence  }
0xc5: {  	s30 =	sld [smem:$0x0];
	_ =	sdelay $0x2  }
0xc6: {  	s31 =	sshll.u32 s1, $0xD;
	s1 =	sshrl.u32 s1, $0x2  }
0xc7: {  	s4 =	sand.u32 $0x4000, s31;
	s1 =	sadd.s32 s1, s30  }
0xc8: {  	s0 =	sor.u32 s4, s0;
	s1 =	sshll.u32 s1, $0x11  }
0xc9: {  	s0 =	sor.u32 s1, s0  }
0xca: {  	s0 =	sadd.s32 $0x8F2B, s0  }
0xcb: {  	[sflag:s0] =	ssyncadd.remote.s32 $0x1  }
0xcc: {  	_ =	sfence.sel $0xFFFF  }
0xcd: {  	[dreg:$0x0] =	wrdreg $0xFFFFFFFF;
	(pc) =	sbr.abs _section_cstart, $3  }
0xce: {  	[dreg:$0x1] =	wrdreg $0xFFFFFFFF  }
0xcf: {  	_ =	task.clear_ibuf [dreg:s22], $0x2FFFF;
	_ =	strace $0x9FFFFFFF  }
0xd0: {  	(tm) =	ssettm $0x7FFFFFFF  }
0xd1: {  	_ =	shalt  }
tec
execute0_lowered:
.L_overlay_start_1:
0x0: {  	(tag) =	ssettag $0x1  }
0x1: {  	s0 =	rddreg [dreg:$0x0];
	s1 =	simm.s32 $0x0;
	s2 =	srdreg.scid  }
0x2: {  	s5 =	stileid.u32;
	s12 =	simm.s32 $0x200;
	s19 =	simm.s32 $0xC200  }
0x3: {  	s28 =	simm.s32 $0x1;
	s29 =	simm.s32 $0x2;
	s9 =	simm.s32 $0x10A00  }
0x4: {  	s10 =	simm.s32 $0x11200;
	s11 =	simm.s32 $0x12200;
	s13 =	simm.s32 $0x12A00  }
0x5: {  	s14 =	simm.s32 $0x12E00;
	s15 =	simm.s32 $0x13600;
	s16 =	simm.s32 $0x13A00  }
0x6: {  	s17 =	simm.s32 $0x14200;
	s18 =	simm.s32 $0x14600;
	s20 =	simm.s32 $0x14E00  }
0x7: {  	s21 =	simm.s32 $0x15200;
	s22 =	simm.s32 $0x15A00;
	s23 =	simm.s32 $0x15E00  }
0x8: {  	s24 =	simm.s32 $0x16600;
	s25 =	simm.s32 $0x16A00;
	[smem:$0x7FF] =	sst s1  }
0x9: {  	s3 =	sadd.s32 $0x143600, s0;
	s2 =	sand.u32 $0x1, s2;
	s4 =	sshll.u32 s5, $0x3  }
0xa: {  	s5 =	sshll.u32 s5, $0xA;
	_ =	strace $0x8000004A;
	s6 =	sshll.u32 s2, $0x9  }
0xb: {  	s7 =	sand.u32 $0x70, s4;
	s2 =	ssub.s32 $0x2, s2;
	s4 =	sor.u32 s6, s5  }
0xc: {  	s26 =	sadd.s32 s7, s0;
	s30 =	sshrl.u32 s2, $0x1;
	s5 =	sadd.s32 $0x2C3600, s0  }
0xd: {  	s7 =	sadd.s32 $0x143700, s0;
	s8 =	sand.u32 $0x600, s4;
	s2 =	ssub.s32 s2, s30  }
0xe: {  	v2 =	vlaneseq.u32;
	s6 =	sadd.s32 s8, s26;
	s31 =	smax.u32 s2, $0x1;
	s2 =	simm.s32 $0x0  }
0xf: {  	vm0 =	vmmov $0xffff;
	vm1 =	vmmov $0xff;
	v1 =	vshrl.u32 v2, $0x3;
	s8 =	simm.s32 $0x11E00;
	s6 =	sadd.s32 $0x3E00, s6;
	[dreg:$0x3] =	wrdreg s31  }
0x10: {  	v0 =	vand.u32 $0x7, v2;
	v2 =	vor.u32 $0x8, v2;
	v1 =	vmul.u32 $0x8, v1;
	s26 =	simm.s32 $0x17200;
	[dreg:$0x2] =	wrdreg s6;
	s6 =	simm.s32 $0x11600  }
.LBB2_1:
0x11: {  	s30 =	rddreg [dreg:$0x2];
	s31 =	simm.s32 $0x80;
	s0 =	simm.s32 $0x400  }
0x12: {  	[tilespmem:s1], [sflag:$0x5] =	stream.strided.gather [hbm4b:s30+s31], $0x200, s0, s31, $0x38;
	[tilespmem:$0x18200] =	vst v63  }
0x13: {  	[dreg:$0x4] =	wrdreg s2;
	s31 =	simm.s32 $0x5  }
0x14: {  	p0 =	por $0x1, $0x1;
	_ =	swait.ge [sflag:s31], $0x200  }
0x15: {  	p1 =	por $0x0, $0x0;
	s2 =	simm.s32 $0x17E00;
	[sflag:s31] =	ssyncset.done $0x0  }
0x16: {  	s30 =	simm.s32 $0x0;
	s0 =	simm.s32 $0x17600;
	[sflag:s31] =	ssyncadd.s32 $0xFFFFFE00  }
.LBB2_2:
0x17: {  	s31 =	simm.s32 @p1 $0x3  }
0x18: {  	_ =	swait.ge @p1 [sflag:s31], $0xC000  }
0x19: {  	[sflag:s31] =	ssyncset.done @p1 $0x0  }
0x1a: {  	[sflag:s31] =	ssyncadd.s32 @p1 $0xFFFF4000;
	s31 =	simm.s32 @p1 $0x4  }
0x1b: {  	_ =	swait.ge @p1 [sflag:s31], $0xC000  }
0x1c: {  	[sflag:s31] =	ssyncset.done @p1 $0x0  }
0x1d: {  	[sflag:s31] =	ssyncadd.s32 @p1 $0xFFFF4000  }
0x1e: {  	v3 =	vld [tilespmem:s30+$0x0];
	_ =	sdelay $0x4  }
0x1f: {  	v4 =	vshrl.u32 v3, $0x3  }
0x20: {  	v4 =	vmul.u32 $0x18, v4  }
0x21: {  	v3 =	vand.u32 $0x7, v3  }
0x22: {  	v3 =	vor.u32 v3, v4  }
0x23: {  	v4 =	vperm.xlane v3, v0;
	_ =	sdelay $0x1  }
0x24: {  	v4 =	vadd.s32 v1, v4;
	_ =	sdelay $0x1  }
0x25: {  	v3 =	vperm.xlane v3, v2;
	_ =	sdelay $0x1  }
0x26: {  	v3 =	vadd.s32 v1, v3  }
0x27: {  	[tilespmem:s12], [sflag:$0x1] =	stream.indirect_vreg.gather [hbm4b:s3+s1], $0x80, v4, vm0, $0xb8;
	[tilespmem:$0x18200] =	vst v63  }
0x28: {  	s31 =	simm.s32 $0xA00  }
0x29: {  	[tilespmem:s31], [sflag:$0x1] =	stream.indirect_vreg.gather [hbm4b:s7+s1], $0x80, v4, vm1, $0xb8;
	[tilespmem:$0x18200] =	vst v63  }
0x2a: {  	s31 =	simm.s32 $0xE00  }
0x2b: {  	[tilespmem:s31], [sflag:$0x1] =	stream.indirect_vreg.gather [hbm4b:s3+s1], $0x80, v3, vm0, $0xb8;
	[tilespmem:$0x18200] =	vst v63  }
0x2c: {  	s31 =	simm.s32 $0x1600  }
0x2d: {  	[tilespmem:s31], [sflag:$0x1] =	stream.indirect_vreg.gather [hbm4b:s7+s1], $0x80, v3, vm1, $0xb8;
	[tilespmem:$0x18200] =	vst v63  }
0x2e: {  	v3 =	vld [tilespmem:s30+$0x10];
	_ =	sdelay $0x4  }
0x2f: {  	v49 =	vshrl.u32 v3, $0x3  }
0x30: {  	v4 =	vmul.u32 $0x18, v49  }
0x31: {  	v3 =	vand.u32 $0x7, v3  }
0x32: {  	v3 =	vor.u32 v3, v4  }
0x33: {  	v4 =	vperm.xlane v3, v0;
	_ =	sdelay $0x1  }
0x34: {  	v4 =	vadd.s32 v1, v4;
	_ =	sdelay $0x1  }
0x35: {  	v3 =	vperm.xlane v3, v2;
	_ =	sdelay $0x1  }
0x36: {  	s31 =	simm.s32 $0x1A00;
	v3 =	vadd.s32 v1, v3  }
0x37: {  	[tilespmem:s31], [sflag:$0x1] =	stream.indirect_vreg.gather [hbm4b:s3+s1], $0x80, v4, vm0, $0xb8;
	[tilespmem:$0x18200] =	vst v63  }
0x38: {  	s31 =	simm.s32 $0x2200  }
0x39: {  	[tilespmem:s31], [sflag:$0x1] =	stream.indirect_vreg.gather [hbm4b:s7+s1], $0x80, v4, vm1, $0xb8;
	[tilespmem:$0x18200] =	vst v63  }
0x3a: {  	s31 =	simm.s32 $0x2600  }
0x3b: {  	[tilespmem:s31], [sflag:$0x1] =	stream.indirect_vreg.gather [hbm4b:s3+s1], $0x80, v3, vm0, $0xb8;
	[tilespmem:$0x18200] =	vst v63  }
0x3c: {  	s31 =	simm.s32 $0x2E00  }
0x3d: {  	[tilespmem:s31], [sflag:$0x1] =	stream.indirect_vreg.gather [hbm4b:s7+s1], $0x80, v3, vm1, $0xb8;
	[tilespmem:$0x18200] =	vst v63  }
0x3e: {  	v3 =	vld [tilespmem:s30+$0x20];
	_ =	sdelay $0x4  }
0x3f: {  	v50 =	vshrl.u32 v3, $0x3  }
0x40: {  	v4 =	vmul.u32 $0x18, v50  }
0x41: {  	v3 =	vand.u32 $0x7, v3  }
0x42: {  	v3 =	vor.u32 v3, v4  }
0x43: {  	v4 =	vperm.xlane v3, v0;
	_ =	sdelay $0x1  }
0x44: {  	v4 =	vadd.s32 v1, v4;
	_ =	sdelay $0x1  }
0x45: {  	v3 =	vperm.xlane v3, v2;
	_ =	sdelay $0x1  }
0x46: {  	s31 =	simm.s32 $0x3200;
	v3 =	vadd.s32 v1, v3  }
0x47: {  	[tilespmem:s31], [sflag:$0x1] =	stream.indirect_vreg.gather [hbm4b:s3+s1], $0x80, v4, vm0, $0xb8;
	[tilespmem:$0x18200] =	vst v63  }
0x48: {  	s31 =	simm.s32 $0x3A00  }
0x49: {  	[tilespmem:s31], [sflag:$0x1] =	stream.indirect_vreg.gather [hbm4b:s7+s1], $0x80, v4, vm1, $0xb8;
	[tilespmem:$0x18200] =	vst v63  }
0x4a: {  	s31 =	simm.s32 $0x3E00  }
0x4b: {  	[tilespmem:s31], [sflag:$0x1] =	stream.indirect_vreg.gather [hbm4b:s3+s1], $0x80, v3, vm0, $0xb8;
	[tilespmem:$0x18200] =	vst v63  }
0x4c: {  	s31 =	simm.s32 $0x4600  }
0x4d: {  	[tilespmem:s31], [sflag:$0x1] =	stream.indirect_vreg.gather [hbm4b:s7+s1], $0x80, v3, vm1, $0xb8;
	[tilespmem:$0x18200] =	vst v63  }
0x4e: {  	v3 =	vld [tilespmem:s30+$0x30];
	_ =	sdelay $0x4  }
0x4f: {  	v51 =	vshrl.u32 v3, $0x3  }
0x50: {  	v4 =	vmul.u32 $0x18, v51  }
0x51: {  	v3 =	vand.u32 $0x7, v3  }
0x52: {  	v3 =	vor.u32 v3, v4  }
0x53: {  	v4 =	vperm.xlane v3, v0;
	_ =	sdelay $0x1  }
0x54: {  	v4 =	vadd.s32 v1, v4;
	_ =	sdelay $0x1  }
0x55: {  	v3 =	vperm.xlane v3, v2;
	_ =	sdelay $0x1  }
0x56: {  	s31 =	simm.s32 $0x4A00;
	v3 =	vadd.s32 v1, v3  }
0x57: {  	[tilespmem:s31], [sflag:$0x1] =	stream.indirect_vreg.gather [hbm4b:s3+s1], $0x80, v4, vm0, $0xb8;
	[tilespmem:$0x18200] =	vst v63  }
0x58: {  	s31 =	simm.s32 $0x5200  }
0x59: {  	[tilespmem:s31], [sflag:$0x1] =	stream.indirect_vreg.gather [hbm4b:s7+s1], $0x80, v4, vm1, $0xb8;
	[tilespmem:$0x18200] =	vst v63  }
0x5a: {  	s31 =	simm.s32 $0x5600  }
0x5b: {  	[tilespmem:s31], [sflag:$0x1] =	stream.indirect_vreg.gather [hbm4b:s3+s1], $0x80, v3, vm0, $0xb8;
	[tilespmem:$0x18200] =	vst v63  }
0x5c: {  	s31 =	simm.s32 $0x5E00  }
0x5d: {  	[tilespmem:s31], [sflag:$0x1] =	stream.indirect_vreg.gather [hbm4b:s7+s1], $0x80, v3, vm1, $0xb8;
	[tilespmem:$0x18200] =	vst v63  }
0x5e: {  	v3 =	vld [tilespmem:s30+$0x40];
	_ =	sdelay $0x4  }
0x5f: {  	v52 =	vshrl.u32 v3, $0x3  }
0x60: {  	v4 =	vmul.u32 $0x18, v52  }
0x61: {  	v3 =	vand.u32 $0x7, v3  }
0x62: {  	v3 =	vor.u32 v3, v4  }
0x63: {  	v4 =	vperm.xlane v3, v0;
	_ =	sdelay $0x1  }
0x64: {  	v4 =	vadd.s32 v1, v4;
	_ =	sdelay $0x1  }
0x65: {  	v3 =	vperm.xlane v3, v2;
	_ =	sdelay $0x1  }
0x66: {  	s31 =	simm.s32 $0x6200;
	v3 =	vadd.s32 v1, v3  }
0x67: {  	[tilespmem:s31], [sflag:$0x1] =	stream.indirect_vreg.gather [hbm4b:s3+s1], $0x80, v4, vm0, $0xb8;
	[tilespmem:$0x18200] =	vst v63  }
0x68: {  	s31 =	simm.s32 $0x6A00  }
0x69: {  	[tilespmem:s31], [sflag:$0x1] =	stream.indirect_vreg.gather [hbm4b:s7+s1], $0x80, v4, vm1, $0xb8;
	[tilespmem:$0x18200] =	vst v63  }
0x6a: {  	s31 =	simm.s32 $0x6E00  }
0x6b: {  	[tilespmem:s31], [sflag:$0x1] =	stream.indirect_vreg.gather [hbm4b:s3+s1], $0x80, v3, vm0, $0xb8;
	[tilespmem:$0x18200] =	vst v63  }
0x6c: {  	s31 =	simm.s32 $0x7600  }
0x6d: {  	[tilespmem:s31], [sflag:$0x1] =	stream.indirect_vreg.gather [hbm4b:s7+s1], $0x80, v3, vm1, $0xb8;
	[tilespmem:$0x18200] =	vst v63  }
0x6e: {  	v3 =	vld [tilespmem:s30+$0x50];
	_ =	sdelay $0x4  }
0x6f: {  	v53 =	vshrl.u32 v3, $0x3  }
0x70: {  	v4 =	vmul.u32 $0x18, v53  }
0x71: {  	v3 =	vand.u32 $0x7, v3  }
0x72: {  	v3 =	vor.u32 v3, v4  }
0x73: {  	v4 =	vperm.xlane v3, v0;
	_ =	sdelay $0x1  }
0x74: {  	v4 =	vadd.s32 v1, v4;
	_ =	sdelay $0x1  }
0x75: {  	v3 =	vperm.xlane v3, v2;
	_ =	sdelay $0x1  }
0x76: {  	s31 =	simm.s32 $0x7A00;
	v3 =	vadd.s32 v1, v3  }
0x77: {  	[tilespmem:s31], [sflag:$0x1] =	stream.indirect_vreg.gather [hbm4b:s3+s1], $0x80, v4, vm0, $0xb8;
	[tilespmem:$0x18200] =	vst v63  }
0x78: {  	s31 =	simm.s32 $0x8200  }
0x79: {  	[tilespmem:s31], [sflag:$0x1] =	stream.indirect_vreg.gather [hbm4b:s7+s1], $0x80, v4, vm1, $0xb8;
	[tilespmem:$0x18200] =	vst v63  }
0x7a: {  	s31 =	simm.s32 $0x8600  }
0x7b: {  	[tilespmem:s31], [sflag:$0x1] =	stream.indirect_vreg.gather [hbm4b:s3+s1], $0x80, v3, vm0, $0xb8;
	[tilespmem:$0x18200] =	vst v63  }
0x7c: {  	s31 =	simm.s32 $0x8E00  }
0x7d: {  	[tilespmem:s31], [sflag:$0x1] =	stream.indirect_vreg.gather [hbm4b:s7+s1], $0x80, v3, vm1, $0xb8;
	[tilespmem:$0x18200] =	vst v63  }
0x7e: {  	v3 =	vld [tilespmem:s30+$0x60];
	_ =	sdelay $0x4  }
0x7f: {  	v54 =	vshrl.u32 v3, $0x3  }
0x80: {  	v4 =	vmul.u32 $0x18, v54  }
0x81: {  	v3 =	vand.u32 $0x7, v3  }
0x82: {  	v3 =	vor.u32 v3, v4  }
0x83: {  	v4 =	vperm.xlane v3, v0;
	_ =	sdelay $0x1  }
0x84: {  	v4 =	vadd.s32 v1, v4;
	_ =	sdelay $0x1  }
0x85: {  	v3 =	vperm.xlane v3, v2;
	_ =	sdelay $0x1  }
0x86: {  	s31 =	simm.s32 $0x9200;
	v3 =	vadd.s32 v1, v3  }
0x87: {  	[tilespmem:s31], [sflag:$0x1] =	stream.indirect_vreg.gather [hbm4b:s3+s1], $0x80, v4, vm0, $0xb8;
	[tilespmem:$0x18200] =	vst v63  }
0x88: {  	s31 =	simm.s32 $0x9A00  }
0x89: {  	[tilespmem:s31], [sflag:$0x1] =	stream.indirect_vreg.gather [hbm4b:s7+s1], $0x80, v4, vm1, $0xb8;
	[tilespmem:$0x18200] =	vst v63  }
0x8a: {  	s31 =	simm.s32 $0x9E00  }
0x8b: {  	[tilespmem:s31], [sflag:$0x1] =	stream.indirect_vreg.gather [hbm4b:s3+s1], $0x80, v3, vm0, $0xb8;
	[tilespmem:$0x18200] =	vst v63  }
0x8c: {  	s31 =	simm.s32 $0xA600  }
0x8d: {  	[tilespmem:s31], [sflag:$0x1] =	stream.indirect_vreg.gather [hbm4b:s7+s1], $0x80, v3, vm1, $0xb8;
	[tilespmem:$0x18200] =	vst v63  }
0x8e: {  	v3 =	vld [tilespmem:s30+$0x70];
	_ =	sdelay $0x4  }
0x8f: {  	v55 =	vshrl.u32 v3, $0x3  }
0x90: {  	v4 =	vmul.u32 $0x18, v55  }
0x91: {  	v3 =	vand.u32 $0x7, v3  }
0x92: {  	v3 =	vor.u32 v3, v4  }
0x93: {  	v4 =	vperm.xlane v3, v0;
	_ =	sdelay $0x1  }
0x94: {  	v4 =	vadd.s32 v1, v4;
	_ =	sdelay $0x1  }
0x95: {  	v3 =	vperm.xlane v3, v2;
	_ =	sdelay $0x1  }
0x96: {  	s31 =	simm.s32 $0xAA00;
	v3 =	vadd.s32 v1, v3  }
0x97: {  	[tilespmem:s31], [sflag:$0x1] =	stream.indirect_vreg.gather [hbm4b:s3+s1], $0x80, v4, vm0, $0xb8;
	[tilespmem:$0x18200] =	vst v63  }
0x98: {  	s31 =	simm.s32 $0xB200  }
0x99: {  	[tilespmem:s31], [sflag:$0x1] =	stream.indirect_vreg.gather [hbm4b:s7+s1], $0x80, v4, vm1, $0xb8;
	[tilespmem:$0x18200] =	vst v63  }
0x9a: {  	s31 =	simm.s32 $0xB600  }
0x9b: {  	[tilespmem:s31], [sflag:$0x1] =	stream.indirect_vreg.gather [hbm4b:s3+s1], $0x80, v3, vm0, $0xb8;
	[tilespmem:$0x18200] =	vst v63  }
0x9c: {  	s31 =	simm.s32 $0xBE00  }
0x9d: {  	[tilespmem:s31], [sflag:$0x1] =	stream.indirect_vreg.gather [hbm4b:s7+s1], $0x80, v3, vm1, $0xb8;
	[tilespmem:$0x18200] =	vst v63  }
0x9e: {  	v3 =	vld [tilespmem:s30+$0x80];
	_ =	sdelay $0x4  }
0x9f: {  	v56 =	vshrl.u32 v3, $0x3  }
0xa0: {  	v4 =	vmul.u32 $0x18, v56  }
0xa1: {  	v3 =	vand.u32 $0x7, v3  }
0xa2: {  	v3 =	vor.u32 v3, v4  }
0xa3: {  	v4 =	vperm.xlane v3, v0;
	_ =	sdelay $0x1  }
0xa4: {  	v4 =	vadd.s32 v1, v4;
	_ =	sdelay $0x1  }
0xa5: {  	v3 =	vperm.xlane v3, v2;
	_ =	sdelay $0x1  }
0xa6: {  	v3 =	vadd.s32 v1, v3  }
0xa7: {  	[tilespmem:s19], [sflag:$0x2] =	stream.indirect_vreg.gather [hbm4b:s3+s1], $0x80, v4, vm0, $0xb8;
	[tilespmem:$0x18200] =	vst v63  }
0xa8: {  	s31 =	simm.s32 $0xCA00  }
0xa9: {  	[tilespmem:s31], [sflag:$0x2] =	stream.indirect_vreg.gather [hbm4b:s7+s1], $0x80, v4, vm1, $0xb8;
	[tilespmem:$0x18200] =	vst v63  }
0xaa: {  	s31 =	simm.s32 $0xCE00  }
0xab: {  	[tilespmem:s31], [sflag:$0x2] =	stream.indirect_vreg.gather [hbm4b:s3+s1], $0x80, v3, vm0, $0xb8;
	[tilespmem:$0x18200] =	vst v63  }
0xac: {  	s31 =	simm.s32 $0xD600  }
0xad: {  	[tilespmem:s31], [sflag:$0x2] =	stream.indirect_vreg.gather [hbm4b:s7+s1], $0x80, v3, vm1, $0xb8;
	[tilespmem:$0x18200] =	vst v63  }
0xae: {  	v3 =	vld [tilespmem:s30+$0x90];
	_ =	sdelay $0x4  }
0xaf: {  	v57 =	vshrl.u32 v3, $0x3  }
0xb0: {  	v4 =	vmul.u32 $0x18, v57  }
0xb1: {  	v3 =	vand.u32 $0x7, v3  }
0xb2: {  	v3 =	vor.u32 v3, v4  }
0xb3: {  	v4 =	vperm.xlane v3, v0;
	_ =	sdelay $0x1  }
0xb4: {  	v4 =	vadd.s32 v1, v4;
	_ =	sdelay $0x1  }
0xb5: {  	v3 =	vperm.xlane v3, v2;
	_ =	sdelay $0x1  }
0xb6: {  	s31 =	simm.s32 $0xDA00;
	v3 =	vadd.s32 v1, v3  }
0xb7: {  	[tilespmem:s31], [sflag:$0x2] =	stream.indirect_vreg.gather [hbm4b:s3+s1], $0x80, v4, vm0, $0xb8;
	[tilespmem:$0x18200] =	vst v63  }
0xb8: {  	s31 =	simm.s32 $0xE200  }
0xb9: {  	[tilespmem:s31], [sflag:$0x2] =	stream.indirect_vreg.gather [hbm4b:s7+s1], $0x80, v4, vm1, $0xb8;
	[tilespmem:$0x18200] =	vst v63  }
0xba: {  	s31 =	simm.s32 $0xE600  }
0xbb: {  	[tilespmem:s31], [sflag:$0x2] =	stream.indirect_vreg.gather [hbm4b:s3+s1], $0x80, v3, vm0, $0xb8;
	[tilespmem:$0x18200] =	vst v63  }
0xbc: {  	s31 =	simm.s32 $0xEE00  }
0xbd: {  	[tilespmem:s31], [sflag:$0x2] =	stream.indirect_vreg.gather [hbm4b:s7+s1], $0x80, v3, vm1, $0xb8;
	[tilespmem:$0x18200] =	vst v63  }
0xbe: {  	v3 =	vld [tilespmem:s30+$0xA0];
	_ =	sdelay $0x4  }
0xbf: {  	v58 =	vshrl.u32 v3, $0x3  }
0xc0: {  	v4 =	vmul.u32 $0x18, v58  }
0xc1: {  	v3 =	vand.u32 $0x7, v3  }
0xc2: {  	v3 =	vor.u32 v3, v4  }
0xc3: {  	v4 =	vperm.xlane v3, v0;
	_ =	sdelay $0x1  }
0xc4: {  	v4 =	vadd.s32 v1, v4;
	_ =	sdelay $0x1  }
0xc5: {  	v3 =	vperm.xlane v3, v2;
	_ =	sdelay $0x1  }
0xc6: {  	s31 =	simm.s32 $0xF200;
	v3 =	vadd.s32 v1, v3  }
0xc7: {  	[tilespmem:s31], [sflag:$0x2] =	stream.indirect_vreg.gather [hbm4b:s3+s1], $0x80, v4, vm0, $0xb8;
	[tilespmem:$0x18200] =	vst v63  }
0xc8: {  	s31 =	simm.s32 $0xFA00  }
0xc9: {  	[tilespmem:s31], [sflag:$0x2] =	stream.indirect_vreg.gather [hbm4b:s7+s1], $0x80, v4, vm1, $0xb8;
	[tilespmem:$0x18200] =	vst v63  }
0xca: {  	s31 =	simm.s32 $0xFE00  }
0xcb: {  	[tilespmem:s31], [sflag:$0x2] =	stream.indirect_vreg.gather [hbm4b:s3+s1], $0x80, v3, vm0, $0xb8;
	[tilespmem:$0x18200] =	vst v63  }
0xcc: {  	s31 =	simm.s32 $0x10600  }
0xcd: {  	[tilespmem:s31], [sflag:$0x2] =	stream.indirect_vreg.gather [hbm4b:s7+s1], $0x80, v3, vm1, $0xb8;
	[tilespmem:$0x18200] =	vst v63  }
0xce: {  	v3 =	vld [tilespmem:s30+$0xB0];
	_ =	sdelay $0x4  }
0xcf: {  	v59 =	vshrl.u32 v3, $0x3  }
0xd0: {  	v4 =	vmul.u32 $0x18, v59  }
0xd1: {  	v3 =	vand.u32 $0x7, v3  }
0xd2: {  	v3 =	vor.u32 v3, v4  }
0xd3: {  	v4 =	vperm.xlane v3, v0;
	_ =	sdelay $0x1  }
0xd4: {  	v4 =	vadd.s32 v1, v4;
	_ =	sdelay $0x1  }
0xd5: {  	v3 =	vperm.xlane v3, v2;
	_ =	sdelay $0x1  }
0xd6: {  	v3 =	vadd.s32 v1, v3  }
0xd7: {  	[tilespmem:s9], [sflag:$0x2] =	stream.indirect_vreg.gather [hbm4b:s3+s1], $0x80, v4, vm0, $0xb8;
	[tilespmem:$0x18200] =	vst v63  }
0xd8: {  	_ = 	snop  }
0xd9: {  	[tilespmem:s10], [sflag:$0x2] =	stream.indirect_vreg.gather [hbm4b:s7+s1], $0x80, v4, vm1, $0xb8;
	[tilespmem:$0x18200] =	vst v63  }
0xda: {  	_ = 	snop  }
0xdb: {  	[tilespmem:s6], [sflag:$0x2] =	stream.indirect_vreg.gather [hbm4b:s3+s1], $0x80, v3, vm0, $0xb8;
	[tilespmem:$0x18200] =	vst v63  }
0xdc: {  	_ = 	snop  }
0xdd: {  	[tilespmem:s8], [sflag:$0x2] =	stream.indirect_vreg.gather [hbm4b:s7+s1], $0x80, v3, vm1, $0xb8;
	[tilespmem:$0x18200] =	vst v63  }
0xde: {  	v3 =	vld [tilespmem:s30+$0xC0];
	_ =	sdelay $0x4  }
0xdf: {  	v60 =	vshrl.u32 v3, $0x3  }
0xe0: {  	v4 =	vmul.u32 $0x18, v60  }
0xe1: {  	v3 =	vand.u32 $0x7, v3  }
0xe2: {  	v3 =	vor.u32 v3, v4  }
0xe3: {  	v4 =	vperm.xlane v3, v0;
	_ =	sdelay $0x1  }
0xe4: {  	v4 =	vadd.s32 v1, v4;
	_ =	sdelay $0x1  }
0xe5: {  	v3 =	vperm.xlane v3, v2;
	_ =	sdelay $0x1  }
0xe6: {  	v3 =	vadd.s32 v1, v3  }
0xe7: {  	[tilespmem:s11], [sflag:$0x2] =	stream.indirect_vreg.gather [hbm4b:s3+s1], $0x80, v4, vm0, $0xb8;
	[tilespmem:$0x18200] =	vst v63  }
0xe8: {  	_ = 	snop  }
0xe9: {  	[tilespmem:s13], [sflag:$0x2] =	stream.indirect_vreg.gather [hbm4b:s7+s1], $0x80, v4, vm1, $0xb8;
	[tilespmem:$0x18200] =	vst v63  }
0xea: {  	_ = 	snop  }
0xeb: {  	[tilespmem:s14], [sflag:$0x2] =	stream.indirect_vreg.gather [hbm4b:s3+s1], $0x80, v3, vm0, $0xb8;
	[tilespmem:$0x18200] =	vst v63  }
0xec: {  	_ = 	snop  }
0xed: {  	[tilespmem:s15], [sflag:$0x2] =	stream.indirect_vreg.gather [hbm4b:s7+s1], $0x80, v3, vm1, $0xb8;
	[tilespmem:$0x18200] =	vst v63  }
0xee: {  	v3 =	vld [tilespmem:s30+$0xD0];
	_ =	sdelay $0x4  }
0xef: {  	v61 =	vshrl.u32 v3, $0x3  }
0xf0: {  	v4 =	vmul.u32 $0x18, v61  }
0xf1: {  	v3 =	vand.u32 $0x7, v3  }
0xf2: {  	v3 =	vor.u32 v3, v4  }
0xf3: {  	v4 =	vperm.xlane v3, v0;
	_ =	sdelay $0x1  }
0xf4: {  	v4 =	vadd.s32 v1, v4;
	_ =	sdelay $0x1  }
0xf5: {  	v3 =	vperm.xlane v3, v2;
	_ =	sdelay $0x1  }
0xf6: {  	v3 =	vadd.s32 v1, v3  }
0xf7: {  	[tilespmem:s16], [sflag:$0x2] =	stream.indirect_vreg.gather [hbm4b:s3+s1], $0x80, v4, vm0, $0xb8;
	[tilespmem:$0x18200] =	vst v63  }
0xf8: {  	_ = 	snop  }
0xf9: {  	[tilespmem:s17], [sflag:$0x2] =	stream.indirect_vreg.gather [hbm4b:s7+s1], $0x80, v4, vm1, $0xb8;
	[tilespmem:$0x18200] =	vst v63  }
0xfa: {  	_ = 	snop  }
0xfb: {  	[tilespmem:s18], [sflag:$0x2] =	stream.indirect_vreg.gather [hbm4b:s3+s1], $0x80, v3, vm0, $0xb8;
	[tilespmem:$0x18200] =	vst v63  }
0xfc: {  	_ = 	snop  }
0xfd: {  	[tilespmem:s20], [sflag:$0x2] =	stream.indirect_vreg.gather [hbm4b:s7+s1], $0x80, v3, vm1, $0xb8;
	[tilespmem:$0x18200] =	vst v63  }
0xfe: {  	v3 =	vld [tilespmem:s30+$0xE0];
	_ =	sdelay $0x4  }
0xff: {  	v62 =	vshrl.u32 v3, $0x3  }
0x100: {  	v4 =	vmul.u32 $0x18, v62  }
0x101: {  	v3 =	vand.u32 $0x7, v3  }
0x102: {  	v3 =	vor.u32 v3, v4  }
0x103: {  	v4 =	vperm.xlane v3, v0;
	_ =	sdelay $0x1  }
0x104: {  	v4 =	vadd.s32 v1, v4;
	_ =	sdelay $0x1  }
0x105: {  	v3 =	vperm.xlane v3, v2;
	_ =	sdelay $0x1  }
0x106: {  	v3 =	vadd.s32 v1, v3  }
0x107: {  	[tilespmem:s21], [sflag:$0x2] =	stream.indirect_vreg.gather [hbm4b:s3+s1], $0x80, v4, vm0, $0xb8;
	[tilespmem:$0x18200] =	vst v63  }
0x108: {  	_ = 	snop  }
0x109: {  	[tilespmem:s22], [sflag:$0x2] =	stream.indirect_vreg.gather [hbm4b:s7+s1], $0x80, v4, vm1, $0xb8;
	[tilespmem:$0x18200] =	vst v63  }
0x10a: {  	_ = 	snop  }
0x10b: {  	[tilespmem:s23], [sflag:$0x2] =	stream.indirect_vreg.gather [hbm4b:s3+s1], $0x80, v3, vm0, $0xb8;
	[tilespmem:$0x18200] =	vst v63  }
0x10c: {  	_ = 	snop  }
0x10d: {  	[tilespmem:s24], [sflag:$0x2] =	stream.indirect_vreg.gather [hbm4b:s7+s1], $0x80, v3, vm1, $0xb8;
	[tilespmem:$0x18200] =	vst v63  }
0x10e: {  	v3 =	vld [tilespmem:s30+$0xF0];
	_ =	sdelay $0x4  }
0x10f: {  	v63 =	vshrl.u32 v3, $0x3  }
0x110: {  	v4 =	vmul.u32 $0x18, v63  }
0x111: {  	v3 =	vand.u32 $0x7, v3  }
0x112: {  	v3 =	vor.u32 v3, v4  }
0x113: {  	v4 =	vperm.xlane v3, v0;
	_ =	sdelay $0x1  }
0x114: {  	v4 =	vadd.s32 v1, v4;
	_ =	sdelay $0x1  }
0x115: {  	v3 =	vperm.xlane v3, v2;
	_ =	sdelay $0x1  }
0x116: {  	v3 =	vadd.s32 v1, v3  }
0x117: {  	[tilespmem:s25], [sflag:$0x2] =	stream.indirect_vreg.gather [hbm4b:s3+s1], $0x80, v4, vm0, $0xb8;
	[tilespmem:$0x18200] =	vst v63  }
0x118: {  	_ = 	snop  }
0x119: {  	[tilespmem:s26], [sflag:$0x2] =	stream.indirect_vreg.gather [hbm4b:s7+s1], $0x80, v4, vm1, $0xb8;
	[tilespmem:$0x18200] =	vst v63  }
0x11a: {  	s30 =	sor.u32 s4, s30  }
0x11b: {  	[tilespmem:s0], [sflag:$0x2] =	stream.indirect_vreg.gather [hbm4b:s3+s1], $0x80, v3, vm0, $0xb8;
	[tilespmem:$0x18200] =	vst v63  }
0x11c: {  	s30 =	sshrl.u32 s30, $0x3  }
0x11d: {  	[tilespmem:s2], [sflag:$0x2] =	stream.indirect_vreg.gather [hbm4b:s7+s1], $0x80, v3, vm1, $0xb8;
	[tilespmem:$0x18200] =	vst v63  }
0x11e: {  	s31 =	smul.u32 $0x180, s30;
	_ =	swait.ge [sflag:s28], $0xC000  }
0x11f: {  	p2 =	por p0, p0;
	[sflag:s28] =	ssyncset.done $0x0  }
0x120: {  	s30 =	smul.u32 $0xC00, s30;
	s31 =	sadd.s32 s5, s31;
	[sflag:s28] =	ssyncadd.s32 $0xFFFF4000  }
0x121: {  	[hbm4b:s31+s1] =	stream.linear.scatter [tilespmem:s12], [sflag:$0x3], $0xC000, $0x38;
	[tilespmem:$0x18200] =	vst v63  }
.Ltmp0:
0x122: {  	s30 =	sshrl.u32 s30, $0x3;
	_ =	swait.ge [sflag:s29], $0xC000;
	(pc) =	sbr.rel @p2 .LBB2_2-.Ltmp0, $4  }
0x123: {  	s30 =	sadd.s32 s5, s30;
	[sflag:s29] =	ssyncset.done $0x0  }
0x124: {  	s30 =	sadd.s32 $0x1800, s30;
	[sflag:s29] =	ssyncadd.s32 $0xFFFF4000  }
0x125: {  	[hbm4b:s30+s1] =	stream.linear.scatter [tilespmem:s19], [sflag:$0x4], $0xC000, $0x38;
	[tilespmem:$0x18200] =	vst v63  }
0x126: {  	p0 =	por $0x0, $0x0;
	p1 =	por $0x1, $0x1;
	s30 =	simm.s32 $0x100  }
0x127: {  	s0 =	simm.s32 $0x3  }
0x128: {  	_ =	swait.ge [sflag:s0], $0xC000  }
0x129: {  	[sflag:s0] =	ssyncset.done $0x0  }
0x12a: {  	s31 =	simm.s32 $0x4;
	[sflag:s0] =	ssyncadd.s32 $0xFFFF4000  }
0x12b: {  	_ =	swait.ge [sflag:s31], $0xC000  }
0x12c: {  	s2 =	rddreg [dreg:$0x4]  }
0x12d: {  	s30 =	rddreg [dreg:$0x3];
	s2 =	sadd.s32 $0x1, s2  }
0x12e: {  	p0 =	sne.s32 s2, s30  }
.Ltmp1:
0x12f: {  	_ = 	snop;
	(pc) =	sbr.rel @p0 .LBB2_1-.Ltmp1, $3  }
0x130: {  	_ =	sdelay $0x1  }
0x131: {  	[sflag:s31] =	ssyncset.done $0x0  }
0x132: {  	[sflag:s31] =	ssyncadd.s32 $0xFFFF4000  }
0x133: {  	_ =	sfence.sel $0x180000  }
0x134: {  	[bflag:$0x0] =	sbarrier.arrive $0xFFFF  }
0x135: {  	_ =	strace $0x9000004A  }
0x136: {  	s0 =	stileid.u32;
	[bflag:$0x2] =	sbarrier.arrive $0xFFFF  }
0x137: {  	p0 =	sne.s32 s0, $0x0;
	s0 =	rddreg [dreg:$0x1]  }
0x138: {  	s0 =	sadd.s32 @!p0 $0x100000, s0  }
0x139: {  	[sflag:s0] =	ssyncadd.tile.s32 @!p0 $0x1;
	_ =	shalt  }
.Lfunc_end2:
_tile_overlayer_lowered:
.L_overlay_start_2:
0x13a: {  	(tag) =	ssettag $0x2  }
0x13b: {  	s0 =	rddreg [dreg:$0x0];
	s2 =	stileid.u32  }
0x13c: {  	s1 =	rddreg [dreg:$0x1];
	p0 =	sne.s32 s2, $0x0  }
0x13d: {  	s3 =	rddreg [dreg:$0x2];
	[bflag:$0x3] =	sbarrier.arrive $0xFFFF;
	s2 =	simm.s32 @!p0 $0x1C05  }
0x13e: {  	[timem:s3], [sflag:s2] =	dma.local @!p0 [hbm:s0], s1  }
0x13f: {  	s0 =	simm.s32 @!p0 $0x5  }
0x140: {  	_ =	swait.ge @!p0 [sflag:s0], s1  }
0x141: {  	s1 =	ssub.s32 @!p0 $0x0, s1;
	[sflag:s0] =	ssyncset.done @!p0 $0x0  }
0x142: {  	[sflag:s0] =	ssyncadd.s32 @!p0 s1  }
0x143: {  	[bflag:$0x3] =	sbarrier.arrive $0xFFFF  }
0x144: {  	_ =	shalt  }

// kernel: kernel.24.cloned.1.call-start
scs
__scs_entry_jumppad:
0x0: {  	(pc) =	sbr.rel $0x88, $3  }
0x1: {  	(tag) =	ssettag $0x0;
	lr =	simm.s32 $0x1  }
0x2: {  	[smem:$0x3F9D] =	sst lr;
	_ =	strace $0xD0000000  }
0x3: {  	_ = 	snop  }
0x4: {  	_ = 	snop  }
0x5: {  	_ = 	snop  }
0x6: {  	_ = 	snop  }
0x7: {  	_ = 	snop  }
__scs_overlays_trampoline_lowered:
0x8: {  	[smem:$0x3FAC] =	sst s0  }
0x9: {  	[smem:$0x3FAD] =	sst s1  }
0xa: {  	[smem:$0x3FAE] =	sst s2  }
0xb: {  	[smem:$0x3FAF] =	sst s3  }
0xc: {  	[smem:$0x3FB0] =	sst s4  }
0xd: {  	[smem:$0x3FB1] =	sst s5  }
0xe: {  	[smem:$0x3FB2] =	sst s6  }
0xf: {  	[smem:$0x3FB3] =	sst s7  }
0x10: {  	[smem:$0x3FB4] =	sst s8  }
0x11: {  	[smem:$0x3FB5] =	sst s9;
	s0 =	simm.s32 @!p0 $0x0  }
0x12: {  	s1 =	sld [smem:$0x3F9B];
	s0 =	simm.s32 @p0 $0x1  }
0x13: {  	[smem:$0x3FB6] =	sst s0;
	s0 =	simm.s32 @!p1 $0x0  }
0x14: {  	s2 =	sld [smem:$0x3F9A];
	s0 =	simm.s32 @p1 $0x1  }
0x15: {  	[smem:$0x3FB7] =	sst s0;
	s0 =	simm.s32 @!p2 $0x0  }
0x16: {  	s3 =	sld [smem:$0x3FDB];
	s0 =	simm.s32 @p2 $0x1  }
0x17: {  	s4 =	simm.s32 $0x1BF5;
	[smem:$0x3FB9] =	sst s0  }
0x18: {  	s0 =	sld [smem:$0x3F9C];
	_ =	swait.ge [sflag:s4], $0x0  }
0x19: {  	s7 =	sld [smem:$0x3F9D]  }
0x1a: {  	s8 =	sadd.s32 $0xFFFFE003, lr  }
0x1b: {  	s9 =	sadd.s32 $0xFFFFFEF7, lr;
	s5 =	simm.s32 $0xFFFFFFFF;
	p2 =	slt.u32 s8, $0xFFFFF086  }
0x1c: {  	p1 =	slt.u32 s9, $0xF7A;
	s5 =	simm.s32 @!p2 $0x0  }
0x1d: {  	s5 =	simm.s32 @p1 $0x1;
	p0 =	seq.s32 s7, s2  }
0x1e: {  	s7 =	smul.u32 @!p0 $0xF7A, s2;
	p2 =	seq.s32 @!p0 s5, $0x0  }
0x1f: {  	s9 =	smul.u32 $0xF7A, s1;
	s8 =	simm.s32 @!p0 $0x1BF5;
	p2 =	por !p2, p0  }
0x20: {  	[sflag:s8] =	ssyncset.s32 @!p0 $0xFFFFF086;
	s6 =	sadd.s32 @!p0 s3, s7;
	s7 =	simm.s32 @!p0 $0x108  }
0x21: {  	s3 =	sadd.s32 s3, s9;
	s6 =	sadd.s32 @!p0 $0x88, s6;
	s7 =	simm.s32 @p2 $0x1082  }
0x22: {  	[simem:s7], [sflag:s8] =	dma.local @!p0 [hbm:s6], $0xF7A  }
0x23: {  	s9 =	sor.u32 $0xD0000000, s2;
	s6 =	simm.s32 $0x108;
	_ =	swait.ge @!p0 [sflag:s8], $0x0  }
0x24: {  	s3 =	sadd.s32 $0x88, s3;
	s6 =	simm.s32 @!p1 $0x1082;
	[sflag:s4] =	ssyncset.s32 $0xFFFFF086  }
0x25: {  	[simem:s6], [sflag:s4] =	dma.local [hbm:s3], $0xF7A  }
0x26: {  	[smem:$0x3F9D] =	sst s1;
	(tag) =	ssettag s2;
	_ =	strace s9  }
0x27: {  	s1 =	sld [smem:$0x3FAD]  }
0x28: {  	s2 =	sld [smem:$0x3FAE]  }
0x29: {  	s4 =	sld [smem:$0x3FB0]  }
0x2a: {  	p0 =	seq.s32 s5, $0x0;
	s5 =	sld [smem:$0x3FB1]  }
0x2b: {  	s6 =	sld [smem:$0x3FB2]  }
0x2c: {  	s7 =	sld [smem:$0x3FB3]  }
0x2d: {  	s3 =	simm.s32 $0x108;
	s8 =	sld [smem:$0x3FB4]  }
0x2e: {  	s3 =	simm.s32 @!p0 $0x1082;
	s9 =	sld [smem:$0x3FB5]  }
0x2f: {  	lr =	sadd.s32 s0, s3;
	s0 =	sld [smem:$0x3FAC]  }
0x30: {  	s3 =	sld [smem:$0x3FAF]  }
0x31: {  	[smem:$0x3FB8] =	sst s10  }
0x32: {  	s10 =	sld [smem:$0x3FB6];
	_ =	sdelay $0x3  }
0x33: {  	p0 =	seq.s32 s10, $0x1;
	s10 =	sld [smem:$0x3FB8];
	_ =	sdelay $0x3  }
0x34: {  	[smem:$0x3FB8] =	sst s10  }
0x35: {  	s10 =	sld [smem:$0x3FB7];
	_ =	sdelay $0x3  }
0x36: {  	p1 =	seq.s32 s10, $0x1;
	s10 =	sld [smem:$0x3FB8];
	_ =	sdelay $0x3  }
0x37: {  	[smem:$0x3FB8] =	sst s10  }
0x38: {  	s10 =	sld [smem:$0x3FB9]  }
0x39: {  	_ = 	snop;
	(pc) =	sbr.ind lr, $3  }
0x3a: {  	_ = 	snop  }
0x3b: {  	_ = 	snop  }
0x3c: {  	p2 =	seq.s32 s10, $0x1;
	s10 =	sld [smem:$0x3FB8]  }
0x3d: {  	_ =	shalt  }
0x3e: {  	_ =	shalt  }
0x3f: {  	_ =	shalt  }
0x40: {  	_ =	shalt  }
0x41: {  	_ =	shalt  }
0x42: {  	_ =	shalt  }
0x43: {  	_ =	shalt  }
0x44: {  	_ =	shalt  }
0x45: {  	_ =	shalt  }
0x46: {  	_ =	shalt  }
0x47: {  	_ =	shalt  }
0x48: {  	_ =	shalt  }
0x49: {  	_ =	shalt  }
0x4a: {  	_ =	shalt  }
0x4b: {  	_ =	shalt  }
0x4c: {  	_ =	shalt  }
0x4d: {  	_ =	shalt  }
0x4e: {  	_ =	shalt  }
0x4f: {  	_ =	shalt  }
0x50: {  	_ =	shalt  }
0x51: {  	_ =	shalt  }
0x52: {  	_ =	shalt  }
0x53: {  	_ =	shalt  }
0x54: {  	_ =	shalt  }
0x55: {  	_ =	shalt  }
0x56: {  	_ =	shalt  }
0x57: {  	_ =	shalt  }
0x58: {  	_ =	shalt  }
0x59: {  	_ =	shalt  }
0x5a: {  	_ =	shalt  }
0x5b: {  	_ =	shalt  }
0x5c: {  	_ =	shalt  }
0x5d: {  	_ =	shalt  }
0x5e: {  	_ =	shalt  }
0x5f: {  	_ =	shalt  }
0x60: {  	_ =	shalt  }
0x61: {  	_ =	shalt  }
0x62: {  	_ =	shalt  }
0x63: {  	_ =	shalt  }
0x64: {  	_ =	shalt  }
0x65: {  	_ =	shalt  }
0x66: {  	_ =	shalt  }
0x67: {  	_ =	shalt  }
0x68: {  	_ =	shalt  }
0x69: {  	_ =	shalt  }
0x6a: {  	_ =	shalt  }
0x6b: {  	_ =	shalt  }
0x6c: {  	_ =	shalt  }
0x6d: {  	_ =	shalt  }
0x6e: {  	_ =	shalt  }
0x6f: {  	_ =	shalt  }
0x70: {  	_ =	shalt  }
0x71: {  	_ =	shalt  }
0x72: {  	_ =	shalt  }
0x73: {  	_ =	shalt  }
0x74: {  	_ =	shalt  }
0x75: {  	_ =	shalt  }
0x76: {  	_ =	shalt  }
0x77: {  	_ =	shalt  }
0x78: {  	_ =	shalt  }
0x79: {  	_ =	shalt  }
0x7a: {  	_ =	shalt  }
0x7b: {  	_ =	shalt  }
0x7c: {  	_ =	shalt  }
0x7d: {  	_ =	shalt  }
0x7e: {  	_ =	shalt  }
0x7f: {  	_ =	shalt  }
0x80: {  	_ =	shalt  }
0x81: {  	_ =	shalt  }
0x82: {  	_ =	shalt  }
0x83: {  	_ =	shalt  }
0x84: {  	_ =	shalt  }
0x85: {  	_ =	shalt  }
0x86: {  	_ =	shalt  }
0x87: {  	_ =	shalt  }
.Lfunc_end0:
.L_simem_size_0:
called_computation.2_lowered:
.L_overlay_start_0:
0x88: {  	s2 =	sld [smem:$0x3FD9]  }
0x89: {  	s3 =	sld [smem:$0x3FFE];
	_ =	sdelay $0x1  }
0x8a: {  	s1 =	srdreg.scid  }
0x8b: {  	s0 =	sand.u32 $0x1, s1  }
0x8c: {  	s17 =	sshll.u32 s0, $0xA;
	s2 =	sadd.s32 s3, s2  }
0x8d: {  	s2 =	sadd.s32 s2, s17  }
0x8e: {  	[smem:$0x3FC4] =	sst s2  }
0x8f: {  	_ = 	snop  }
0x90: {  	(tm) =	ssettm $0x1  }
0x91: {  	s18 =	sld [smem:$0x3FFB];
	_ =	sdelay $0x3  }
0x92: {  	_ =	strace s18  }
0x93: {  	s2 =	sld [smem:$0x3FFC];
	_ =	sdelay $0x3  }
0x94: {  	_ =	strace s2  }
0x95: {  	s2 =	sld [smem:$0x3FFD];
	_ =	sdelay $0x3  }
0x96: {  	_ =	strace s2  }
0x97: {  	_ =	strace $0x8FFFFFFF  }
0x98: {  	s19 =	sld [smem:$0x3FDB];
	_ =	sdelay $0x1  }
0x99: {  	s20 =	simm.s32 $_scs_section_size  }
0x9a: {  	s4 =	simm.s32 $_size__tile_overlayer_lowered;
	s5 =	simm.s32 $_tile_overlayer_lowered  }
0x9b: {  	s6 =	simm.s32 $0x1BFF;
	s21 =	sshll.u32 s5, $0x1;
	s3 =	sadd.s32 s20, s19  }
0x9c: {  	s22 =	simm.s32 $0x0;
	s4 =	sshll.u32 s4, $0x1;
	s5 =	sadd.s32 s21, s3  }
0x9d: {  	[timem:s22], [sflag:s6] =	dma.local [hbm:s5], s4  }
0x9e: {  	_ =	swait.ge [sflag:s6], s4  }
0x9f: {  	s4 =	ssub.s32 $0x0, s4;
	[sflag:s6] =	ssyncset.done $0x0  }
0xa0: {  	[sflag:s6] =	ssyncadd.s32 s4;
	_ =	sdelay $0x1  }
0xa1: {  	s23 =	simm.s32 $0x1B8B  }
0xa2: {  	_ =	swait.ge [sflag:s23], $0x1  }
0xa3: {  	[sflag:s23] =	ssyncset.done $0x0  }
0xa4: {  	[sflag:s23] =	ssyncadd.s32 $0xFFFFFFFF  }
0xa5: {  	s4 =	sld [smem:$0x0]  }
0xa6: {  	s5 =	sand.u32 $0xFFFFFFFE, s1  }
0xa7: {  	p0 =	sne.s32 s1, s5  }
0xa8: {  	s5 =	sshll.u32 @p0 s5, $0xE  }
0xa9: {  	s5 =	sadd.s32 @p0 $0x11B8D, s5;
	s6 =	sshll.u32 @p0 s4, $0x11  }
0xaa: {  	s5 =	sor.u32 @p0 s6, s5  }
0xab: {  	[sflag:s5] =	ssyncadd.remote.s32 @p0 $0x1;
	_ =	sdelay $0x1  }
0xac: {  	s5 =	simm.s32 @p0 $0x1B8D  }
0xad: {  	_ =	swait.eq @p0 [sflag:s5], $0x1  }
0xae: {  	[sflag:s5] =	ssyncadd.s32 @p0 $0xFFFFFFFF  }
0xaf: {  	s6 =	sshll.u32 @!p0 s1, $0xE  }
0xb0: {  	s6 =	sor.u32 @!p0 $0x4000, s6;
	s5 =	simm.s32 @!p0 $0x1B8D  }
0xb1: {  	s4 =	sshll.u32 @!p0 s4, $0x11;
	s6 =	sadd.s32 @!p0 $0x11B8D, s6;
	_ =	swait.eq @!p0 [sflag:s5], $0x1  }
0xb2: {  	s4 =	sor.u32 @!p0 s4, s6;
	[sflag:s5] =	ssyncadd.s32 @!p0 $0xFFFFFFFF  }
0xb3: {  	s25 =	simm.s32 $0x1B8E;
	s24 =	sld [smem:$0x3FFE];
	[sflag:s4] =	ssyncadd.remote.s32 @!p0 $0x1  }
0xb4: {  	s26 =	simm.s32 $execute0_lowered;
	[smem:$0x3FD2] =	sst s25  }
0xb5: {  	s5 =	sshll.u32 s26, $0x1;
	_ =	strace $0x8000004C;
	[dreg:$0x1] =	wrdreg $0xFFFFFFFF  }
0xb6: {  	s28 =	simm.s32 $_size_execute0_lowered;
	s3 =	sadd.s32 s3, s5;
	[dreg:$0x0] =	wrdreg $0x0  }
0xb7: {  	s5 =	sshll.u32 s28, $0x1;
	[dreg:$0x2] =	wrdreg s3  }
0xb8: {  	[dreg:$0x3] =	wrdreg s5  }
0xb9: {  	[dreg:$0x4] =	wrdreg $0xC0  }
0xba: {  	_ =	task [dreg:s22], $0x5FFFF  }
0xbb: {  	[dreg:$0x1] =	wrdreg $0xFFFFFFFF  }
0xbc: {  	[dreg:$0x0] =	wrdreg $0x60  }
0xbd: {  	[dreg:$0x2] =	wrdreg s24  }
0xbe: {  	[dreg:$0x3] =	wrdreg $0xB  }
0xbf: {  	_ =	task.clear_ibuf [dreg:s22], $0x4FFFF;
	_ =	strace $0x9000004C  }
0xc0: {  	s29 =	simm.s32 $0xB;
	_ =	strace $0x8000004E  }
0xc1: {  	_ =	swait.ge [sflag:s29], $0x1  }
0xc2: {  	[sflag:s29] =	ssyncadd.s32 $0xFFFFFFFF  }
0xc3: {  	_ =	strace $0x9000004E  }
0xc4: {  	_ =	sfence  }
0xc5: {  	s30 =	sld [smem:$0x0];
	_ =	sdelay $0x2  }
0xc6: {  	s31 =	sshll.u32 s1, $0xD;
	s1 =	sshrl.u32 s1, $0x2  }
0xc7: {  	s4 =	sand.u32 $0x4000, s31;
	s1 =	sadd.s32 s1, s30  }
0xc8: {  	s0 =	sor.u32 s4, s0;
	s1 =	sshll.u32 s1, $0x11  }
0xc9: {  	s0 =	sor.u32 s1, s0  }
0xca: {  	s0 =	sadd.s32 $0x8F2B, s0  }
0xcb: {  	[sflag:s0] =	ssyncadd.remote.s32 $0x1  }
0xcc: {  	_ =	sfence.sel $0xFFFF  }
0xcd: {  	[dreg:$0x0] =	wrdreg $0xFFFFFFFF;
	(pc) =	sbr.abs _section_cstart, $3  }
0xce: {  	[dreg:$0x1] =	wrdreg $0xFFFFFFFF  }
0xcf: {  	_ =	task.clear_ibuf [dreg:s22], $0x2FFFF;
	_ =	strace $0x9FFFFFFF  }
0xd0: {  	(tm) =	ssettm $0x7FFFFFFF  }
0xd1: {  	_ =	shalt  }
tec
execute0_lowered:
.L_overlay_start_1:
0x0: {  	(tag) =	ssettag $0x1  }
0x1: {  	s0 =	rddreg [dreg:$0x0];
	s1 =	simm.s32 $0x0;
	s2 =	srdreg.scid  }
0x2: {  	s5 =	stileid.u32;
	s12 =	simm.s32 $0x200;
	s19 =	simm.s32 $0xC200  }
0x3: {  	s28 =	simm.s32 $0x1;
	s29 =	simm.s32 $0x2;
	s9 =	simm.s32 $0x10A00  }
0x4: {  	s10 =	simm.s32 $0x11200;
	s11 =	simm.s32 $0x12200;
	s13 =	simm.s32 $0x12A00  }
0x5: {  	s14 =	simm.s32 $0x12E00;
	s15 =	simm.s32 $0x13600;
	s16 =	simm.s32 $0x13A00  }
0x6: {  	s17 =	simm.s32 $0x14200;
	s18 =	simm.s32 $0x14600;
	s20 =	simm.s32 $0x14E00  }
0x7: {  	s21 =	simm.s32 $0x15200;
	s22 =	simm.s32 $0x15A00;
	s23 =	simm.s32 $0x15E00  }
0x8: {  	s24 =	simm.s32 $0x16600;
	s25 =	simm.s32 $0x16A00;
	[smem:$0x7FF] =	sst s1  }
0x9: {  	s3 =	sadd.s32 $0x143600, s0;
	s2 =	sand.u32 $0x1, s2;
	s4 =	sshll.u32 s5, $0x3  }
0xa: {  	s5 =	sshll.u32 s5, $0xA;
	_ =	strace $0x8000004D;
	s6 =	sshll.u32 s2, $0x9  }
0xb: {  	s7 =	sand.u32 $0x70, s4;
	s2 =	ssub.s32 $0x2, s2;
	s4 =	sor.u32 s6, s5  }
0xc: {  	s26 =	sadd.s32 s7, s0;
	s30 =	sshrl.u32 s2, $0x1;
	s5 =	sadd.s32 $0x383600, s0  }
0xd: {  	s7 =	sadd.s32 $0x143700, s0;
	s8 =	sand.u32 $0x600, s4;
	s2 =	ssub.s32 s2, s30  }
0xe: {  	v2 =	vlaneseq.u32;
	s6 =	sadd.s32 s8, s26;
	s31 =	smax.u32 s2, $0x1;
	s2 =	simm.s32 $0x0  }
0xf: {  	vm0 =	vmmov $0xffff;
	vm1 =	vmmov $0xff;
	v1 =	vshrl.u32 v2, $0x3;
	s8 =	simm.s32 $0x11E00;
	s6 =	sadd.s32 $0x4600, s6;
	[dreg:$0x3] =	wrdreg s31  }
0x10: {  	v0 =	vand.u32 $0x7, v2;
	v2 =	vor.u32 $0x8, v2;
	v1 =	vmul.u32 $0x8, v1;
	s26 =	simm.s32 $0x17200;
	[dreg:$0x2] =	wrdreg s6;
	s6 =	simm.s32 $0x11600  }
.LBB2_1:
0x11: {  	s30 =	rddreg [dreg:$0x2];
	s31 =	simm.s32 $0x80;
	s0 =	simm.s32 $0x400  }
0x12: {  	[tilespmem:s1], [sflag:$0x5] =	stream.strided.gather [hbm4b:s30+s31], $0x200, s0, s31, $0x38;
	[tilespmem:$0x18200] =	vst v63  }
0x13: {  	[dreg:$0x4] =	wrdreg s2;
	s31 =	simm.s32 $0x5  }
0x14: {  	p0 =	por $0x1, $0x1;
	_ =	swait.ge [sflag:s31], $0x200  }
0x15: {  	p1 =	por $0x0, $0x0;
	s2 =	simm.s32 $0x17E00;
	[sflag:s31] =	ssyncset.done $0x0  }
0x16: {  	s30 =	simm.s32 $0x0;
	s0 =	simm.s32 $0x17600;
	[sflag:s31] =	ssyncadd.s32 $0xFFFFFE00  }
.LBB2_2:
0x17: {  	s31 =	simm.s32 @p1 $0x3  }
0x18: {  	_ =	swait.ge @p1 [sflag:s31], $0xC000  }
0x19: {  	[sflag:s31] =	ssyncset.done @p1 $0x0  }
0x1a: {  	[sflag:s31] =	ssyncadd.s32 @p1 $0xFFFF4000;
	s31 =	simm.s32 @p1 $0x4  }
0x1b: {  	_ =	swait.ge @p1 [sflag:s31], $0xC000  }
0x1c: {  	[sflag:s31] =	ssyncset.done @p1 $0x0  }
0x1d: {  	[sflag:s31] =	ssyncadd.s32 @p1 $0xFFFF4000  }
0x1e: {  	v3 =	vld [tilespmem:s30+$0x0];
	_ =	sdelay $0x4  }
0x1f: {  	v4 =	vshrl.u32 v3, $0x3  }
0x20: {  	v4 =	vmul.u32 $0x18, v4  }
0x21: {  	v3 =	vand.u32 $0x7, v3  }
0x22: {  	v3 =	vor.u32 v3, v4  }
0x23: {  	v4 =	vperm.xlane v3, v0;
	_ =	sdelay $0x1  }
0x24: {  	v4 =	vadd.s32 v1, v4;
	_ =	sdelay $0x1  }
0x25: {  	v3 =	vperm.xlane v3, v2;
	_ =	sdelay $0x1  }
0x26: {  	v3 =	vadd.s32 v1, v3  }
0x27: {  	[tilespmem:s12], [sflag:$0x1] =	stream.indirect_vreg.gather [hbm4b:s3+s1], $0x80, v4, vm0, $0xb8;
	[tilespmem:$0x18200] =	vst v63  }
0x28: {  	s31 =	simm.s32 $0xA00  }
0x29: {  	[tilespmem:s31], [sflag:$0x1] =	stream.indirect_vreg.gather [hbm4b:s7+s1], $0x80, v4, vm1, $0xb8;
	[tilespmem:$0x18200] =	vst v63  }
0x2a: {  	s31 =	simm.s32 $0xE00  }
0x2b: {  	[tilespmem:s31], [sflag:$0x1] =	stream.indirect_vreg.gather [hbm4b:s3+s1], $0x80, v3, vm0, $0xb8;
	[tilespmem:$0x18200] =	vst v63  }
0x2c: {  	s31 =	simm.s32 $0x1600  }
0x2d: {  	[tilespmem:s31], [sflag:$0x1] =	stream.indirect_vreg.gather [hbm4b:s7+s1], $0x80, v3, vm1, $0xb8;
	[tilespmem:$0x18200] =	vst v63  }
0x2e: {  	v3 =	vld [tilespmem:s30+$0x10];
	_ =	sdelay $0x4  }
0x2f: {  	v49 =	vshrl.u32 v3, $0x3  }
0x30: {  	v4 =	vmul.u32 $0x18, v49  }
0x31: {  	v3 =	vand.u32 $0x7, v3  }
0x32: {  	v3 =	vor.u32 v3, v4  }
0x33: {  	v4 =	vperm.xlane v3, v0;
	_ =	sdelay $0x1  }
0x34: {  	v4 =	vadd.s32 v1, v4;
	_ =	sdelay $0x1  }
0x35: {  	v3 =	vperm.xlane v3, v2;
	_ =	sdelay $0x1  }
0x36: {  	s31 =	simm.s32 $0x1A00;
	v3 =	vadd.s32 v1, v3  }
0x37: {  	[tilespmem:s31], [sflag:$0x1] =	stream.indirect_vreg.gather [hbm4b:s3+s1], $0x80, v4, vm0, $0xb8;
	[tilespmem:$0x18200] =	vst v63  }
0x38: {  	s31 =	simm.s32 $0x2200  }
0x39: {  	[tilespmem:s31], [sflag:$0x1] =	stream.indirect_vreg.gather [hbm4b:s7+s1], $0x80, v4, vm1, $0xb8;
	[tilespmem:$0x18200] =	vst v63  }
0x3a: {  	s31 =	simm.s32 $0x2600  }
0x3b: {  	[tilespmem:s31], [sflag:$0x1] =	stream.indirect_vreg.gather [hbm4b:s3+s1], $0x80, v3, vm0, $0xb8;
	[tilespmem:$0x18200] =	vst v63  }
0x3c: {  	s31 =	simm.s32 $0x2E00  }
0x3d: {  	[tilespmem:s31], [sflag:$0x1] =	stream.indirect_vreg.gather [hbm4b:s7+s1], $0x80, v3, vm1, $0xb8;
	[tilespmem:$0x18200] =	vst v63  }
0x3e: {  	v3 =	vld [tilespmem:s30+$0x20];
	_ =	sdelay $0x4  }
0x3f: {  	v50 =	vshrl.u32 v3, $0x3  }
0x40: {  	v4 =	vmul.u32 $0x18, v50  }
0x41: {  	v3 =	vand.u32 $0x7, v3  }
0x42: {  	v3 =	vor.u32 v3, v4  }
0x43: {  	v4 =	vperm.xlane v3, v0;
	_ =	sdelay $0x1  }
0x44: {  	v4 =	vadd.s32 v1, v4;
	_ =	sdelay $0x1  }
0x45: {  	v3 =	vperm.xlane v3, v2;
	_ =	sdelay $0x1  }
0x46: {  	s31 =	simm.s32 $0x3200;
	v3 =	vadd.s32 v1, v3  }
0x47: {  	[tilespmem:s31], [sflag:$0x1] =	stream.indirect_vreg.gather [hbm4b:s3+s1], $0x80, v4, vm0, $0xb8;
	[tilespmem:$0x18200] =	vst v63  }
0x48: {  	s31 =	simm.s32 $0x3A00  }
0x49: {  	[tilespmem:s31], [sflag:$0x1] =	stream.indirect_vreg.gather [hbm4b:s7+s1], $0x80, v4, vm1, $0xb8;
	[tilespmem:$0x18200] =	vst v63  }
0x4a: {  	s31 =	simm.s32 $0x3E00  }
0x4b: {  	[tilespmem:s31], [sflag:$0x1] =	stream.indirect_vreg.gather [hbm4b:s3+s1], $0x80, v3, vm0, $0xb8;
	[tilespmem:$0x18200] =	vst v63  }
0x4c: {  	s31 =	simm.s32 $0x4600  }
0x4d: {  	[tilespmem:s31], [sflag:$0x1] =	stream.indirect_vreg.gather [hbm4b:s7+s1], $0x80, v3, vm1, $0xb8;
	[tilespmem:$0x18200] =	vst v63  }
0x4e: {  	v3 =	vld [tilespmem:s30+$0x30];
	_ =	sdelay $0x4  }
0x4f: {  	v51 =	vshrl.u32 v3, $0x3  }
0x50: {  	v4 =	vmul.u32 $0x18, v51  }
0x51: {  	v3 =	vand.u32 $0x7, v3  }
0x52: {  	v3 =	vor.u32 v3, v4  }
0x53: {  	v4 =	vperm.xlane v3, v0;
	_ =	sdelay $0x1  }
0x54: {  	v4 =	vadd.s32 v1, v4;
	_ =	sdelay $0x1  }
0x55: {  	v3 =	vperm.xlane v3, v2;
	_ =	sdelay $0x1  }
0x56: {  	s31 =	simm.s32 $0x4A00;
	v3 =	vadd.s32 v1, v3  }
0x57: {  	[tilespmem:s31], [sflag:$0x1] =	stream.indirect_vreg.gather [hbm4b:s3+s1], $0x80, v4, vm0, $0xb8;
	[tilespmem:$0x18200] =	vst v63  }
0x58: {  	s31 =	simm.s32 $0x5200  }
0x59: {  	[tilespmem:s31], [sflag:$0x1] =	stream.indirect_vreg.gather [hbm4b:s7+s1], $0x80, v4, vm1, $0xb8;
	[tilespmem:$0x18200] =	vst v63  }
0x5a: {  	s31 =	simm.s32 $0x5600  }
0x5b: {  	[tilespmem:s31], [sflag:$0x1] =	stream.indirect_vreg.gather [hbm4b:s3+s1], $0x80, v3, vm0, $0xb8;
	[tilespmem:$0x18200] =	vst v63  }
0x5c: {  	s31 =	simm.s32 $0x5E00  }
0x5d: {  	[tilespmem:s31], [sflag:$0x1] =	stream.indirect_vreg.gather [hbm4b:s7+s1], $0x80, v3, vm1, $0xb8;
	[tilespmem:$0x18200] =	vst v63  }
0x5e: {  	v3 =	vld [tilespmem:s30+$0x40];
	_ =	sdelay $0x4  }
0x5f: {  	v52 =	vshrl.u32 v3, $0x3  }
0x60: {  	v4 =	vmul.u32 $0x18, v52  }
0x61: {  	v3 =	vand.u32 $0x7, v3  }
0x62: {  	v3 =	vor.u32 v3, v4  }
0x63: {  	v4 =	vperm.xlane v3, v0;
	_ =	sdelay $0x1  }
0x64: {  	v4 =	vadd.s32 v1, v4;
	_ =	sdelay $0x1  }
0x65: {  	v3 =	vperm.xlane v3, v2;
	_ =	sdelay $0x1  }
0x66: {  	s31 =	simm.s32 $0x6200;
	v3 =	vadd.s32 v1, v3  }
0x67: {  	[tilespmem:s31], [sflag:$0x1] =	stream.indirect_vreg.gather [hbm4b:s3+s1], $0x80, v4, vm0, $0xb8;
	[tilespmem:$0x18200] =	vst v63  }
0x68: {  	s31 =	simm.s32 $0x6A00  }
0x69: {  	[tilespmem:s31], [sflag:$0x1] =	stream.indirect_vreg.gather [hbm4b:s7+s1], $0x80, v4, vm1, $0xb8;
	[tilespmem:$0x18200] =	vst v63  }
0x6a: {  	s31 =	simm.s32 $0x6E00  }
0x6b: {  	[tilespmem:s31], [sflag:$0x1] =	stream.indirect_vreg.gather [hbm4b:s3+s1], $0x80, v3, vm0, $0xb8;
	[tilespmem:$0x18200] =	vst v63  }
0x6c: {  	s31 =	simm.s32 $0x7600  }
0x6d: {  	[tilespmem:s31], [sflag:$0x1] =	stream.indirect_vreg.gather [hbm4b:s7+s1], $0x80, v3, vm1, $0xb8;
	[tilespmem:$0x18200] =	vst v63  }
0x6e: {  	v3 =	vld [tilespmem:s30+$0x50];
	_ =	sdelay $0x4  }
0x6f: {  	v53 =	vshrl.u32 v3, $0x3  }
0x70: {  	v4 =	vmul.u32 $0x18, v53  }
0x71: {  	v3 =	vand.u32 $0x7, v3  }
0x72: {  	v3 =	vor.u32 v3, v4  }
0x73: {  	v4 =	vperm.xlane v3, v0;
	_ =	sdelay $0x1  }
0x74: {  	v4 =	vadd.s32 v1, v4;
	_ =	sdelay $0x1  }
0x75: {  	v3 =	vperm.xlane v3, v2;
	_ =	sdelay $0x1  }
0x76: {  	s31 =	simm.s32 $0x7A00;
	v3 =	vadd.s32 v1, v3  }
0x77: {  	[tilespmem:s31], [sflag:$0x1] =	stream.indirect_vreg.gather [hbm4b:s3+s1], $0x80, v4, vm0, $0xb8;
	[tilespmem:$0x18200] =	vst v63  }
0x78: {  	s31 =	simm.s32 $0x8200  }
0x79: {  	[tilespmem:s31], [sflag:$0x1] =	stream.indirect_vreg.gather [hbm4b:s7+s1], $0x80, v4, vm1, $0xb8;
	[tilespmem:$0x18200] =	vst v63  }
0x7a: {  	s31 =	simm.s32 $0x8600  }
0x7b: {  	[tilespmem:s31], [sflag:$0x1] =	stream.indirect_vreg.gather [hbm4b:s3+s1], $0x80, v3, vm0, $0xb8;
	[tilespmem:$0x18200] =	vst v63  }
0x7c: {  	s31 =	simm.s32 $0x8E00  }
0x7d: {  	[tilespmem:s31], [sflag:$0x1] =	stream.indirect_vreg.gather [hbm4b:s7+s1], $0x80, v3, vm1, $0xb8;
	[tilespmem:$0x18200] =	vst v63  }
0x7e: {  	v3 =	vld [tilespmem:s30+$0x60];
	_ =	sdelay $0x4  }
0x7f: {  	v54 =	vshrl.u32 v3, $0x3  }
0x80: {  	v4 =	vmul.u32 $0x18, v54  }
0x81: {  	v3 =	vand.u32 $0x7, v3  }
0x82: {  	v3 =	vor.u32 v3, v4  }
0x83: {  	v4 =	vperm.xlane v3, v0;
	_ =	sdelay $0x1  }
0x84: {  	v4 =	vadd.s32 v1, v4;
	_ =	sdelay $0x1  }
0x85: {  	v3 =	vperm.xlane v3, v2;
	_ =	sdelay $0x1  }
0x86: {  	s31 =	simm.s32 $0x9200;
	v3 =	vadd.s32 v1, v3  }
0x87: {  	[tilespmem:s31], [sflag:$0x1] =	stream.indirect_vreg.gather [hbm4b:s3+s1], $0x80, v4, vm0, $0xb8;
	[tilespmem:$0x18200] =	vst v63  }
0x88: {  	s31 =	simm.s32 $0x9A00  }
0x89: {  	[tilespmem:s31], [sflag:$0x1] =	stream.indirect_vreg.gather [hbm4b:s7+s1], $0x80, v4, vm1, $0xb8;
	[tilespmem:$0x18200] =	vst v63  }
0x8a: {  	s31 =	simm.s32 $0x9E00  }
0x8b: {  	[tilespmem:s31], [sflag:$0x1] =	stream.indirect_vreg.gather [hbm4b:s3+s1], $0x80, v3, vm0, $0xb8;
	[tilespmem:$0x18200] =	vst v63  }
0x8c: {  	s31 =	simm.s32 $0xA600  }
0x8d: {  	[tilespmem:s31], [sflag:$0x1] =	stream.indirect_vreg.gather [hbm4b:s7+s1], $0x80, v3, vm1, $0xb8;
	[tilespmem:$0x18200] =	vst v63  }
0x8e: {  	v3 =	vld [tilespmem:s30+$0x70];
	_ =	sdelay $0x4  }
0x8f: {  	v55 =	vshrl.u32 v3, $0x3  }
0x90: {  	v4 =	vmul.u32 $0x18, v55  }
0x91: {  	v3 =	vand.u32 $0x7, v3  }
0x92: {  	v3 =	vor.u32 v3, v4  }
0x93: {  	v4 =	vperm.xlane v3, v0;
	_ =	sdelay $0x1  }
0x94: {  	v4 =	vadd.s32 v1, v4;
	_ =	sdelay $0x1  }
0x95: {  	v3 =	vperm.xlane v3, v2;
	_ =	sdelay $0x1  }
0x96: {  	s31 =	simm.s32 $0xAA00;
	v3 =	vadd.s32 v1, v3  }
0x97: {  	[tilespmem:s31], [sflag:$0x1] =	stream.indirect_vreg.gather [hbm4b:s3+s1], $0x80, v4, vm0, $0xb8;
	[tilespmem:$0x18200] =	vst v63  }
0x98: {  	s31 =	simm.s32 $0xB200  }
0x99: {  	[tilespmem:s31], [sflag:$0x1] =	stream.indirect_vreg.gather [hbm4b:s7+s1], $0x80, v4, vm1, $0xb8;
	[tilespmem:$0x18200] =	vst v63  }
0x9a: {  	s31 =	simm.s32 $0xB600  }
0x9b: {  	[tilespmem:s31], [sflag:$0x1] =	stream.indirect_vreg.gather [hbm4b:s3+s1], $0x80, v3, vm0, $0xb8;
	[tilespmem:$0x18200] =	vst v63  }
0x9c: {  	s31 =	simm.s32 $0xBE00  }
0x9d: {  	[tilespmem:s31], [sflag:$0x1] =	stream.indirect_vreg.gather [hbm4b:s7+s1], $0x80, v3, vm1, $0xb8;
	[tilespmem:$0x18200] =	vst v63  }
0x9e: {  	v3 =	vld [tilespmem:s30+$0x80];
	_ =	sdelay $0x4  }
0x9f: {  	v56 =	vshrl.u32 v3, $0x3  }
0xa0: {  	v4 =	vmul.u32 $0x18, v56  }
0xa1: {  	v3 =	vand.u32 $0x7, v3  }
0xa2: {  	v3 =	vor.u32 v3, v4  }
0xa3: {  	v4 =	vperm.xlane v3, v0;
	_ =	sdelay $0x1  }
0xa4: {  	v4 =	vadd.s32 v1, v4;
	_ =	sdelay $0x1  }
0xa5: {  	v3 =	vperm.xlane v3, v2;
	_ =	sdelay $0x1  }
0xa6: {  	v3 =	vadd.s32 v1, v3  }
0xa7: {  	[tilespmem:s19], [sflag:$0x2] =	stream.indirect_vreg.gather [hbm4b:s3+s1], $0x80, v4, vm0, $0xb8;
	[tilespmem:$0x18200] =	vst v63  }
0xa8: {  	s31 =	simm.s32 $0xCA00  }
0xa9: {  	[tilespmem:s31], [sflag:$0x2] =	stream.indirect_vreg.gather [hbm4b:s7+s1], $0x80, v4, vm1, $0xb8;
	[tilespmem:$0x18200] =	vst v63  }
0xaa: {  	s31 =	simm.s32 $0xCE00  }
0xab: {  	[tilespmem:s31], [sflag:$0x2] =	stream.indirect_vreg.gather [hbm4b:s3+s1], $0x80, v3, vm0, $0xb8;
	[tilespmem:$0x18200] =	vst v63  }
0xac: {  	s31 =	simm.s32 $0xD600  }
0xad: {  	[tilespmem:s31], [sflag:$0x2] =	stream.indirect_vreg.gather [hbm4b:s7+s1], $0x80, v3, vm1, $0xb8;
	[tilespmem:$0x18200] =	vst v63  }
0xae: {  	v3 =	vld [tilespmem:s30+$0x90];
	_ =	sdelay $0x4  }
0xaf: {  	v57 =	vshrl.u32 v3, $0x3  }
0xb0: {  	v4 =	vmul.u32 $0x18, v57  }
0xb1: {  	v3 =	vand.u32 $0x7, v3  }
0xb2: {  	v3 =	vor.u32 v3, v4  }
0xb3: {  	v4 =	vperm.xlane v3, v0;
	_ =	sdelay $0x1  }
0xb4: {  	v4 =	vadd.s32 v1, v4;
	_ =	sdelay $0x1  }
0xb5: {  	v3 =	vperm.xlane v3, v2;
	_ =	sdelay $0x1  }
0xb6: {  	s31 =	simm.s32 $0xDA00;
	v3 =	vadd.s32 v1, v3  }
0xb7: {  	[tilespmem:s31], [sflag:$0x2] =	stream.indirect_vreg.gather [hbm4b:s3+s1], $0x80, v4, vm0, $0xb8;
	[tilespmem:$0x18200] =	vst v63  }
0xb8: {  	s31 =	simm.s32 $0xE200  }
0xb9: {  	[tilespmem:s31], [sflag:$0x2] =	stream.indirect_vreg.gather [hbm4b:s7+s1], $0x80, v4, vm1, $0xb8;
	[tilespmem:$0x18200] =	vst v63  }
0xba: {  	s31 =	simm.s32 $0xE600  }
0xbb: {  	[tilespmem:s31], [sflag:$0x2] =	stream.indirect_vreg.gather [hbm4b:s3+s1], $0x80, v3, vm0, $0xb8;
	[tilespmem:$0x18200] =	vst v63  }
0xbc: {  	s31 =	simm.s32 $0xEE00  }
0xbd: {  	[tilespmem:s31], [sflag:$0x2] =	stream.indirect_vreg.gather [hbm4b:s7+s1], $0x80, v3, vm1, $0xb8;
	[tilespmem:$0x18200] =	vst v63  }
0xbe: {  	v3 =	vld [tilespmem:s30+$0xA0];
	_ =	sdelay $0x4  }
0xbf: {  	v58 =	vshrl.u32 v3, $0x3  }
0xc0: {  	v4 =	vmul.u32 $0x18, v58  }
0xc1: {  	v3 =	vand.u32 $0x7, v3  }
0xc2: {  	v3 =	vor.u32 v3, v4  }
0xc3: {  	v4 =	vperm.xlane v3, v0;
	_ =	sdelay $0x1  }
0xc4: {  	v4 =	vadd.s32 v1, v4;
	_ =	sdelay $0x1  }
0xc5: {  	v3 =	vperm.xlane v3, v2;
	_ =	sdelay $0x1  }
0xc6: {  	s31 =	simm.s32 $0xF200;
	v3 =	vadd.s32 v1, v3  }
0xc7: {  	[tilespmem:s31], [sflag:$0x2] =	stream.indirect_vreg.gather [hbm4b:s3+s1], $0x80, v4, vm0, $0xb8;
	[tilespmem:$0x18200] =	vst v63  }
0xc8: {  	s31 =	simm.s32 $0xFA00  }
0xc9: {  	[tilespmem:s31], [sflag:$0x2] =	stream.indirect_vreg.gather [hbm4b:s7+s1], $0x80, v4, vm1, $0xb8;
	[tilespmem:$0x18200] =	vst v63  }
0xca: {  	s31 =	simm.s32 $0xFE00  }
0xcb: {  	[tilespmem:s31], [sflag:$0x2] =	stream.indirect_vreg.gather [hbm4b:s3+s1], $0x80, v3, vm0, $0xb8;
	[tilespmem:$0x18200] =	vst v63  }
0xcc: {  	s31 =	simm.s32 $0x10600  }
0xcd: {  	[tilespmem:s31], [sflag:$0x2] =	stream.indirect_vreg.gather [hbm4b:s7+s1], $0x80, v3, vm1, $0xb8;
	[tilespmem:$0x18200] =	vst v63  }
0xce: {  	v3 =	vld [tilespmem:s30+$0xB0];
	_ =	sdelay $0x4  }
0xcf: {  	v59 =	vshrl.u32 v3, $0x3  }
0xd0: {  	v4 =	vmul.u32 $0x18, v59  }
0xd1: {  	v3 =	vand.u32 $0x7, v3  }
0xd2: {  	v3 =	vor.u32 v3, v4  }
0xd3: {  	v4 =	vperm.xlane v3, v0;
	_ =	sdelay $0x1  }
0xd4: {  	v4 =	vadd.s32 v1, v4;
	_ =	sdelay $0x1  }
0xd5: {  	v3 =	vperm.xlane v3, v2;
	_ =	sdelay $0x1  }
0xd6: {  	v3 =	vadd.s32 v1, v3  }
0xd7: {  	[tilespmem:s9], [sflag:$0x2] =	stream.indirect_vreg.gather [hbm4b:s3+s1], $0x80, v4, vm0, $0xb8;
	[tilespmem:$0x18200] =	vst v63  }
0xd8: {  	_ = 	snop  }
0xd9: {  	[tilespmem:s10], [sflag:$0x2] =	stream.indirect_vreg.gather [hbm4b:s7+s1], $0x80, v4, vm1, $0xb8;
	[tilespmem:$0x18200] =	vst v63  }
0xda: {  	_ = 	snop  }
0xdb: {  	[tilespmem:s6], [sflag:$0x2] =	stream.indirect_vreg.gather [hbm4b:s3+s1], $0x80, v3, vm0, $0xb8;
	[tilespmem:$0x18200] =	vst v63  }
0xdc: {  	_ = 	snop  }
0xdd: {  	[tilespmem:s8], [sflag:$0x2] =	stream.indirect_vreg.gather [hbm4b:s7+s1], $0x80, v3, vm1, $0xb8;
	[tilespmem:$0x18200] =	vst v63  }
0xde: {  	v3 =	vld [tilespmem:s30+$0xC0];
	_ =	sdelay $0x4  }
0xdf: {  	v60 =	vshrl.u32 v3, $0x3  }
0xe0: {  	v4 =	vmul.u32 $0x18, v60  }
0xe1: {  	v3 =	vand.u32 $0x7, v3  }
0xe2: {  	v3 =	vor.u32 v3, v4  }
0xe3: {  	v4 =	vperm.xlane v3, v0;
	_ =	sdelay $0x1  }
0xe4: {  	v4 =	vadd.s32 v1, v4;
	_ =	sdelay $0x1  }
0xe5: {  	v3 =	vperm.xlane v3, v2;
	_ =	sdelay $0x1  }
0xe6: {  	v3 =	vadd.s32 v1, v3  }
0xe7: {  	[tilespmem:s11], [sflag:$0x2] =	stream.indirect_vreg.gather [hbm4b:s3+s1], $0x80, v4, vm0, $0xb8;
	[tilespmem:$0x18200] =	vst v63  }
0xe8: {  	_ = 	snop  }
0xe9: {  	[tilespmem:s13], [sflag:$0x2] =	stream.indirect_vreg.gather [hbm4b:s7+s1], $0x80, v4, vm1, $0xb8;
	[tilespmem:$0x18200] =	vst v63  }
0xea: {  	_ = 	snop  }
0xeb: {  	[tilespmem:s14], [sflag:$0x2] =	stream.indirect_vreg.gather [hbm4b:s3+s1], $0x80, v3, vm0, $0xb8;
	[tilespmem:$0x18200] =	vst v63  }
0xec: {  	_ = 	snop  }
0xed: {  	[tilespmem:s15], [sflag:$0x2] =	stream.indirect_vreg.gather [hbm4b:s7+s1], $0x80, v3, vm1, $0xb8;
	[tilespmem:$0x18200] =	vst v63  }
0xee: {  	v3 =	vld [tilespmem:s30+$0xD0];
	_ =	sdelay $0x4  }
0xef: {  	v61 =	vshrl.u32 v3, $0x3  }
0xf0: {  	v4 =	vmul.u32 $0x18, v61  }
0xf1: {  	v3 =	vand.u32 $0x7, v3  }
0xf2: {  	v3 =	vor.u32 v3, v4  }
0xf3: {  	v4 =	vperm.xlane v3, v0;
	_ =	sdelay $0x1  }
0xf4: {  	v4 =	vadd.s32 v1, v4;
	_ =	sdelay $0x1  }
0xf5: {  	v3 =	vperm.xlane v3, v2;
	_ =	sdelay $0x1  }
0xf6: {  	v3 =	vadd.s32 v1, v3  }
0xf7: {  	[tilespmem:s16], [sflag:$0x2] =	stream.indirect_vreg.gather [hbm4b:s3+s1], $0x80, v4, vm0, $0xb8;
	[tilespmem:$0x18200] =	vst v63  }
0xf8: {  	_ = 	snop  }
0xf9: {  	[tilespmem:s17], [sflag:$0x2] =	stream.indirect_vreg.gather [hbm4b:s7+s1], $0x80, v4, vm1, $0xb8;
	[tilespmem:$0x18200] =	vst v63  }
0xfa: {  	_ = 	snop  }
0xfb: {  	[tilespmem:s18], [sflag:$0x2] =	stream.indirect_vreg.gather [hbm4b:s3+s1], $0x80, v3, vm0, $0xb8;
	[tilespmem:$0x18200] =	vst v63  }
0xfc: {  	_ = 	snop  }
0xfd: {  	[tilespmem:s20], [sflag:$0x2] =	stream.indirect_vreg.gather [hbm4b:s7+s1], $0x80, v3, vm1, $0xb8;
	[tilespmem:$0x18200] =	vst v63  }
0xfe: {  	v3 =	vld [tilespmem:s30+$0xE0];
	_ =	sdelay $0x4  }
0xff: {  	v62 =	vshrl.u32 v3, $0x3  }
0x100: {  	v4 =	vmul.u32 $0x18, v62  }
0x101: {  	v3 =	vand.u32 $0x7, v3  }
0x102: {  	v3 =	vor.u32 v3, v4  }
0x103: {  	v4 =	vperm.xlane v3, v0;
	_ =	sdelay $0x1  }
0x104: {  	v4 =	vadd.s32 v1, v4;
	_ =	sdelay $0x1  }
0x105: {  	v3 =	vperm.xlane v3, v2;
	_ =	sdelay $0x1  }
0x106: {  	v3 =	vadd.s32 v1, v3  }
0x107: {  	[tilespmem:s21], [sflag:$0x2] =	stream.indirect_vreg.gather [hbm4b:s3+s1], $0x80, v4, vm0, $0xb8;
	[tilespmem:$0x18200] =	vst v63  }
0x108: {  	_ = 	snop  }
0x109: {  	[tilespmem:s22], [sflag:$0x2] =	stream.indirect_vreg.gather [hbm4b:s7+s1], $0x80, v4, vm1, $0xb8;
	[tilespmem:$0x18200] =	vst v63  }
0x10a: {  	_ = 	snop  }
0x10b: {  	[tilespmem:s23], [sflag:$0x2] =	stream.indirect_vreg.gather [hbm4b:s3+s1], $0x80, v3, vm0, $0xb8;
	[tilespmem:$0x18200] =	vst v63  }
0x10c: {  	_ = 	snop  }
0x10d: {  	[tilespmem:s24], [sflag:$0x2] =	stream.indirect_vreg.gather [hbm4b:s7+s1], $0x80, v3, vm1, $0xb8;
	[tilespmem:$0x18200] =	vst v63  }
0x10e: {  	v3 =	vld [tilespmem:s30+$0xF0];
	_ =	sdelay $0x4  }
0x10f: {  	v63 =	vshrl.u32 v3, $0x3  }
0x110: {  	v4 =	vmul.u32 $0x18, v63  }
0x111: {  	v3 =	vand.u32 $0x7, v3  }
0x112: {  	v3 =	vor.u32 v3, v4  }
0x113: {  	v4 =	vperm.xlane v3, v0;
	_ =	sdelay $0x1  }
0x114: {  	v4 =	vadd.s32 v1, v4;
	_ =	sdelay $0x1  }
0x115: {  	v3 =	vperm.xlane v3, v2;
	_ =	sdelay $0x1  }
0x116: {  	v3 =	vadd.s32 v1, v3  }
0x117: {  	[tilespmem:s25], [sflag:$0x2] =	stream.indirect_vreg.gather [hbm4b:s3+s1], $0x80, v4, vm0, $0xb8;
	[tilespmem:$0x18200] =	vst v63  }
0x118: {  	_ = 	snop  }
0x119: {  	[tilespmem:s26], [sflag:$0x2] =	stream.indirect_vreg.gather [hbm4b:s7+s1], $0x80, v4, vm1, $0xb8;
	[tilespmem:$0x18200] =	vst v63  }
0x11a: {  	s30 =	sor.u32 s4, s30  }
0x11b: {  	[tilespmem:s0], [sflag:$0x2] =	stream.indirect_vreg.gather [hbm4b:s3+s1], $0x80, v3, vm0, $0xb8;
	[tilespmem:$0x18200] =	vst v63  }
0x11c: {  	s30 =	sshrl.u32 s30, $0x3  }
0x11d: {  	[tilespmem:s2], [sflag:$0x2] =	stream.indirect_vreg.gather [hbm4b:s7+s1], $0x80, v3, vm1, $0xb8;
	[tilespmem:$0x18200] =	vst v63  }
0x11e: {  	s31 =	smul.u32 $0x180, s30;
	_ =	swait.ge [sflag:s28], $0xC000  }
0x11f: {  	p2 =	por p0, p0;
	[sflag:s28] =	ssyncset.done $0x0  }
0x120: {  	s30 =	smul.u32 $0xC00, s30;
	s31 =	sadd.s32 s5, s31;
	[sflag:s28] =	ssyncadd.s32 $0xFFFF4000  }
0x121: {  	[hbm4b:s31+s1] =	stream.linear.scatter [tilespmem:s12], [sflag:$0x3], $0xC000, $0x38;
	[tilespmem:$0x18200] =	vst v63  }
.Ltmp0:
0x122: {  	s30 =	sshrl.u32 s30, $0x3;
	_ =	swait.ge [sflag:s29], $0xC000;
	(pc) =	sbr.rel @p2 .LBB2_2-.Ltmp0, $4  }
0x123: {  	s30 =	sadd.s32 s5, s30;
	[sflag:s29] =	ssyncset.done $0x0  }
0x124: {  	s30 =	sadd.s32 $0x1800, s30;
	[sflag:s29] =	ssyncadd.s32 $0xFFFF4000  }
0x125: {  	[hbm4b:s30+s1] =	stream.linear.scatter [tilespmem:s19], [sflag:$0x4], $0xC000, $0x38;
	[tilespmem:$0x18200] =	vst v63  }
0x126: {  	p0 =	por $0x0, $0x0;
	p1 =	por $0x1, $0x1;
	s30 =	simm.s32 $0x100  }
0x127: {  	s0 =	simm.s32 $0x3  }
0x128: {  	_ =	swait.ge [sflag:s0], $0xC000  }
0x129: {  	[sflag:s0] =	ssyncset.done $0x0  }
0x12a: {  	s31 =	simm.s32 $0x4;
	[sflag:s0] =	ssyncadd.s32 $0xFFFF4000  }
0x12b: {  	_ =	swait.ge [sflag:s31], $0xC000  }
0x12c: {  	s2 =	rddreg [dreg:$0x4]  }
0x12d: {  	s30 =	rddreg [dreg:$0x3];
	s2 =	sadd.s32 $0x1, s2  }
0x12e: {  	p0 =	sne.s32 s2, s30  }
.Ltmp1:
0x12f: {  	_ = 	snop;
	(pc) =	sbr.rel @p0 .LBB2_1-.Ltmp1, $3  }
0x130: {  	_ =	sdelay $0x1  }
0x131: {  	[sflag:s31] =	ssyncset.done $0x0  }
0x132: {  	[sflag:s31] =	ssyncadd.s32 $0xFFFF4000  }
0x133: {  	_ =	sfence.sel $0x180000  }
0x134: {  	[bflag:$0x0] =	sbarrier.arrive $0xFFFF  }
0x135: {  	_ =	strace $0x9000004D  }
0x136: {  	s0 =	stileid.u32;
	[bflag:$0x2] =	sbarrier.arrive $0xFFFF  }
0x137: {  	p0 =	sne.s32 s0, $0x0;
	s0 =	rddreg [dreg:$0x1]  }
0x138: {  	s0 =	sadd.s32 @!p0 $0x100000, s0  }
0x139: {  	[sflag:s0] =	ssyncadd.tile.s32 @!p0 $0x1;
	_ =	shalt  }
.Lfunc_end2:
_tile_overlayer_lowered:
.L_overlay_start_2:
0x13a: {  	(tag) =	ssettag $0x2  }
0x13b: {  	s0 =	rddreg [dreg:$0x0];
	s2 =	stileid.u32  }
0x13c: {  	s1 =	rddreg [dreg:$0x1];
	p0 =	sne.s32 s2, $0x0  }
0x13d: {  	s3 =	rddreg [dreg:$0x2];
	[bflag:$0x3] =	sbarrier.arrive $0xFFFF;
	s2 =	simm.s32 @!p0 $0x1C05  }
0x13e: {  	[timem:s3], [sflag:s2] =	dma.local @!p0 [hbm:s0], s1  }
0x13f: {  	s0 =	simm.s32 @!p0 $0x5  }
0x140: {  	_ =	swait.ge @!p0 [sflag:s0], s1  }
0x141: {  	s1 =	ssub.s32 @!p0 $0x0, s1;
	[sflag:s0] =	ssyncset.done @!p0 $0x0  }
0x142: {  	[sflag:s0] =	ssyncadd.s32 @!p0 s1  }
0x143: {  	[bflag:$0x3] =	sbarrier.arrive $0xFFFF  }
0x144: {  	_ =	shalt  }

// kernel: kernel.27.cloned.1.call-start
scs
__scs_entry_jumppad:
0x0: {  	(pc) =	sbr.rel $0x88, $3  }
0x1: {  	(tag) =	ssettag $0x0;
	lr =	simm.s32 $0x1  }
0x2: {  	[smem:$0x3F9D] =	sst lr;
	_ =	strace $0xD0000000  }
0x3: {  	_ = 	snop  }
0x4: {  	_ = 	snop  }
0x5: {  	_ = 	snop  }
0x6: {  	_ = 	snop  }
0x7: {  	_ = 	snop  }
__scs_overlays_trampoline_lowered:
0x8: {  	[smem:$0x3FAC] =	sst s0  }
0x9: {  	[smem:$0x3FAD] =	sst s1  }
0xa: {  	[smem:$0x3FAE] =	sst s2  }
0xb: {  	[smem:$0x3FAF] =	sst s3  }
0xc: {  	[smem:$0x3FB0] =	sst s4  }
0xd: {  	[smem:$0x3FB1] =	sst s5  }
0xe: {  	[smem:$0x3FB2] =	sst s6  }
0xf: {  	[smem:$0x3FB3] =	sst s7  }
0x10: {  	[smem:$0x3FB4] =	sst s8  }
0x11: {  	[smem:$0x3FB5] =	sst s9;
	s0 =	simm.s32 @!p0 $0x0  }
0x12: {  	s1 =	sld [smem:$0x3F9B];
	s0 =	simm.s32 @p0 $0x1  }
0x13: {  	[smem:$0x3FB6] =	sst s0;
	s0 =	simm.s32 @!p1 $0x0  }
0x14: {  	s2 =	sld [smem:$0x3F9A];
	s0 =	simm.s32 @p1 $0x1  }
0x15: {  	[smem:$0x3FB7] =	sst s0;
	s0 =	simm.s32 @!p2 $0x0  }
0x16: {  	s3 =	sld [smem:$0x3FDB];
	s0 =	simm.s32 @p2 $0x1  }
0x17: {  	s4 =	simm.s32 $0x1BF5;
	[smem:$0x3FB9] =	sst s0  }
0x18: {  	s0 =	sld [smem:$0x3F9C];
	_ =	swait.ge [sflag:s4], $0x0  }
0x19: {  	s7 =	sld [smem:$0x3F9D]  }
0x1a: {  	s8 =	sadd.s32 $0xFFFFE003, lr  }
0x1b: {  	s9 =	sadd.s32 $0xFFFFFEF7, lr;
	s5 =	simm.s32 $0xFFFFFFFF;
	p2 =	slt.u32 s8, $0xFFFFF086  }
0x1c: {  	p1 =	slt.u32 s9, $0xF7A;
	s5 =	simm.s32 @!p2 $0x0  }
0x1d: {  	s5 =	simm.s32 @p1 $0x1;
	p0 =	seq.s32 s7, s2  }
0x1e: {  	s7 =	smul.u32 @!p0 $0xF7A, s2;
	p2 =	seq.s32 @!p0 s5, $0x0  }
0x1f: {  	s9 =	smul.u32 $0xF7A, s1;
	s8 =	simm.s32 @!p0 $0x1BF5;
	p2 =	por !p2, p0  }
0x20: {  	[sflag:s8] =	ssyncset.s32 @!p0 $0xFFFFF086;
	s6 =	sadd.s32 @!p0 s3, s7;
	s7 =	simm.s32 @!p0 $0x108  }
0x21: {  	s3 =	sadd.s32 s3, s9;
	s6 =	sadd.s32 @!p0 $0x88, s6;
	s7 =	simm.s32 @p2 $0x1082  }
0x22: {  	[simem:s7], [sflag:s8] =	dma.local @!p0 [hbm:s6], $0xF7A  }
0x23: {  	s9 =	sor.u32 $0xD0000000, s2;
	s6 =	simm.s32 $0x108;
	_ =	swait.ge @!p0 [sflag:s8], $0x0  }
0x24: {  	s3 =	sadd.s32 $0x88, s3;
	s6 =	simm.s32 @!p1 $0x1082;
	[sflag:s4] =	ssyncset.s32 $0xFFFFF086  }
0x25: {  	[simem:s6], [sflag:s4] =	dma.local [hbm:s3], $0xF7A  }
0x26: {  	[smem:$0x3F9D] =	sst s1;
	(tag) =	ssettag s2;
	_ =	strace s9  }
0x27: {  	s1 =	sld [smem:$0x3FAD]  }
0x28: {  	s2 =	sld [smem:$0x3FAE]  }
0x29: {  	s4 =	sld [smem:$0x3FB0]  }
0x2a: {  	p0 =	seq.s32 s5, $0x0;
	s5 =	sld [smem:$0x3FB1]  }
0x2b: {  	s6 =	sld [smem:$0x3FB2]  }
0x2c: {  	s7 =	sld [smem:$0x3FB3]  }
0x2d: {  	s3 =	simm.s32 $0x108;
	s8 =	sld [smem:$0x3FB4]  }
0x2e: {  	s3 =	simm.s32 @!p0 $0x1082;
	s9 =	sld [smem:$0x3FB5]  }
0x2f: {  	lr =	sadd.s32 s0, s3;
	s0 =	sld [smem:$0x3FAC]  }
0x30: {  	s3 =	sld [smem:$0x3FAF]  }
0x31: {  	[smem:$0x3FB8] =	sst s10  }
0x32: {  	s10 =	sld [smem:$0x3FB6];
	_ =	sdelay $0x3  }
0x33: {  	p0 =	seq.s32 s10, $0x1;
	s10 =	sld [smem:$0x3FB8];
	_ =	sdelay $0x3  }
0x34: {  	[smem:$0x3FB8] =	sst s10  }
0x35: {  	s10 =	sld [smem:$0x3FB7];
	_ =	sdelay $0x3  }
0x36: {  	p1 =	seq.s32 s10, $0x1;
	s10 =	sld [smem:$0x3FB8];
	_ =	sdelay $0x3  }
0x37: {  	[smem:$0x3FB8] =	sst s10  }
0x38: {  	s10 =	sld [smem:$0x3FB9]  }
0x39: {  	_ = 	snop;
	(pc) =	sbr.ind lr, $3  }
0x3a: {  	_ = 	snop  }
0x3b: {  	_ = 	snop  }
0x3c: {  	p2 =	seq.s32 s10, $0x1;
	s10 =	sld [smem:$0x3FB8]  }
0x3d: {  	_ =	shalt  }
0x3e: {  	_ =	shalt  }
0x3f: {  	_ =	shalt  }
0x40: {  	_ =	shalt  }
0x41: {  	_ =	shalt  }
0x42: {  	_ =	shalt  }
0x43: {  	_ =	shalt  }
0x44: {  	_ =	shalt  }
0x45: {  	_ =	shalt  }
0x46: {  	_ =	shalt  }
0x47: {  	_ =	shalt  }
0x48: {  	_ =	shalt  }
0x49: {  	_ =	shalt  }
0x4a: {  	_ =	shalt  }
0x4b: {  	_ =	shalt  }
0x4c: {  	_ =	shalt  }
0x4d: {  	_ =	shalt  }
0x4e: {  	_ =	shalt  }
0x4f: {  	_ =	shalt  }
0x50: {  	_ =	shalt  }
0x51: {  	_ =	shalt  }
0x52: {  	_ =	shalt  }
0x53: {  	_ =	shalt  }
0x54: {  	_ =	shalt  }
0x55: {  	_ =	shalt  }
0x56: {  	_ =	shalt  }
0x57: {  	_ =	shalt  }
0x58: {  	_ =	shalt  }
0x59: {  	_ =	shalt  }
0x5a: {  	_ =	shalt  }
0x5b: {  	_ =	shalt  }
0x5c: {  	_ =	shalt  }
0x5d: {  	_ =	shalt  }
0x5e: {  	_ =	shalt  }
0x5f: {  	_ =	shalt  }
0x60: {  	_ =	shalt  }
0x61: {  	_ =	shalt  }
0x62: {  	_ =	shalt  }
0x63: {  	_ =	shalt  }
0x64: {  	_ =	shalt  }
0x65: {  	_ =	shalt  }
0x66: {  	_ =	shalt  }
0x67: {  	_ =	shalt  }
0x68: {  	_ =	shalt  }
0x69: {  	_ =	shalt  }
0x6a: {  	_ =	shalt  }
0x6b: {  	_ =	shalt  }
0x6c: {  	_ =	shalt  }
0x6d: {  	_ =	shalt  }
0x6e: {  	_ =	shalt  }
0x6f: {  	_ =	shalt  }
0x70: {  	_ =	shalt  }
0x71: {  	_ =	shalt  }
0x72: {  	_ =	shalt  }
0x73: {  	_ =	shalt  }
0x74: {  	_ =	shalt  }
0x75: {  	_ =	shalt  }
0x76: {  	_ =	shalt  }
0x77: {  	_ =	shalt  }
0x78: {  	_ =	shalt  }
0x79: {  	_ =	shalt  }
0x7a: {  	_ =	shalt  }
0x7b: {  	_ =	shalt  }
0x7c: {  	_ =	shalt  }
0x7d: {  	_ =	shalt  }
0x7e: {  	_ =	shalt  }
0x7f: {  	_ =	shalt  }
0x80: {  	_ =	shalt  }
0x81: {  	_ =	shalt  }
0x82: {  	_ =	shalt  }
0x83: {  	_ =	shalt  }
0x84: {  	_ =	shalt  }
0x85: {  	_ =	shalt  }
0x86: {  	_ =	shalt  }
0x87: {  	_ =	shalt  }
.Lfunc_end0:
.L_simem_size_0:
called_computation.3_lowered:
.L_overlay_start_0:
0x88: {  	s2 =	sld [smem:$0x3FD9]  }
0x89: {  	s3 =	sld [smem:$0x3FFE];
	_ =	sdelay $0x1  }
0x8a: {  	s1 =	srdreg.scid  }
0x8b: {  	s0 =	sand.u32 $0x1, s1  }
0x8c: {  	s17 =	sshll.u32 s0, $0xA;
	s2 =	sadd.s32 s3, s2  }
0x8d: {  	s2 =	sadd.s32 s2, s17  }
0x8e: {  	[smem:$0x3FC4] =	sst s2  }
0x8f: {  	_ = 	snop  }
0x90: {  	(tm) =	ssettm $0x1  }
0x91: {  	s18 =	sld [smem:$0x3FFB];
	_ =	sdelay $0x3  }
0x92: {  	_ =	strace s18  }
0x93: {  	s2 =	sld [smem:$0x3FFC];
	_ =	sdelay $0x3  }
0x94: {  	_ =	strace s2  }
0x95: {  	s2 =	sld [smem:$0x3FFD];
	_ =	sdelay $0x3  }
0x96: {  	_ =	strace s2  }
0x97: {  	_ =	strace $0x8FFFFFFF  }
0x98: {  	s19 =	sld [smem:$0x3FDB];
	_ =	sdelay $0x1  }
0x99: {  	s20 =	simm.s32 $_scs_section_size  }
0x9a: {  	s4 =	simm.s32 $_size__tile_overlayer_lowered;
	s5 =	simm.s32 $_tile_overlayer_lowered  }
0x9b: {  	s6 =	simm.s32 $0x1BFF;
	s21 =	sshll.u32 s5, $0x1;
	s3 =	sadd.s32 s20, s19  }
0x9c: {  	s22 =	simm.s32 $0x0;
	s4 =	sshll.u32 s4, $0x1;
	s5 =	sadd.s32 s21, s3  }
0x9d: {  	[timem:s22], [sflag:s6] =	dma.local [hbm:s5], s4  }
0x9e: {  	_ =	swait.ge [sflag:s6], s4  }
0x9f: {  	s4 =	ssub.s32 $0x0, s4;
	[sflag:s6] =	ssyncset.done $0x0  }
0xa0: {  	[sflag:s6] =	ssyncadd.s32 s4;
	_ =	sdelay $0x1  }
0xa1: {  	s23 =	simm.s32 $0x1B8B  }
0xa2: {  	_ =	swait.ge [sflag:s23], $0x1  }
0xa3: {  	[sflag:s23] =	ssyncset.done $0x0  }
0xa4: {  	[sflag:s23] =	ssyncadd.s32 $0xFFFFFFFF  }
0xa5: {  	s4 =	sld [smem:$0x0]  }
0xa6: {  	s5 =	sand.u32 $0xFFFFFFFE, s1  }
0xa7: {  	p0 =	sne.s32 s1, s5  }
0xa8: {  	s5 =	sshll.u32 @p0 s5, $0xE  }
0xa9: {  	s5 =	sadd.s32 @p0 $0x11B8D, s5;
	s6 =	sshll.u32 @p0 s4, $0x11  }
0xaa: {  	s5 =	sor.u32 @p0 s6, s5  }
0xab: {  	[sflag:s5] =	ssyncadd.remote.s32 @p0 $0x1;
	_ =	sdelay $0x1  }
0xac: {  	s5 =	simm.s32 @p0 $0x1B8D  }
0xad: {  	_ =	swait.eq @p0 [sflag:s5], $0x1  }
0xae: {  	[sflag:s5] =	ssyncadd.s32 @p0 $0xFFFFFFFF  }
0xaf: {  	s6 =	sshll.u32 @!p0 s1, $0xE  }
0xb0: {  	s6 =	sor.u32 @!p0 $0x4000, s6;
	s5 =	simm.s32 @!p0 $0x1B8D  }
0xb1: {  	s4 =	sshll.u32 @!p0 s4, $0x11;
	s6 =	sadd.s32 @!p0 $0x11B8D, s6;
	_ =	swait.eq @!p0 [sflag:s5], $0x1  }
0xb2: {  	s4 =	sor.u32 @!p0 s4, s6;
	[sflag:s5] =	ssyncadd.s32 @!p0 $0xFFFFFFFF  }
0xb3: {  	s25 =	simm.s32 $0x1B8E;
	s24 =	sld [smem:$0x3FFE];
	[sflag:s4] =	ssyncadd.remote.s32 @!p0 $0x1  }
0xb4: {  	s26 =	simm.s32 $execute0_lowered;
	[smem:$0x3FD2] =	sst s25  }
0xb5: {  	s5 =	sshll.u32 s26, $0x1;
	_ =	strace $0x8000004F;
	[dreg:$0x1] =	wrdreg $0xFFFFFFFF  }
0xb6: {  	s28 =	simm.s32 $_size_execute0_lowered;
	s3 =	sadd.s32 s3, s5;
	[dreg:$0x0] =	wrdreg $0x0  }
0xb7: {  	s5 =	sshll.u32 s28, $0x1;
	[dreg:$0x2] =	wrdreg s3  }
0xb8: {  	[dreg:$0x3] =	wrdreg s5  }
0xb9: {  	[dreg:$0x4] =	wrdreg $0xC0  }
0xba: {  	_ =	task [dreg:s22], $0x5FFFF  }
0xbb: {  	[dreg:$0x1] =	wrdreg $0xFFFFFFFF  }
0xbc: {  	[dreg:$0x0] =	wrdreg $0x60  }
0xbd: {  	[dreg:$0x2] =	wrdreg s24  }
0xbe: {  	[dreg:$0x3] =	wrdreg $0xC  }
0xbf: {  	_ =	task.clear_ibuf [dreg:s22], $0x4FFFF;
	_ =	strace $0x9000004F  }
0xc0: {  	s29 =	simm.s32 $0xC;
	_ =	strace $0x80000051  }
0xc1: {  	_ =	swait.ge [sflag:s29], $0x1  }
0xc2: {  	[sflag:s29] =	ssyncadd.s32 $0xFFFFFFFF  }
0xc3: {  	_ =	strace $0x90000051  }
0xc4: {  	_ =	sfence  }
0xc5: {  	s30 =	sld [smem:$0x0];
	_ =	sdelay $0x2  }
0xc6: {  	s31 =	sshll.u32 s1, $0xD;
	s1 =	sshrl.u32 s1, $0x2  }
0xc7: {  	s4 =	sand.u32 $0x4000, s31;
	s1 =	sadd.s32 s1, s30  }
0xc8: {  	s0 =	sor.u32 s4, s0;
	s1 =	sshll.u32 s1, $0x11  }
0xc9: {  	s0 =	sor.u32 s1, s0  }
0xca: {  	s0 =	sadd.s32 $0x8F2B, s0  }
0xcb: {  	[sflag:s0] =	ssyncadd.remote.s32 $0x1  }
0xcc: {  	_ =	sfence.sel $0xFFFF  }
0xcd: {  	[dreg:$0x0] =	wrdreg $0xFFFFFFFF;
	(pc) =	sbr.abs _section_cstart, $3  }
0xce: {  	[dreg:$0x1] =	wrdreg $0xFFFFFFFF  }
0xcf: {  	_ =	task.clear_ibuf [dreg:s22], $0x2FFFF;
	_ =	strace $0x9FFFFFFF  }
0xd0: {  	(tm) =	ssettm $0x7FFFFFFF  }
0xd1: {  	_ =	shalt  }
tec
execute0_lowered:
.L_overlay_start_1:
0x0: {  	(tag) =	ssettag $0x1  }
0x1: {  	s0 =	rddreg [dreg:$0x0];
	s1 =	simm.s32 $0x0;
	s2 =	srdreg.scid  }
0x2: {  	s5 =	stileid.u32;
	s12 =	simm.s32 $0x200;
	s19 =	simm.s32 $0xC200  }
0x3: {  	s28 =	simm.s32 $0x1;
	s29 =	simm.s32 $0x2;
	s9 =	simm.s32 $0x10A00  }
0x4: {  	s10 =	simm.s32 $0x11200;
	s11 =	simm.s32 $0x12200;
	s13 =	simm.s32 $0x12A00  }
0x5: {  	s14 =	simm.s32 $0x12E00;
	s15 =	simm.s32 $0x13600;
	s16 =	simm.s32 $0x13A00  }
0x6: {  	s17 =	simm.s32 $0x14200;
	s18 =	simm.s32 $0x14600;
	s20 =	simm.s32 $0x14E00  }
0x7: {  	s21 =	simm.s32 $0x15200;
	s22 =	simm.s32 $0x15A00;
	s23 =	simm.s32 $0x15E00  }
0x8: {  	s24 =	simm.s32 $0x16600;
	s25 =	simm.s32 $0x16A00;
	[smem:$0x7FF] =	sst s1  }
0x9: {  	s3 =	sadd.s32 $0x143600, s0;
	s2 =	sand.u32 $0x1, s2;
	s4 =	sshll.u32 s5, $0x3  }
0xa: {  	s5 =	sshll.u32 s5, $0xA;
	_ =	strace $0x80000050;
	s6 =	sshll.u32 s2, $0x9  }
0xb: {  	s7 =	sand.u32 $0x70, s4;
	s2 =	ssub.s32 $0x2, s2;
	s4 =	sor.u32 s6, s5  }
0xc: {  	s26 =	sadd.s32 s7, s0;
	s30 =	sshrl.u32 s2, $0x1;
	s5 =	sadd.s32 $0x443600, s0  }
0xd: {  	s7 =	sadd.s32 $0x143700, s0;
	s8 =	sand.u32 $0x600, s4;
	s2 =	ssub.s32 s2, s30  }
0xe: {  	v2 =	vlaneseq.u32;
	s6 =	sadd.s32 s8, s26;
	s31 =	smax.u32 s2, $0x1;
	s2 =	simm.s32 $0x0  }
0xf: {  	vm0 =	vmmov $0xffff;
	vm1 =	vmmov $0xff;
	v1 =	vshrl.u32 v2, $0x3;
	s8 =	simm.s32 $0x11E00;
	s6 =	sadd.s32 $0x4E00, s6;
	[dreg:$0x3] =	wrdreg s31  }
0x10: {  	v0 =	vand.u32 $0x7, v2;
	v2 =	vor.u32 $0x8, v2;
	v1 =	vmul.u32 $0x8, v1;
	s26 =	simm.s32 $0x17200;
	[dreg:$0x2] =	wrdreg s6;
	s6 =	simm.s32 $0x11600  }
.LBB2_1:
0x11: {  	s30 =	rddreg [dreg:$0x2];
	s31 =	simm.s32 $0x80;
	s0 =	simm.s32 $0x400  }
0x12: {  	[tilespmem:s1], [sflag:$0x5] =	stream.strided.gather [hbm4b:s30+s31], $0x200, s0, s31, $0x38;
	[tilespmem:$0x18200] =	vst v63  }
0x13: {  	[dreg:$0x4] =	wrdreg s2;
	s31 =	simm.s32 $0x5  }
0x14: {  	p0 =	por $0x1, $0x1;
	_ =	swait.ge [sflag:s31], $0x200  }
0x15: {  	p1 =	por $0x0, $0x0;
	s2 =	simm.s32 $0x17E00;
	[sflag:s31] =	ssyncset.done $0x0  }
0x16: {  	s30 =	simm.s32 $0x0;
	s0 =	simm.s32 $0x17600;
	[sflag:s31] =	ssyncadd.s32 $0xFFFFFE00  }
.LBB2_2:
0x17: {  	s31 =	simm.s32 @p1 $0x3  }
0x18: {  	_ =	swait.ge @p1 [sflag:s31], $0xC000  }
0x19: {  	[sflag:s31] =	ssyncset.done @p1 $0x0  }
0x1a: {  	[sflag:s31] =	ssyncadd.s32 @p1 $0xFFFF4000;
	s31 =	simm.s32 @p1 $0x4  }
0x1b: {  	_ =	swait.ge @p1 [sflag:s31], $0xC000  }
0x1c: {  	[sflag:s31] =	ssyncset.done @p1 $0x0  }
0x1d: {  	[sflag:s31] =	ssyncadd.s32 @p1 $0xFFFF4000  }
0x1e: {  	v3 =	vld [tilespmem:s30+$0x0];
	_ =	sdelay $0x4  }
0x1f: {  	v4 =	vshrl.u32 v3, $0x3  }
0x20: {  	v4 =	vmul.u32 $0x18, v4  }
0x21: {  	v3 =	vand.u32 $0x7, v3  }
0x22: {  	v3 =	vor.u32 v3, v4  }
0x23: {  	v4 =	vperm.xlane v3, v0;
	_ =	sdelay $0x1  }
0x24: {  	v4 =	vadd.s32 v1, v4;
	_ =	sdelay $0x1  }
0x25: {  	v3 =	vperm.xlane v3, v2;
	_ =	sdelay $0x1  }
0x26: {  	v3 =	vadd.s32 v1, v3  }
0x27: {  	[tilespmem:s12], [sflag:$0x1] =	stream.indirect_vreg.gather [hbm4b:s3+s1], $0x80, v4, vm0, $0xb8;
	[tilespmem:$0x18200] =	vst v63  }
0x28: {  	s31 =	simm.s32 $0xA00  }
0x29: {  	[tilespmem:s31], [sflag:$0x1] =	stream.indirect_vreg.gather [hbm4b:s7+s1], $0x80, v4, vm1, $0xb8;
	[tilespmem:$0x18200] =	vst v63  }
0x2a: {  	s31 =	simm.s32 $0xE00  }
0x2b: {  	[tilespmem:s31], [sflag:$0x1] =	stream.indirect_vreg.gather [hbm4b:s3+s1], $0x80, v3, vm0, $0xb8;
	[tilespmem:$0x18200] =	vst v63  }
0x2c: {  	s31 =	simm.s32 $0x1600  }
0x2d: {  	[tilespmem:s31], [sflag:$0x1] =	stream.indirect_vreg.gather [hbm4b:s7+s1], $0x80, v3, vm1, $0xb8;
	[tilespmem:$0x18200] =	vst v63  }
0x2e: {  	v3 =	vld [tilespmem:s30+$0x10];
	_ =	sdelay $0x4  }
0x2f: {  	v49 =	vshrl.u32 v3, $0x3  }
0x30: {  	v4 =	vmul.u32 $0x18, v49  }
0x31: {  	v3 =	vand.u32 $0x7, v3  }
0x32: {  	v3 =	vor.u32 v3, v4  }
0x33: {  	v4 =	vperm.xlane v3, v0;
	_ =	sdelay $0x1  }
0x34: {  	v4 =	vadd.s32 v1, v4;
	_ =	sdelay $0x1  }
0x35: {  	v3 =	vperm.xlane v3, v2;
	_ =	sdelay $0x1  }
0x36: {  	s31 =	simm.s32 $0x1A00;
	v3 =	vadd.s32 v1, v3  }
0x37: {  	[tilespmem:s31], [sflag:$0x1] =	stream.indirect_vreg.gather [hbm4b:s3+s1], $0x80, v4, vm0, $0xb8;
	[tilespmem:$0x18200] =	vst v63  }
0x38: {  	s31 =	simm.s32 $0x2200  }
0x39: {  	[tilespmem:s31], [sflag:$0x1] =	stream.indirect_vreg.gather [hbm4b:s7+s1], $0x80, v4, vm1, $0xb8;
	[tilespmem:$0x18200] =	vst v63  }
0x3a: {  	s31 =	simm.s32 $0x2600  }
0x3b: {  	[tilespmem:s31], [sflag:$0x1] =	stream.indirect_vreg.gather [hbm4b:s3+s1], $0x80, v3, vm0, $0xb8;
	[tilespmem:$0x18200] =	vst v63  }
0x3c: {  	s31 =	simm.s32 $0x2E00  }
0x3d: {  	[tilespmem:s31], [sflag:$0x1] =	stream.indirect_vreg.gather [hbm4b:s7+s1], $0x80, v3, vm1, $0xb8;
	[tilespmem:$0x18200] =	vst v63  }
0x3e: {  	v3 =	vld [tilespmem:s30+$0x20];
	_ =	sdelay $0x4  }
0x3f: {  	v50 =	vshrl.u32 v3, $0x3  }
0x40: {  	v4 =	vmul.u32 $0x18, v50  }
0x41: {  	v3 =	vand.u32 $0x7, v3  }
0x42: {  	v3 =	vor.u32 v3, v4  }
0x43: {  	v4 =	vperm.xlane v3, v0;
	_ =	sdelay $0x1  }
0x44: {  	v4 =	vadd.s32 v1, v4;
	_ =	sdelay $0x1  }
0x45: {  	v3 =	vperm.xlane v3, v2;
	_ =	sdelay $0x1  }
0x46: {  	s31 =	simm.s32 $0x3200;
	v3 =	vadd.s32 v1, v3  }
0x47: {  	[tilespmem:s31], [sflag:$0x1] =	stream.indirect_vreg.gather [hbm4b:s3+s1], $0x80, v4, vm0, $0xb8;
	[tilespmem:$0x18200] =	vst v63  }
0x48: {  	s31 =	simm.s32 $0x3A00  }
0x49: {  	[tilespmem:s31], [sflag:$0x1] =	stream.indirect_vreg.gather [hbm4b:s7+s1], $0x80, v4, vm1, $0xb8;
	[tilespmem:$0x18200] =	vst v63  }
0x4a: {  	s31 =	simm.s32 $0x3E00  }
0x4b: {  	[tilespmem:s31], [sflag:$0x1] =	stream.indirect_vreg.gather [hbm4b:s3+s1], $0x80, v3, vm0, $0xb8;
	[tilespmem:$0x18200] =	vst v63  }
0x4c: {  	s31 =	simm.s32 $0x4600  }
0x4d: {  	[tilespmem:s31], [sflag:$0x1] =	stream.indirect_vreg.gather [hbm4b:s7+s1], $0x80, v3, vm1, $0xb8;
	[tilespmem:$0x18200] =	vst v63  }
0x4e: {  	v3 =	vld [tilespmem:s30+$0x30];
	_ =	sdelay $0x4  }
0x4f: {  	v51 =	vshrl.u32 v3, $0x3  }
0x50: {  	v4 =	vmul.u32 $0x18, v51  }
0x51: {  	v3 =	vand.u32 $0x7, v3  }
0x52: {  	v3 =	vor.u32 v3, v4  }
0x53: {  	v4 =	vperm.xlane v3, v0;
	_ =	sdelay $0x1  }
0x54: {  	v4 =	vadd.s32 v1, v4;
	_ =	sdelay $0x1  }
0x55: {  	v3 =	vperm.xlane v3, v2;
	_ =	sdelay $0x1  }
0x56: {  	s31 =	simm.s32 $0x4A00;
	v3 =	vadd.s32 v1, v3  }
0x57: {  	[tilespmem:s31], [sflag:$0x1] =	stream.indirect_vreg.gather [hbm4b:s3+s1], $0x80, v4, vm0, $0xb8;
	[tilespmem:$0x18200] =	vst v63  }
0x58: {  	s31 =	simm.s32 $0x5200  }
0x59: {  	[tilespmem:s31], [sflag:$0x1] =	stream.indirect_vreg.gather [hbm4b:s7+s1], $0x80, v4, vm1, $0xb8;
	[tilespmem:$0x18200] =	vst v63  }
0x5a: {  	s31 =	simm.s32 $0x5600  }
0x5b: {  	[tilespmem:s31], [sflag:$0x1] =	stream.indirect_vreg.gather [hbm4b:s3+s1], $0x80, v3, vm0, $0xb8;
	[tilespmem:$0x18200] =	vst v63  }
0x5c: {  	s31 =	simm.s32 $0x5E00  }
0x5d: {  	[tilespmem:s31], [sflag:$0x1] =	stream.indirect_vreg.gather [hbm4b:s7+s1], $0x80, v3, vm1, $0xb8;
	[tilespmem:$0x18200] =	vst v63  }
0x5e: {  	v3 =	vld [tilespmem:s30+$0x40];
	_ =	sdelay $0x4  }
0x5f: {  	v52 =	vshrl.u32 v3, $0x3  }
0x60: {  	v4 =	vmul.u32 $0x18, v52  }
0x61: {  	v3 =	vand.u32 $0x7, v3  }
0x62: {  	v3 =	vor.u32 v3, v4  }
0x63: {  	v4 =	vperm.xlane v3, v0;
	_ =	sdelay $0x1  }
0x64: {  	v4 =	vadd.s32 v1, v4;
	_ =	sdelay $0x1  }
0x65: {  	v3 =	vperm.xlane v3, v2;
	_ =	sdelay $0x1  }
0x66: {  	s31 =	simm.s32 $0x6200;
	v3 =	vadd.s32 v1, v3  }
0x67: {  	[tilespmem:s31], [sflag:$0x1] =	stream.indirect_vreg.gather [hbm4b:s3+s1], $0x80, v4, vm0, $0xb8;
	[tilespmem:$0x18200] =	vst v63  }
0x68: {  	s31 =	simm.s32 $0x6A00  }
0x69: {  	[tilespmem:s31], [sflag:$0x1] =	stream.indirect_vreg.gather [hbm4b:s7+s1], $0x80, v4, vm1, $0xb8;
	[tilespmem:$0x18200] =	vst v63  }
0x6a: {  	s31 =	simm.s32 $0x6E00  }
0x6b: {  	[tilespmem:s31], [sflag:$0x1] =	stream.indirect_vreg.gather [hbm4b:s3+s1], $0x80, v3, vm0, $0xb8;
	[tilespmem:$0x18200] =	vst v63  }
0x6c: {  	s31 =	simm.s32 $0x7600  }
0x6d: {  	[tilespmem:s31], [sflag:$0x1] =	stream.indirect_vreg.gather [hbm4b:s7+s1], $0x80, v3, vm1, $0xb8;
	[tilespmem:$0x18200] =	vst v63  }
0x6e: {  	v3 =	vld [tilespmem:s30+$0x50];
	_ =	sdelay $0x4  }
0x6f: {  	v53 =	vshrl.u32 v3, $0x3  }
0x70: {  	v4 =	vmul.u32 $0x18, v53  }
0x71: {  	v3 =	vand.u32 $0x7, v3  }
0x72: {  	v3 =	vor.u32 v3, v4  }
0x73: {  	v4 =	vperm.xlane v3, v0;
	_ =	sdelay $0x1  }
0x74: {  	v4 =	vadd.s32 v1, v4;
	_ =	sdelay $0x1  }
0x75: {  	v3 =	vperm.xlane v3, v2;
	_ =	sdelay $0x1  }
0x76: {  	s31 =	simm.s32 $0x7A00;
	v3 =	vadd.s32 v1, v3  }
0x77: {  	[tilespmem:s31], [sflag:$0x1] =	stream.indirect_vreg.gather [hbm4b:s3+s1], $0x80, v4, vm0, $0xb8;
	[tilespmem:$0x18200] =	vst v63  }
0x78: {  	s31 =	simm.s32 $0x8200  }
0x79: {  	[tilespmem:s31], [sflag:$0x1] =	stream.indirect_vreg.gather [hbm4b:s7+s1], $0x80, v4, vm1, $0xb8;
	[tilespmem:$0x18200] =	vst v63  }
0x7a: {  	s31 =	simm.s32 $0x8600  }
0x7b: {  	[tilespmem:s31], [sflag:$0x1] =	stream.indirect_vreg.gather [hbm4b:s3+s1], $0x80, v3, vm0, $0xb8;
	[tilespmem:$0x18200] =	vst v63  }
0x7c: {  	s31 =	simm.s32 $0x8E00  }
0x7d: {  	[tilespmem:s31], [sflag:$0x1] =	stream.indirect_vreg.gather [hbm4b:s7+s1], $0x80, v3, vm1, $0xb8;
	[tilespmem:$0x18200] =	vst v63  }
0x7e: {  	v3 =	vld [tilespmem:s30+$0x60];
	_ =	sdelay $0x4  }
0x7f: {  	v54 =	vshrl.u32 v3, $0x3  }
0x80: {  	v4 =	vmul.u32 $0x18, v54  }
0x81: {  	v3 =	vand.u32 $0x7, v3  }
0x82: {  	v3 =	vor.u32 v3, v4  }
0x83: {  	v4 =	vperm.xlane v3, v0;
	_ =	sdelay $0x1  }
0x84: {  	v4 =	vadd.s32 v1, v4;
	_ =	sdelay $0x1  }
0x85: {  	v3 =	vperm.xlane v3, v2;
	_ =	sdelay $0x1  }
0x86: {  	s31 =	simm.s32 $0x9200;
	v3 =	vadd.s32 v1, v3  }
0x87: {  	[tilespmem:s31], [sflag:$0x1] =	stream.indirect_vreg.gather [hbm4b:s3+s1], $0x80, v4, vm0, $0xb8;
	[tilespmem:$0x18200] =	vst v63  }
0x88: {  	s31 =	simm.s32 $0x9A00  }
0x89: {  	[tilespmem:s31], [sflag:$0x1] =	stream.indirect_vreg.gather [hbm4b:s7+s1], $0x80, v4, vm1, $0xb8;
	[tilespmem:$0x18200] =	vst v63  }
0x8a: {  	s31 =	simm.s32 $0x9E00  }
0x8b: {  	[tilespmem:s31], [sflag:$0x1] =	stream.indirect_vreg.gather [hbm4b:s3+s1], $0x80, v3, vm0, $0xb8;
	[tilespmem:$0x18200] =	vst v63  }
0x8c: {  	s31 =	simm.s32 $0xA600  }
0x8d: {  	[tilespmem:s31], [sflag:$0x1] =	stream.indirect_vreg.gather [hbm4b:s7+s1], $0x80, v3, vm1, $0xb8;
	[tilespmem:$0x18200] =	vst v63  }
0x8e: {  	v3 =	vld [tilespmem:s30+$0x70];
	_ =	sdelay $0x4  }
0x8f: {  	v55 =	vshrl.u32 v3, $0x3  }
0x90: {  	v4 =	vmul.u32 $0x18, v55  }
0x91: {  	v3 =	vand.u32 $0x7, v3  }
0x92: {  	v3 =	vor.u32 v3, v4  }
0x93: {  	v4 =	vperm.xlane v3, v0;
	_ =	sdelay $0x1  }
0x94: {  	v4 =	vadd.s32 v1, v4;
	_ =	sdelay $0x1  }
0x95: {  	v3 =	vperm.xlane v3, v2;
	_ =	sdelay $0x1  }
0x96: {  	s31 =	simm.s32 $0xAA00;
	v3 =	vadd.s32 v1, v3  }
0x97: {  	[tilespmem:s31], [sflag:$0x1] =	stream.indirect_vreg.gather [hbm4b:s3+s1], $0x80, v4, vm0, $0xb8;
	[tilespmem:$0x18200] =	vst v63  }
0x98: {  	s31 =	simm.s32 $0xB200  }
0x99: {  	[tilespmem:s31], [sflag:$0x1] =	stream.indirect_vreg.gather [hbm4b:s7+s1], $0x80, v4, vm1, $0xb8;
	[tilespmem:$0x18200] =	vst v63  }
0x9a: {  	s31 =	simm.s32 $0xB600  }
0x9b: {  	[tilespmem:s31], [sflag:$0x1] =	stream.indirect_vreg.gather [hbm4b:s3+s1], $0x80, v3, vm0, $0xb8;
	[tilespmem:$0x18200] =	vst v63  }
0x9c: {  	s31 =	simm.s32 $0xBE00  }
0x9d: {  	[tilespmem:s31], [sflag:$0x1] =	stream.indirect_vreg.gather [hbm4b:s7+s1], $0x80, v3, vm1, $0xb8;
	[tilespmem:$0x18200] =	vst v63  }
0x9e: {  	v3 =	vld [tilespmem:s30+$0x80];
	_ =	sdelay $0x4  }
0x9f: {  	v56 =	vshrl.u32 v3, $0x3  }
0xa0: {  	v4 =	vmul.u32 $0x18, v56  }
0xa1: {  	v3 =	vand.u32 $0x7, v3  }
0xa2: {  	v3 =	vor.u32 v3, v4  }
0xa3: {  	v4 =	vperm.xlane v3, v0;
	_ =	sdelay $0x1  }
0xa4: {  	v4 =	vadd.s32 v1, v4;
	_ =	sdelay $0x1  }
0xa5: {  	v3 =	vperm.xlane v3, v2;
	_ =	sdelay $0x1  }
0xa6: {  	v3 =	vadd.s32 v1, v3  }
0xa7: {  	[tilespmem:s19], [sflag:$0x2] =	stream.indirect_vreg.gather [hbm4b:s3+s1], $0x80, v4, vm0, $0xb8;
	[tilespmem:$0x18200] =	vst v63  }
0xa8: {  	s31 =	simm.s32 $0xCA00  }
0xa9: {  	[tilespmem:s31], [sflag:$0x2] =	stream.indirect_vreg.gather [hbm4b:s7+s1], $0x80, v4, vm1, $0xb8;
	[tilespmem:$0x18200] =	vst v63  }
0xaa: {  	s31 =	simm.s32 $0xCE00  }
0xab: {  	[tilespmem:s31], [sflag:$0x2] =	stream.indirect_vreg.gather [hbm4b:s3+s1], $0x80, v3, vm0, $0xb8;
	[tilespmem:$0x18200] =	vst v63  }
0xac: {  	s31 =	simm.s32 $0xD600  }
0xad: {  	[tilespmem:s31], [sflag:$0x2] =	stream.indirect_vreg.gather [hbm4b:s7+s1], $0x80, v3, vm1, $0xb8;
	[tilespmem:$0x18200] =	vst v63  }
0xae: {  	v3 =	vld [tilespmem:s30+$0x90];
	_ =	sdelay $0x4  }
0xaf: {  	v57 =	vshrl.u32 v3, $0x3  }
0xb0: {  	v4 =	vmul.u32 $0x18, v57  }
0xb1: {  	v3 =	vand.u32 $0x7, v3  }
0xb2: {  	v3 =	vor.u32 v3, v4  }
0xb3: {  	v4 =	vperm.xlane v3, v0;
	_ =	sdelay $0x1  }
0xb4: {  	v4 =	vadd.s32 v1, v4;
	_ =	sdelay $0x1  }
0xb5: {  	v3 =	vperm.xlane v3, v2;
	_ =	sdelay $0x1  }
0xb6: {  	s31 =	simm.s32 $0xDA00;
	v3 =	vadd.s32 v1, v3  }
0xb7: {  	[tilespmem:s31], [sflag:$0x2] =	stream.indirect_vreg.gather [hbm4b:s3+s1], $0x80, v4, vm0, $0xb8;
	[tilespmem:$0x18200] =	vst v63  }
0xb8: {  	s31 =	simm.s32 $0xE200  }
0xb9: {  	[tilespmem:s31], [sflag:$0x2] =	stream.indirect_vreg.gather [hbm4b:s7+s1], $0x80, v4, vm1, $0xb8;
	[tilespmem:$0x18200] =	vst v63  }
0xba: {  	s31 =	simm.s32 $0xE600  }
0xbb: {  	[tilespmem:s31], [sflag:$0x2] =	stream.indirect_vreg.gather [hbm4b:s3+s1], $0x80, v3, vm0, $0xb8;
	[tilespmem:$0x18200] =	vst v63  }
0xbc: {  	s31 =	simm.s32 $0xEE00  }
0xbd: {  	[tilespmem:s31], [sflag:$0x2] =	stream.indirect_vreg.gather [hbm4b:s7+s1], $0x80, v3, vm1, $0xb8;
	[tilespmem:$0x18200] =	vst v63  }
0xbe: {  	v3 =	vld [tilespmem:s30+$0xA0];
	_ =	sdelay $0x4  }
0xbf: {  	v58 =	vshrl.u32 v3, $0x3  }
0xc0: {  	v4 =	vmul.u32 $0x18, v58  }
0xc1: {  	v3 =	vand.u32 $0x7, v3  }
0xc2: {  	v3 =	vor.u32 v3, v4  }
0xc3: {  	v4 =	vperm.xlane v3, v0;
	_ =	sdelay $0x1  }
0xc4: {  	v4 =	vadd.s32 v1, v4;
	_ =	sdelay $0x1  }
0xc5: {  	v3 =	vperm.xlane v3, v2;
	_ =	sdelay $0x1  }
0xc6: {  	s31 =	simm.s32 $0xF200;
	v3 =	vadd.s32 v1, v3  }
0xc7: {  	[tilespmem:s31], [sflag:$0x2] =	stream.indirect_vreg.gather [hbm4b:s3+s1], $0x80, v4, vm0, $0xb8;
	[tilespmem:$0x18200] =	vst v63  }
0xc8: {  	s31 =	simm.s32 $0xFA00  }
0xc9: {  	[tilespmem:s31], [sflag:$0x2] =	stream.indirect_vreg.gather [hbm4b:s7+s1], $0x80, v4, vm1, $0xb8;
	[tilespmem:$0x18200] =	vst v63  }
0xca: {  	s31 =	simm.s32 $0xFE00  }
0xcb: {  	[tilespmem:s31], [sflag:$0x2] =	stream.indirect_vreg.gather [hbm4b:s3+s1], $0x80, v3, vm0, $0xb8;
	[tilespmem:$0x18200] =	vst v63  }
0xcc: {  	s31 =	simm.s32 $0x10600  }
0xcd: {  	[tilespmem:s31], [sflag:$0x2] =	stream.indirect_vreg.gather [hbm4b:s7+s1], $0x80, v3, vm1, $0xb8;
	[tilespmem:$0x18200] =	vst v63  }
0xce: {  	v3 =	vld [tilespmem:s30+$0xB0];
	_ =	sdelay $0x4  }
0xcf: {  	v59 =	vshrl.u32 v3, $0x3  }
0xd0: {  	v4 =	vmul.u32 $0x18, v59  }
0xd1: {  	v3 =	vand.u32 $0x7, v3  }
0xd2: {  	v3 =	vor.u32 v3, v4  }
0xd3: {  	v4 =	vperm.xlane v3, v0;
	_ =	sdelay $0x1  }
0xd4: {  	v4 =	vadd.s32 v1, v4;
	_ =	sdelay $0x1  }
0xd5: {  	v3 =	vperm.xlane v3, v2;
	_ =	sdelay $0x1  }
0xd6: {  	v3 =	vadd.s32 v1, v3  }
0xd7: {  	[tilespmem:s9], [sflag:$0x2] =	stream.indirect_vreg.gather [hbm4b:s3+s1], $0x80, v4, vm0, $0xb8;
	[tilespmem:$0x18200] =	vst v63  }
0xd8: {  	_ = 	snop  }
0xd9: {  	[tilespmem:s10], [sflag:$0x2] =	stream.indirect_vreg.gather [hbm4b:s7+s1], $0x80, v4, vm1, $0xb8;
	[tilespmem:$0x18200] =	vst v63  }
0xda: {  	_ = 	snop  }
0xdb: {  	[tilespmem:s6], [sflag:$0x2] =	stream.indirect_vreg.gather [hbm4b:s3+s1], $0x80, v3, vm0, $0xb8;
	[tilespmem:$0x18200] =	vst v63  }
0xdc: {  	_ = 	snop  }
0xdd: {  	[tilespmem:s8], [sflag:$0x2] =	stream.indirect_vreg.gather [hbm4b:s7+s1], $0x80, v3, vm1, $0xb8;
	[tilespmem:$0x18200] =	vst v63  }
0xde: {  	v3 =	vld [tilespmem:s30+$0xC0];
	_ =	sdelay $0x4  }
0xdf: {  	v60 =	vshrl.u32 v3, $0x3  }
0xe0: {  	v4 =	vmul.u32 $0x18, v60  }
0xe1: {  	v3 =	vand.u32 $0x7, v3  }
0xe2: {  	v3 =	vor.u32 v3, v4  }
0xe3: {  	v4 =	vperm.xlane v3, v0;
	_ =	sdelay $0x1  }
0xe4: {  	v4 =	vadd.s32 v1, v4;
	_ =	sdelay $0x1  }
0xe5: {  	v3 =	vperm.xlane v3, v2;
	_ =	sdelay $0x1  }
0xe6: {  	v3 =	vadd.s32 v1, v3  }
0xe7: {  	[tilespmem:s11], [sflag:$0x2] =	stream.indirect_vreg.gather [hbm4b:s3+s1], $0x80, v4, vm0, $0xb8;
	[tilespmem:$0x18200] =	vst v63  }
0xe8: {  	_ = 	snop  }
0xe9: {  	[tilespmem:s13], [sflag:$0x2] =	stream.indirect_vreg.gather [hbm4b:s7+s1], $0x80, v4, vm1, $0xb8;
	[tilespmem:$0x18200] =	vst v63  }
0xea: {  	_ = 	snop  }
0xeb: {  	[tilespmem:s14], [sflag:$0x2] =	stream.indirect_vreg.gather [hbm4b:s3+s1], $0x80, v3, vm0, $0xb8;
	[tilespmem:$0x18200] =	vst v63  }
0xec: {  	_ = 	snop  }
0xed: {  	[tilespmem:s15], [sflag:$0x2] =	stream.indirect_vreg.gather [hbm4b:s7+s1], $0x80, v3, vm1, $0xb8;
	[tilespmem:$0x18200] =	vst v63  }
0xee: {  	v3 =	vld [tilespmem:s30+$0xD0];
	_ =	sdelay $0x4  }
0xef: {  	v61 =	vshrl.u32 v3, $0x3  }
0xf0: {  	v4 =	vmul.u32 $0x18, v61  }
0xf1: {  	v3 =	vand.u32 $0x7, v3  }
0xf2: {  	v3 =	vor.u32 v3, v4  }
0xf3: {  	v4 =	vperm.xlane v3, v0;
	_ =	sdelay $0x1  }
0xf4: {  	v4 =	vadd.s32 v1, v4;
	_ =	sdelay $0x1  }
0xf5: {  	v3 =	vperm.xlane v3, v2;
	_ =	sdelay $0x1  }
0xf6: {  	v3 =	vadd.s32 v1, v3  }
0xf7: {  	[tilespmem:s16], [sflag:$0x2] =	stream.indirect_vreg.gather [hbm4b:s3+s1], $0x80, v4, vm0, $0xb8;
	[tilespmem:$0x18200] =	vst v63  }
0xf8: {  	_ = 	snop  }
0xf9: {  	[tilespmem:s17], [sflag:$0x2] =	stream.indirect_vreg.gather [hbm4b:s7+s1], $0x80, v4, vm1, $0xb8;
	[tilespmem:$0x18200] =	vst v63  }
0xfa: {  	_ = 	snop  }
0xfb: {  	[tilespmem:s18], [sflag:$0x2] =	stream.indirect_vreg.gather [hbm4b:s3+s1], $0x80, v3, vm0, $0xb8;
	[tilespmem:$0x18200] =	vst v63  }
0xfc: {  	_ = 	snop  }
0xfd: {  	[tilespmem:s20], [sflag:$0x2] =	stream.indirect_vreg.gather [hbm4b:s7+s1], $0x80, v3, vm1, $0xb8;
	[tilespmem:$0x18200] =	vst v63  }
0xfe: {  	v3 =	vld [tilespmem:s30+$0xE0];
	_ =	sdelay $0x4  }
0xff: {  	v62 =	vshrl.u32 v3, $0x3  }
0x100: {  	v4 =	vmul.u32 $0x18, v62  }
0x101: {  	v3 =	vand.u32 $0x7, v3  }
0x102: {  	v3 =	vor.u32 v3, v4  }
0x103: {  	v4 =	vperm.xlane v3, v0;
	_ =	sdelay $0x1  }
0x104: {  	v4 =	vadd.s32 v1, v4;
	_ =	sdelay $0x1  }
0x105: {  	v3 =	vperm.xlane v3, v2;
	_ =	sdelay $0x1  }
0x106: {  	v3 =	vadd.s32 v1, v3  }
0x107: {  	[tilespmem:s21], [sflag:$0x2] =	stream.indirect_vreg.gather [hbm4b:s3+s1], $0x80, v4, vm0, $0xb8;
	[tilespmem:$0x18200] =	vst v63  }
0x108: {  	_ = 	snop  }
0x109: {  	[tilespmem:s22], [sflag:$0x2] =	stream.indirect_vreg.gather [hbm4b:s7+s1], $0x80, v4, vm1, $0xb8;
	[tilespmem:$0x18200] =	vst v63  }
0x10a: {  	_ = 	snop  }
0x10b: {  	[tilespmem:s23], [sflag:$0x2] =	stream.indirect_vreg.gather [hbm4b:s3+s1], $0x80, v3, vm0, $0xb8;
	[tilespmem:$0x18200] =	vst v63  }
0x10c: {  	_ = 	snop  }
0x10d: {  	[tilespmem:s24], [sflag:$0x2] =	stream.indirect_vreg.gather [hbm4b:s7+s1], $0x80, v3, vm1, $0xb8;
	[tilespmem:$0x18200] =	vst v63  }
0x10e: {  	v3 =	vld [tilespmem:s30+$0xF0];
	_ =	sdelay $0x4  }
0x10f: {  	v63 =	vshrl.u32 v3, $0x3  }
0x110: {  	v4 =	vmul.u32 $0x18, v63  }
0x111: {  	v3 =	vand.u32 $0x7, v3  }
0x112: {  	v3 =	vor.u32 v3, v4  }
0x113: {  	v4 =	vperm.xlane v3, v0;
	_ =	sdelay $0x1  }
0x114: {  	v4 =	vadd.s32 v1, v4;
	_ =	sdelay $0x1  }
0x115: {  	v3 =	vperm.xlane v3, v2;
	_ =	sdelay $0x1  }
0x116: {  	v3 =	vadd.s32 v1, v3  }
0x117: {  	[tilespmem:s25], [sflag:$0x2] =	stream.indirect_vreg.gather [hbm4b:s3+s1], $0x80, v4, vm0, $0xb8;
	[tilespmem:$0x18200] =	vst v63  }
0x118: {  	_ = 	snop  }
0x119: {  	[tilespmem:s26], [sflag:$0x2] =	stream.indirect_vreg.gather [hbm4b:s7+s1], $0x80, v4, vm1, $0xb8;
	[tilespmem:$0x18200] =	vst v63  }
0x11a: {  	s30 =	sor.u32 s4, s30  }
0x11b: {  	[tilespmem:s0], [sflag:$0x2] =	stream.indirect_vreg.gather [hbm4b:s3+s1], $0x80, v3, vm0, $0xb8;
	[tilespmem:$0x18200] =	vst v63  }
0x11c: {  	s30 =	sshrl.u32 s30, $0x3  }
0x11d: {  	[tilespmem:s2], [sflag:$0x2] =	stream.indirect_vreg.gather [hbm4b:s7+s1], $0x80, v3, vm1, $0xb8;
	[tilespmem:$0x18200] =	vst v63  }
0x11e: {  	s31 =	smul.u32 $0x180, s30;
	_ =	swait.ge [sflag:s28], $0xC000  }
0x11f: {  	p2 =	por p0, p0;
	[sflag:s28] =	ssyncset.done $0x0  }
0x120: {  	s30 =	smul.u32 $0xC00, s30;
	s31 =	sadd.s32 s5, s31;
	[sflag:s28] =	ssyncadd.s32 $0xFFFF4000  }
0x121: {  	[hbm4b:s31+s1] =	stream.linear.scatter [tilespmem:s12], [sflag:$0x3], $0xC000, $0x38;
	[tilespmem:$0x18200] =	vst v63  }
.Ltmp0:
0x122: {  	s30 =	sshrl.u32 s30, $0x3;
	_ =	swait.ge [sflag:s29], $0xC000;
	(pc) =	sbr.rel @p2 .LBB2_2-.Ltmp0, $4  }
0x123: {  	s30 =	sadd.s32 s5, s30;
	[sflag:s29] =	ssyncset.done $0x0  }
0x124: {  	s30 =	sadd.s32 $0x1800, s30;
	[sflag:s29] =	ssyncadd.s32 $0xFFFF4000  }
0x125: {  	[hbm4b:s30+s1] =	stream.linear.scatter [tilespmem:s19], [sflag:$0x4], $0xC000, $0x38;
	[tilespmem:$0x18200] =	vst v63  }
0x126: {  	p0 =	por $0x0, $0x0;
	p1 =	por $0x1, $0x1;
	s30 =	simm.s32 $0x100  }
0x127: {  	s0 =	simm.s32 $0x3  }
0x128: {  	_ =	swait.ge [sflag:s0], $0xC000  }
0x129: {  	[sflag:s0] =	ssyncset.done $0x0  }
0x12a: {  	s31 =	simm.s32 $0x4;
	[sflag:s0] =	ssyncadd.s32 $0xFFFF4000  }
0x12b: {  	_ =	swait.ge [sflag:s31], $0xC000  }
0x12c: {  	s2 =	rddreg [dreg:$0x4]  }
0x12d: {  	s30 =	rddreg [dreg:$0x3];
	s2 =	sadd.s32 $0x1, s2  }
0x12e: {  	p0 =	sne.s32 s2, s30  }
.Ltmp1:
0x12f: {  	_ = 	snop;
	(pc) =	sbr.rel @p0 .LBB2_1-.Ltmp1, $3  }
0x130: {  	_ =	sdelay $0x1  }
0x131: {  	[sflag:s31] =	ssyncset.done $0x0  }
0x132: {  	[sflag:s31] =	ssyncadd.s32 $0xFFFF4000  }
0x133: {  	_ =	sfence.sel $0x180000  }
0x134: {  	[bflag:$0x0] =	sbarrier.arrive $0xFFFF  }
0x135: {  	_ =	strace $0x90000050  }
0x136: {  	s0 =	stileid.u32;
	[bflag:$0x2] =	sbarrier.arrive $0xFFFF  }
0x137: {  	p0 =	sne.s32 s0, $0x0;
	s0 =	rddreg [dreg:$0x1]  }
0x138: {  	s0 =	sadd.s32 @!p0 $0x100000, s0  }
0x139: {  	[sflag:s0] =	ssyncadd.tile.s32 @!p0 $0x1;
	_ =	shalt  }
.Lfunc_end2:
_tile_overlayer_lowered:
.L_overlay_start_2:
0x13a: {  	(tag) =	ssettag $0x2  }
0x13b: {  	s0 =	rddreg [dreg:$0x0];
	s2 =	stileid.u32  }
0x13c: {  	s1 =	rddreg [dreg:$0x1];
	p0 =	sne.s32 s2, $0x0  }
0x13d: {  	s3 =	rddreg [dreg:$0x2];
	[bflag:$0x3] =	sbarrier.arrive $0xFFFF;
	s2 =	simm.s32 @!p0 $0x1C05  }
0x13e: {  	[timem:s3], [sflag:s2] =	dma.local @!p0 [hbm:s0], s1  }
0x13f: {  	s0 =	simm.s32 @!p0 $0x5  }
0x140: {  	_ =	swait.ge @!p0 [sflag:s0], s1  }
0x141: {  	s1 =	ssub.s32 @!p0 $0x0, s1;
	[sflag:s0] =	ssyncset.done @!p0 $0x0  }
0x142: {  	[sflag:s0] =	ssyncadd.s32 @!p0 s1  }
0x143: {  	[bflag:$0x3] =	sbarrier.arrive $0xFFFF  }
0x144: {  	_ =	shalt  }

// kernel: kernel.30.cloned.1.call-start
scs
__scs_entry_jumppad:
0x0: {  	(pc) =	sbr.rel $0x88, $3  }
0x1: {  	(tag) =	ssettag $0x0;
	lr =	simm.s32 $0x1  }
0x2: {  	[smem:$0x3F9D] =	sst lr;
	_ =	strace $0xD0000000  }
0x3: {  	_ = 	snop  }
0x4: {  	_ = 	snop  }
0x5: {  	_ = 	snop  }
0x6: {  	_ = 	snop  }
0x7: {  	_ = 	snop  }
__scs_overlays_trampoline_lowered:
0x8: {  	[smem:$0x3FAC] =	sst s0  }
0x9: {  	[smem:$0x3FAD] =	sst s1  }
0xa: {  	[smem:$0x3FAE] =	sst s2  }
0xb: {  	[smem:$0x3FAF] =	sst s3  }
0xc: {  	[smem:$0x3FB0] =	sst s4  }
0xd: {  	[smem:$0x3FB1] =	sst s5  }
0xe: {  	[smem:$0x3FB2] =	sst s6  }
0xf: {  	[smem:$0x3FB3] =	sst s7  }
0x10: {  	[smem:$0x3FB4] =	sst s8  }
0x11: {  	[smem:$0x3FB5] =	sst s9;
	s0 =	simm.s32 @!p0 $0x0  }
0x12: {  	s1 =	sld [smem:$0x3F9B];
	s0 =	simm.s32 @p0 $0x1  }
0x13: {  	[smem:$0x3FB6] =	sst s0;
	s0 =	simm.s32 @!p1 $0x0  }
0x14: {  	s2 =	sld [smem:$0x3F9A];
	s0 =	simm.s32 @p1 $0x1  }
0x15: {  	[smem:$0x3FB7] =	sst s0;
	s0 =	simm.s32 @!p2 $0x0  }
0x16: {  	s3 =	sld [smem:$0x3FDB];
	s0 =	simm.s32 @p2 $0x1  }
0x17: {  	s4 =	simm.s32 $0x1BF5;
	[smem:$0x3FB9] =	sst s0  }
0x18: {  	s0 =	sld [smem:$0x3F9C];
	_ =	swait.ge [sflag:s4], $0x0  }
0x19: {  	s7 =	sld [smem:$0x3F9D]  }
0x1a: {  	s8 =	sadd.s32 $0xFFFFE003, lr  }
0x1b: {  	s9 =	sadd.s32 $0xFFFFFEF7, lr;
	s5 =	simm.s32 $0xFFFFFFFF;
	p2 =	slt.u32 s8, $0xFFFFF086  }
0x1c: {  	p1 =	slt.u32 s9, $0xF7A;
	s5 =	simm.s32 @!p2 $0x0  }
0x1d: {  	s5 =	simm.s32 @p1 $0x1;
	p0 =	seq.s32 s7, s2  }
0x1e: {  	s7 =	smul.u32 @!p0 $0xF7A, s2;
	p2 =	seq.s32 @!p0 s5, $0x0  }
0x1f: {  	s9 =	smul.u32 $0xF7A, s1;
	s8 =	simm.s32 @!p0 $0x1BF5;
	p2 =	por !p2, p0  }
0x20: {  	[sflag:s8] =	ssyncset.s32 @!p0 $0xFFFFF086;
	s6 =	sadd.s32 @!p0 s3, s7;
	s7 =	simm.s32 @!p0 $0x108  }
0x21: {  	s3 =	sadd.s32 s3, s9;
	s6 =	sadd.s32 @!p0 $0x88, s6;
	s7 =	simm.s32 @p2 $0x1082  }
0x22: {  	[simem:s7], [sflag:s8] =	dma.local @!p0 [hbm:s6], $0xF7A  }
0x23: {  	s9 =	sor.u32 $0xD0000000, s2;
	s6 =	simm.s32 $0x108;
	_ =	swait.ge @!p0 [sflag:s8], $0x0  }
0x24: {  	s3 =	sadd.s32 $0x88, s3;
	s6 =	simm.s32 @!p1 $0x1082;
	[sflag:s4] =	ssyncset.s32 $0xFFFFF086  }
0x25: {  	[simem:s6], [sflag:s4] =	dma.local [hbm:s3], $0xF7A  }
0x26: {  	[smem:$0x3F9D] =	sst s1;
	(tag) =	ssettag s2;
	_ =	strace s9  }
0x27: {  	s1 =	sld [smem:$0x3FAD]  }
0x28: {  	s2 =	sld [smem:$0x3FAE]  }
0x29: {  	s4 =	sld [smem:$0x3FB0]  }
0x2a: {  	p0 =	seq.s32 s5, $0x0;
	s5 =	sld [smem:$0x3FB1]  }
0x2b: {  	s6 =	sld [smem:$0x3FB2]  }
0x2c: {  	s7 =	sld [smem:$0x3FB3]  }
0x2d: {  	s3 =	simm.s32 $0x108;
	s8 =	sld [smem:$0x3FB4]  }
0x2e: {  	s3 =	simm.s32 @!p0 $0x1082;
	s9 =	sld [smem:$0x3FB5]  }
0x2f: {  	lr =	sadd.s32 s0, s3;
	s0 =	sld [smem:$0x3FAC]  }
0x30: {  	s3 =	sld [smem:$0x3FAF]  }
0x31: {  	[smem:$0x3FB8] =	sst s10  }
0x32: {  	s10 =	sld [smem:$0x3FB6];
	_ =	sdelay $0x3  }
0x33: {  	p0 =	seq.s32 s10, $0x1;
	s10 =	sld [smem:$0x3FB8];
	_ =	sdelay $0x3  }
0x34: {  	[smem:$0x3FB8] =	sst s10  }
0x35: {  	s10 =	sld [smem:$0x3FB7];
	_ =	sdelay $0x3  }
0x36: {  	p1 =	seq.s32 s10, $0x1;
	s10 =	sld [smem:$0x3FB8];
	_ =	sdelay $0x3  }
0x37: {  	[smem:$0x3FB8] =	sst s10  }
0x38: {  	s10 =	sld [smem:$0x3FB9]  }
0x39: {  	_ = 	snop;
	(pc) =	sbr.ind lr, $3  }
0x3a: {  	_ = 	snop  }
0x3b: {  	_ = 	snop  }
0x3c: {  	p2 =	seq.s32 s10, $0x1;
	s10 =	sld [smem:$0x3FB8]  }
0x3d: {  	_ =	shalt  }
0x3e: {  	_ =	shalt  }
0x3f: {  	_ =	shalt  }
0x40: {  	_ =	shalt  }
0x41: {  	_ =	shalt  }
0x42: {  	_ =	shalt  }
0x43: {  	_ =	shalt  }
0x44: {  	_ =	shalt  }
0x45: {  	_ =	shalt  }
0x46: {  	_ =	shalt  }
0x47: {  	_ =	shalt  }
0x48: {  	_ =	shalt  }
0x49: {  	_ =	shalt  }
0x4a: {  	_ =	shalt  }
0x4b: {  	_ =	shalt  }
0x4c: {  	_ =	shalt  }
0x4d: {  	_ =	shalt  }
0x4e: {  	_ =	shalt  }
0x4f: {  	_ =	shalt  }
0x50: {  	_ =	shalt  }
0x51: {  	_ =	shalt  }
0x52: {  	_ =	shalt  }
0x53: {  	_ =	shalt  }
0x54: {  	_ =	shalt  }
0x55: {  	_ =	shalt  }
0x56: {  	_ =	shalt  }
0x57: {  	_ =	shalt  }
0x58: {  	_ =	shalt  }
0x59: {  	_ =	shalt  }
0x5a: {  	_ =	shalt  }
0x5b: {  	_ =	shalt  }
0x5c: {  	_ =	shalt  }
0x5d: {  	_ =	shalt  }
0x5e: {  	_ =	shalt  }
0x5f: {  	_ =	shalt  }
0x60: {  	_ =	shalt  }
0x61: {  	_ =	shalt  }
0x62: {  	_ =	shalt  }
0x63: {  	_ =	shalt  }
0x64: {  	_ =	shalt  }
0x65: {  	_ =	shalt  }
0x66: {  	_ =	shalt  }
0x67: {  	_ =	shalt  }
0x68: {  	_ =	shalt  }
0x69: {  	_ =	shalt  }
0x6a: {  	_ =	shalt  }
0x6b: {  	_ =	shalt  }
0x6c: {  	_ =	shalt  }
0x6d: {  	_ =	shalt  }
0x6e: {  	_ =	shalt  }
0x6f: {  	_ =	shalt  }
0x70: {  	_ =	shalt  }
0x71: {  	_ =	shalt  }
0x72: {  	_ =	shalt  }
0x73: {  	_ =	shalt  }
0x74: {  	_ =	shalt  }
0x75: {  	_ =	shalt  }
0x76: {  	_ =	shalt  }
0x77: {  	_ =	shalt  }
0x78: {  	_ =	shalt  }
0x79: {  	_ =	shalt  }
0x7a: {  	_ =	shalt  }
0x7b: {  	_ =	shalt  }
0x7c: {  	_ =	shalt  }
0x7d: {  	_ =	shalt  }
0x7e: {  	_ =	shalt  }
0x7f: {  	_ =	shalt  }
0x80: {  	_ =	shalt  }
0x81: {  	_ =	shalt  }
0x82: {  	_ =	shalt  }
0x83: {  	_ =	shalt  }
0x84: {  	_ =	shalt  }
0x85: {  	_ =	shalt  }
0x86: {  	_ =	shalt  }
0x87: {  	_ =	shalt  }
.Lfunc_end0:
.L_simem_size_0:
called_computation.4_lowered:
.L_overlay_start_0:
0x88: {  	s2 =	sld [smem:$0x3FD9]  }
0x89: {  	s3 =	sld [smem:$0x3FFE];
	_ =	sdelay $0x1  }
0x8a: {  	s1 =	srdreg.scid  }
0x8b: {  	s0 =	sand.u32 $0x1, s1  }
0x8c: {  	s17 =	sshll.u32 s0, $0xA;
	s2 =	sadd.s32 s3, s2  }
0x8d: {  	s2 =	sadd.s32 s2, s17  }
0x8e: {  	[smem:$0x3FC4] =	sst s2  }
0x8f: {  	_ = 	snop  }
0x90: {  	(tm) =	ssettm $0x1  }
0x91: {  	s18 =	sld [smem:$0x3FFB];
	_ =	sdelay $0x3  }
0x92: {  	_ =	strace s18  }
0x93: {  	s2 =	sld [smem:$0x3FFC];
	_ =	sdelay $0x3  }
0x94: {  	_ =	strace s2  }
0x95: {  	s2 =	sld [smem:$0x3FFD];
	_ =	sdelay $0x3  }
0x96: {  	_ =	strace s2  }
0x97: {  	_ =	strace $0x8FFFFFFF  }
0x98: {  	s19 =	sld [smem:$0x3FDB];
	_ =	sdelay $0x1  }
0x99: {  	s20 =	simm.s32 $_scs_section_size  }
0x9a: {  	s4 =	simm.s32 $_size__tile_overlayer_lowered;
	s5 =	simm.s32 $_tile_overlayer_lowered  }
0x9b: {  	s6 =	simm.s32 $0x1BFF;
	s21 =	sshll.u32 s5, $0x1;
	s3 =	sadd.s32 s20, s19  }
0x9c: {  	s22 =	simm.s32 $0x0;
	s4 =	sshll.u32 s4, $0x1;
	s5 =	sadd.s32 s21, s3  }
0x9d: {  	[timem:s22], [sflag:s6] =	dma.local [hbm:s5], s4  }
0x9e: {  	_ =	swait.ge [sflag:s6], s4  }
0x9f: {  	s4 =	ssub.s32 $0x0, s4;
	[sflag:s6] =	ssyncset.done $0x0  }
0xa0: {  	[sflag:s6] =	ssyncadd.s32 s4;
	_ =	sdelay $0x1  }
0xa1: {  	s23 =	simm.s32 $0x1B8B  }
0xa2: {  	_ =	swait.ge [sflag:s23], $0x1  }
0xa3: {  	[sflag:s23] =	ssyncset.done $0x0  }
0xa4: {  	[sflag:s23] =	ssyncadd.s32 $0xFFFFFFFF  }
0xa5: {  	s4 =	sld [smem:$0x0]  }
0xa6: {  	s5 =	sand.u32 $0xFFFFFFFE, s1  }
0xa7: {  	p0 =	sne.s32 s1, s5  }
0xa8: {  	s5 =	sshll.u32 @p0 s5, $0xE  }
0xa9: {  	s5 =	sadd.s32 @p0 $0x11B8D, s5;
	s6 =	sshll.u32 @p0 s4, $0x11  }
0xaa: {  	s5 =	sor.u32 @p0 s6, s5  }
0xab: {  	[sflag:s5] =	ssyncadd.remote.s32 @p0 $0x1;
	_ =	sdelay $0x1  }
0xac: {  	s5 =	simm.s32 @p0 $0x1B8D  }
0xad: {  	_ =	swait.eq @p0 [sflag:s5], $0x1  }
0xae: {  	[sflag:s5] =	ssyncadd.s32 @p0 $0xFFFFFFFF  }
0xaf: {  	s6 =	sshll.u32 @!p0 s1, $0xE  }
0xb0: {  	s6 =	sor.u32 @!p0 $0x4000, s6;
	s5 =	simm.s32 @!p0 $0x1B8D  }
0xb1: {  	s4 =	sshll.u32 @!p0 s4, $0x11;
	s6 =	sadd.s32 @!p0 $0x11B8D, s6;
	_ =	swait.eq @!p0 [sflag:s5], $0x1  }
0xb2: {  	s4 =	sor.u32 @!p0 s4, s6;
	[sflag:s5] =	ssyncadd.s32 @!p0 $0xFFFFFFFF  }
0xb3: {  	s25 =	simm.s32 $0x1B8E;
	s24 =	sld [smem:$0x3FFE];
	[sflag:s4] =	ssyncadd.remote.s32 @!p0 $0x1  }
0xb4: {  	s26 =	simm.s32 $execute0_lowered;
	[smem:$0x3FD2] =	sst s25  }
0xb5: {  	s5 =	sshll.u32 s26, $0x1;
	_ =	strace $0x80000052;
	[dreg:$0x1] =	wrdreg $0xFFFFFFFF  }
0xb6: {  	s28 =	simm.s32 $_size_execute0_lowered;
	s3 =	sadd.s32 s3, s5;
	[dreg:$0x0] =	wrdreg $0x0  }
0xb7: {  	s5 =	sshll.u32 s28, $0x1;
	[dreg:$0x2] =	wrdreg s3  }
0xb8: {  	[dreg:$0x3] =	wrdreg s5  }
0xb9: {  	[dreg:$0x4] =	wrdreg $0xC0  }
0xba: {  	_ =	task [dreg:s22], $0x5FFFF  }
0xbb: {  	[dreg:$0x1] =	wrdreg $0xFFFFFFFF  }
0xbc: {  	[dreg:$0x0] =	wrdreg $0x60  }
0xbd: {  	[dreg:$0x2] =	wrdreg s24  }
0xbe: {  	[dreg:$0x3] =	wrdreg $0xD  }
0xbf: {  	_ =	task.clear_ibuf [dreg:s22], $0x4FFFF;
	_ =	strace $0x90000052  }
0xc0: {  	s29 =	simm.s32 $0xD;
	_ =	strace $0x80000054  }
0xc1: {  	_ =	swait.ge [sflag:s29], $0x1  }
0xc2: {  	[sflag:s29] =	ssyncadd.s32 $0xFFFFFFFF  }
0xc3: {  	_ =	strace $0x90000054  }
0xc4: {  	_ =	sfence  }
0xc5: {  	s30 =	sld [smem:$0x0];
	_ =	sdelay $0x2  }
0xc6: {  	s31 =	sshll.u32 s1, $0xD;
	s1 =	sshrl.u32 s1, $0x2  }
0xc7: {  	s4 =	sand.u32 $0x4000, s31;
	s1 =	sadd.s32 s1, s30  }
0xc8: {  	s0 =	sor.u32 s4, s0;
	s1 =	sshll.u32 s1, $0x11  }
0xc9: {  	s0 =	sor.u32 s1, s0  }
0xca: {  	s0 =	sadd.s32 $0x8F2B, s0  }
0xcb: {  	[sflag:s0] =	ssyncadd.remote.s32 $0x1  }
0xcc: {  	_ =	sfence.sel $0xFFFF  }
0xcd: {  	[dreg:$0x0] =	wrdreg $0xFFFFFFFF;
	(pc) =	sbr.abs _section_cstart, $3  }
0xce: {  	[dreg:$0x1] =	wrdreg $0xFFFFFFFF  }
0xcf: {  	_ =	task.clear_ibuf [dreg:s22], $0x2FFFF;
	_ =	strace $0x9FFFFFFF  }
0xd0: {  	(tm) =	ssettm $0x7FFFFFFF  }
0xd1: {  	_ =	shalt  }
tec
execute0_lowered:
.L_overlay_start_1:
0x0: {  	(tag) =	ssettag $0x1  }
0x1: {  	s0 =	rddreg [dreg:$0x0];
	s1 =	simm.s32 $0x0;
	s2 =	srdreg.scid  }
0x2: {  	s5 =	stileid.u32;
	s12 =	simm.s32 $0x200;
	s19 =	simm.s32 $0xC200  }
0x3: {  	s28 =	simm.s32 $0x1;
	s29 =	simm.s32 $0x2;
	s9 =	simm.s32 $0x10A00  }
0x4: {  	s10 =	simm.s32 $0x11200;
	s11 =	simm.s32 $0x12200;
	s13 =	simm.s32 $0x12A00  }
0x5: {  	s14 =	simm.s32 $0x12E00;
	s15 =	simm.s32 $0x13600;
	s16 =	simm.s32 $0x13A00  }
0x6: {  	s17 =	simm.s32 $0x14200;
	s18 =	simm.s32 $0x14600;
	s20 =	simm.s32 $0x14E00  }
0x7: {  	s21 =	simm.s32 $0x15200;
	s22 =	simm.s32 $0x15A00;
	s23 =	simm.s32 $0x15E00  }
0x8: {  	s24 =	simm.s32 $0x16600;
	s25 =	simm.s32 $0x16A00;
	[smem:$0x7FF] =	sst s1  }
0x9: {  	s3 =	sadd.s32 $0x143600, s0;
	s2 =	sand.u32 $0x1, s2;
	s4 =	sshll.u32 s5, $0x3  }
0xa: {  	s5 =	sshll.u32 s5, $0xA;
	_ =	strace $0x80000053;
	s6 =	sshll.u32 s2, $0x9  }
0xb: {  	s7 =	sand.u32 $0x70, s4;
	s2 =	ssub.s32 $0x2, s2;
	s4 =	sor.u32 s6, s5  }
0xc: {  	s26 =	sadd.s32 s7, s0;
	s30 =	sshrl.u32 s2, $0x1;
	s5 =	sadd.s32 $0x503600, s0  }
0xd: {  	s7 =	sadd.s32 $0x143700, s0;
	s8 =	sand.u32 $0x600, s4;
	s2 =	ssub.s32 s2, s30  }
0xe: {  	v2 =	vlaneseq.u32;
	s6 =	sadd.s32 s8, s26;
	s31 =	smax.u32 s2, $0x1;
	s2 =	simm.s32 $0x0  }
0xf: {  	vm0 =	vmmov $0xffff;
	vm1 =	vmmov $0xff;
	v1 =	vshrl.u32 v2, $0x3;
	s8 =	simm.s32 $0x11E00;
	s6 =	sadd.s32 $0x5600, s6;
	[dreg:$0x3] =	wrdreg s31  }
0x10: {  	v0 =	vand.u32 $0x7, v2;
	v2 =	vor.u32 $0x8, v2;
	v1 =	vmul.u32 $0x8, v1;
	s26 =	simm.s32 $0x17200;
	[dreg:$0x2] =	wrdreg s6;
	s6 =	simm.s32 $0x11600  }
.LBB2_1:
0x11: {  	s30 =	rddreg [dreg:$0x2];
	s31 =	simm.s32 $0x80;
	s0 =	simm.s32 $0x400  }
0x12: {  	[tilespmem:s1], [sflag:$0x5] =	stream.strided.gather [hbm4b:s30+s31], $0x200, s0, s31, $0x38;
	[tilespmem:$0x18200] =	vst v63  }
0x13: {  	[dreg:$0x4] =	wrdreg s2;
	s31 =	simm.s32 $0x5  }
0x14: {  	p0 =	por $0x1, $0x1;
	_ =	swait.ge [sflag:s31], $0x200  }
0x15: {  	p1 =	por $0x0, $0x0;
	s2 =	simm.s32 $0x17E00;
	[sflag:s31] =	ssyncset.done $0x0  }
0x16: {  	s30 =	simm.s32 $0x0;
	s0 =	simm.s32 $0x17600;
	[sflag:s31] =	ssyncadd.s32 $0xFFFFFE00  }
.LBB2_2:
0x17: {  	s31 =	simm.s32 @p1 $0x3  }
0x18: {  	_ =	swait.ge @p1 [sflag:s31], $0xC000  }
0x19: {  	[sflag:s31] =	ssyncset.done @p1 $0x0  }
0x1a: {  	[sflag:s31] =	ssyncadd.s32 @p1 $0xFFFF4000;
	s31 =	simm.s32 @p1 $0x4  }
0x1b: {  	_ =	swait.ge @p1 [sflag:s31], $0xC000  }
0x1c: {  	[sflag:s31] =	ssyncset.done @p1 $0x0  }
0x1d: {  	[sflag:s31] =	ssyncadd.s32 @p1 $0xFFFF4000  }
0x1e: {  	v3 =	vld [tilespmem:s30+$0x0];
	_ =	sdelay $0x4  }
0x1f: {  	v4 =	vshrl.u32 v3, $0x3  }
0x20: {  	v4 =	vmul.u32 $0x18, v4  }
0x21: {  	v3 =	vand.u32 $0x7, v3  }
0x22: {  	v3 =	vor.u32 v3, v4  }
0x23: {  	v4 =	vperm.xlane v3, v0;
	_ =	sdelay $0x1  }
0x24: {  	v4 =	vadd.s32 v1, v4;
	_ =	sdelay $0x1  }
0x25: {  	v3 =	vperm.xlane v3, v2;
	_ =	sdelay $0x1  }
0x26: {  	v3 =	vadd.s32 v1, v3  }
0x27: {  	[tilespmem:s12], [sflag:$0x1] =	stream.indirect_vreg.gather [hbm4b:s3+s1], $0x80, v4, vm0, $0xb8;
	[tilespmem:$0x18200] =	vst v63  }
0x28: {  	s31 =	simm.s32 $0xA00  }
0x29: {  	[tilespmem:s31], [sflag:$0x1] =	stream.indirect_vreg.gather [hbm4b:s7+s1], $0x80, v4, vm1, $0xb8;
	[tilespmem:$0x18200] =	vst v63  }
0x2a: {  	s31 =	simm.s32 $0xE00  }
0x2b: {  	[tilespmem:s31], [sflag:$0x1] =	stream.indirect_vreg.gather [hbm4b:s3+s1], $0x80, v3, vm0, $0xb8;
	[tilespmem:$0x18200] =	vst v63  }
0x2c: {  	s31 =	simm.s32 $0x1600  }
0x2d: {  	[tilespmem:s31], [sflag:$0x1] =	stream.indirect_vreg.gather [hbm4b:s7+s1], $0x80, v3, vm1, $0xb8;
	[tilespmem:$0x18200] =	vst v63  }
0x2e: {  	v3 =	vld [tilespmem:s30+$0x10];
	_ =	sdelay $0x4  }
0x2f: {  	v49 =	vshrl.u32 v3, $0x3  }
0x30: {  	v4 =	vmul.u32 $0x18, v49  }
0x31: {  	v3 =	vand.u32 $0x7, v3  }
0x32: {  	v3 =	vor.u32 v3, v4  }
0x33: {  	v4 =	vperm.xlane v3, v0;
	_ =	sdelay $0x1  }
0x34: {  	v4 =	vadd.s32 v1, v4;
	_ =	sdelay $0x1  }
0x35: {  	v3 =	vperm.xlane v3, v2;
	_ =	sdelay $0x1  }
0x36: {  	s31 =	simm.s32 $0x1A00;
	v3 =	vadd.s32 v1, v3  }
0x37: {  	[tilespmem:s31], [sflag:$0x1] =	stream.indirect_vreg.gather [hbm4b:s3+s1], $0x80, v4, vm0, $0xb8;
	[tilespmem:$0x18200] =	vst v63  }
0x38: {  	s31 =	simm.s32 $0x2200  }
0x39: {  	[tilespmem:s31], [sflag:$0x1] =	stream.indirect_vreg.gather [hbm4b:s7+s1], $0x80, v4, vm1, $0xb8;
	[tilespmem:$0x18200] =	vst v63  }
0x3a: {  	s31 =	simm.s32 $0x2600  }
0x3b: {  	[tilespmem:s31], [sflag:$0x1] =	stream.indirect_vreg.gather [hbm4b:s3+s1], $0x80, v3, vm0, $0xb8;
	[tilespmem:$0x18200] =	vst v63  }
0x3c: {  	s31 =	simm.s32 $0x2E00  }
0x3d: {  	[tilespmem:s31], [sflag:$0x1] =	stream.indirect_vreg.gather [hbm4b:s7+s1], $0x80, v3, vm1, $0xb8;
	[tilespmem:$0x18200] =	vst v63  }
0x3e: {  	v3 =	vld [tilespmem:s30+$0x20];
	_ =	sdelay $0x4  }
0x3f: {  	v50 =	vshrl.u32 v3, $0x3  }
0x40: {  	v4 =	vmul.u32 $0x18, v50  }
0x41: {  	v3 =	vand.u32 $0x7, v3  }
0x42: {  	v3 =	vor.u32 v3, v4  }
0x43: {  	v4 =	vperm.xlane v3, v0;
	_ =	sdelay $0x1  }
0x44: {  	v4 =	vadd.s32 v1, v4;
	_ =	sdelay $0x1  }
0x45: {  	v3 =	vperm.xlane v3, v2;
	_ =	sdelay $0x1  }
0x46: {  	s31 =	simm.s32 $0x3200;
	v3 =	vadd.s32 v1, v3  }
0x47: {  	[tilespmem:s31], [sflag:$0x1] =	stream.indirect_vreg.gather [hbm4b:s3+s1], $0x80, v4, vm0, $0xb8;
	[tilespmem:$0x18200] =	vst v63  }
0x48: {  	s31 =	simm.s32 $0x3A00  }
0x49: {  	[tilespmem:s31], [sflag:$0x1] =	stream.indirect_vreg.gather [hbm4b:s7+s1], $0x80, v4, vm1, $0xb8;
	[tilespmem:$0x18200] =	vst v63  }
0x4a: {  	s31 =	simm.s32 $0x3E00  }
0x4b: {  	[tilespmem:s31], [sflag:$0x1] =	stream.indirect_vreg.gather [hbm4b:s3+s1], $0x80, v3, vm0, $0xb8;
	[tilespmem:$0x18200] =	vst v63  }
0x4c: {  	s31 =	simm.s32 $0x4600  }
0x4d: {  	[tilespmem:s31], [sflag:$0x1] =	stream.indirect_vreg.gather [hbm4b:s7+s1], $0x80, v3, vm1, $0xb8;
	[tilespmem:$0x18200] =	vst v63  }
0x4e: {  	v3 =	vld [tilespmem:s30+$0x30];
	_ =	sdelay $0x4  }
0x4f: {  	v51 =	vshrl.u32 v3, $0x3  }
0x50: {  	v4 =	vmul.u32 $0x18, v51  }
0x51: {  	v3 =	vand.u32 $0x7, v3  }
0x52: {  	v3 =	vor.u32 v3, v4  }
0x53: {  	v4 =	vperm.xlane v3, v0;
	_ =	sdelay $0x1  }
0x54: {  	v4 =	vadd.s32 v1, v4;
	_ =	sdelay $0x1  }
0x55: {  	v3 =	vperm.xlane v3, v2;
	_ =	sdelay $0x1  }
0x56: {  	s31 =	simm.s32 $0x4A00;
	v3 =	vadd.s32 v1, v3  }
0x57: {  	[tilespmem:s31], [sflag:$0x1] =	stream.indirect_vreg.gather [hbm4b:s3+s1], $0x80, v4, vm0, $0xb8;
	[tilespmem:$0x18200] =	vst v63  }
0x58: {  	s31 =	simm.s32 $0x5200  }
0x59: {  	[tilespmem:s31], [sflag:$0x1] =	stream.indirect_vreg.gather [hbm4b:s7+s1], $0x80, v4, vm1, $0xb8;
	[tilespmem:$0x18200] =	vst v63  }
0x5a: {  	s31 =	simm.s32 $0x5600  }
0x5b: {  	[tilespmem:s31], [sflag:$0x1] =	stream.indirect_vreg.gather [hbm4b:s3+s1], $0x80, v3, vm0, $0xb8;
	[tilespmem:$0x18200] =	vst v63  }
0x5c: {  	s31 =	simm.s32 $0x5E00  }
0x5d: {  	[tilespmem:s31], [sflag:$0x1] =	stream.indirect_vreg.gather [hbm4b:s7+s1], $0x80, v3, vm1, $0xb8;
	[tilespmem:$0x18200] =	vst v63  }
0x5e: {  	v3 =	vld [tilespmem:s30+$0x40];
	_ =	sdelay $0x4  }
0x5f: {  	v52 =	vshrl.u32 v3, $0x3  }
0x60: {  	v4 =	vmul.u32 $0x18, v52  }
0x61: {  	v3 =	vand.u32 $0x7, v3  }
0x62: {  	v3 =	vor.u32 v3, v4  }
0x63: {  	v4 =	vperm.xlane v3, v0;
	_ =	sdelay $0x1  }
0x64: {  	v4 =	vadd.s32 v1, v4;
	_ =	sdelay $0x1  }
0x65: {  	v3 =	vperm.xlane v3, v2;
	_ =	sdelay $0x1  }
0x66: {  	s31 =	simm.s32 $0x6200;
	v3 =	vadd.s32 v1, v3  }
0x67: {  	[tilespmem:s31], [sflag:$0x1] =	stream.indirect_vreg.gather [hbm4b:s3+s1], $0x80, v4, vm0, $0xb8;
	[tilespmem:$0x18200] =	vst v63  }
0x68: {  	s31 =	simm.s32 $0x6A00  }
0x69: {  	[tilespmem:s31], [sflag:$0x1] =	stream.indirect_vreg.gather [hbm4b:s7+s1], $0x80, v4, vm1, $0xb8;
	[tilespmem:$0x18200] =	vst v63  }
0x6a: {  	s31 =	simm.s32 $0x6E00  }
0x6b: {  	[tilespmem:s31], [sflag:$0x1] =	stream.indirect_vreg.gather [hbm4b:s3+s1], $0x80, v3, vm0, $0xb8;
	[tilespmem:$0x18200] =	vst v63  }
0x6c: {  	s31 =	simm.s32 $0x7600  }
0x6d: {  	[tilespmem:s31], [sflag:$0x1] =	stream.indirect_vreg.gather [hbm4b:s7+s1], $0x80, v3, vm1, $0xb8;
	[tilespmem:$0x18200] =	vst v63  }
0x6e: {  	v3 =	vld [tilespmem:s30+$0x50];
	_ =	sdelay $0x4  }
0x6f: {  	v53 =	vshrl.u32 v3, $0x3  }
0x70: {  	v4 =	vmul.u32 $0x18, v53  }
0x71: {  	v3 =	vand.u32 $0x7, v3  }
0x72: {  	v3 =	vor.u32 v3, v4  }
0x73: {  	v4 =	vperm.xlane v3, v0;
	_ =	sdelay $0x1  }
0x74: {  	v4 =	vadd.s32 v1, v4;
	_ =	sdelay $0x1  }
0x75: {  	v3 =	vperm.xlane v3, v2;
	_ =	sdelay $0x1  }
0x76: {  	s31 =	simm.s32 $0x7A00;
	v3 =	vadd.s32 v1, v3  }
0x77: {  	[tilespmem:s31], [sflag:$0x1] =	stream.indirect_vreg.gather [hbm4b:s3+s1], $0x80, v4, vm0, $0xb8;
	[tilespmem:$0x18200] =	vst v63  }
0x78: {  	s31 =	simm.s32 $0x8200  }
0x79: {  	[tilespmem:s31], [sflag:$0x1] =	stream.indirect_vreg.gather [hbm4b:s7+s1], $0x80, v4, vm1, $0xb8;
	[tilespmem:$0x18200] =	vst v63  }
0x7a: {  	s31 =	simm.s32 $0x8600  }
0x7b: {  	[tilespmem:s31], [sflag:$0x1] =	stream.indirect_vreg.gather [hbm4b:s3+s1], $0x80, v3, vm0, $0xb8;
	[tilespmem:$0x18200] =	vst v63  }
0x7c: {  	s31 =	simm.s32 $0x8E00  }
0x7d: {  	[tilespmem:s31], [sflag:$0x1] =	stream.indirect_vreg.gather [hbm4b:s7+s1], $0x80, v3, vm1, $0xb8;
	[tilespmem:$0x18200] =	vst v63  }
0x7e: {  	v3 =	vld [tilespmem:s30+$0x60];
	_ =	sdelay $0x4  }
0x7f: {  	v54 =	vshrl.u32 v3, $0x3  }
0x80: {  	v4 =	vmul.u32 $0x18, v54  }
0x81: {  	v3 =	vand.u32 $0x7, v3  }
0x82: {  	v3 =	vor.u32 v3, v4  }
0x83: {  	v4 =	vperm.xlane v3, v0;
	_ =	sdelay $0x1  }
0x84: {  	v4 =	vadd.s32 v1, v4;
	_ =	sdelay $0x1  }
0x85: {  	v3 =	vperm.xlane v3, v2;
	_ =	sdelay $0x1  }
0x86: {  	s31 =	simm.s32 $0x9200;
	v3 =	vadd.s32 v1, v3  }
0x87: {  	[tilespmem:s31], [sflag:$0x1] =	stream.indirect_vreg.gather [hbm4b:s3+s1], $0x80, v4, vm0, $0xb8;
	[tilespmem:$0x18200] =	vst v63  }
0x88: {  	s31 =	simm.s32 $0x9A00  }
0x89: {  	[tilespmem:s31], [sflag:$0x1] =	stream.indirect_vreg.gather [hbm4b:s7+s1], $0x80, v4, vm1, $0xb8;
	[tilespmem:$0x18200] =	vst v63  }
0x8a: {  	s31 =	simm.s32 $0x9E00  }
0x8b: {  	[tilespmem:s31], [sflag:$0x1] =	stream.indirect_vreg.gather [hbm4b:s3+s1], $0x80, v3, vm0, $0xb8;
	[tilespmem:$0x18200] =	vst v63  }
0x8c: {  	s31 =	simm.s32 $0xA600  }
0x8d: {  	[tilespmem:s31], [sflag:$0x1] =	stream.indirect_vreg.gather [hbm4b:s7+s1], $0x80, v3, vm1, $0xb8;
	[tilespmem:$0x18200] =	vst v63  }
0x8e: {  	v3 =	vld [tilespmem:s30+$0x70];
	_ =	sdelay $0x4  }
0x8f: {  	v55 =	vshrl.u32 v3, $0x3  }
0x90: {  	v4 =	vmul.u32 $0x18, v55  }
0x91: {  	v3 =	vand.u32 $0x7, v3  }
0x92: {  	v3 =	vor.u32 v3, v4  }
0x93: {  	v4 =	vperm.xlane v3, v0;
	_ =	sdelay $0x1  }
0x94: {  	v4 =	vadd.s32 v1, v4;
	_ =	sdelay $0x1  }
0x95: {  	v3 =	vperm.xlane v3, v2;
	_ =	sdelay $0x1  }
0x96: {  	s31 =	simm.s32 $0xAA00;
	v3 =	vadd.s32 v1, v3  }
0x97: {  	[tilespmem:s31], [sflag:$0x1] =	stream.indirect_vreg.gather [hbm4b:s3+s1], $0x80, v4, vm0, $0xb8;
	[tilespmem:$0x18200] =	vst v63  }
0x98: {  	s31 =	simm.s32 $0xB200  }
0x99: {  	[tilespmem:s31], [sflag:$0x1] =	stream.indirect_vreg.gather [hbm4b:s7+s1], $0x80, v4, vm1, $0xb8;
	[tilespmem:$0x18200] =	vst v63  }
0x9a: {  	s31 =	simm.s32 $0xB600  }
0x9b: {  	[tilespmem:s31], [sflag:$0x1] =	stream.indirect_vreg.gather [hbm4b:s3+s1], $0x80, v3, vm0, $0xb8;
	[tilespmem:$0x18200] =	vst v63  }
0x9c: {  	s31 =	simm.s32 $0xBE00  }
0x9d: {  	[tilespmem:s31], [sflag:$0x1] =	stream.indirect_vreg.gather [hbm4b:s7+s1], $0x80, v3, vm1, $0xb8;
	[tilespmem:$0x18200] =	vst v63  }
0x9e: {  	v3 =	vld [tilespmem:s30+$0x80];
	_ =	sdelay $0x4  }
0x9f: {  	v56 =	vshrl.u32 v3, $0x3  }
0xa0: {  	v4 =	vmul.u32 $0x18, v56  }
0xa1: {  	v3 =	vand.u32 $0x7, v3  }
0xa2: {  	v3 =	vor.u32 v3, v4  }
0xa3: {  	v4 =	vperm.xlane v3, v0;
	_ =	sdelay $0x1  }
0xa4: {  	v4 =	vadd.s32 v1, v4;
	_ =	sdelay $0x1  }
0xa5: {  	v3 =	vperm.xlane v3, v2;
	_ =	sdelay $0x1  }
0xa6: {  	v3 =	vadd.s32 v1, v3  }
0xa7: {  	[tilespmem:s19], [sflag:$0x2] =	stream.indirect_vreg.gather [hbm4b:s3+s1], $0x80, v4, vm0, $0xb8;
	[tilespmem:$0x18200] =	vst v63  }
0xa8: {  	s31 =	simm.s32 $0xCA00  }
0xa9: {  	[tilespmem:s31], [sflag:$0x2] =	stream.indirect_vreg.gather [hbm4b:s7+s1], $0x80, v4, vm1, $0xb8;
	[tilespmem:$0x18200] =	vst v63  }
0xaa: {  	s31 =	simm.s32 $0xCE00  }
0xab: {  	[tilespmem:s31], [sflag:$0x2] =	stream.indirect_vreg.gather [hbm4b:s3+s1], $0x80, v3, vm0, $0xb8;
	[tilespmem:$0x18200] =	vst v63  }
0xac: {  	s31 =	simm.s32 $0xD600  }
0xad: {  	[tilespmem:s31], [sflag:$0x2] =	stream.indirect_vreg.gather [hbm4b:s7+s1], $0x80, v3, vm1, $0xb8;
	[tilespmem:$0x18200] =	vst v63  }
0xae: {  	v3 =	vld [tilespmem:s30+$0x90];
	_ =	sdelay $0x4  }
0xaf: {  	v57 =	vshrl.u32 v3, $0x3  }
0xb0: {  	v4 =	vmul.u32 $0x18, v57  }
0xb1: {  	v3 =	vand.u32 $0x7, v3  }
0xb2: {  	v3 =	vor.u32 v3, v4  }
0xb3: {  	v4 =	vperm.xlane v3, v0;
	_ =	sdelay $0x1  }
0xb4: {  	v4 =	vadd.s32 v1, v4;
	_ =	sdelay $0x1  }
0xb5: {  	v3 =	vperm.xlane v3, v2;
	_ =	sdelay $0x1  }
0xb6: {  	s31 =	simm.s32 $0xDA00;
	v3 =	vadd.s32 v1, v3  }
0xb7: {  	[tilespmem:s31], [sflag:$0x2] =	stream.indirect_vreg.gather [hbm4b:s3+s1], $0x80, v4, vm0, $0xb8;
	[tilespmem:$0x18200] =	vst v63  }
0xb8: {  	s31 =	simm.s32 $0xE200  }
0xb9: {  	[tilespmem:s31], [sflag:$0x2] =	stream.indirect_vreg.gather [hbm4b:s7+s1], $0x80, v4, vm1, $0xb8;
	[tilespmem:$0x18200] =	vst v63  }
0xba: {  	s31 =	simm.s32 $0xE600  }
0xbb: {  	[tilespmem:s31], [sflag:$0x2] =	stream.indirect_vreg.gather [hbm4b:s3+s1], $0x80, v3, vm0, $0xb8;
	[tilespmem:$0x18200] =	vst v63  }
0xbc: {  	s31 =	simm.s32 $0xEE00  }
0xbd: {  	[tilespmem:s31], [sflag:$0x2] =	stream.indirect_vreg.gather [hbm4b:s7+s1], $0x80, v3, vm1, $0xb8;
	[tilespmem:$0x18200] =	vst v63  }
0xbe: {  	v3 =	vld [tilespmem:s30+$0xA0];
	_ =	sdelay $0x4  }
0xbf: {  	v58 =	vshrl.u32 v3, $0x3  }
0xc0: {  	v4 =	vmul.u32 $0x18, v58  }
0xc1: {  	v3 =	vand.u32 $0x7, v3  }
0xc2: {  	v3 =	vor.u32 v3, v4  }
0xc3: {  	v4 =	vperm.xlane v3, v0;
	_ =	sdelay $0x1  }
0xc4: {  	v4 =	vadd.s32 v1, v4;
	_ =	sdelay $0x1  }
0xc5: {  	v3 =	vperm.xlane v3, v2;
	_ =	sdelay $0x1  }
0xc6: {  	s31 =	simm.s32 $0xF200;
	v3 =	vadd.s32 v1, v3  }
0xc7: {  	[tilespmem:s31], [sflag:$0x2] =	stream.indirect_vreg.gather [hbm4b:s3+s1], $0x80, v4, vm0, $0xb8;
	[tilespmem:$0x18200] =	vst v63  }
0xc8: {  	s31 =	simm.s32 $0xFA00  }
0xc9: {  	[tilespmem:s31], [sflag:$0x2] =	stream.indirect_vreg.gather [hbm4b:s7+s1], $0x80, v4, vm1, $0xb8;
	[tilespmem:$0x18200] =	vst v63  }
0xca: {  	s31 =	simm.s32 $0xFE00  }
0xcb: {  	[tilespmem:s31], [sflag:$0x2] =	stream.indirect_vreg.gather [hbm4b:s3+s1], $0x80, v3, vm0, $0xb8;
	[tilespmem:$0x18200] =	vst v63  }
0xcc: {  	s31 =	simm.s32 $0x10600  }
0xcd: {  	[tilespmem:s31], [sflag:$0x2] =	stream.indirect_vreg.gather [hbm4b:s7+s1], $0x80, v3, vm1, $0xb8;
	[tilespmem:$0x18200] =	vst v63  }
0xce: {  	v3 =	vld [tilespmem:s30+$0xB0];
	_ =	sdelay $0x4  }
0xcf: {  	v59 =	vshrl.u32 v3, $0x3  }
0xd0: {  	v4 =	vmul.u32 $0x18, v59  }
0xd1: {  	v3 =	vand.u32 $0x7, v3  }
0xd2: {  	v3 =	vor.u32 v3, v4  }
0xd3: {  	v4 =	vperm.xlane v3, v0;
	_ =	sdelay $0x1  }
0xd4: {  	v4 =	vadd.s32 v1, v4;
	_ =	sdelay $0x1  }
0xd5: {  	v3 =	vperm.xlane v3, v2;
	_ =	sdelay $0x1  }
0xd6: {  	v3 =	vadd.s32 v1, v3  }
0xd7: {  	[tilespmem:s9], [sflag:$0x2] =	stream.indirect_vreg.gather [hbm4b:s3+s1], $0x80, v4, vm0, $0xb8;
	[tilespmem:$0x18200] =	vst v63  }
0xd8: {  	_ = 	snop  }
0xd9: {  	[tilespmem:s10], [sflag:$0x2] =	stream.indirect_vreg.gather [hbm4b:s7+s1], $0x80, v4, vm1, $0xb8;
	[tilespmem:$0x18200] =	vst v63  }
0xda: {  	_ = 	snop  }
0xdb: {  	[tilespmem:s6], [sflag:$0x2] =	stream.indirect_vreg.gather [hbm4b:s3+s1], $0x80, v3, vm0, $0xb8;
	[tilespmem:$0x18200] =	vst v63  }
0xdc: {  	_ = 	snop  }
0xdd: {  	[tilespmem:s8], [sflag:$0x2] =	stream.indirect_vreg.gather [hbm4b:s7+s1], $0x80, v3, vm1, $0xb8;
	[tilespmem:$0x18200] =	vst v63  }
0xde: {  	v3 =	vld [tilespmem:s30+$0xC0];
	_ =	sdelay $0x4  }
0xdf: {  	v60 =	vshrl.u32 v3, $0x3  }
0xe0: {  	v4 =	vmul.u32 $0x18, v60  }
0xe1: {  	v3 =	vand.u32 $0x7, v3  }
0xe2: {  	v3 =	vor.u32 v3, v4  }
0xe3: {  	v4 =	vperm.xlane v3, v0;
	_ =	sdelay $0x1  }
0xe4: {  	v4 =	vadd.s32 v1, v4;
	_ =	sdelay $0x1  }
0xe5: {  	v3 =	vperm.xlane v3, v2;
	_ =	sdelay $0x1  }
0xe6: {  	v3 =	vadd.s32 v1, v3  }
0xe7: {  	[tilespmem:s11], [sflag:$0x2] =	stream.indirect_vreg.gather [hbm4b:s3+s1], $0x80, v4, vm0, $0xb8;
	[tilespmem:$0x18200] =	vst v63  }
0xe8: {  	_ = 	snop  }
0xe9: {  	[tilespmem:s13], [sflag:$0x2] =	stream.indirect_vreg.gather [hbm4b:s7+s1], $0x80, v4, vm1, $0xb8;
	[tilespmem:$0x18200] =	vst v63  }
0xea: {  	_ = 	snop  }
0xeb: {  	[tilespmem:s14], [sflag:$0x2] =	stream.indirect_vreg.gather [hbm4b:s3+s1], $0x80, v3, vm0, $0xb8;
	[tilespmem:$0x18200] =	vst v63  }
0xec: {  	_ = 	snop  }
0xed: {  	[tilespmem:s15], [sflag:$0x2] =	stream.indirect_vreg.gather [hbm4b:s7+s1], $0x80, v3, vm1, $0xb8;
	[tilespmem:$0x18200] =	vst v63  }
0xee: {  	v3 =	vld [tilespmem:s30+$0xD0];
	_ =	sdelay $0x4  }
0xef: {  	v61 =	vshrl.u32 v3, $0x3  }
0xf0: {  	v4 =	vmul.u32 $0x18, v61  }
0xf1: {  	v3 =	vand.u32 $0x7, v3  }
0xf2: {  	v3 =	vor.u32 v3, v4  }
0xf3: {  	v4 =	vperm.xlane v3, v0;
	_ =	sdelay $0x1  }
0xf4: {  	v4 =	vadd.s32 v1, v4;
	_ =	sdelay $0x1  }
0xf5: {  	v3 =	vperm.xlane v3, v2;
	_ =	sdelay $0x1  }
0xf6: {  	v3 =	vadd.s32 v1, v3  }
0xf7: {  	[tilespmem:s16], [sflag:$0x2] =	stream.indirect_vreg.gather [hbm4b:s3+s1], $0x80, v4, vm0, $0xb8;
	[tilespmem:$0x18200] =	vst v63  }
0xf8: {  	_ = 	snop  }
0xf9: {  	[tilespmem:s17], [sflag:$0x2] =	stream.indirect_vreg.gather [hbm4b:s7+s1], $0x80, v4, vm1, $0xb8;
	[tilespmem:$0x18200] =	vst v63  }
0xfa: {  	_ = 	snop  }
0xfb: {  	[tilespmem:s18], [sflag:$0x2] =	stream.indirect_vreg.gather [hbm4b:s3+s1], $0x80, v3, vm0, $0xb8;
	[tilespmem:$0x18200] =	vst v63  }
0xfc: {  	_ = 	snop  }
0xfd: {  	[tilespmem:s20], [sflag:$0x2] =	stream.indirect_vreg.gather [hbm4b:s7+s1], $0x80, v3, vm1, $0xb8;
	[tilespmem:$0x18200] =	vst v63  }
0xfe: {  	v3 =	vld [tilespmem:s30+$0xE0];
	_ =	sdelay $0x4  }
0xff: {  	v62 =	vshrl.u32 v3, $0x3  }
0x100: {  	v4 =	vmul.u32 $0x18, v62  }
0x101: {  	v3 =	vand.u32 $0x7, v3  }
0x102: {  	v3 =	vor.u32 v3, v4  }
0x103: {  	v4 =	vperm.xlane v3, v0;
	_ =	sdelay $0x1  }
0x104: {  	v4 =	vadd.s32 v1, v4;
	_ =	sdelay $0x1  }
0x105: {  	v3 =	vperm.xlane v3, v2;
	_ =	sdelay $0x1  }
0x106: {  	v3 =	vadd.s32 v1, v3  }
0x107: {  	[tilespmem:s21], [sflag:$0x2] =	stream.indirect_vreg.gather [hbm4b:s3+s1], $0x80, v4, vm0, $0xb8;
	[tilespmem:$0x18200] =	vst v63  }
0x108: {  	_ = 	snop  }
0x109: {  	[tilespmem:s22], [sflag:$0x2] =	stream.indirect_vreg.gather [hbm4b:s7+s1], $0x80, v4, vm1, $0xb8;
	[tilespmem:$0x18200] =	vst v63  }
0x10a: {  	_ = 	snop  }
0x10b: {  	[tilespmem:s23], [sflag:$0x2] =	stream.indirect_vreg.gather [hbm4b:s3+s1], $0x80, v3, vm0, $0xb8;
	[tilespmem:$0x18200] =	vst v63  }
0x10c: {  	_ = 	snop  }
0x10d: {  	[tilespmem:s24], [sflag:$0x2] =	stream.indirect_vreg.gather [hbm4b:s7+s1], $0x80, v3, vm1, $0xb8;
	[tilespmem:$0x18200] =	vst v63  }
0x10e: {  	v3 =	vld [tilespmem:s30+$0xF0];
	_ =	sdelay $0x4  }
0x10f: {  	v63 =	vshrl.u32 v3, $0x3  }
0x110: {  	v4 =	vmul.u32 $0x18, v63  }
0x111: {  	v3 =	vand.u32 $0x7, v3  }
0x112: {  	v3 =	vor.u32 v3, v4  }
0x113: {  	v4 =	vperm.xlane v3, v0;
	_ =	sdelay $0x1  }
0x114: {  	v4 =	vadd.s32 v1, v4;
	_ =	sdelay $0x1  }
0x115: {  	v3 =	vperm.xlane v3, v2;
	_ =	sdelay $0x1  }
0x116: {  	v3 =	vadd.s32 v1, v3  }
0x117: {  	[tilespmem:s25], [sflag:$0x2] =	stream.indirect_vreg.gather [hbm4b:s3+s1], $0x80, v4, vm0, $0xb8;
	[tilespmem:$0x18200] =	vst v63  }
0x118: {  	_ = 	snop  }
0x119: {  	[tilespmem:s26], [sflag:$0x2] =	stream.indirect_vreg.gather [hbm4b:s7+s1], $0x80, v4, vm1, $0xb8;
	[tilespmem:$0x18200] =	vst v63  }
0x11a: {  	s30 =	sor.u32 s4, s30  }
0x11b: {  	[tilespmem:s0], [sflag:$0x2] =	stream.indirect_vreg.gather [hbm4b:s3+s1], $0x80, v3, vm0, $0xb8;
	[tilespmem:$0x18200] =	vst v63  }
0x11c: {  	s30 =	sshrl.u32 s30, $0x3  }
0x11d: {  	[tilespmem:s2], [sflag:$0x2] =	stream.indirect_vreg.gather [hbm4b:s7+s1], $0x80, v3, vm1, $0xb8;
	[tilespmem:$0x18200] =	vst v63  }
0x11e: {  	s31 =	smul.u32 $0x180, s30;
	_ =	swait.ge [sflag:s28], $0xC000  }
0x11f: {  	p2 =	por p0, p0;
	[sflag:s28] =	ssyncset.done $0x0  }
0x120: {  	s30 =	smul.u32 $0xC00, s30;
	s31 =	sadd.s32 s5, s31;
	[sflag:s28] =	ssyncadd.s32 $0xFFFF4000  }
0x121: {  	[hbm4b:s31+s1] =	stream.linear.scatter [tilespmem:s12], [sflag:$0x3], $0xC000, $0x38;
	[tilespmem:$0x18200] =	vst v63  }
.Ltmp0:
0x122: {  	s30 =	sshrl.u32 s30, $0x3;
	_ =	swait.ge [sflag:s29], $0xC000;
	(pc) =	sbr.rel @p2 .LBB2_2-.Ltmp0, $4  }
0x123: {  	s30 =	sadd.s32 s5, s30;
	[sflag:s29] =	ssyncset.done $0x0  }
0x124: {  	s30 =	sadd.s32 $0x1800, s30;
	[sflag:s29] =	ssyncadd.s32 $0xFFFF4000  }
0x125: {  	[hbm4b:s30+s1] =	stream.linear.scatter [tilespmem:s19], [sflag:$0x4], $0xC000, $0x38;
	[tilespmem:$0x18200] =	vst v63  }
0x126: {  	p0 =	por $0x0, $0x0;
	p1 =	por $0x1, $0x1;
	s30 =	simm.s32 $0x100  }
0x127: {  	s0 =	simm.s32 $0x3  }
0x128: {  	_ =	swait.ge [sflag:s0], $0xC000  }
0x129: {  	[sflag:s0] =	ssyncset.done $0x0  }
0x12a: {  	s31 =	simm.s32 $0x4;
	[sflag:s0] =	ssyncadd.s32 $0xFFFF4000  }
0x12b: {  	_ =	swait.ge [sflag:s31], $0xC000  }
0x12c: {  	s2 =	rddreg [dreg:$0x4]  }
0x12d: {  	s30 =	rddreg [dreg:$0x3];
	s2 =	sadd.s32 $0x1, s2  }
0x12e: {  	p0 =	sne.s32 s2, s30  }
.Ltmp1:
0x12f: {  	_ = 	snop;
	(pc) =	sbr.rel @p0 .LBB2_1-.Ltmp1, $3  }
0x130: {  	_ =	sdelay $0x1  }
0x131: {  	[sflag:s31] =	ssyncset.done $0x0  }
0x132: {  	[sflag:s31] =	ssyncadd.s32 $0xFFFF4000  }
0x133: {  	_ =	sfence.sel $0x180000  }
0x134: {  	[bflag:$0x0] =	sbarrier.arrive $0xFFFF  }
0x135: {  	_ =	strace $0x90000053  }
0x136: {  	s0 =	stileid.u32;
	[bflag:$0x2] =	sbarrier.arrive $0xFFFF  }
0x137: {  	p0 =	sne.s32 s0, $0x0;
	s0 =	rddreg [dreg:$0x1]  }
0x138: {  	s0 =	sadd.s32 @!p0 $0x100000, s0  }
0x139: {  	[sflag:s0] =	ssyncadd.tile.s32 @!p0 $0x1;
	_ =	shalt  }
.Lfunc_end2:
_tile_overlayer_lowered:
.L_overlay_start_2:
0x13a: {  	(tag) =	ssettag $0x2  }
0x13b: {  	s0 =	rddreg [dreg:$0x0];
	s2 =	stileid.u32  }
0x13c: {  	s1 =	rddreg [dreg:$0x1];
	p0 =	sne.s32 s2, $0x0  }
0x13d: {  	s3 =	rddreg [dreg:$0x2];
	[bflag:$0x3] =	sbarrier.arrive $0xFFFF;
	s2 =	simm.s32 @!p0 $0x1C05  }
0x13e: {  	[timem:s3], [sflag:s2] =	dma.local @!p0 [hbm:s0], s1  }
0x13f: {  	s0 =	simm.s32 @!p0 $0x5  }
0x140: {  	_ =	swait.ge @!p0 [sflag:s0], s1  }
0x141: {  	s1 =	ssub.s32 @!p0 $0x0, s1;
	[sflag:s0] =	ssyncset.done @!p0 $0x0  }
0x142: {  	[sflag:s0] =	ssyncadd.s32 @!p0 s1  }
0x143: {  	[bflag:$0x3] =	sbarrier.arrive $0xFFFF  }
0x144: {  	_ =	shalt  }

// kernel: kernel.33.cloned.1.call-start
scs
__scs_entry_jumppad:
0x0: {  	(pc) =	sbr.rel $0x88, $3  }
0x1: {  	(tag) =	ssettag $0x0;
	lr =	simm.s32 $0x1  }
0x2: {  	[smem:$0x3F9D] =	sst lr;
	_ =	strace $0xD0000000  }
0x3: {  	_ = 	snop  }
0x4: {  	_ = 	snop  }
0x5: {  	_ = 	snop  }
0x6: {  	_ = 	snop  }
0x7: {  	_ = 	snop  }
__scs_overlays_trampoline_lowered:
0x8: {  	[smem:$0x3FAC] =	sst s0  }
0x9: {  	[smem:$0x3FAD] =	sst s1  }
0xa: {  	[smem:$0x3FAE] =	sst s2  }
0xb: {  	[smem:$0x3FAF] =	sst s3  }
0xc: {  	[smem:$0x3FB0] =	sst s4  }
0xd: {  	[smem:$0x3FB1] =	sst s5  }
0xe: {  	[smem:$0x3FB2] =	sst s6  }
0xf: {  	[smem:$0x3FB3] =	sst s7  }
0x10: {  	[smem:$0x3FB4] =	sst s8  }
0x11: {  	[smem:$0x3FB5] =	sst s9;
	s0 =	simm.s32 @!p0 $0x0  }
0x12: {  	s1 =	sld [smem:$0x3F9B];
	s0 =	simm.s32 @p0 $0x1  }
0x13: {  	[smem:$0x3FB6] =	sst s0;
	s0 =	simm.s32 @!p1 $0x0  }
0x14: {  	s2 =	sld [smem:$0x3F9A];
	s0 =	simm.s32 @p1 $0x1  }
0x15: {  	[smem:$0x3FB7] =	sst s0;
	s0 =	simm.s32 @!p2 $0x0  }
0x16: {  	s3 =	sld [smem:$0x3FDB];
	s0 =	simm.s32 @p2 $0x1  }
0x17: {  	s4 =	simm.s32 $0x1BF5;
	[smem:$0x3FB9] =	sst s0  }
0x18: {  	s0 =	sld [smem:$0x3F9C];
	_ =	swait.ge [sflag:s4], $0x0  }
0x19: {  	s7 =	sld [smem:$0x3F9D]  }
0x1a: {  	s8 =	sadd.s32 $0xFFFFE003, lr  }
0x1b: {  	s9 =	sadd.s32 $0xFFFFFEF7, lr;
	s5 =	simm.s32 $0xFFFFFFFF;
	p2 =	slt.u32 s8, $0xFFFFF086  }
0x1c: {  	p1 =	slt.u32 s9, $0xF7A;
	s5 =	simm.s32 @!p2 $0x0  }
0x1d: {  	s5 =	simm.s32 @p1 $0x1;
	p0 =	seq.s32 s7, s2  }
0x1e: {  	s7 =	smul.u32 @!p0 $0xF7A, s2;
	p2 =	seq.s32 @!p0 s5, $0x0  }
0x1f: {  	s9 =	smul.u32 $0xF7A, s1;
	s8 =	simm.s32 @!p0 $0x1BF5;
	p2 =	por !p2, p0  }
0x20: {  	[sflag:s8] =	ssyncset.s32 @!p0 $0xFFFFF086;
	s6 =	sadd.s32 @!p0 s3, s7;
	s7 =	simm.s32 @!p0 $0x108  }
0x21: {  	s3 =	sadd.s32 s3, s9;
	s6 =	sadd.s32 @!p0 $0x88, s6;
	s7 =	simm.s32 @p2 $0x1082  }
0x22: {  	[simem:s7], [sflag:s8] =	dma.local @!p0 [hbm:s6], $0xF7A  }
0x23: {  	s9 =	sor.u32 $0xD0000000, s2;
	s6 =	simm.s32 $0x108;
	_ =	swait.ge @!p0 [sflag:s8], $0x0  }
0x24: {  	s3 =	sadd.s32 $0x88, s3;
	s6 =	simm.s32 @!p1 $0x1082;
	[sflag:s4] =	ssyncset.s32 $0xFFFFF086  }
0x25: {  	[simem:s6], [sflag:s4] =	dma.local [hbm:s3], $0xF7A  }
0x26: {  	[smem:$0x3F9D] =	sst s1;
	(tag) =	ssettag s2;
	_ =	strace s9  }
0x27: {  	s1 =	sld [smem:$0x3FAD]  }
0x28: {  	s2 =	sld [smem:$0x3FAE]  }
0x29: {  	s4 =	sld [smem:$0x3FB0]  }
0x2a: {  	p0 =	seq.s32 s5, $0x0;
	s5 =	sld [smem:$0x3FB1]  }
0x2b: {  	s6 =	sld [smem:$0x3FB2]  }
0x2c: {  	s7 =	sld [smem:$0x3FB3]  }
0x2d: {  	s3 =	simm.s32 $0x108;
	s8 =	sld [smem:$0x3FB4]  }
0x2e: {  	s3 =	simm.s32 @!p0 $0x1082;
	s9 =	sld [smem:$0x3FB5]  }
0x2f: {  	lr =	sadd.s32 s0, s3;
	s0 =	sld [smem:$0x3FAC]  }
0x30: {  	s3 =	sld [smem:$0x3FAF]  }
0x31: {  	[smem:$0x3FB8] =	sst s10  }
0x32: {  	s10 =	sld [smem:$0x3FB6];
	_ =	sdelay $0x3  }
0x33: {  	p0 =	seq.s32 s10, $0x1;
	s10 =	sld [smem:$0x3FB8];
	_ =	sdelay $0x3  }
0x34: {  	[smem:$0x3FB8] =	sst s10  }
0x35: {  	s10 =	sld [smem:$0x3FB7];
	_ =	sdelay $0x3  }
0x36: {  	p1 =	seq.s32 s10, $0x1;
	s10 =	sld [smem:$0x3FB8];
	_ =	sdelay $0x3  }
0x37: {  	[smem:$0x3FB8] =	sst s10  }
0x38: {  	s10 =	sld [smem:$0x3FB9]  }
0x39: {  	_ = 	snop;
	(pc) =	sbr.ind lr, $3  }
0x3a: {  	_ = 	snop  }
0x3b: {  	_ = 	snop  }
0x3c: {  	p2 =	seq.s32 s10, $0x1;
	s10 =	sld [smem:$0x3FB8]  }
0x3d: {  	_ =	shalt  }
0x3e: {  	_ =	shalt  }
0x3f: {  	_ =	shalt  }
0x40: {  	_ =	shalt  }
0x41: {  	_ =	shalt  }
0x42: {  	_ =	shalt  }
0x43: {  	_ =	shalt  }
0x44: {  	_ =	shalt  }
0x45: {  	_ =	shalt  }
0x46: {  	_ =	shalt  }
0x47: {  	_ =	shalt  }
0x48: {  	_ =	shalt  }
0x49: {  	_ =	shalt  }
0x4a: {  	_ =	shalt  }
0x4b: {  	_ =	shalt  }
0x4c: {  	_ =	shalt  }
0x4d: {  	_ =	shalt  }
0x4e: {  	_ =	shalt  }
0x4f: {  	_ =	shalt  }
0x50: {  	_ =	shalt  }
0x51: {  	_ =	shalt  }
0x52: {  	_ =	shalt  }
0x53: {  	_ =	shalt  }
0x54: {  	_ =	shalt  }
0x55: {  	_ =	shalt  }
0x56: {  	_ =	shalt  }
0x57: {  	_ =	shalt  }
0x58: {  	_ =	shalt  }
0x59: {  	_ =	shalt  }
0x5a: {  	_ =	shalt  }
0x5b: {  	_ =	shalt  }
0x5c: {  	_ =	shalt  }
0x5d: {  	_ =	shalt  }
0x5e: {  	_ =	shalt  }
0x5f: {  	_ =	shalt  }
0x60: {  	_ =	shalt  }
0x61: {  	_ =	shalt  }
0x62: {  	_ =	shalt  }
0x63: {  	_ =	shalt  }
0x64: {  	_ =	shalt  }
0x65: {  	_ =	shalt  }
0x66: {  	_ =	shalt  }
0x67: {  	_ =	shalt  }
0x68: {  	_ =	shalt  }
0x69: {  	_ =	shalt  }
0x6a: {  	_ =	shalt  }
0x6b: {  	_ =	shalt  }
0x6c: {  	_ =	shalt  }
0x6d: {  	_ =	shalt  }
0x6e: {  	_ =	shalt  }
0x6f: {  	_ =	shalt  }
0x70: {  	_ =	shalt  }
0x71: {  	_ =	shalt  }
0x72: {  	_ =	shalt  }
0x73: {  	_ =	shalt  }
0x74: {  	_ =	shalt  }
0x75: {  	_ =	shalt  }
0x76: {  	_ =	shalt  }
0x77: {  	_ =	shalt  }
0x78: {  	_ =	shalt  }
0x79: {  	_ =	shalt  }
0x7a: {  	_ =	shalt  }
0x7b: {  	_ =	shalt  }
0x7c: {  	_ =	shalt  }
0x7d: {  	_ =	shalt  }
0x7e: {  	_ =	shalt  }
0x7f: {  	_ =	shalt  }
0x80: {  	_ =	shalt  }
0x81: {  	_ =	shalt  }
0x82: {  	_ =	shalt  }
0x83: {  	_ =	shalt  }
0x84: {  	_ =	shalt  }
0x85: {  	_ =	shalt  }
0x86: {  	_ =	shalt  }
0x87: {  	_ =	shalt  }
.Lfunc_end0:
.L_simem_size_0:
called_computation.5_lowered:
.L_overlay_start_0:
0x88: {  	s2 =	sld [smem:$0x3FD9]  }
0x89: {  	s3 =	sld [smem:$0x3FFE];
	_ =	sdelay $0x1  }
0x8a: {  	s1 =	srdreg.scid  }
0x8b: {  	s0 =	sand.u32 $0x1, s1  }
0x8c: {  	s17 =	sshll.u32 s0, $0xA;
	s2 =	sadd.s32 s3, s2  }
0x8d: {  	s2 =	sadd.s32 s2, s17  }
0x8e: {  	[smem:$0x3FC4] =	sst s2  }
0x8f: {  	_ = 	snop  }
0x90: {  	(tm) =	ssettm $0x1  }
0x91: {  	s18 =	sld [smem:$0x3FFB];
	_ =	sdelay $0x3  }
0x92: {  	_ =	strace s18  }
0x93: {  	s2 =	sld [smem:$0x3FFC];
	_ =	sdelay $0x3  }
0x94: {  	_ =	strace s2  }
0x95: {  	s2 =	sld [smem:$0x3FFD];
	_ =	sdelay $0x3  }
0x96: {  	_ =	strace s2  }
0x97: {  	_ =	strace $0x8FFFFFFF  }
0x98: {  	s19 =	sld [smem:$0x3FDB];
	_ =	sdelay $0x1  }
0x99: {  	s20 =	simm.s32 $_scs_section_size  }
0x9a: {  	s4 =	simm.s32 $_size__tile_overlayer_lowered;
	s5 =	simm.s32 $_tile_overlayer_lowered  }
0x9b: {  	s6 =	simm.s32 $0x1BFF;
	s21 =	sshll.u32 s5, $0x1;
	s3 =	sadd.s32 s20, s19  }
0x9c: {  	s22 =	simm.s32 $0x0;
	s4 =	sshll.u32 s4, $0x1;
	s5 =	sadd.s32 s21, s3  }
0x9d: {  	[timem:s22], [sflag:s6] =	dma.local [hbm:s5], s4  }
0x9e: {  	_ =	swait.ge [sflag:s6], s4  }
0x9f: {  	s4 =	ssub.s32 $0x0, s4;
	[sflag:s6] =	ssyncset.done $0x0  }
0xa0: {  	[sflag:s6] =	ssyncadd.s32 s4;
	_ =	sdelay $0x1  }
0xa1: {  	s23 =	simm.s32 $0x1B8B  }
0xa2: {  	_ =	swait.ge [sflag:s23], $0x1  }
0xa3: {  	[sflag:s23] =	ssyncset.done $0x0  }
0xa4: {  	[sflag:s23] =	ssyncadd.s32 $0xFFFFFFFF  }
0xa5: {  	s4 =	sld [smem:$0x0]  }
0xa6: {  	s5 =	sand.u32 $0xFFFFFFFE, s1  }
0xa7: {  	p0 =	sne.s32 s1, s5  }
0xa8: {  	s5 =	sshll.u32 @p0 s5, $0xE  }
0xa9: {  	s5 =	sadd.s32 @p0 $0x11B8D, s5;
	s6 =	sshll.u32 @p0 s4, $0x11  }
0xaa: {  	s5 =	sor.u32 @p0 s6, s5  }
0xab: {  	[sflag:s5] =	ssyncadd.remote.s32 @p0 $0x1;
	_ =	sdelay $0x1  }
0xac: {  	s5 =	simm.s32 @p0 $0x1B8D  }
0xad: {  	_ =	swait.eq @p0 [sflag:s5], $0x1  }
0xae: {  	[sflag:s5] =	ssyncadd.s32 @p0 $0xFFFFFFFF  }
0xaf: {  	s6 =	sshll.u32 @!p0 s1, $0xE  }
0xb0: {  	s6 =	sor.u32 @!p0 $0x4000, s6;
	s5 =	simm.s32 @!p0 $0x1B8D  }
0xb1: {  	s4 =	sshll.u32 @!p0 s4, $0x11;
	s6 =	sadd.s32 @!p0 $0x11B8D, s6;
	_ =	swait.eq @!p0 [sflag:s5], $0x1  }
0xb2: {  	s4 =	sor.u32 @!p0 s4, s6;
	[sflag:s5] =	ssyncadd.s32 @!p0 $0xFFFFFFFF  }
0xb3: {  	s25 =	simm.s32 $0x1B8E;
	s24 =	sld [smem:$0x3FFE];
	[sflag:s4] =	ssyncadd.remote.s32 @!p0 $0x1  }
0xb4: {  	s26 =	simm.s32 $execute0_lowered;
	[smem:$0x3FD2] =	sst s25  }
0xb5: {  	s5 =	sshll.u32 s26, $0x1;
	_ =	strace $0x80000055;
	[dreg:$0x1] =	wrdreg $0xFFFFFFFF  }
0xb6: {  	s28 =	simm.s32 $_size_execute0_lowered;
	s3 =	sadd.s32 s3, s5;
	[dreg:$0x0] =	wrdreg $0x0  }
0xb7: {  	s5 =	sshll.u32 s28, $0x1;
	[dreg:$0x2] =	wrdreg s3  }
0xb8: {  	[dreg:$0x3] =	wrdreg s5  }
0xb9: {  	[dreg:$0x4] =	wrdreg $0xC0  }
0xba: {  	_ =	task [dreg:s22], $0x5FFFF  }
0xbb: {  	[dreg:$0x1] =	wrdreg $0xFFFFFFFF  }
0xbc: {  	[dreg:$0x0] =	wrdreg $0x60  }
0xbd: {  	[dreg:$0x2] =	wrdreg s24  }
0xbe: {  	[dreg:$0x3] =	wrdreg $0xE  }
0xbf: {  	_ =	task.clear_ibuf [dreg:s22], $0x4FFFF;
	_ =	strace $0x90000055  }
0xc0: {  	s29 =	simm.s32 $0xE;
	_ =	strace $0x80000057  }
0xc1: {  	_ =	swait.ge [sflag:s29], $0x1  }
0xc2: {  	[sflag:s29] =	ssyncadd.s32 $0xFFFFFFFF  }
0xc3: {  	_ =	strace $0x90000057  }
0xc4: {  	_ =	sfence  }
0xc5: {  	s30 =	sld [smem:$0x0];
	_ =	sdelay $0x2  }
0xc6: {  	s31 =	sshll.u32 s1, $0xD;
	s1 =	sshrl.u32 s1, $0x2  }
0xc7: {  	s4 =	sand.u32 $0x4000, s31;
	s1 =	sadd.s32 s1, s30  }
0xc8: {  	s0 =	sor.u32 s4, s0;
	s1 =	sshll.u32 s1, $0x11  }
0xc9: {  	s0 =	sor.u32 s1, s0  }
0xca: {  	s0 =	sadd.s32 $0x8F2B, s0  }
0xcb: {  	[sflag:s0] =	ssyncadd.remote.s32 $0x1  }
0xcc: {  	_ =	sfence.sel $0xFFFF  }
0xcd: {  	[dreg:$0x0] =	wrdreg $0xFFFFFFFF;
	(pc) =	sbr.abs _section_cstart, $3  }
0xce: {  	[dreg:$0x1] =	wrdreg $0xFFFFFFFF  }
0xcf: {  	_ =	task.clear_ibuf [dreg:s22], $0x2FFFF;
	_ =	strace $0x9FFFFFFF  }
0xd0: {  	(tm) =	ssettm $0x7FFFFFFF  }
0xd1: {  	_ =	shalt  }
tec
execute0_lowered:
.L_overlay_start_1:
0x0: {  	(tag) =	ssettag $0x1  }
0x1: {  	s0 =	rddreg [dreg:$0x0];
	s1 =	simm.s32 $0x0;
	s2 =	srdreg.scid  }
0x2: {  	s5 =	stileid.u32;
	s12 =	simm.s32 $0x200;
	s19 =	simm.s32 $0xC200  }
0x3: {  	s28 =	simm.s32 $0x1;
	s29 =	simm.s32 $0x2;
	s9 =	simm.s32 $0x10A00  }
0x4: {  	s10 =	simm.s32 $0x11200;
	s11 =	simm.s32 $0x12200;
	s13 =	simm.s32 $0x12A00  }
0x5: {  	s14 =	simm.s32 $0x12E00;
	s15 =	simm.s32 $0x13600;
	s16 =	simm.s32 $0x13A00  }
0x6: {  	s17 =	simm.s32 $0x14200;
	s18 =	simm.s32 $0x14600;
	s20 =	simm.s32 $0x14E00  }
0x7: {  	s21 =	simm.s32 $0x15200;
	s22 =	simm.s32 $0x15A00;
	s23 =	simm.s32 $0x15E00  }
0x8: {  	s24 =	simm.s32 $0x16600;
	s25 =	simm.s32 $0x16A00;
	[smem:$0x7FF] =	sst s1  }
0x9: {  	s3 =	sadd.s32 $0x143600, s0;
	s2 =	sand.u32 $0x1, s2;
	s4 =	sshll.u32 s5, $0x3  }
0xa: {  	s5 =	sshll.u32 s5, $0xA;
	_ =	strace $0x80000056;
	s6 =	sshll.u32 s2, $0x9  }
0xb: {  	s7 =	sand.u32 $0x70, s4;
	s2 =	ssub.s32 $0x2, s2;
	s4 =	sor.u32 s6, s5  }
0xc: {  	s26 =	sadd.s32 s7, s0;
	s30 =	sshrl.u32 s2, $0x1;
	s5 =	sadd.s32 $0x5C3600, s0  }
0xd: {  	s7 =	sadd.s32 $0x143700, s0;
	s8 =	sand.u32 $0x600, s4;
	s2 =	ssub.s32 s2, s30  }
0xe: {  	v2 =	vlaneseq.u32;
	s6 =	sadd.s32 s8, s26;
	s31 =	smax.u32 s2, $0x1;
	s2 =	simm.s32 $0x0  }
0xf: {  	vm0 =	vmmov $0xffff;
	vm1 =	vmmov $0xff;
	v1 =	vshrl.u32 v2, $0x3;
	s8 =	simm.s32 $0x11E00;
	s6 =	sadd.s32 $0x5E00, s6;
	[dreg:$0x3] =	wrdreg s31  }
0x10: {  	v0 =	vand.u32 $0x7, v2;
	v2 =	vor.u32 $0x8, v2;
	v1 =	vmul.u32 $0x8, v1;
	s26 =	simm.s32 $0x17200;
	[dreg:$0x2] =	wrdreg s6;
	s6 =	simm.s32 $0x11600  }
.LBB2_1:
0x11: {  	s30 =	rddreg [dreg:$0x2];
	s31 =	simm.s32 $0x80;
	s0 =	simm.s32 $0x400  }
0x12: {  	[tilespmem:s1], [sflag:$0x5] =	stream.strided.gather [hbm4b:s30+s31], $0x200, s0, s31, $0x38;
	[tilespmem:$0x18200] =	vst v63  }
0x13: {  	[dreg:$0x4] =	wrdreg s2;
	s31 =	simm.s32 $0x5  }
0x14: {  	p0 =	por $0x1, $0x1;
	_ =	swait.ge [sflag:s31], $0x200  }
0x15: {  	p1 =	por $0x0, $0x0;
	s2 =	simm.s32 $0x17E00;
	[sflag:s31] =	ssyncset.done $0x0  }
0x16: {  	s30 =	simm.s32 $0x0;
	s0 =	simm.s32 $0x17600;
	[sflag:s31] =	ssyncadd.s32 $0xFFFFFE00  }
.LBB2_2:
0x17: {  	s31 =	simm.s32 @p1 $0x3  }
0x18: {  	_ =	swait.ge @p1 [sflag:s31], $0xC000  }
0x19: {  	[sflag:s31] =	ssyncset.done @p1 $0x0  }
0x1a: {  	[sflag:s31] =	ssyncadd.s32 @p1 $0xFFFF4000;
	s31 =	simm.s32 @p1 $0x4  }
0x1b: {  	_ =	swait.ge @p1 [sflag:s31], $0xC000  }
0x1c: {  	[sflag:s31] =	ssyncset.done @p1 $0x0  }
0x1d: {  	[sflag:s31] =	ssyncadd.s32 @p1 $0xFFFF4000  }
0x1e: {  	v3 =	vld [tilespmem:s30+$0x0];
	_ =	sdelay $0x4  }
0x1f: {  	v4 =	vshrl.u32 v3, $0x3  }
0x20: {  	v4 =	vmul.u32 $0x18, v4  }
0x21: {  	v3 =	vand.u32 $0x7, v3  }
0x22: {  	v3 =	vor.u32 v3, v4  }
0x23: {  	v4 =	vperm.xlane v3, v0;
	_ =	sdelay $0x1  }
0x24: {  	v4 =	vadd.s32 v1, v4;
	_ =	sdelay $0x1  }
0x25: {  	v3 =	vperm.xlane v3, v2;
	_ =	sdelay $0x1  }
0x26: {  	v3 =	vadd.s32 v1, v3  }
0x27: {  	[tilespmem:s12], [sflag:$0x1] =	stream.indirect_vreg.gather [hbm4b:s3+s1], $0x80, v4, vm0, $0xb8;
	[tilespmem:$0x18200] =	vst v63  }
0x28: {  	s31 =	simm.s32 $0xA00  }
0x29: {  	[tilespmem:s31], [sflag:$0x1] =	stream.indirect_vreg.gather [hbm4b:s7+s1], $0x80, v4, vm1, $0xb8;
	[tilespmem:$0x18200] =	vst v63  }
0x2a: {  	s31 =	simm.s32 $0xE00  }
0x2b: {  	[tilespmem:s31], [sflag:$0x1] =	stream.indirect_vreg.gather [hbm4b:s3+s1], $0x80, v3, vm0, $0xb8;
	[tilespmem:$0x18200] =	vst v63  }
0x2c: {  	s31 =	simm.s32 $0x1600  }
0x2d: {  	[tilespmem:s31], [sflag:$0x1] =	stream.indirect_vreg.gather [hbm4b:s7+s1], $0x80, v3, vm1, $0xb8;
	[tilespmem:$0x18200] =	vst v63  }
0x2e: {  	v3 =	vld [tilespmem:s30+$0x10];
	_ =	sdelay $0x4  }
0x2f: {  	v49 =	vshrl.u32 v3, $0x3  }
0x30: {  	v4 =	vmul.u32 $0x18, v49  }
0x31: {  	v3 =	vand.u32 $0x7, v3  }
0x32: {  	v3 =	vor.u32 v3, v4  }
0x33: {  	v4 =	vperm.xlane v3, v0;
	_ =	sdelay $0x1  }
0x34: {  	v4 =	vadd.s32 v1, v4;
	_ =	sdelay $0x1  }
0x35: {  	v3 =	vperm.xlane v3, v2;
	_ =	sdelay $0x1  }
0x36: {  	s31 =	simm.s32 $0x1A00;
	v3 =	vadd.s32 v1, v3  }
0x37: {  	[tilespmem:s31], [sflag:$0x1] =	stream.indirect_vreg.gather [hbm4b:s3+s1], $0x80, v4, vm0, $0xb8;
	[tilespmem:$0x18200] =	vst v63  }
0x38: {  	s31 =	simm.s32 $0x2200  }
0x39: {  	[tilespmem:s31], [sflag:$0x1] =	stream.indirect_vreg.gather [hbm4b:s7+s1], $0x80, v4, vm1, $0xb8;
	[tilespmem:$0x18200] =	vst v63  }
0x3a: {  	s31 =	simm.s32 $0x2600  }
0x3b: {  	[tilespmem:s31], [sflag:$0x1] =	stream.indirect_vreg.gather [hbm4b:s3+s1], $0x80, v3, vm0, $0xb8;
	[tilespmem:$0x18200] =	vst v63  }
0x3c: {  	s31 =	simm.s32 $0x2E00  }
0x3d: {  	[tilespmem:s31], [sflag:$0x1] =	stream.indirect_vreg.gather [hbm4b:s7+s1], $0x80, v3, vm1, $0xb8;
	[tilespmem:$0x18200] =	vst v63  }
0x3e: {  	v3 =	vld [tilespmem:s30+$0x20];
	_ =	sdelay $0x4  }
0x3f: {  	v50 =	vshrl.u32 v3, $0x3  }
0x40: {  	v4 =	vmul.u32 $0x18, v50  }
0x41: {  	v3 =	vand.u32 $0x7, v3  }
0x42: {  	v3 =	vor.u32 v3, v4  }
0x43: {  	v4 =	vperm.xlane v3, v0;
	_ =	sdelay $0x1  }
0x44: {  	v4 =	vadd.s32 v1, v4;
	_ =	sdelay $0x1  }
0x45: {  	v3 =	vperm.xlane v3, v2;
	_ =	sdelay $0x1  }
0x46: {  	s31 =	simm.s32 $0x3200;
	v3 =	vadd.s32 v1, v3  }
0x47: {  	[tilespmem:s31], [sflag:$0x1] =	stream.indirect_vreg.gather [hbm4b:s3+s1], $0x80, v4, vm0, $0xb8;
	[tilespmem:$0x18200] =	vst v63  }
0x48: {  	s31 =	simm.s32 $0x3A00  }
0x49: {  	[tilespmem:s31], [sflag:$0x1] =	stream.indirect_vreg.gather [hbm4b:s7+s1], $0x80, v4, vm1, $0xb8;
	[tilespmem:$0x18200] =	vst v63  }
0x4a: {  	s31 =	simm.s32 $0x3E00  }
0x4b: {  	[tilespmem:s31], [sflag:$0x1] =	stream.indirect_vreg.gather [hbm4b:s3+s1], $0x80, v3, vm0, $0xb8;
	[tilespmem:$0x18200] =	vst v63  }
0x4c: {  	s31 =	simm.s32 $0x4600  }
0x4d: {  	[tilespmem:s31], [sflag:$0x1] =	stream.indirect_vreg.gather [hbm4b:s7+s1], $0x80, v3, vm1, $0xb8;
	[tilespmem:$0x18200] =	vst v63  }
0x4e: {  	v3 =	vld [tilespmem:s30+$0x30];
	_ =	sdelay $0x4  }
0x4f: {  	v51 =	vshrl.u32 v3, $0x3  }
0x50: {  	v4 =	vmul.u32 $0x18, v51  }
0x51: {  	v3 =	vand.u32 $0x7, v3  }
0x52: {  	v3 =	vor.u32 v3, v4  }
0x53: {  	v4 =	vperm.xlane v3, v0;
	_ =	sdelay $0x1  }
0x54: {  	v4 =	vadd.s32 v1, v4;
	_ =	sdelay $0x1  }
0x55: {  	v3 =	vperm.xlane v3, v2;
	_ =	sdelay $0x1  }
0x56: {  	s31 =	simm.s32 $0x4A00;
	v3 =	vadd.s32 v1, v3  }
0x57: {  	[tilespmem:s31], [sflag:$0x1] =	stream.indirect_vreg.gather [hbm4b:s3+s1], $0x80, v4, vm0, $0xb8;
	[tilespmem:$0x18200] =	vst v63  }
0x58: {  	s31 =	simm.s32 $0x5200  }
0x59: {  	[tilespmem:s31], [sflag:$0x1] =	stream.indirect_vreg.gather [hbm4b:s7+s1], $0x80, v4, vm1, $0xb8;
	[tilespmem:$0x18200] =	vst v63  }
0x5a: {  	s31 =	simm.s32 $0x5600  }
0x5b: {  	[tilespmem:s31], [sflag:$0x1] =	stream.indirect_vreg.gather [hbm4b:s3+s1], $0x80, v3, vm0, $0xb8;
	[tilespmem:$0x18200] =	vst v63  }
0x5c: {  	s31 =	simm.s32 $0x5E00  }
0x5d: {  	[tilespmem:s31], [sflag:$0x1] =	stream.indirect_vreg.gather [hbm4b:s7+s1], $0x80, v3, vm1, $0xb8;
	[tilespmem:$0x18200] =	vst v63  }
0x5e: {  	v3 =	vld [tilespmem:s30+$0x40];
	_ =	sdelay $0x4  }
0x5f: {  	v52 =	vshrl.u32 v3, $0x3  }
0x60: {  	v4 =	vmul.u32 $0x18, v52  }
0x61: {  	v3 =	vand.u32 $0x7, v3  }
0x62: {  	v3 =	vor.u32 v3, v4  }
0x63: {  	v4 =	vperm.xlane v3, v0;
	_ =	sdelay $0x1  }
0x64: {  	v4 =	vadd.s32 v1, v4;
	_ =	sdelay $0x1  }
0x65: {  	v3 =	vperm.xlane v3, v2;
	_ =	sdelay $0x1  }
0x66: {  	s31 =	simm.s32 $0x6200;
	v3 =	vadd.s32 v1, v3  }
0x67: {  	[tilespmem:s31], [sflag:$0x1] =	stream.indirect_vreg.gather [hbm4b:s3+s1], $0x80, v4, vm0, $0xb8;
	[tilespmem:$0x18200] =	vst v63  }
0x68: {  	s31 =	simm.s32 $0x6A00  }
0x69: {  	[tilespmem:s31], [sflag:$0x1] =	stream.indirect_vreg.gather [hbm4b:s7+s1], $0x80, v4, vm1, $0xb8;
	[tilespmem:$0x18200] =	vst v63  }
0x6a: {  	s31 =	simm.s32 $0x6E00  }
0x6b: {  	[tilespmem:s31], [sflag:$0x1] =	stream.indirect_vreg.gather [hbm4b:s3+s1], $0x80, v3, vm0, $0xb8;
	[tilespmem:$0x18200] =	vst v63  }
0x6c: {  	s31 =	simm.s32 $0x7600  }
0x6d: {  	[tilespmem:s31], [sflag:$0x1] =	stream.indirect_vreg.gather [hbm4b:s7+s1], $0x80, v3, vm1, $0xb8;
	[tilespmem:$0x18200] =	vst v63  }
0x6e: {  	v3 =	vld [tilespmem:s30+$0x50];
	_ =	sdelay $0x4  }
0x6f: {  	v53 =	vshrl.u32 v3, $0x3  }
0x70: {  	v4 =	vmul.u32 $0x18, v53  }
0x71: {  	v3 =	vand.u32 $0x7, v3  }
0x72: {  	v3 =	vor.u32 v3, v4  }
0x73: {  	v4 =	vperm.xlane v3, v0;
	_ =	sdelay $0x1  }
0x74: {  	v4 =	vadd.s32 v1, v4;
	_ =	sdelay $0x1  }
0x75: {  	v3 =	vperm.xlane v3, v2;
	_ =	sdelay $0x1  }
0x76: {  	s31 =	simm.s32 $0x7A00;
	v3 =	vadd.s32 v1, v3  }
0x77: {  	[tilespmem:s31], [sflag:$0x1] =	stream.indirect_vreg.gather [hbm4b:s3+s1], $0x80, v4, vm0, $0xb8;
	[tilespmem:$0x18200] =	vst v63  }
0x78: {  	s31 =	simm.s32 $0x8200  }
0x79: {  	[tilespmem:s31], [sflag:$0x1] =	stream.indirect_vreg.gather [hbm4b:s7+s1], $0x80, v4, vm1, $0xb8;
	[tilespmem:$0x18200] =	vst v63  }
0x7a: {  	s31 =	simm.s32 $0x8600  }
0x7b: {  	[tilespmem:s31], [sflag:$0x1] =	stream.indirect_vreg.gather [hbm4b:s3+s1], $0x80, v3, vm0, $0xb8;
	[tilespmem:$0x18200] =	vst v63  }
0x7c: {  	s31 =	simm.s32 $0x8E00  }
0x7d: {  	[tilespmem:s31], [sflag:$0x1] =	stream.indirect_vreg.gather [hbm4b:s7+s1], $0x80, v3, vm1, $0xb8;
	[tilespmem:$0x18200] =	vst v63  }
0x7e: {  	v3 =	vld [tilespmem:s30+$0x60];
	_ =	sdelay $0x4  }
0x7f: {  	v54 =	vshrl.u32 v3, $0x3  }
0x80: {  	v4 =	vmul.u32 $0x18, v54  }
0x81: {  	v3 =	vand.u32 $0x7, v3  }
0x82: {  	v3 =	vor.u32 v3, v4  }
0x83: {  	v4 =	vperm.xlane v3, v0;
	_ =	sdelay $0x1  }
0x84: {  	v4 =	vadd.s32 v1, v4;
	_ =	sdelay $0x1  }
0x85: {  	v3 =	vperm.xlane v3, v2;
	_ =	sdelay $0x1  }
0x86: {  	s31 =	simm.s32 $0x9200;
	v3 =	vadd.s32 v1, v3  }
0x87: {  	[tilespmem:s31], [sflag:$0x1] =	stream.indirect_vreg.gather [hbm4b:s3+s1], $0x80, v4, vm0, $0xb8;
	[tilespmem:$0x18200] =	vst v63  }
0x88: {  	s31 =	simm.s32 $0x9A00  }
0x89: {  	[tilespmem:s31], [sflag:$0x1] =	stream.indirect_vreg.gather [hbm4b:s7+s1], $0x80, v4, vm1, $0xb8;
	[tilespmem:$0x18200] =	vst v63  }
0x8a: {  	s31 =	simm.s32 $0x9E00  }
0x8b: {  	[tilespmem:s31], [sflag:$0x1] =	stream.indirect_vreg.gather [hbm4b:s3+s1], $0x80, v3, vm0, $0xb8;
	[tilespmem:$0x18200] =	vst v63  }
0x8c: {  	s31 =	simm.s32 $0xA600  }
0x8d: {  	[tilespmem:s31], [sflag:$0x1] =	stream.indirect_vreg.gather [hbm4b:s7+s1], $0x80, v3, vm1, $0xb8;
	[tilespmem:$0x18200] =	vst v63  }
0x8e: {  	v3 =	vld [tilespmem:s30+$0x70];
	_ =	sdelay $0x4  }
0x8f: {  	v55 =	vshrl.u32 v3, $0x3  }
0x90: {  	v4 =	vmul.u32 $0x18, v55  }
0x91: {  	v3 =	vand.u32 $0x7, v3  }
0x92: {  	v3 =	vor.u32 v3, v4  }
0x93: {  	v4 =	vperm.xlane v3, v0;
	_ =	sdelay $0x1  }
0x94: {  	v4 =	vadd.s32 v1, v4;
	_ =	sdelay $0x1  }
0x95: {  	v3 =	vperm.xlane v3, v2;
	_ =	sdelay $0x1  }
0x96: {  	s31 =	simm.s32 $0xAA00;
	v3 =	vadd.s32 v1, v3  }
0x97: {  	[tilespmem:s31], [sflag:$0x1] =	stream.indirect_vreg.gather [hbm4b:s3+s1], $0x80, v4, vm0, $0xb8;
	[tilespmem:$0x18200] =	vst v63  }
0x98: {  	s31 =	simm.s32 $0xB200  }
0x99: {  	[tilespmem:s31], [sflag:$0x1] =	stream.indirect_vreg.gather [hbm4b:s7+s1], $0x80, v4, vm1, $0xb8;
	[tilespmem:$0x18200] =	vst v63  }
0x9a: {  	s31 =	simm.s32 $0xB600  }
0x9b: {  	[tilespmem:s31], [sflag:$0x1] =	stream.indirect_vreg.gather [hbm4b:s3+s1], $0x80, v3, vm0, $0xb8;
	[tilespmem:$0x18200] =	vst v63  }
0x9c: {  	s31 =	simm.s32 $0xBE00  }
0x9d: {  	[tilespmem:s31], [sflag:$0x1] =	stream.indirect_vreg.gather [hbm4b:s7+s1], $0x80, v3, vm1, $0xb8;
	[tilespmem:$0x18200] =	vst v63  }
0x9e: {  	v3 =	vld [tilespmem:s30+$0x80];
	_ =	sdelay $0x4  }
0x9f: {  	v56 =	vshrl.u32 v3, $0x3  }
0xa0: {  	v4 =	vmul.u32 $0x18, v56  }
0xa1: {  	v3 =	vand.u32 $0x7, v3  }
0xa2: {  	v3 =	vor.u32 v3, v4  }
0xa3: {  	v4 =	vperm.xlane v3, v0;
	_ =	sdelay $0x1  }
0xa4: {  	v4 =	vadd.s32 v1, v4;
	_ =	sdelay $0x1  }
0xa5: {  	v3 =	vperm.xlane v3, v2;
	_ =	sdelay $0x1  }
0xa6: {  	v3 =	vadd.s32 v1, v3  }
0xa7: {  	[tilespmem:s19], [sflag:$0x2] =	stream.indirect_vreg.gather [hbm4b:s3+s1], $0x80, v4, vm0, $0xb8;
	[tilespmem:$0x18200] =	vst v63  }
0xa8: {  	s31 =	simm.s32 $0xCA00  }
0xa9: {  	[tilespmem:s31], [sflag:$0x2] =	stream.indirect_vreg.gather [hbm4b:s7+s1], $0x80, v4, vm1, $0xb8;
	[tilespmem:$0x18200] =	vst v63  }
0xaa: {  	s31 =	simm.s32 $0xCE00  }
0xab: {  	[tilespmem:s31], [sflag:$0x2] =	stream.indirect_vreg.gather [hbm4b:s3+s1], $0x80, v3, vm0, $0xb8;
	[tilespmem:$0x18200] =	vst v63  }
0xac: {  	s31 =	simm.s32 $0xD600  }
0xad: {  	[tilespmem:s31], [sflag:$0x2] =	stream.indirect_vreg.gather [hbm4b:s7+s1], $0x80, v3, vm1, $0xb8;
	[tilespmem:$0x18200] =	vst v63  }
0xae: {  	v3 =	vld [tilespmem:s30+$0x90];
	_ =	sdelay $0x4  }
0xaf: {  	v57 =	vshrl.u32 v3, $0x3  }
0xb0: {  	v4 =	vmul.u32 $0x18, v57  }
0xb1: {  	v3 =	vand.u32 $0x7, v3  }
0xb2: {  	v3 =	vor.u32 v3, v4  }
0xb3: {  	v4 =	vperm.xlane v3, v0;
	_ =	sdelay $0x1  }
0xb4: {  	v4 =	vadd.s32 v1, v4;
	_ =	sdelay $0x1  }
0xb5: {  	v3 =	vperm.xlane v3, v2;
	_ =	sdelay $0x1  }
0xb6: {  	s31 =	simm.s32 $0xDA00;
	v3 =	vadd.s32 v1, v3  }
0xb7: {  	[tilespmem:s31], [sflag:$0x2] =	stream.indirect_vreg.gather [hbm4b:s3+s1], $0x80, v4, vm0, $0xb8;
	[tilespmem:$0x18200] =	vst v63  }
0xb8: {  	s31 =	simm.s32 $0xE200  }
0xb9: {  	[tilespmem:s31], [sflag:$0x2] =	stream.indirect_vreg.gather [hbm4b:s7+s1], $0x80, v4, vm1, $0xb8;
	[tilespmem:$0x18200] =	vst v63  }
0xba: {  	s31 =	simm.s32 $0xE600  }
0xbb: {  	[tilespmem:s31], [sflag:$0x2] =	stream.indirect_vreg.gather [hbm4b:s3+s1], $0x80, v3, vm0, $0xb8;
	[tilespmem:$0x18200] =	vst v63  }
0xbc: {  	s31 =	simm.s32 $0xEE00  }
0xbd: {  	[tilespmem:s31], [sflag:$0x2] =	stream.indirect_vreg.gather [hbm4b:s7+s1], $0x80, v3, vm1, $0xb8;
	[tilespmem:$0x18200] =	vst v63  }
0xbe: {  	v3 =	vld [tilespmem:s30+$0xA0];
	_ =	sdelay $0x4  }
0xbf: {  	v58 =	vshrl.u32 v3, $0x3  }
0xc0: {  	v4 =	vmul.u32 $0x18, v58  }
0xc1: {  	v3 =	vand.u32 $0x7, v3  }
0xc2: {  	v3 =	vor.u32 v3, v4  }
0xc3: {  	v4 =	vperm.xlane v3, v0;
	_ =	sdelay $0x1  }
0xc4: {  	v4 =	vadd.s32 v1, v4;
	_ =	sdelay $0x1  }
0xc5: {  	v3 =	vperm.xlane v3, v2;
	_ =	sdelay $0x1  }
0xc6: {  	s31 =	simm.s32 $0xF200;
	v3 =	vadd.s32 v1, v3  }
0xc7: {  	[tilespmem:s31], [sflag:$0x2] =	stream.indirect_vreg.gather [hbm4b:s3+s1], $0x80, v4, vm0, $0xb8;
	[tilespmem:$0x18200] =	vst v63  }
0xc8: {  	s31 =	simm.s32 $0xFA00  }
0xc9: {  	[tilespmem:s31], [sflag:$0x2] =	stream.indirect_vreg.gather [hbm4b:s7+s1], $0x80, v4, vm1, $0xb8;
	[tilespmem:$0x18200] =	vst v63  }
0xca: {  	s31 =	simm.s32 $0xFE00  }
0xcb: {  	[tilespmem:s31], [sflag:$0x2] =	stream.indirect_vreg.gather [hbm4b:s3+s1], $0x80, v3, vm0, $0xb8;
	[tilespmem:$0x18200] =	vst v63  }
0xcc: {  	s31 =	simm.s32 $0x10600  }
0xcd: {  	[tilespmem:s31], [sflag:$0x2] =	stream.indirect_vreg.gather [hbm4b:s7+s1], $0x80, v3, vm1, $0xb8;
	[tilespmem:$0x18200] =	vst v63  }
0xce: {  	v3 =	vld [tilespmem:s30+$0xB0];
	_ =	sdelay $0x4  }
0xcf: {  	v59 =	vshrl.u32 v3, $0x3  }
0xd0: {  	v4 =	vmul.u32 $0x18, v59  }
0xd1: {  	v3 =	vand.u32 $0x7, v3  }
0xd2: {  	v3 =	vor.u32 v3, v4  }
0xd3: {  	v4 =	vperm.xlane v3, v0;
	_ =	sdelay $0x1  }
0xd4: {  	v4 =	vadd.s32 v1, v4;
	_ =	sdelay $0x1  }
0xd5: {  	v3 =	vperm.xlane v3, v2;
	_ =	sdelay $0x1  }
0xd6: {  	v3 =	vadd.s32 v1, v3  }
0xd7: {  	[tilespmem:s9], [sflag:$0x2] =	stream.indirect_vreg.gather [hbm4b:s3+s1], $0x80, v4, vm0, $0xb8;
	[tilespmem:$0x18200] =	vst v63  }
0xd8: {  	_ = 	snop  }
0xd9: {  	[tilespmem:s10], [sflag:$0x2] =	stream.indirect_vreg.gather [hbm4b:s7+s1], $0x80, v4, vm1, $0xb8;
	[tilespmem:$0x18200] =	vst v63  }
0xda: {  	_ = 	snop  }
0xdb: {  	[tilespmem:s6], [sflag:$0x2] =	stream.indirect_vreg.gather [hbm4b:s3+s1], $0x80, v3, vm0, $0xb8;
	[tilespmem:$0x18200] =	vst v63  }
0xdc: {  	_ = 	snop  }
0xdd: {  	[tilespmem:s8], [sflag:$0x2] =	stream.indirect_vreg.gather [hbm4b:s7+s1], $0x80, v3, vm1, $0xb8;
	[tilespmem:$0x18200] =	vst v63  }
0xde: {  	v3 =	vld [tilespmem:s30+$0xC0];
	_ =	sdelay $0x4  }
0xdf: {  	v60 =	vshrl.u32 v3, $0x3  }
0xe0: {  	v4 =	vmul.u32 $0x18, v60  }
0xe1: {  	v3 =	vand.u32 $0x7, v3  }
0xe2: {  	v3 =	vor.u32 v3, v4  }
0xe3: {  	v4 =	vperm.xlane v3, v0;
	_ =	sdelay $0x1  }
0xe4: {  	v4 =	vadd.s32 v1, v4;
	_ =	sdelay $0x1  }
0xe5: {  	v3 =	vperm.xlane v3, v2;
	_ =	sdelay $0x1  }
0xe6: {  	v3 =	vadd.s32 v1, v3  }
0xe7: {  	[tilespmem:s11], [sflag:$0x2] =	stream.indirect_vreg.gather [hbm4b:s3+s1], $0x80, v4, vm0, $0xb8;
	[tilespmem:$0x18200] =	vst v63  }
0xe8: {  	_ = 	snop  }
0xe9: {  	[tilespmem:s13], [sflag:$0x2] =	stream.indirect_vreg.gather [hbm4b:s7+s1], $0x80, v4, vm1, $0xb8;
	[tilespmem:$0x18200] =	vst v63  }
0xea: {  	_ = 	snop  }
0xeb: {  	[tilespmem:s14], [sflag:$0x2] =	stream.indirect_vreg.gather [hbm4b:s3+s1], $0x80, v3, vm0, $0xb8;
	[tilespmem:$0x18200] =	vst v63  }
0xec: {  	_ = 	snop  }
0xed: {  	[tilespmem:s15], [sflag:$0x2] =	stream.indirect_vreg.gather [hbm4b:s7+s1], $0x80, v3, vm1, $0xb8;
	[tilespmem:$0x18200] =	vst v63  }
0xee: {  	v3 =	vld [tilespmem:s30+$0xD0];
	_ =	sdelay $0x4  }
0xef: {  	v61 =	vshrl.u32 v3, $0x3  }
0xf0: {  	v4 =	vmul.u32 $0x18, v61  }
0xf1: {  	v3 =	vand.u32 $0x7, v3  }
0xf2: {  	v3 =	vor.u32 v3, v4  }
0xf3: {  	v4 =	vperm.xlane v3, v0;
	_ =	sdelay $0x1  }
0xf4: {  	v4 =	vadd.s32 v1, v4;
	_ =	sdelay $0x1  }
0xf5: {  	v3 =	vperm.xlane v3, v2;
	_ =	sdelay $0x1  }
0xf6: {  	v3 =	vadd.s32 v1, v3  }
0xf7: {  	[tilespmem:s16], [sflag:$0x2] =	stream.indirect_vreg.gather [hbm4b:s3+s1], $0x80, v4, vm0, $0xb8;
	[tilespmem:$0x18200] =	vst v63  }
0xf8: {  	_ = 	snop  }
0xf9: {  	[tilespmem:s17], [sflag:$0x2] =	stream.indirect_vreg.gather [hbm4b:s7+s1], $0x80, v4, vm1, $0xb8;
	[tilespmem:$0x18200] =	vst v63  }
0xfa: {  	_ = 	snop  }
0xfb: {  	[tilespmem:s18], [sflag:$0x2] =	stream.indirect_vreg.gather [hbm4b:s3+s1], $0x80, v3, vm0, $0xb8;
	[tilespmem:$0x18200] =	vst v63  }
0xfc: {  	_ = 	snop  }
0xfd: {  	[tilespmem:s20], [sflag:$0x2] =	stream.indirect_vreg.gather [hbm4b:s7+s1], $0x80, v3, vm1, $0xb8;
	[tilespmem:$0x18200] =	vst v63  }
0xfe: {  	v3 =	vld [tilespmem:s30+$0xE0];
	_ =	sdelay $0x4  }
0xff: {  	v62 =	vshrl.u32 v3, $0x3  }
0x100: {  	v4 =	vmul.u32 $0x18, v62  }
0x101: {  	v3 =	vand.u32 $0x7, v3  }
0x102: {  	v3 =	vor.u32 v3, v4  }
0x103: {  	v4 =	vperm.xlane v3, v0;
	_ =	sdelay $0x1  }
0x104: {  	v4 =	vadd.s32 v1, v4;
	_ =	sdelay $0x1  }
0x105: {  	v3 =	vperm.xlane v3, v2;
	_ =	sdelay $0x1  }
0x106: {  	v3 =	vadd.s32 v1, v3  }
0x107: {  	[tilespmem:s21], [sflag:$0x2] =	stream.indirect_vreg.gather [hbm4b:s3+s1], $0x80, v4, vm0, $0xb8;
	[tilespmem:$0x18200] =	vst v63  }
0x108: {  	_ = 	snop  }
0x109: {  	[tilespmem:s22], [sflag:$0x2] =	stream.indirect_vreg.gather [hbm4b:s7+s1], $0x80, v4, vm1, $0xb8;
	[tilespmem:$0x18200] =	vst v63  }
0x10a: {  	_ = 	snop  }
0x10b: {  	[tilespmem:s23], [sflag:$0x2] =	stream.indirect_vreg.gather [hbm4b:s3+s1], $0x80, v3, vm0, $0xb8;
	[tilespmem:$0x18200] =	vst v63  }
0x10c: {  	_ = 	snop  }
0x10d: {  	[tilespmem:s24], [sflag:$0x2] =	stream.indirect_vreg.gather [hbm4b:s7+s1], $0x80, v3, vm1, $0xb8;
	[tilespmem:$0x18200] =	vst v63  }
0x10e: {  	v3 =	vld [tilespmem:s30+$0xF0];
	_ =	sdelay $0x4  }
0x10f: {  	v63 =	vshrl.u32 v3, $0x3  }
0x110: {  	v4 =	vmul.u32 $0x18, v63  }
0x111: {  	v3 =	vand.u32 $0x7, v3  }
0x112: {  	v3 =	vor.u32 v3, v4  }
0x113: {  	v4 =	vperm.xlane v3, v0;
	_ =	sdelay $0x1  }
0x114: {  	v4 =	vadd.s32 v1, v4;
	_ =	sdelay $0x1  }
0x115: {  	v3 =	vperm.xlane v3, v2;
	_ =	sdelay $0x1  }
0x116: {  	v3 =	vadd.s32 v1, v3  }
0x117: {  	[tilespmem:s25], [sflag:$0x2] =	stream.indirect_vreg.gather [hbm4b:s3+s1], $0x80, v4, vm0, $0xb8;
	[tilespmem:$0x18200] =	vst v63  }
0x118: {  	_ = 	snop  }
0x119: {  	[tilespmem:s26], [sflag:$0x2] =	stream.indirect_vreg.gather [hbm4b:s7+s1], $0x80, v4, vm1, $0xb8;
	[tilespmem:$0x18200] =	vst v63  }
0x11a: {  	s30 =	sor.u32 s4, s30  }
0x11b: {  	[tilespmem:s0], [sflag:$0x2] =	stream.indirect_vreg.gather [hbm4b:s3+s1], $0x80, v3, vm0, $0xb8;
	[tilespmem:$0x18200] =	vst v63  }
0x11c: {  	s30 =	sshrl.u32 s30, $0x3  }
0x11d: {  	[tilespmem:s2], [sflag:$0x2] =	stream.indirect_vreg.gather [hbm4b:s7+s1], $0x80, v3, vm1, $0xb8;
	[tilespmem:$0x18200] =	vst v63  }
0x11e: {  	s31 =	smul.u32 $0x180, s30;
	_ =	swait.ge [sflag:s28], $0xC000  }
0x11f: {  	p2 =	por p0, p0;
	[sflag:s28] =	ssyncset.done $0x0  }
0x120: {  	s30 =	smul.u32 $0xC00, s30;
	s31 =	sadd.s32 s5, s31;
	[sflag:s28] =	ssyncadd.s32 $0xFFFF4000  }
0x121: {  	[hbm4b:s31+s1] =	stream.linear.scatter [tilespmem:s12], [sflag:$0x3], $0xC000, $0x38;
	[tilespmem:$0x18200] =	vst v63  }
.Ltmp0:
0x122: {  	s30 =	sshrl.u32 s30, $0x3;
	_ =	swait.ge [sflag:s29], $0xC000;
	(pc) =	sbr.rel @p2 .LBB2_2-.Ltmp0, $4  }
0x123: {  	s30 =	sadd.s32 s5, s30;
	[sflag:s29] =	ssyncset.done $0x0  }
0x124: {  	s30 =	sadd.s32 $0x1800, s30;
	[sflag:s29] =	ssyncadd.s32 $0xFFFF4000  }
0x125: {  	[hbm4b:s30+s1] =	stream.linear.scatter [tilespmem:s19], [sflag:$0x4], $0xC000, $0x38;
	[tilespmem:$0x18200] =	vst v63  }
0x126: {  	p0 =	por $0x0, $0x0;
	p1 =	por $0x1, $0x1;
	s30 =	simm.s32 $0x100  }
0x127: {  	s0 =	simm.s32 $0x3  }
0x128: {  	_ =	swait.ge [sflag:s0], $0xC000  }
0x129: {  	[sflag:s0] =	ssyncset.done $0x0  }
0x12a: {  	s31 =	simm.s32 $0x4;
	[sflag:s0] =	ssyncadd.s32 $0xFFFF4000  }
0x12b: {  	_ =	swait.ge [sflag:s31], $0xC000  }
0x12c: {  	s2 =	rddreg [dreg:$0x4]  }
0x12d: {  	s30 =	rddreg [dreg:$0x3];
	s2 =	sadd.s32 $0x1, s2  }
0x12e: {  	p0 =	sne.s32 s2, s30  }
.Ltmp1:
0x12f: {  	_ = 	snop;
	(pc) =	sbr.rel @p0 .LBB2_1-.Ltmp1, $3  }
0x130: {  	_ =	sdelay $0x1  }
0x131: {  	[sflag:s31] =	ssyncset.done $0x0  }
0x132: {  	[sflag:s31] =	ssyncadd.s32 $0xFFFF4000  }
0x133: {  	_ =	sfence.sel $0x180000  }
0x134: {  	[bflag:$0x0] =	sbarrier.arrive $0xFFFF  }
0x135: {  	_ =	strace $0x90000056  }
0x136: {  	s0 =	stileid.u32;
	[bflag:$0x2] =	sbarrier.arrive $0xFFFF  }
0x137: {  	p0 =	sne.s32 s0, $0x0;
	s0 =	rddreg [dreg:$0x1]  }
0x138: {  	s0 =	sadd.s32 @!p0 $0x100000, s0  }
0x139: {  	[sflag:s0] =	ssyncadd.tile.s32 @!p0 $0x1;
	_ =	shalt  }
.Lfunc_end2:
_tile_overlayer_lowered:
.L_overlay_start_2:
0x13a: {  	(tag) =	ssettag $0x2  }
0x13b: {  	s0 =	rddreg [dreg:$0x0];
	s2 =	stileid.u32  }
0x13c: {  	s1 =	rddreg [dreg:$0x1];
	p0 =	sne.s32 s2, $0x0  }
0x13d: {  	s3 =	rddreg [dreg:$0x2];
	[bflag:$0x3] =	sbarrier.arrive $0xFFFF;
	s2 =	simm.s32 @!p0 $0x1C05  }
0x13e: {  	[timem:s3], [sflag:s2] =	dma.local @!p0 [hbm:s0], s1  }
0x13f: {  	s0 =	simm.s32 @!p0 $0x5  }
0x140: {  	_ =	swait.ge @!p0 [sflag:s0], s1  }
0x141: {  	s1 =	ssub.s32 @!p0 $0x0, s1;
	[sflag:s0] =	ssyncset.done @!p0 $0x0  }
0x142: {  	[sflag:s0] =	ssyncadd.s32 @!p0 s1  }
0x143: {  	[bflag:$0x3] =	sbarrier.arrive $0xFFFF  }
0x144: {  	_ =	shalt  }

// kernel: kernel.36.cloned.1.call-start
scs
__scs_entry_jumppad:
0x0: {  	(pc) =	sbr.rel $0x88, $3  }
0x1: {  	(tag) =	ssettag $0x0;
	lr =	simm.s32 $0x1  }
0x2: {  	[smem:$0x3F9D] =	sst lr;
	_ =	strace $0xD0000000  }
0x3: {  	_ = 	snop  }
0x4: {  	_ = 	snop  }
0x5: {  	_ = 	snop  }
0x6: {  	_ = 	snop  }
0x7: {  	_ = 	snop  }
__scs_overlays_trampoline_lowered:
0x8: {  	[smem:$0x3FAC] =	sst s0  }
0x9: {  	[smem:$0x3FAD] =	sst s1  }
0xa: {  	[smem:$0x3FAE] =	sst s2  }
0xb: {  	[smem:$0x3FAF] =	sst s3  }
0xc: {  	[smem:$0x3FB0] =	sst s4  }
0xd: {  	[smem:$0x3FB1] =	sst s5  }
0xe: {  	[smem:$0x3FB2] =	sst s6  }
0xf: {  	[smem:$0x3FB3] =	sst s7  }
0x10: {  	[smem:$0x3FB4] =	sst s8  }
0x11: {  	[smem:$0x3FB5] =	sst s9;
	s0 =	simm.s32 @!p0 $0x0  }
0x12: {  	s1 =	sld [smem:$0x3F9B];
	s0 =	simm.s32 @p0 $0x1  }
0x13: {  	[smem:$0x3FB6] =	sst s0;
	s0 =	simm.s32 @!p1 $0x0  }
0x14: {  	s2 =	sld [smem:$0x3F9A];
	s0 =	simm.s32 @p1 $0x1  }
0x15: {  	[smem:$0x3FB7] =	sst s0;
	s0 =	simm.s32 @!p2 $0x0  }
0x16: {  	s3 =	sld [smem:$0x3FDB];
	s0 =	simm.s32 @p2 $0x1  }
0x17: {  	s4 =	simm.s32 $0x1BF5;
	[smem:$0x3FB9] =	sst s0  }
0x18: {  	s0 =	sld [smem:$0x3F9C];
	_ =	swait.ge [sflag:s4], $0x0  }
0x19: {  	s7 =	sld [smem:$0x3F9D]  }
0x1a: {  	s8 =	sadd.s32 $0xFFFFE003, lr  }
0x1b: {  	s9 =	sadd.s32 $0xFFFFFEF7, lr;
	s5 =	simm.s32 $0xFFFFFFFF;
	p2 =	slt.u32 s8, $0xFFFFF086  }
0x1c: {  	p1 =	slt.u32 s9, $0xF7A;
	s5 =	simm.s32 @!p2 $0x0  }
0x1d: {  	s5 =	simm.s32 @p1 $0x1;
	p0 =	seq.s32 s7, s2  }
0x1e: {  	s7 =	smul.u32 @!p0 $0xF7A, s2;
	p2 =	seq.s32 @!p0 s5, $0x0  }
0x1f: {  	s9 =	smul.u32 $0xF7A, s1;
	s8 =	simm.s32 @!p0 $0x1BF5;
	p2 =	por !p2, p0  }
0x20: {  	[sflag:s8] =	ssyncset.s32 @!p0 $0xFFFFF086;
	s6 =	sadd.s32 @!p0 s3, s7;
	s7 =	simm.s32 @!p0 $0x108  }
0x21: {  	s3 =	sadd.s32 s3, s9;
	s6 =	sadd.s32 @!p0 $0x88, s6;
	s7 =	simm.s32 @p2 $0x1082  }
0x22: {  	[simem:s7], [sflag:s8] =	dma.local @!p0 [hbm:s6], $0xF7A  }
0x23: {  	s9 =	sor.u32 $0xD0000000, s2;
	s6 =	simm.s32 $0x108;
	_ =	swait.ge @!p0 [sflag:s8], $0x0  }
0x24: {  	s3 =	sadd.s32 $0x88, s3;
	s6 =	simm.s32 @!p1 $0x1082;
	[sflag:s4] =	ssyncset.s32 $0xFFFFF086  }
0x25: {  	[simem:s6], [sflag:s4] =	dma.local [hbm:s3], $0xF7A  }
0x26: {  	[smem:$0x3F9D] =	sst s1;
	(tag) =	ssettag s2;
	_ =	strace s9  }
0x27: {  	s1 =	sld [smem:$0x3FAD]  }
0x28: {  	s2 =	sld [smem:$0x3FAE]  }
0x29: {  	s4 =	sld [smem:$0x3FB0]  }
0x2a: {  	p0 =	seq.s32 s5, $0x0;
	s5 =	sld [smem:$0x3FB1]  }
0x2b: {  	s6 =	sld [smem:$0x3FB2]  }
0x2c: {  	s7 =	sld [smem:$0x3FB3]  }
0x2d: {  	s3 =	simm.s32 $0x108;
	s8 =	sld [smem:$0x3FB4]  }
0x2e: {  	s3 =	simm.s32 @!p0 $0x1082;
	s9 =	sld [smem:$0x3FB5]  }
0x2f: {  	lr =	sadd.s32 s0, s3;
	s0 =	sld [smem:$0x3FAC]  }
0x30: {  	s3 =	sld [smem:$0x3FAF]  }
0x31: {  	[smem:$0x3FB8] =	sst s10  }
0x32: {  	s10 =	sld [smem:$0x3FB6];
	_ =	sdelay $0x3  }
0x33: {  	p0 =	seq.s32 s10, $0x1;
	s10 =	sld [smem:$0x3FB8];
	_ =	sdelay $0x3  }
0x34: {  	[smem:$0x3FB8] =	sst s10  }
0x35: {  	s10 =	sld [smem:$0x3FB7];
	_ =	sdelay $0x3  }
0x36: {  	p1 =	seq.s32 s10, $0x1;
	s10 =	sld [smem:$0x3FB8];
	_ =	sdelay $0x3  }
0x37: {  	[smem:$0x3FB8] =	sst s10  }
0x38: {  	s10 =	sld [smem:$0x3FB9]  }
0x39: {  	_ = 	snop;
	(pc) =	sbr.ind lr, $3  }
0x3a: {  	_ = 	snop  }
0x3b: {  	_ = 	snop  }
0x3c: {  	p2 =	seq.s32 s10, $0x1;
	s10 =	sld [smem:$0x3FB8]  }
0x3d: {  	_ =	shalt  }
0x3e: {  	_ =	shalt  }
0x3f: {  	_ =	shalt  }
0x40: {  	_ =	shalt  }
0x41: {  	_ =	shalt  }
0x42: {  	_ =	shalt  }
0x43: {  	_ =	shalt  }
0x44: {  	_ =	shalt  }
0x45: {  	_ =	shalt  }
0x46: {  	_ =	shalt  }
0x47: {  	_ =	shalt  }
0x48: {  	_ =	shalt  }
0x49: {  	_ =	shalt  }
0x4a: {  	_ =	shalt  }
0x4b: {  	_ =	shalt  }
0x4c: {  	_ =	shalt  }
0x4d: {  	_ =	shalt  }
0x4e: {  	_ =	shalt  }
0x4f: {  	_ =	shalt  }
0x50: {  	_ =	shalt  }
0x51: {  	_ =	shalt  }
0x52: {  	_ =	shalt  }
0x53: {  	_ =	shalt  }
0x54: {  	_ =	shalt  }
0x55: {  	_ =	shalt  }
0x56: {  	_ =	shalt  }
0x57: {  	_ =	shalt  }
0x58: {  	_ =	shalt  }
0x59: {  	_ =	shalt  }
0x5a: {  	_ =	shalt  }
0x5b: {  	_ =	shalt  }
0x5c: {  	_ =	shalt  }
0x5d: {  	_ =	shalt  }
0x5e: {  	_ =	shalt  }
0x5f: {  	_ =	shalt  }
0x60: {  	_ =	shalt  }
0x61: {  	_ =	shalt  }
0x62: {  	_ =	shalt  }
0x63: {  	_ =	shalt  }
0x64: {  	_ =	shalt  }
0x65: {  	_ =	shalt  }
0x66: {  	_ =	shalt  }
0x67: {  	_ =	shalt  }
0x68: {  	_ =	shalt  }
0x69: {  	_ =	shalt  }
0x6a: {  	_ =	shalt  }
0x6b: {  	_ =	shalt  }
0x6c: {  	_ =	shalt  }
0x6d: {  	_ =	shalt  }
0x6e: {  	_ =	shalt  }
0x6f: {  	_ =	shalt  }
0x70: {  	_ =	shalt  }
0x71: {  	_ =	shalt  }
0x72: {  	_ =	shalt  }
0x73: {  	_ =	shalt  }
0x74: {  	_ =	shalt  }
0x75: {  	_ =	shalt  }
0x76: {  	_ =	shalt  }
0x77: {  	_ =	shalt  }
0x78: {  	_ =	shalt  }
0x79: {  	_ =	shalt  }
0x7a: {  	_ =	shalt  }
0x7b: {  	_ =	shalt  }
0x7c: {  	_ =	shalt  }
0x7d: {  	_ =	shalt  }
0x7e: {  	_ =	shalt  }
0x7f: {  	_ =	shalt  }
0x80: {  	_ =	shalt  }
0x81: {  	_ =	shalt  }
0x82: {  	_ =	shalt  }
0x83: {  	_ =	shalt  }
0x84: {  	_ =	shalt  }
0x85: {  	_ =	shalt  }
0x86: {  	_ =	shalt  }
0x87: {  	_ =	shalt  }
.Lfunc_end0:
.L_simem_size_0:
called_computation.6_lowered:
.L_overlay_start_0:
0x88: {  	s2 =	sld [smem:$0x3FD9]  }
0x89: {  	s3 =	sld [smem:$0x3FFE];
	_ =	sdelay $0x1  }
0x8a: {  	s1 =	srdreg.scid  }
0x8b: {  	s0 =	sand.u32 $0x1, s1  }
0x8c: {  	s17 =	sshll.u32 s0, $0xA;
	s2 =	sadd.s32 s3, s2  }
0x8d: {  	s2 =	sadd.s32 s2, s17  }
0x8e: {  	[smem:$0x3FC4] =	sst s2  }
0x8f: {  	_ = 	snop  }
0x90: {  	s18 =	sld [smem:$0x3FD0];
	(tm) =	ssettm $0x1  }
0x91: {  	s19 =	sld [smem:$0x3FFB];
	_ =	sdelay $0x3  }
0x92: {  	_ =	strace s19  }
0x93: {  	s2 =	sld [smem:$0x3FFC];
	_ =	sdelay $0x3  }
0x94: {  	_ =	strace s2  }
0x95: {  	s2 =	sld [smem:$0x3FFD];
	_ =	sdelay $0x3  }
0x96: {  	_ =	strace s2  }
0x97: {  	_ =	strace $0x8FFFFFFF  }
0x98: {  	s20 =	sld [smem:$0x3FDB];
	_ =	sdelay $0x1  }
0x99: {  	s4 =	simm.s32 $_scs_section_size  }
0x9a: {  	s5 =	simm.s32 $_size__tile_overlayer_lowered;
	s6 =	simm.s32 $_tile_overlayer_lowered  }
0x9b: {  	s7 =	simm.s32 $0x1BFF;
	s21 =	sshll.u32 s6, $0x1;
	s4 =	sadd.s32 s4, s20  }
0x9c: {  	s22 =	simm.s32 $0x0;
	s5 =	sshll.u32 s5, $0x1;
	s6 =	sadd.s32 s21, s4  }
0x9d: {  	[timem:s22], [sflag:s7] =	dma.local [hbm:s6], s5  }
0x9e: {  	_ =	swait.ge [sflag:s7], s5  }
0x9f: {  	s5 =	ssub.s32 $0x0, s5;
	[sflag:s7] =	ssyncset.done $0x0  }
0xa0: {  	[sflag:s7] =	ssyncadd.s32 s5;
	_ =	sdelay $0x1  }
0xa1: {  	s23 =	simm.s32 $0x1B8B  }
0xa2: {  	_ =	swait.ge [sflag:s23], $0x1  }
0xa3: {  	[sflag:s23] =	ssyncset.done $0x0  }
0xa4: {  	[sflag:s23] =	ssyncadd.s32 $0xFFFFFFFF  }
0xa5: {  	s5 =	sld [smem:$0x0]  }
0xa6: {  	s6 =	sand.u32 $0xFFFFFFFE, s1  }
0xa7: {  	p0 =	sne.s32 s1, s6  }
0xa8: {  	s6 =	sshll.u32 @p0 s6, $0xE  }
0xa9: {  	s6 =	sadd.s32 @p0 $0x11B8D, s6;
	s7 =	sshll.u32 @p0 s5, $0x11  }
0xaa: {  	s6 =	sor.u32 @p0 s7, s6  }
0xab: {  	[sflag:s6] =	ssyncadd.remote.s32 @p0 $0x1;
	_ =	sdelay $0x1  }
0xac: {  	s6 =	simm.s32 @p0 $0x1B8D  }
0xad: {  	_ =	swait.eq @p0 [sflag:s6], $0x1  }
0xae: {  	[sflag:s6] =	ssyncadd.s32 @p0 $0xFFFFFFFF  }
0xaf: {  	s7 =	sshll.u32 @!p0 s1, $0xE  }
0xb0: {  	s7 =	sor.u32 @!p0 $0x4000, s7;
	s6 =	simm.s32 @!p0 $0x1B8D  }
0xb1: {  	s5 =	sshll.u32 @!p0 s5, $0x11;
	s7 =	sadd.s32 @!p0 $0x11B8D, s7;
	_ =	swait.eq @!p0 [sflag:s6], $0x1  }
0xb2: {  	s5 =	sor.u32 @!p0 s5, s7;
	[sflag:s6] =	ssyncadd.s32 @!p0 $0xFFFFFFFF  }
0xb3: {  	s25 =	simm.s32 $0x1B8E;
	s24 =	sld [smem:$0x3FFE];
	[sflag:s5] =	ssyncadd.remote.s32 @!p0 $0x1  }
0xb4: {  	s26 =	simm.s32 $execute0_lowered;
	[smem:$0x3FD2] =	sst s25  }
0xb5: {  	s6 =	sshll.u32 s26, $0x1;
	_ =	strace $0x80000058;
	[dreg:$0x1] =	wrdreg $0xFFFFFFFF  }
0xb6: {  	s28 =	simm.s32 $_size_execute0_lowered;
	s4 =	sadd.s32 s4, s6;
	[dreg:$0x0] =	wrdreg $0x0  }
0xb7: {  	s6 =	sshll.u32 s28, $0x1;
	[dreg:$0x2] =	wrdreg s4  }
0xb8: {  	[dreg:$0x3] =	wrdreg s6  }
0xb9: {  	[dreg:$0x4] =	wrdreg $0xC0  }
0xba: {  	_ =	task [dreg:s22], $0x5FFFF  }
0xbb: {  	[dreg:$0x1] =	wrdreg $0xFFFFFFFF  }
0xbc: {  	[dreg:$0x0] =	wrdreg $0x60  }
0xbd: {  	[dreg:$0x2] =	wrdreg s24  }
0xbe: {  	[dreg:$0x3] =	wrdreg s18  }
0xbf: {  	[dreg:$0x4] =	wrdreg $0xF  }
0xc0: {  	_ =	task.clear_ibuf [dreg:s22], $0x5FFFF;
	_ =	strace $0x90000058  }
0xc1: {  	s29 =	simm.s32 $0xF;
	_ =	strace $0x8000005A  }
0xc2: {  	_ =	swait.ge [sflag:s29], $0x1  }
0xc3: {  	[sflag:s29] =	ssyncadd.s32 $0xFFFFFFFF  }
0xc4: {  	_ =	strace $0x9000005A  }
0xc5: {  	_ =	sfence  }
0xc6: {  	s30 =	sld [smem:$0x0];
	_ =	sdelay $0x2  }
0xc7: {  	s31 =	sshll.u32 s1, $0xD;
	s1 =	sshrl.u32 s1, $0x2  }
0xc8: {  	s4 =	sand.u32 $0x4000, s31;
	s1 =	sadd.s32 s1, s30  }
0xc9: {  	s0 =	sor.u32 s4, s0;
	s1 =	sshll.u32 s1, $0x11  }
0xca: {  	s0 =	sor.u32 s1, s0  }
0xcb: {  	s0 =	sadd.s32 $0x8F2B, s0  }
0xcc: {  	[sflag:s0] =	ssyncadd.remote.s32 $0x1  }
0xcd: {  	_ =	sfence.sel $0xFFFF  }
0xce: {  	[dreg:$0x0] =	wrdreg $0xFFFFFFFF;
	(pc) =	sbr.abs _section_cstart, $3  }
0xcf: {  	[dreg:$0x1] =	wrdreg $0xFFFFFFFF  }
0xd0: {  	_ =	task.clear_ibuf [dreg:s22], $0x2FFFF;
	_ =	strace $0x9FFFFFFF  }
0xd1: {  	(tm) =	ssettm $0x7FFFFFFF  }
tec
execute0_lowered:
.L_overlay_start_1:
0x0: {  	(tag) =	ssettag $0x1  }
0x1: {  	s0 =	rddreg [dreg:$0x0]  }
0x2: {  	s2 =	rddreg [dreg:$0x1];
	s1 =	simm.s32 $0x0  }
0x3: {  	s4 =	srdreg.scid;
	s8 =	stileid.u32;
	s12 =	simm.s32 $0x200  }
0x4: {  	s19 =	simm.s32 $0xC200;
	s28 =	simm.s32 $0x1;
	s29 =	simm.s32 $0x2  }
0x5: {  	s10 =	simm.s32 $0x11200;
	s11 =	simm.s32 $0x12200;
	s13 =	simm.s32 $0x12A00  }
0x6: {  	s14 =	simm.s32 $0x12E00;
	s15 =	simm.s32 $0x13600;
	s16 =	simm.s32 $0x13A00  }
0x7: {  	s17 =	simm.s32 $0x14200;
	s18 =	simm.s32 $0x14600;
	s20 =	simm.s32 $0x14E00  }
0x8: {  	s21 =	simm.s32 $0x15200;
	s22 =	simm.s32 $0x15A00;
	s23 =	simm.s32 $0x15E00  }
0x9: {  	s24 =	simm.s32 $0x16600;
	s25 =	simm.s32 $0x16A00;
	[smem:$0x7FF] =	sst s1  }
0xa: {  	s3 =	sadd.s32 $0x143600, s0;
	s5 =	sand.u32 $0x1, s4;
	s4 =	sadd.s32 $0x683600, s0  }
0xb: {  	s7 =	sshll.u32 s8, $0xA;
	s8 =	sshll.u32 s8, $0x3;
	_ =	strace $0x80000059  }
0xc: {  	s6 =	ssub.s32 $0x2, s5;
	s5 =	sshll.u32 s5, $0x9;
	s26 =	sand.u32 $0x70, s8  }
0xd: {  	s8 =	simm.s32 $0x11E00;
	s9 =	sshrl.u32 s6, $0x1;
	s5 =	sor.u32 s5, s7  }
0xe: {  	s2 =	sadd.s32 s2, s26;
	s7 =	sadd.s32 $0x143700, s0;
	s30 =	sand.u32 $0x600, s5  }
0xf: {  	v2 =	vlaneseq.u32;
	s26 =	simm.s32 $0x17200;
	s6 =	ssub.s32 s6, s9;
	s2 =	sadd.s32 s30, s2  }
0x10: {  	vm0 =	vmmov $0xffff;
	vm1 =	vmmov $0xff;
	v1 =	vshrl.u32 v2, $0x3;
	s9 =	simm.s32 $0x10A00;
	s31 =	smax.u32 s6, $0x1;
	[dreg:$0x3] =	wrdreg s2  }
0x11: {  	v0 =	vand.u32 $0x7, v2;
	v2 =	vor.u32 $0x8, v2;
	v1 =	vmul.u32 $0x8, v1;
	s6 =	simm.s32 $0x11600;
	[dreg:$0x4] =	wrdreg s31;
	s2 =	simm.s32 $0x0  }
.LBB2_1:
0x12: {  	s30 =	rddreg [dreg:$0x3];
	s31 =	simm.s32 $0x80;
	s0 =	simm.s32 $0x400  }
0x13: {  	[tilespmem:s1], [sflag:$0x5] =	stream.strided.gather [hbm4b:s30+s31], $0x200, s0, s31, $0x38;
	[tilespmem:$0x18200] =	vst v63  }
0x14: {  	[dreg:$0x5] =	wrdreg s2;
	s31 =	simm.s32 $0x5  }
0x15: {  	p0 =	por $0x1, $0x1;
	_ =	swait.ge [sflag:s31], $0x200  }
0x16: {  	p1 =	por $0x0, $0x0;
	s2 =	simm.s32 $0x17E00;
	[sflag:s31] =	ssyncset.done $0x0  }
0x17: {  	s30 =	simm.s32 $0x0;
	s0 =	simm.s32 $0x17600;
	[sflag:s31] =	ssyncadd.s32 $0xFFFFFE00  }
.LBB2_2:
0x18: {  	s31 =	simm.s32 @p1 $0x3  }
0x19: {  	_ =	swait.ge @p1 [sflag:s31], $0xC000  }
0x1a: {  	[sflag:s31] =	ssyncset.done @p1 $0x0  }
0x1b: {  	[sflag:s31] =	ssyncadd.s32 @p1 $0xFFFF4000;
	s31 =	simm.s32 @p1 $0x4  }
0x1c: {  	_ =	swait.ge @p1 [sflag:s31], $0xC000  }
0x1d: {  	[sflag:s31] =	ssyncset.done @p1 $0x0  }
0x1e: {  	[sflag:s31] =	ssyncadd.s32 @p1 $0xFFFF4000  }
0x1f: {  	v3 =	vld [tilespmem:s30+$0x0];
	_ =	sdelay $0x4  }
0x20: {  	v4 =	vshrl.u32 v3, $0x3  }
0x21: {  	v4 =	vmul.u32 $0x18, v4  }
0x22: {  	v3 =	vand.u32 $0x7, v3  }
0x23: {  	v3 =	vor.u32 v3, v4  }
0x24: {  	v4 =	vperm.xlane v3, v0;
	_ =	sdelay $0x1  }
0x25: {  	v4 =	vadd.s32 v1, v4;
	_ =	sdelay $0x1  }
0x26: {  	v3 =	vperm.xlane v3, v2;
	_ =	sdelay $0x1  }
0x27: {  	v3 =	vadd.s32 v1, v3  }
0x28: {  	[tilespmem:s12], [sflag:$0x1] =	stream.indirect_vreg.gather [hbm4b:s3+s1], $0x80, v4, vm0, $0xb8;
	[tilespmem:$0x18200] =	vst v63  }
0x29: {  	s31 =	simm.s32 $0xA00  }
0x2a: {  	[tilespmem:s31], [sflag:$0x1] =	stream.indirect_vreg.gather [hbm4b:s7+s1], $0x80, v4, vm1, $0xb8;
	[tilespmem:$0x18200] =	vst v63  }
0x2b: {  	s31 =	simm.s32 $0xE00  }
0x2c: {  	[tilespmem:s31], [sflag:$0x1] =	stream.indirect_vreg.gather [hbm4b:s3+s1], $0x80, v3, vm0, $0xb8;
	[tilespmem:$0x18200] =	vst v63  }
0x2d: {  	s31 =	simm.s32 $0x1600  }
0x2e: {  	[tilespmem:s31], [sflag:$0x1] =	stream.indirect_vreg.gather [hbm4b:s7+s1], $0x80, v3, vm1, $0xb8;
	[tilespmem:$0x18200] =	vst v63  }
0x2f: {  	v3 =	vld [tilespmem:s30+$0x10];
	_ =	sdelay $0x4  }
0x30: {  	v49 =	vshrl.u32 v3, $0x3  }
0x31: {  	v4 =	vmul.u32 $0x18, v49  }
0x32: {  	v3 =	vand.u32 $0x7, v3  }
0x33: {  	v3 =	vor.u32 v3, v4  }
0x34: {  	v4 =	vperm.xlane v3, v0;
	_ =	sdelay $0x1  }
0x35: {  	v4 =	vadd.s32 v1, v4;
	_ =	sdelay $0x1  }
0x36: {  	v3 =	vperm.xlane v3, v2;
	_ =	sdelay $0x1  }
0x37: {  	s31 =	simm.s32 $0x1A00;
	v3 =	vadd.s32 v1, v3  }
0x38: {  	[tilespmem:s31], [sflag:$0x1] =	stream.indirect_vreg.gather [hbm4b:s3+s1], $0x80, v4, vm0, $0xb8;
	[tilespmem:$0x18200] =	vst v63  }
0x39: {  	s31 =	simm.s32 $0x2200  }
0x3a: {  	[tilespmem:s31], [sflag:$0x1] =	stream.indirect_vreg.gather [hbm4b:s7+s1], $0x80, v4, vm1, $0xb8;
	[tilespmem:$0x18200] =	vst v63  }
0x3b: {  	s31 =	simm.s32 $0x2600  }
0x3c: {  	[tilespmem:s31], [sflag:$0x1] =	stream.indirect_vreg.gather [hbm4b:s3+s1], $0x80, v3, vm0, $0xb8;
	[tilespmem:$0x18200] =	vst v63  }
0x3d: {  	s31 =	simm.s32 $0x2E00  }
0x3e: {  	[tilespmem:s31], [sflag:$0x1] =	stream.indirect_vreg.gather [hbm4b:s7+s1], $0x80, v3, vm1, $0xb8;
	[tilespmem:$0x18200] =	vst v63  }
0x3f: {  	v3 =	vld [tilespmem:s30+$0x20];
	_ =	sdelay $0x4  }
0x40: {  	v50 =	vshrl.u32 v3, $0x3  }
0x41: {  	v4 =	vmul.u32 $0x18, v50  }
0x42: {  	v3 =	vand.u32 $0x7, v3  }
0x43: {  	v3 =	vor.u32 v3, v4  }
0x44: {  	v4 =	vperm.xlane v3, v0;
	_ =	sdelay $0x1  }
0x45: {  	v4 =	vadd.s32 v1, v4;
	_ =	sdelay $0x1  }
0x46: {  	v3 =	vperm.xlane v3, v2;
	_ =	sdelay $0x1  }
0x47: {  	s31 =	simm.s32 $0x3200;
	v3 =	vadd.s32 v1, v3  }
0x48: {  	[tilespmem:s31], [sflag:$0x1] =	stream.indirect_vreg.gather [hbm4b:s3+s1], $0x80, v4, vm0, $0xb8;
	[tilespmem:$0x18200] =	vst v63  }
0x49: {  	s31 =	simm.s32 $0x3A00  }
0x4a: {  	[tilespmem:s31], [sflag:$0x1] =	stream.indirect_vreg.gather [hbm4b:s7+s1], $0x80, v4, vm1, $0xb8;
	[tilespmem:$0x18200] =	vst v63  }
0x4b: {  	s31 =	simm.s32 $0x3E00  }
0x4c: {  	[tilespmem:s31], [sflag:$0x1] =	stream.indirect_vreg.gather [hbm4b:s3+s1], $0x80, v3, vm0, $0xb8;
	[tilespmem:$0x18200] =	vst v63  }
0x4d: {  	s31 =	simm.s32 $0x4600  }
0x4e: {  	[tilespmem:s31], [sflag:$0x1] =	stream.indirect_vreg.gather [hbm4b:s7+s1], $0x80, v3, vm1, $0xb8;
	[tilespmem:$0x18200] =	vst v63  }
0x4f: {  	v3 =	vld [tilespmem:s30+$0x30];
	_ =	sdelay $0x4  }
0x50: {  	v51 =	vshrl.u32 v3, $0x3  }
0x51: {  	v4 =	vmul.u32 $0x18, v51  }
0x52: {  	v3 =	vand.u32 $0x7, v3  }
0x53: {  	v3 =	vor.u32 v3, v4  }
0x54: {  	v4 =	vperm.xlane v3, v0;
	_ =	sdelay $0x1  }
0x55: {  	v4 =	vadd.s32 v1, v4;
	_ =	sdelay $0x1  }
0x56: {  	v3 =	vperm.xlane v3, v2;
	_ =	sdelay $0x1  }
0x57: {  	s31 =	simm.s32 $0x4A00;
	v3 =	vadd.s32 v1, v3  }
0x58: {  	[tilespmem:s31], [sflag:$0x1] =	stream.indirect_vreg.gather [hbm4b:s3+s1], $0x80, v4, vm0, $0xb8;
	[tilespmem:$0x18200] =	vst v63  }
0x59: {  	s31 =	simm.s32 $0x5200  }
0x5a: {  	[tilespmem:s31], [sflag:$0x1] =	stream.indirect_vreg.gather [hbm4b:s7+s1], $0x80, v4, vm1, $0xb8;
	[tilespmem:$0x18200] =	vst v63  }
0x5b: {  	s31 =	simm.s32 $0x5600  }
0x5c: {  	[tilespmem:s31], [sflag:$0x1] =	stream.indirect_vreg.gather [hbm4b:s3+s1], $0x80, v3, vm0, $0xb8;
	[tilespmem:$0x18200] =	vst v63  }
0x5d: {  	s31 =	simm.s32 $0x5E00  }
0x5e: {  	[tilespmem:s31], [sflag:$0x1] =	stream.indirect_vreg.gather [hbm4b:s7+s1], $0x80, v3, vm1, $0xb8;
	[tilespmem:$0x18200] =	vst v63  }
0x5f: {  	v3 =	vld [tilespmem:s30+$0x40];
	_ =	sdelay $0x4  }
0x60: {  	v52 =	vshrl.u32 v3, $0x3  }
0x61: {  	v4 =	vmul.u32 $0x18, v52  }
0x62: {  	v3 =	vand.u32 $0x7, v3  }
0x63: {  	v3 =	vor.u32 v3, v4  }
0x64: {  	v4 =	vperm.xlane v3, v0;
	_ =	sdelay $0x1  }
0x65: {  	v4 =	vadd.s32 v1, v4;
	_ =	sdelay $0x1  }
0x66: {  	v3 =	vperm.xlane v3, v2;
	_ =	sdelay $0x1  }
0x67: {  	s31 =	simm.s32 $0x6200;
	v3 =	vadd.s32 v1, v3  }
0x68: {  	[tilespmem:s31], [sflag:$0x1] =	stream.indirect_vreg.gather [hbm4b:s3+s1], $0x80, v4, vm0, $0xb8;
	[tilespmem:$0x18200] =	vst v63  }
0x69: {  	s31 =	simm.s32 $0x6A00  }
0x6a: {  	[tilespmem:s31], [sflag:$0x1] =	stream.indirect_vreg.gather [hbm4b:s7+s1], $0x80, v4, vm1, $0xb8;
	[tilespmem:$0x18200] =	vst v63  }
0x6b: {  	s31 =	simm.s32 $0x6E00  }
0x6c: {  	[tilespmem:s31], [sflag:$0x1] =	stream.indirect_vreg.gather [hbm4b:s3+s1], $0x80, v3, vm0, $0xb8;
	[tilespmem:$0x18200] =	vst v63  }
0x6d: {  	s31 =	simm.s32 $0x7600  }
0x6e: {  	[tilespmem:s31], [sflag:$0x1] =	stream.indirect_vreg.gather [hbm4b:s7+s1], $0x80, v3, vm1, $0xb8;
	[tilespmem:$0x18200] =	vst v63  }
0x6f: {  	v3 =	vld [tilespmem:s30+$0x50];
	_ =	sdelay $0x4  }
0x70: {  	v53 =	vshrl.u32 v3, $0x3  }
0x71: {  	v4 =	vmul.u32 $0x18, v53  }
0x72: {  	v3 =	vand.u32 $0x7, v3  }
0x73: {  	v3 =	vor.u32 v3, v4  }
0x74: {  	v4 =	vperm.xlane v3, v0;
	_ =	sdelay $0x1  }
0x75: {  	v4 =	vadd.s32 v1, v4;
	_ =	sdelay $0x1  }
0x76: {  	v3 =	vperm.xlane v3, v2;
	_ =	sdelay $0x1  }
0x77: {  	s31 =	simm.s32 $0x7A00;
	v3 =	vadd.s32 v1, v3  }
0x78: {  	[tilespmem:s31], [sflag:$0x1] =	stream.indirect_vreg.gather [hbm4b:s3+s1], $0x80, v4, vm0, $0xb8;
	[tilespmem:$0x18200] =	vst v63  }
0x79: {  	s31 =	simm.s32 $0x8200  }
0x7a: {  	[tilespmem:s31], [sflag:$0x1] =	stream.indirect_vreg.gather [hbm4b:s7+s1], $0x80, v4, vm1, $0xb8;
	[tilespmem:$0x18200] =	vst v63  }
0x7b: {  	s31 =	simm.s32 $0x8600  }
0x7c: {  	[tilespmem:s31], [sflag:$0x1] =	stream.indirect_vreg.gather [hbm4b:s3+s1], $0x80, v3, vm0, $0xb8;
	[tilespmem:$0x18200] =	vst v63  }
0x7d: {  	s31 =	simm.s32 $0x8E00  }
0x7e: {  	[tilespmem:s31], [sflag:$0x1] =	stream.indirect_vreg.gather [hbm4b:s7+s1], $0x80, v3, vm1, $0xb8;
	[tilespmem:$0x18200] =	vst v63  }
0x7f: {  	v3 =	vld [tilespmem:s30+$0x60];
	_ =	sdelay $0x4  }
0x80: {  	v54 =	vshrl.u32 v3, $0x3  }
0x81: {  	v4 =	vmul.u32 $0x18, v54  }
0x82: {  	v3 =	vand.u32 $0x7, v3  }
0x83: {  	v3 =	vor.u32 v3, v4  }
0x84: {  	v4 =	vperm.xlane v3, v0;
	_ =	sdelay $0x1  }
0x85: {  	v4 =	vadd.s32 v1, v4;
	_ =	sdelay $0x1  }
0x86: {  	v3 =	vperm.xlane v3, v2;
	_ =	sdelay $0x1  }
0x87: {  	s31 =	simm.s32 $0x9200;
	v3 =	vadd.s32 v1, v3  }
0x88: {  	[tilespmem:s31], [sflag:$0x1] =	stream.indirect_vreg.gather [hbm4b:s3+s1], $0x80, v4, vm0, $0xb8;
	[tilespmem:$0x18200] =	vst v63  }
0x89: {  	s31 =	simm.s32 $0x9A00  }
0x8a: {  	[tilespmem:s31], [sflag:$0x1] =	stream.indirect_vreg.gather [hbm4b:s7+s1], $0x80, v4, vm1, $0xb8;
	[tilespmem:$0x18200] =	vst v63  }
0x8b: {  	s31 =	simm.s32 $0x9E00  }
0x8c: {  	[tilespmem:s31], [sflag:$0x1] =	stream.indirect_vreg.gather [hbm4b:s3+s1], $0x80, v3, vm0, $0xb8;
	[tilespmem:$0x18200] =	vst v63  }
0x8d: {  	s31 =	simm.s32 $0xA600  }
0x8e: {  	[tilespmem:s31], [sflag:$0x1] =	stream.indirect_vreg.gather [hbm4b:s7+s1], $0x80, v3, vm1, $0xb8;
	[tilespmem:$0x18200] =	vst v63  }
0x8f: {  	v3 =	vld [tilespmem:s30+$0x70];
	_ =	sdelay $0x4  }
0x90: {  	v55 =	vshrl.u32 v3, $0x3  }
0x91: {  	v4 =	vmul.u32 $0x18, v55  }
0x92: {  	v3 =	vand.u32 $0x7, v3  }
0x93: {  	v3 =	vor.u32 v3, v4  }
0x94: {  	v4 =	vperm.xlane v3, v0;
	_ =	sdelay $0x1  }
0x95: {  	v4 =	vadd.s32 v1, v4;
	_ =	sdelay $0x1  }
0x96: {  	v3 =	vperm.xlane v3, v2;
	_ =	sdelay $0x1  }
0x97: {  	s31 =	simm.s32 $0xAA00;
	v3 =	vadd.s32 v1, v3  }
0x98: {  	[tilespmem:s31], [sflag:$0x1] =	stream.indirect_vreg.gather [hbm4b:s3+s1], $0x80, v4, vm0, $0xb8;
	[tilespmem:$0x18200] =	vst v63  }
0x99: {  	s31 =	simm.s32 $0xB200  }
0x9a: {  	[tilespmem:s31], [sflag:$0x1] =	stream.indirect_vreg.gather [hbm4b:s7+s1], $0x80, v4, vm1, $0xb8;
	[tilespmem:$0x18200] =	vst v63  }
0x9b: {  	s31 =	simm.s32 $0xB600  }
0x9c: {  	[tilespmem:s31], [sflag:$0x1] =	stream.indirect_vreg.gather [hbm4b:s3+s1], $0x80, v3, vm0, $0xb8;
	[tilespmem:$0x18200] =	vst v63  }
0x9d: {  	s31 =	simm.s32 $0xBE00  }
0x9e: {  	[tilespmem:s31], [sflag:$0x1] =	stream.indirect_vreg.gather [hbm4b:s7+s1], $0x80, v3, vm1, $0xb8;
	[tilespmem:$0x18200] =	vst v63  }
0x9f: {  	v3 =	vld [tilespmem:s30+$0x80];
	_ =	sdelay $0x4  }
0xa0: {  	v56 =	vshrl.u32 v3, $0x3  }
0xa1: {  	v4 =	vmul.u32 $0x18, v56  }
0xa2: {  	v3 =	vand.u32 $0x7, v3  }
0xa3: {  	v3 =	vor.u32 v3, v4  }
0xa4: {  	v4 =	vperm.xlane v3, v0;
	_ =	sdelay $0x1  }
0xa5: {  	v4 =	vadd.s32 v1, v4;
	_ =	sdelay $0x1  }
0xa6: {  	v3 =	vperm.xlane v3, v2;
	_ =	sdelay $0x1  }
0xa7: {  	v3 =	vadd.s32 v1, v3  }
0xa8: {  	[tilespmem:s19], [sflag:$0x2] =	stream.indirect_vreg.gather [hbm4b:s3+s1], $0x80, v4, vm0, $0xb8;
	[tilespmem:$0x18200] =	vst v63  }
0xa9: {  	s31 =	simm.s32 $0xCA00  }
0xaa: {  	[tilespmem:s31], [sflag:$0x2] =	stream.indirect_vreg.gather [hbm4b:s7+s1], $0x80, v4, vm1, $0xb8;
	[tilespmem:$0x18200] =	vst v63  }
0xab: {  	s31 =	simm.s32 $0xCE00  }
0xac: {  	[tilespmem:s31], [sflag:$0x2] =	stream.indirect_vreg.gather [hbm4b:s3+s1], $0x80, v3, vm0, $0xb8;
	[tilespmem:$0x18200] =	vst v63  }
0xad: {  	s31 =	simm.s32 $0xD600  }
0xae: {  	[tilespmem:s31], [sflag:$0x2] =	stream.indirect_vreg.gather [hbm4b:s7+s1], $0x80, v3, vm1, $0xb8;
	[tilespmem:$0x18200] =	vst v63  }
0xaf: {  	v3 =	vld [tilespmem:s30+$0x90];
	_ =	sdelay $0x4  }
0xb0: {  	v57 =	vshrl.u32 v3, $0x3  }
0xb1: {  	v4 =	vmul.u32 $0x18, v57  }
0xb2: {  	v3 =	vand.u32 $0x7, v3  }
0xb3: {  	v3 =	vor.u32 v3, v4  }
0xb4: {  	v4 =	vperm.xlane v3, v0;
	_ =	sdelay $0x1  }
0xb5: {  	v4 =	vadd.s32 v1, v4;
	_ =	sdelay $0x1  }
0xb6: {  	v3 =	vperm.xlane v3, v2;
	_ =	sdelay $0x1  }
0xb7: {  	s31 =	simm.s32 $0xDA00;
	v3 =	vadd.s32 v1, v3  }
0xb8: {  	[tilespmem:s31], [sflag:$0x2] =	stream.indirect_vreg.gather [hbm4b:s3+s1], $0x80, v4, vm0, $0xb8;
	[tilespmem:$0x18200] =	vst v63  }
0xb9: {  	s31 =	simm.s32 $0xE200  }
0xba: {  	[tilespmem:s31], [sflag:$0x2] =	stream.indirect_vreg.gather [hbm4b:s7+s1], $0x80, v4, vm1, $0xb8;
	[tilespmem:$0x18200] =	vst v63  }
0xbb: {  	s31 =	simm.s32 $0xE600  }
0xbc: {  	[tilespmem:s31], [sflag:$0x2] =	stream.indirect_vreg.gather [hbm4b:s3+s1], $0x80, v3, vm0, $0xb8;
	[tilespmem:$0x18200] =	vst v63  }
0xbd: {  	s31 =	simm.s32 $0xEE00  }
0xbe: {  	[tilespmem:s31], [sflag:$0x2] =	stream.indirect_vreg.gather [hbm4b:s7+s1], $0x80, v3, vm1, $0xb8;
	[tilespmem:$0x18200] =	vst v63  }
0xbf: {  	v3 =	vld [tilespmem:s30+$0xA0];
	_ =	sdelay $0x4  }
0xc0: {  	v58 =	vshrl.u32 v3, $0x3  }
0xc1: {  	v4 =	vmul.u32 $0x18, v58  }
0xc2: {  	v3 =	vand.u32 $0x7, v3  }
0xc3: {  	v3 =	vor.u32 v3, v4  }
0xc4: {  	v4 =	vperm.xlane v3, v0;
	_ =	sdelay $0x1  }
0xc5: {  	v4 =	vadd.s32 v1, v4;
	_ =	sdelay $0x1  }
0xc6: {  	v3 =	vperm.xlane v3, v2;
	_ =	sdelay $0x1  }
0xc7: {  	s31 =	simm.s32 $0xF200;
	v3 =	vadd.s32 v1, v3  }
0xc8: {  	[tilespmem:s31], [sflag:$0x2] =	stream.indirect_vreg.gather [hbm4b:s3+s1], $0x80, v4, vm0, $0xb8;
	[tilespmem:$0x18200] =	vst v63  }
0xc9: {  	s31 =	simm.s32 $0xFA00  }
0xca: {  	[tilespmem:s31], [sflag:$0x2] =	stream.indirect_vreg.gather [hbm4b:s7+s1], $0x80, v4, vm1, $0xb8;
	[tilespmem:$0x18200] =	vst v63  }
0xcb: {  	s31 =	simm.s32 $0xFE00  }
0xcc: {  	[tilespmem:s31], [sflag:$0x2] =	stream.indirect_vreg.gather [hbm4b:s3+s1], $0x80, v3, vm0, $0xb8;
	[tilespmem:$0x18200] =	vst v63  }
0xcd: {  	s31 =	simm.s32 $0x10600  }
0xce: {  	[tilespmem:s31], [sflag:$0x2] =	stream.indirect_vreg.gather [hbm4b:s7+s1], $0x80, v3, vm1, $0xb8;
	[tilespmem:$0x18200] =	vst v63  }
0xcf: {  	v3 =	vld [tilespmem:s30+$0xB0];
	_ =	sdelay $0x4  }
0xd0: {  	v59 =	vshrl.u32 v3, $0x3  }
0xd1: {  	v4 =	vmul.u32 $0x18, v59  }
0xd2: {  	v3 =	vand.u32 $0x7, v3  }
0xd3: {  	v3 =	vor.u32 v3, v4  }
0xd4: {  	v4 =	vperm.xlane v3, v0;
	_ =	sdelay $0x1  }
0xd5: {  	v4 =	vadd.s32 v1, v4;
	_ =	sdelay $0x1  }
0xd6: {  	v3 =	vperm.xlane v3, v2;
	_ =	sdelay $0x1  }
0xd7: {  	v3 =	vadd.s32 v1, v3  }
0xd8: {  	[tilespmem:s9], [sflag:$0x2] =	stream.indirect_vreg.gather [hbm4b:s3+s1], $0x80, v4, vm0, $0xb8;
	[tilespmem:$0x18200] =	vst v63  }
0xd9: {  	_ = 	snop  }
0xda: {  	[tilespmem:s10], [sflag:$0x2] =	stream.indirect_vreg.gather [hbm4b:s7+s1], $0x80, v4, vm1, $0xb8;
	[tilespmem:$0x18200] =	vst v63  }
0xdb: {  	_ = 	snop  }
0xdc: {  	[tilespmem:s6], [sflag:$0x2] =	stream.indirect_vreg.gather [hbm4b:s3+s1], $0x80, v3, vm0, $0xb8;
	[tilespmem:$0x18200] =	vst v63  }
0xdd: {  	_ = 	snop  }
0xde: {  	[tilespmem:s8], [sflag:$0x2] =	stream.indirect_vreg.gather [hbm4b:s7+s1], $0x80, v3, vm1, $0xb8;
	[tilespmem:$0x18200] =	vst v63  }
0xdf: {  	v3 =	vld [tilespmem:s30+$0xC0];
	_ =	sdelay $0x4  }
0xe0: {  	v60 =	vshrl.u32 v3, $0x3  }
0xe1: {  	v4 =	vmul.u32 $0x18, v60  }
0xe2: {  	v3 =	vand.u32 $0x7, v3  }
0xe3: {  	v3 =	vor.u32 v3, v4  }
0xe4: {  	v4 =	vperm.xlane v3, v0;
	_ =	sdelay $0x1  }
0xe5: {  	v4 =	vadd.s32 v1, v4;
	_ =	sdelay $0x1  }
0xe6: {  	v3 =	vperm.xlane v3, v2;
	_ =	sdelay $0x1  }
0xe7: {  	v3 =	vadd.s32 v1, v3  }
0xe8: {  	[tilespmem:s11], [sflag:$0x2] =	stream.indirect_vreg.gather [hbm4b:s3+s1], $0x80, v4, vm0, $0xb8;
	[tilespmem:$0x18200] =	vst v63  }
0xe9: {  	_ = 	snop  }
0xea: {  	[tilespmem:s13], [sflag:$0x2] =	stream.indirect_vreg.gather [hbm4b:s7+s1], $0x80, v4, vm1, $0xb8;
	[tilespmem:$0x18200] =	vst v63  }
0xeb: {  	_ = 	snop  }
0xec: {  	[tilespmem:s14], [sflag:$0x2] =	stream.indirect_vreg.gather [hbm4b:s3+s1], $0x80, v3, vm0, $0xb8;
	[tilespmem:$0x18200] =	vst v63  }
0xed: {  	_ = 	snop  }
0xee: {  	[tilespmem:s15], [sflag:$0x2] =	stream.indirect_vreg.gather [hbm4b:s7+s1], $0x80, v3, vm1, $0xb8;
	[tilespmem:$0x18200] =	vst v63  }
0xef: {  	v3 =	vld [tilespmem:s30+$0xD0];
	_ =	sdelay $0x4  }
0xf0: {  	v61 =	vshrl.u32 v3, $0x3  }
0xf1: {  	v4 =	vmul.u32 $0x18, v61  }
0xf2: {  	v3 =	vand.u32 $0x7, v3  }
0xf3: {  	v3 =	vor.u32 v3, v4  }
0xf4: {  	v4 =	vperm.xlane v3, v0;
	_ =	sdelay $0x1  }
0xf5: {  	v4 =	vadd.s32 v1, v4;
	_ =	sdelay $0x1  }
0xf6: {  	v3 =	vperm.xlane v3, v2;
	_ =	sdelay $0x1  }
0xf7: {  	v3 =	vadd.s32 v1, v3  }
0xf8: {  	[tilespmem:s16], [sflag:$0x2] =	stream.indirect_vreg.gather [hbm4b:s3+s1], $0x80, v4, vm0, $0xb8;
	[tilespmem:$0x18200] =	vst v63  }
0xf9: {  	_ = 	snop  }
0xfa: {  	[tilespmem:s17], [sflag:$0x2] =	stream.indirect_vreg.gather [hbm4b:s7+s1], $0x80, v4, vm1, $0xb8;
	[tilespmem:$0x18200] =	vst v63  }
0xfb: {  	_ = 	snop  }
0xfc: {  	[tilespmem:s18], [sflag:$0x2] =	stream.indirect_vreg.gather [hbm4b:s3+s1], $0x80, v3, vm0, $0xb8;
	[tilespmem:$0x18200] =	vst v63  }
0xfd: {  	_ = 	snop  }
0xfe: {  	[tilespmem:s20], [sflag:$0x2] =	stream.indirect_vreg.gather [hbm4b:s7+s1], $0x80, v3, vm1, $0xb8;
	[tilespmem:$0x18200] =	vst v63  }
0xff: {  	v3 =	vld [tilespmem:s30+$0xE0];
	_ =	sdelay $0x4  }
0x100: {  	v62 =	vshrl.u32 v3, $0x3  }
0x101: {  	v4 =	vmul.u32 $0x18, v62  }
0x102: {  	v3 =	vand.u32 $0x7, v3  }
0x103: {  	v3 =	vor.u32 v3, v4  }
0x104: {  	v4 =	vperm.xlane v3, v0;
	_ =	sdelay $0x1  }
0x105: {  	v4 =	vadd.s32 v1, v4;
	_ =	sdelay $0x1  }
0x106: {  	v3 =	vperm.xlane v3, v2;
	_ =	sdelay $0x1  }
0x107: {  	v3 =	vadd.s32 v1, v3  }
0x108: {  	[tilespmem:s21], [sflag:$0x2] =	stream.indirect_vreg.gather [hbm4b:s3+s1], $0x80, v4, vm0, $0xb8;
	[tilespmem:$0x18200] =	vst v63  }
0x109: {  	_ = 	snop  }
0x10a: {  	[tilespmem:s22], [sflag:$0x2] =	stream.indirect_vreg.gather [hbm4b:s7+s1], $0x80, v4, vm1, $0xb8;
	[tilespmem:$0x18200] =	vst v63  }
0x10b: {  	_ = 	snop  }
0x10c: {  	[tilespmem:s23], [sflag:$0x2] =	stream.indirect_vreg.gather [hbm4b:s3+s1], $0x80, v3, vm0, $0xb8;
	[tilespmem:$0x18200] =	vst v63  }
0x10d: {  	_ = 	snop  }
0x10e: {  	[tilespmem:s24], [sflag:$0x2] =	stream.indirect_vreg.gather [hbm4b:s7+s1], $0x80, v3, vm1, $0xb8;
	[tilespmem:$0x18200] =	vst v63  }
0x10f: {  	v3 =	vld [tilespmem:s30+$0xF0];
	_ =	sdelay $0x4  }
0x110: {  	v63 =	vshrl.u32 v3, $0x3  }
0x111: {  	v4 =	vmul.u32 $0x18, v63  }
0x112: {  	v3 =	vand.u32 $0x7, v3  }
0x113: {  	v3 =	vor.u32 v3, v4  }
0x114: {  	v4 =	vperm.xlane v3, v0;
	_ =	sdelay $0x1  }
0x115: {  	v4 =	vadd.s32 v1, v4;
	_ =	sdelay $0x1  }
0x116: {  	v3 =	vperm.xlane v3, v2;
	_ =	sdelay $0x1  }
0x117: {  	v3 =	vadd.s32 v1, v3  }
0x118: {  	[tilespmem:s25], [sflag:$0x2] =	stream.indirect_vreg.gather [hbm4b:s3+s1], $0x80, v4, vm0, $0xb8;
	[tilespmem:$0x18200] =	vst v63  }
0x119: {  	_ = 	snop  }
0x11a: {  	[tilespmem:s26], [sflag:$0x2] =	stream.indirect_vreg.gather [hbm4b:s7+s1], $0x80, v4, vm1, $0xb8;
	[tilespmem:$0x18200] =	vst v63  }
0x11b: {  	s30 =	sor.u32 s5, s30  }
0x11c: {  	[tilespmem:s0], [sflag:$0x2] =	stream.indirect_vreg.gather [hbm4b:s3+s1], $0x80, v3, vm0, $0xb8;
	[tilespmem:$0x18200] =	vst v63  }
0x11d: {  	s30 =	sshrl.u32 s30, $0x3  }
0x11e: {  	[tilespmem:s2], [sflag:$0x2] =	stream.indirect_vreg.gather [hbm4b:s7+s1], $0x80, v3, vm1, $0xb8;
	[tilespmem:$0x18200] =	vst v63  }
0x11f: {  	s31 =	smul.u32 $0x180, s30;
	_ =	swait.ge [sflag:s28], $0xC000  }
0x120: {  	p2 =	por p0, p0;
	[sflag:s28] =	ssyncset.done $0x0  }
0x121: {  	s30 =	smul.u32 $0xC00, s30;
	s31 =	sadd.s32 s4, s31;
	[sflag:s28] =	ssyncadd.s32 $0xFFFF4000  }
0x122: {  	[hbm4b:s31+s1] =	stream.linear.scatter [tilespmem:s12], [sflag:$0x3], $0xC000, $0x38;
	[tilespmem:$0x18200] =	vst v63  }
.Ltmp0:
0x123: {  	s30 =	sshrl.u32 s30, $0x3;
	_ =	swait.ge [sflag:s29], $0xC000;
	(pc) =	sbr.rel @p2 .LBB2_2-.Ltmp0, $4  }
0x124: {  	s30 =	sadd.s32 s4, s30;
	[sflag:s29] =	ssyncset.done $0x0  }
0x125: {  	s30 =	sadd.s32 $0x1800, s30;
	[sflag:s29] =	ssyncadd.s32 $0xFFFF4000  }
0x126: {  	[hbm4b:s30+s1] =	stream.linear.scatter [tilespmem:s19], [sflag:$0x4], $0xC000, $0x38;
	[tilespmem:$0x18200] =	vst v63  }
0x127: {  	p0 =	por $0x0, $0x0;
	p1 =	por $0x1, $0x1;
	s30 =	simm.s32 $0x100  }
0x128: {  	s0 =	simm.s32 $0x3  }
0x129: {  	_ =	swait.ge [sflag:s0], $0xC000  }
0x12a: {  	[sflag:s0] =	ssyncset.done $0x0  }
0x12b: {  	s31 =	simm.s32 $0x4;
	[sflag:s0] =	ssyncadd.s32 $0xFFFF4000  }
0x12c: {  	_ =	swait.ge [sflag:s31], $0xC000  }
0x12d: {  	s2 =	rddreg [dreg:$0x5]  }
0x12e: {  	s30 =	rddreg [dreg:$0x4];
	s2 =	sadd.s32 $0x1, s2  }
0x12f: {  	p0 =	sne.s32 s2, s30  }
.Ltmp1:
0x130: {  	_ = 	snop;
	(pc) =	sbr.rel @p0 .LBB2_1-.Ltmp1, $3  }
0x131: {  	_ =	sdelay $0x1  }
0x132: {  	[sflag:s31] =	ssyncset.done $0x0  }
0x133: {  	[sflag:s31] =	ssyncadd.s32 $0xFFFF4000  }
0x134: {  	_ =	sfence.sel $0x180000  }
0x135: {  	[bflag:$0x0] =	sbarrier.arrive $0xFFFF  }
0x136: {  	_ =	strace $0x90000059  }
0x137: {  	s0 =	stileid.u32;
	[bflag:$0x2] =	sbarrier.arrive $0xFFFF  }
0x138: {  	p0 =	sne.s32 s0, $0x0;
	s0 =	rddreg [dreg:$0x2]  }
0x139: {  	s0 =	sadd.s32 @!p0 $0x100000, s0  }
0x13a: {  	[sflag:s0] =	ssyncadd.tile.s32 @!p0 $0x1;
	_ =	shalt  }
.Lfunc_end2:
_tile_overlayer_lowered:
.L_overlay_start_2:
0x13b: {  	(tag) =	ssettag $0x2  }
0x13c: {  	s0 =	rddreg [dreg:$0x0];
	s2 =	stileid.u32  }
0x13d: {  	s1 =	rddreg [dreg:$0x1];
	p0 =	sne.s32 s2, $0x0  }
0x13e: {  	s3 =	rddreg [dreg:$0x2];
	[bflag:$0x3] =	sbarrier.arrive $0xFFFF;
	s2 =	simm.s32 @!p0 $0x1C05  }
0x13f: {  	[timem:s3], [sflag:s2] =	dma.local @!p0 [hbm:s0], s1  }
0x140: {  	s0 =	simm.s32 @!p0 $0x5  }
0x141: {  	_ =	swait.ge @!p0 [sflag:s0], s1  }
0x142: {  	s1 =	ssub.s32 @!p0 $0x0, s1;
	[sflag:s0] =	ssyncset.done @!p0 $0x0  }
0x143: {  	[sflag:s0] =	ssyncadd.s32 @!p0 s1  }
0x144: {  	[bflag:$0x3] =	sbarrier.arrive $0xFFFF  }
0x145: {  	_ =	shalt  }

// kernel: kernel.39.cloned.1.call-start
scs
__scs_entry_jumppad:
0x0: {  	(pc) =	sbr.rel $0x88, $3  }
0x1: {  	(tag) =	ssettag $0x0;
	lr =	simm.s32 $0x1  }
0x2: {  	[smem:$0x3F9D] =	sst lr;
	_ =	strace $0xD0000000  }
0x3: {  	_ = 	snop  }
0x4: {  	_ = 	snop  }
0x5: {  	_ = 	snop  }
0x6: {  	_ = 	snop  }
0x7: {  	_ = 	snop  }
__scs_overlays_trampoline_lowered:
0x8: {  	[smem:$0x3FAC] =	sst s0  }
0x9: {  	[smem:$0x3FAD] =	sst s1  }
0xa: {  	[smem:$0x3FAE] =	sst s2  }
0xb: {  	[smem:$0x3FAF] =	sst s3  }
0xc: {  	[smem:$0x3FB0] =	sst s4  }
0xd: {  	[smem:$0x3FB1] =	sst s5  }
0xe: {  	[smem:$0x3FB2] =	sst s6  }
0xf: {  	[smem:$0x3FB3] =	sst s7  }
0x10: {  	[smem:$0x3FB4] =	sst s8  }
0x11: {  	[smem:$0x3FB5] =	sst s9;
	s0 =	simm.s32 @!p0 $0x0  }
0x12: {  	s1 =	sld [smem:$0x3F9B];
	s0 =	simm.s32 @p0 $0x1  }
0x13: {  	[smem:$0x3FB6] =	sst s0;
	s0 =	simm.s32 @!p1 $0x0  }
0x14: {  	s2 =	sld [smem:$0x3F9A];
	s0 =	simm.s32 @p1 $0x1  }
0x15: {  	[smem:$0x3FB7] =	sst s0;
	s0 =	simm.s32 @!p2 $0x0  }
0x16: {  	s3 =	sld [smem:$0x3FDB];
	s0 =	simm.s32 @p2 $0x1  }
0x17: {  	s4 =	simm.s32 $0x1BF5;
	[smem:$0x3FB9] =	sst s0  }
0x18: {  	s0 =	sld [smem:$0x3F9C];
	_ =	swait.ge [sflag:s4], $0x0  }
0x19: {  	s7 =	sld [smem:$0x3F9D]  }
0x1a: {  	s8 =	sadd.s32 $0xFFFFE003, lr  }
0x1b: {  	s9 =	sadd.s32 $0xFFFFFEF7, lr;
	s5 =	simm.s32 $0xFFFFFFFF;
	p2 =	slt.u32 s8, $0xFFFFF086  }
0x1c: {  	p1 =	slt.u32 s9, $0xF7A;
	s5 =	simm.s32 @!p2 $0x0  }
0x1d: {  	s5 =	simm.s32 @p1 $0x1;
	p0 =	seq.s32 s7, s2  }
0x1e: {  	s7 =	smul.u32 @!p0 $0xF7A, s2;
	p2 =	seq.s32 @!p0 s5, $0x0  }
0x1f: {  	s9 =	smul.u32 $0xF7A, s1;
	s8 =	simm.s32 @!p0 $0x1BF5;
	p2 =	por !p2, p0  }
0x20: {  	[sflag:s8] =	ssyncset.s32 @!p0 $0xFFFFF086;
	s6 =	sadd.s32 @!p0 s3, s7;
	s7 =	simm.s32 @!p0 $0x108  }
0x21: {  	s3 =	sadd.s32 s3, s9;
	s6 =	sadd.s32 @!p0 $0x88, s6;
	s7 =	simm.s32 @p2 $0x1082  }
0x22: {  	[simem:s7], [sflag:s8] =	dma.local @!p0 [hbm:s6], $0xF7A  }
0x23: {  	s9 =	sor.u32 $0xD0000000, s2;
	s6 =	simm.s32 $0x108;
	_ =	swait.ge @!p0 [sflag:s8], $0x0  }
0x24: {  	s3 =	sadd.s32 $0x88, s3;
	s6 =	simm.s32 @!p1 $0x1082;
	[sflag:s4] =	ssyncset.s32 $0xFFFFF086  }
0x25: {  	[simem:s6], [sflag:s4] =	dma.local [hbm:s3], $0xF7A  }
0x26: {  	[smem:$0x3F9D] =	sst s1;
	(tag) =	ssettag s2;
	_ =	strace s9  }
0x27: {  	s1 =	sld [smem:$0x3FAD]  }
0x28: {  	s2 =	sld [smem:$0x3FAE]  }
0x29: {  	s4 =	sld [smem:$0x3FB0]  }
0x2a: {  	p0 =	seq.s32 s5, $0x0;
	s5 =	sld [smem:$0x3FB1]  }
0x2b: {  	s6 =	sld [smem:$0x3FB2]  }
0x2c: {  	s7 =	sld [smem:$0x3FB3]  }
0x2d: {  	s3 =	simm.s32 $0x108;
	s8 =	sld [smem:$0x3FB4]  }
0x2e: {  	s3 =	simm.s32 @!p0 $0x1082;
	s9 =	sld [smem:$0x3FB5]  }
0x2f: {  	lr =	sadd.s32 s0, s3;
	s0 =	sld [smem:$0x3FAC]  }
0x30: {  	s3 =	sld [smem:$0x3FAF]  }
0x31: {  	[smem:$0x3FB8] =	sst s10  }
0x32: {  	s10 =	sld [smem:$0x3FB6];
	_ =	sdelay $0x3  }
0x33: {  	p0 =	seq.s32 s10, $0x1;
	s10 =	sld [smem:$0x3FB8];
	_ =	sdelay $0x3  }
0x34: {  	[smem:$0x3FB8] =	sst s10  }
0x35: {  	s10 =	sld [smem:$0x3FB7];
	_ =	sdelay $0x3  }
0x36: {  	p1 =	seq.s32 s10, $0x1;
	s10 =	sld [smem:$0x3FB8];
	_ =	sdelay $0x3  }
0x37: {  	[smem:$0x3FB8] =	sst s10  }
0x38: {  	s10 =	sld [smem:$0x3FB9]  }
0x39: {  	_ = 	snop;
	(pc) =	sbr.ind lr, $3  }
0x3a: {  	_ = 	snop  }
0x3b: {  	_ = 	snop  }
0x3c: {  	p2 =	seq.s32 s10, $0x1;
	s10 =	sld [smem:$0x3FB8]  }
0x3d: {  	_ =	shalt  }
0x3e: {  	_ =	shalt  }
0x3f: {  	_ =	shalt  }
0x40: {  	_ =	shalt  }
0x41: {  	_ =	shalt  }
0x42: {  	_ =	shalt  }
0x43: {  	_ =	shalt  }
0x44: {  	_ =	shalt  }
0x45: {  	_ =	shalt  }
0x46: {  	_ =	shalt  }
0x47: {  	_ =	shalt  }
0x48: {  	_ =	shalt  }
0x49: {  	_ =	shalt  }
0x4a: {  	_ =	shalt  }
0x4b: {  	_ =	shalt  }
0x4c: {  	_ =	shalt  }
0x4d: {  	_ =	shalt  }
0x4e: {  	_ =	shalt  }
0x4f: {  	_ =	shalt  }
0x50: {  	_ =	shalt  }
0x51: {  	_ =	shalt  }
0x52: {  	_ =	shalt  }
0x53: {  	_ =	shalt  }
0x54: {  	_ =	shalt  }
0x55: {  	_ =	shalt  }
0x56: {  	_ =	shalt  }
0x57: {  	_ =	shalt  }
0x58: {  	_ =	shalt  }
0x59: {  	_ =	shalt  }
0x5a: {  	_ =	shalt  }
0x5b: {  	_ =	shalt  }
0x5c: {  	_ =	shalt  }
0x5d: {  	_ =	shalt  }
0x5e: {  	_ =	shalt  }
0x5f: {  	_ =	shalt  }
0x60: {  	_ =	shalt  }
0x61: {  	_ =	shalt  }
0x62: {  	_ =	shalt  }
0x63: {  	_ =	shalt  }
0x64: {  	_ =	shalt  }
0x65: {  	_ =	shalt  }
0x66: {  	_ =	shalt  }
0x67: {  	_ =	shalt  }
0x68: {  	_ =	shalt  }
0x69: {  	_ =	shalt  }
0x6a: {  	_ =	shalt  }
0x6b: {  	_ =	shalt  }
0x6c: {  	_ =	shalt  }
0x6d: {  	_ =	shalt  }
0x6e: {  	_ =	shalt  }
0x6f: {  	_ =	shalt  }
0x70: {  	_ =	shalt  }
0x71: {  	_ =	shalt  }
0x72: {  	_ =	shalt  }
0x73: {  	_ =	shalt  }
0x74: {  	_ =	shalt  }
0x75: {  	_ =	shalt  }
0x76: {  	_ =	shalt  }
0x77: {  	_ =	shalt  }
0x78: {  	_ =	shalt  }
0x79: {  	_ =	shalt  }
0x7a: {  	_ =	shalt  }
0x7b: {  	_ =	shalt  }
0x7c: {  	_ =	shalt  }
0x7d: {  	_ =	shalt  }
0x7e: {  	_ =	shalt  }
0x7f: {  	_ =	shalt  }
0x80: {  	_ =	shalt  }
0x81: {  	_ =	shalt  }
0x82: {  	_ =	shalt  }
0x83: {  	_ =	shalt  }
0x84: {  	_ =	shalt  }
0x85: {  	_ =	shalt  }
0x86: {  	_ =	shalt  }
0x87: {  	_ =	shalt  }
.Lfunc_end0:
.L_simem_size_0:
called_computation.7_lowered:
.L_overlay_start_0:
0x88: {  	s2 =	sld [smem:$0x3FD9]  }
0x89: {  	s3 =	sld [smem:$0x3FFE];
	_ =	sdelay $0x1  }
0x8a: {  	s1 =	srdreg.scid  }
0x8b: {  	s0 =	sand.u32 $0x1, s1  }
0x8c: {  	s17 =	sshll.u32 s0, $0xA;
	s2 =	sadd.s32 s3, s2  }
0x8d: {  	s2 =	sadd.s32 s2, s17  }
0x8e: {  	[smem:$0x3FC4] =	sst s2  }
0x8f: {  	_ = 	snop  }
0x90: {  	(tm) =	ssettm $0x1  }
0x91: {  	s18 =	sld [smem:$0x3FFB];
	_ =	sdelay $0x3  }
0x92: {  	_ =	strace s18  }
0x93: {  	s2 =	sld [smem:$0x3FFC];
	_ =	sdelay $0x3  }
0x94: {  	_ =	strace s2  }
0x95: {  	s2 =	sld [smem:$0x3FFD];
	_ =	sdelay $0x3  }
0x96: {  	_ =	strace s2  }
0x97: {  	_ =	strace $0x8FFFFFFF  }
0x98: {  	s19 =	sld [smem:$0x3FDB];
	_ =	sdelay $0x1  }
0x99: {  	s20 =	simm.s32 $_scs_section_size  }
0x9a: {  	s4 =	simm.s32 $_size__tile_overlayer_lowered;
	s5 =	simm.s32 $_tile_overlayer_lowered  }
0x9b: {  	s6 =	simm.s32 $0x1BFF;
	s21 =	sshll.u32 s5, $0x1;
	s3 =	sadd.s32 s20, s19  }
0x9c: {  	s22 =	simm.s32 $0x0;
	s4 =	sshll.u32 s4, $0x1;
	s5 =	sadd.s32 s21, s3  }
0x9d: {  	[timem:s22], [sflag:s6] =	dma.local [hbm:s5], s4  }
0x9e: {  	_ =	swait.ge [sflag:s6], s4  }
0x9f: {  	s4 =	ssub.s32 $0x0, s4;
	[sflag:s6] =	ssyncset.done $0x0  }
0xa0: {  	[sflag:s6] =	ssyncadd.s32 s4;
	_ =	sdelay $0x1  }
0xa1: {  	s23 =	simm.s32 $0x1B8B  }
0xa2: {  	_ =	swait.ge [sflag:s23], $0x1  }
0xa3: {  	[sflag:s23] =	ssyncset.done $0x0  }
0xa4: {  	[sflag:s23] =	ssyncadd.s32 $0xFFFFFFFF  }
0xa5: {  	s4 =	sld [smem:$0x0]  }
0xa6: {  	s5 =	sand.u32 $0xFFFFFFFE, s1  }
0xa7: {  	p0 =	sne.s32 s1, s5  }
0xa8: {  	s5 =	sshll.u32 @p0 s5, $0xE  }
0xa9: {  	s5 =	sadd.s32 @p0 $0x11B8D, s5;
	s6 =	sshll.u32 @p0 s4, $0x11  }
0xaa: {  	s5 =	sor.u32 @p0 s6, s5  }
0xab: {  	[sflag:s5] =	ssyncadd.remote.s32 @p0 $0x1;
	_ =	sdelay $0x1  }
0xac: {  	s5 =	simm.s32 @p0 $0x1B8D  }
0xad: {  	_ =	swait.eq @p0 [sflag:s5], $0x1  }
0xae: {  	[sflag:s5] =	ssyncadd.s32 @p0 $0xFFFFFFFF  }
0xaf: {  	s6 =	sshll.u32 @!p0 s1, $0xE  }
0xb0: {  	s6 =	sor.u32 @!p0 $0x4000, s6;
	s5 =	simm.s32 @!p0 $0x1B8D  }
0xb1: {  	s4 =	sshll.u32 @!p0 s4, $0x11;
	s6 =	sadd.s32 @!p0 $0x11B8D, s6;
	_ =	swait.eq @!p0 [sflag:s5], $0x1  }
0xb2: {  	s4 =	sor.u32 @!p0 s4, s6;
	[sflag:s5] =	ssyncadd.s32 @!p0 $0xFFFFFFFF  }
0xb3: {  	s25 =	simm.s32 $0x1B8E;
	s24 =	sld [smem:$0x3FFE];
	[sflag:s4] =	ssyncadd.remote.s32 @!p0 $0x1  }
0xb4: {  	s26 =	simm.s32 $execute0_lowered;
	[smem:$0x3FD2] =	sst s25  }
0xb5: {  	s5 =	sshll.u32 s26, $0x1;
	_ =	strace $0x8000005B;
	[dreg:$0x1] =	wrdreg $0xFFFFFFFF  }
0xb6: {  	s28 =	simm.s32 $_size_execute0_lowered;
	s3 =	sadd.s32 s3, s5;
	[dreg:$0x0] =	wrdreg $0x0  }
0xb7: {  	s5 =	sshll.u32 s28, $0x1;
	[dreg:$0x2] =	wrdreg s3  }
0xb8: {  	[dreg:$0x3] =	wrdreg s5  }
0xb9: {  	[dreg:$0x4] =	wrdreg $0xC0  }
0xba: {  	_ =	task [dreg:s22], $0x5FFFF  }
0xbb: {  	[dreg:$0x1] =	wrdreg $0xFFFFFFFF  }
0xbc: {  	[dreg:$0x0] =	wrdreg $0x60  }
0xbd: {  	[dreg:$0x2] =	wrdreg s24  }
0xbe: {  	[dreg:$0x3] =	wrdreg $0x10  }
0xbf: {  	_ =	task.clear_ibuf [dreg:s22], $0x4FFFF;
	_ =	strace $0x9000005B  }
0xc0: {  	s29 =	simm.s32 $0x10;
	_ =	strace $0x8000005D  }
0xc1: {  	_ =	swait.ge [sflag:s29], $0x1  }
0xc2: {  	[sflag:s29] =	ssyncadd.s32 $0xFFFFFFFF  }
0xc3: {  	_ =	strace $0x9000005D  }
0xc4: {  	_ =	sfence  }
0xc5: {  	s30 =	sld [smem:$0x0];
	_ =	sdelay $0x2  }
0xc6: {  	s31 =	sshll.u32 s1, $0xD;
	s1 =	sshrl.u32 s1, $0x2  }
0xc7: {  	s4 =	sand.u32 $0x4000, s31;
	s1 =	sadd.s32 s1, s30  }
0xc8: {  	s0 =	sor.u32 s4, s0;
	s1 =	sshll.u32 s1, $0x11  }
0xc9: {  	s0 =	sor.u32 s1, s0  }
0xca: {  	s0 =	sadd.s32 $0x8F2B, s0  }
0xcb: {  	[sflag:s0] =	ssyncadd.remote.s32 $0x1  }
0xcc: {  	_ =	sfence.sel $0xFFFF  }
0xcd: {  	[dreg:$0x0] =	wrdreg $0xFFFFFFFF;
	(pc) =	sbr.abs _section_cstart, $3  }
0xce: {  	[dreg:$0x1] =	wrdreg $0xFFFFFFFF  }
0xcf: {  	_ =	task.clear_ibuf [dreg:s22], $0x2FFFF;
	_ =	strace $0x9FFFFFFF  }
0xd0: {  	(tm) =	ssettm $0x7FFFFFFF  }
0xd1: {  	_ =	shalt  }
tec
execute0_lowered:
.L_overlay_start_1:
0x0: {  	(tag) =	ssettag $0x1  }
0x1: {  	s0 =	rddreg [dreg:$0x0];
	s1 =	simm.s32 $0x0;
	s2 =	srdreg.scid  }
0x2: {  	s5 =	stileid.u32;
	s12 =	simm.s32 $0x200;
	s19 =	simm.s32 $0xC200  }
0x3: {  	s28 =	simm.s32 $0x1;
	s29 =	simm.s32 $0x2;
	s9 =	simm.s32 $0x10A00  }
0x4: {  	s10 =	simm.s32 $0x11200;
	s11 =	simm.s32 $0x12200;
	s13 =	simm.s32 $0x12A00  }
0x5: {  	s14 =	simm.s32 $0x12E00;
	s15 =	simm.s32 $0x13600;
	s16 =	simm.s32 $0x13A00  }
0x6: {  	s17 =	simm.s32 $0x14200;
	s18 =	simm.s32 $0x14600;
	s20 =	simm.s32 $0x14E00  }
0x7: {  	s21 =	simm.s32 $0x15200;
	s22 =	simm.s32 $0x15A00;
	s23 =	simm.s32 $0x15E00  }
0x8: {  	s24 =	simm.s32 $0x16600;
	s25 =	simm.s32 $0x16A00;
	[smem:$0x7FF] =	sst s1  }
0x9: {  	s3 =	sadd.s32 $0x143600, s0;
	s2 =	sand.u32 $0x1, s2;
	s4 =	sshll.u32 s5, $0x3  }
0xa: {  	s5 =	sshll.u32 s5, $0xA;
	_ =	strace $0x8000005C;
	s6 =	sshll.u32 s2, $0x9  }
0xb: {  	s7 =	sand.u32 $0x70, s4;
	s2 =	ssub.s32 $0x2, s2;
	s4 =	sor.u32 s6, s5  }
0xc: {  	s26 =	sadd.s32 s7, s0;
	s30 =	sshrl.u32 s2, $0x1;
	s5 =	sadd.s32 $0x743600, s0  }
0xd: {  	s7 =	sadd.s32 $0x143700, s0;
	s8 =	sand.u32 $0x600, s4;
	s2 =	ssub.s32 s2, s30  }
0xe: {  	v2 =	vlaneseq.u32;
	s6 =	sadd.s32 s8, s26;
	s31 =	smax.u32 s2, $0x1;
	s2 =	simm.s32 $0x0  }
0xf: {  	vm0 =	vmmov $0xffff;
	vm1 =	vmmov $0xff;
	v1 =	vshrl.u32 v2, $0x3;
	s8 =	simm.s32 $0x11E00;
	s6 =	sadd.s32 $0x6600, s6;
	[dreg:$0x3] =	wrdreg s31  }
0x10: {  	v0 =	vand.u32 $0x7, v2;
	v2 =	vor.u32 $0x8, v2;
	v1 =	vmul.u32 $0x8, v1;
	s26 =	simm.s32 $0x17200;
	[dreg:$0x2] =	wrdreg s6;
	s6 =	simm.s32 $0x11600  }
.LBB2_1:
0x11: {  	s30 =	rddreg [dreg:$0x2];
	s31 =	simm.s32 $0x80;
	s0 =	simm.s32 $0x400  }
0x12: {  	[tilespmem:s1], [sflag:$0x5] =	stream.strided.gather [hbm4b:s30+s31], $0x200, s0, s31, $0x38;
	[tilespmem:$0x18200] =	vst v63  }
0x13: {  	[dreg:$0x4] =	wrdreg s2;
	s31 =	simm.s32 $0x5  }
0x14: {  	p0 =	por $0x1, $0x1;
	_ =	swait.ge [sflag:s31], $0x200  }
0x15: {  	p1 =	por $0x0, $0x0;
	s2 =	simm.s32 $0x17E00;
	[sflag:s31] =	ssyncset.done $0x0  }
0x16: {  	s30 =	simm.s32 $0x0;
	s0 =	simm.s32 $0x17600;
	[sflag:s31] =	ssyncadd.s32 $0xFFFFFE00  }
.LBB2_2:
0x17: {  	s31 =	simm.s32 @p1 $0x3  }
0x18: {  	_ =	swait.ge @p1 [sflag:s31], $0xC000  }
0x19: {  	[sflag:s31] =	ssyncset.done @p1 $0x0  }
0x1a: {  	[sflag:s31] =	ssyncadd.s32 @p1 $0xFFFF4000;
	s31 =	simm.s32 @p1 $0x4  }
0x1b: {  	_ =	swait.ge @p1 [sflag:s31], $0xC000  }
0x1c: {  	[sflag:s31] =	ssyncset.done @p1 $0x0  }
0x1d: {  	[sflag:s31] =	ssyncadd.s32 @p1 $0xFFFF4000  }
0x1e: {  	v3 =	vld [tilespmem:s30+$0x0];
	_ =	sdelay $0x4  }
0x1f: {  	v4 =	vshrl.u32 v3, $0x3  }
0x20: {  	v4 =	vmul.u32 $0x18, v4  }
0x21: {  	v3 =	vand.u32 $0x7, v3  }
0x22: {  	v3 =	vor.u32 v3, v4  }
0x23: {  	v4 =	vperm.xlane v3, v0;
	_ =	sdelay $0x1  }
0x24: {  	v4 =	vadd.s32 v1, v4;
	_ =	sdelay $0x1  }
0x25: {  	v3 =	vperm.xlane v3, v2;
	_ =	sdelay $0x1  }
0x26: {  	v3 =	vadd.s32 v1, v3  }
0x27: {  	[tilespmem:s12], [sflag:$0x1] =	stream.indirect_vreg.gather [hbm4b:s3+s1], $0x80, v4, vm0, $0xb8;
	[tilespmem:$0x18200] =	vst v63  }
0x28: {  	s31 =	simm.s32 $0xA00  }
0x29: {  	[tilespmem:s31], [sflag:$0x1] =	stream.indirect_vreg.gather [hbm4b:s7+s1], $0x80, v4, vm1, $0xb8;
	[tilespmem:$0x18200] =	vst v63  }
0x2a: {  	s31 =	simm.s32 $0xE00  }
0x2b: {  	[tilespmem:s31], [sflag:$0x1] =	stream.indirect_vreg.gather [hbm4b:s3+s1], $0x80, v3, vm0, $0xb8;
	[tilespmem:$0x18200] =	vst v63  }
0x2c: {  	s31 =	simm.s32 $0x1600  }
0x2d: {  	[tilespmem:s31], [sflag:$0x1] =	stream.indirect_vreg.gather [hbm4b:s7+s1], $0x80, v3, vm1, $0xb8;
	[tilespmem:$0x18200] =	vst v63  }
0x2e: {  	v3 =	vld [tilespmem:s30+$0x10];
	_ =	sdelay $0x4  }
0x2f: {  	v49 =	vshrl.u32 v3, $0x3  }
0x30: {  	v4 =	vmul.u32 $0x18, v49  }
0x31: {  	v3 =	vand.u32 $0x7, v3  }
0x32: {  	v3 =	vor.u32 v3, v4  }
0x33: {  	v4 =	vperm.xlane v3, v0;
	_ =	sdelay $0x1  }
0x34: {  	v4 =	vadd.s32 v1, v4;
	_ =	sdelay $0x1  }
0x35: {  	v3 =	vperm.xlane v3, v2;
	_ =	sdelay $0x1  }
0x36: {  	s31 =	simm.s32 $0x1A00;
	v3 =	vadd.s32 v1, v3  }
0x37: {  	[tilespmem:s31], [sflag:$0x1] =	stream.indirect_vreg.gather [hbm4b:s3+s1], $0x80, v4, vm0, $0xb8;
	[tilespmem:$0x18200] =	vst v63  }
0x38: {  	s31 =	simm.s32 $0x2200  }
0x39: {  	[tilespmem:s31], [sflag:$0x1] =	stream.indirect_vreg.gather [hbm4b:s7+s1], $0x80, v4, vm1, $0xb8;
	[tilespmem:$0x18200] =	vst v63  }
0x3a: {  	s31 =	simm.s32 $0x2600  }
0x3b: {  	[tilespmem:s31], [sflag:$0x1] =	stream.indirect_vreg.gather [hbm4b:s3+s1], $0x80, v3, vm0, $0xb8;
	[tilespmem:$0x18200] =	vst v63  }
0x3c: {  	s31 =	simm.s32 $0x2E00  }
0x3d: {  	[tilespmem:s31], [sflag:$0x1] =	stream.indirect_vreg.gather [hbm4b:s7+s1], $0x80, v3, vm1, $0xb8;
	[tilespmem:$0x18200] =	vst v63  }
0x3e: {  	v3 =	vld [tilespmem:s30+$0x20];
	_ =	sdelay $0x4  }
0x3f: {  	v50 =	vshrl.u32 v3, $0x3  }
0x40: {  	v4 =	vmul.u32 $0x18, v50  }
0x41: {  	v3 =	vand.u32 $0x7, v3  }
0x42: {  	v3 =	vor.u32 v3, v4  }
0x43: {  	v4 =	vperm.xlane v3, v0;
	_ =	sdelay $0x1  }
0x44: {  	v4 =	vadd.s32 v1, v4;
	_ =	sdelay $0x1  }
0x45: {  	v3 =	vperm.xlane v3, v2;
	_ =	sdelay $0x1  }
0x46: {  	s31 =	simm.s32 $0x3200;
	v3 =	vadd.s32 v1, v3  }
0x47: {  	[tilespmem:s31], [sflag:$0x1] =	stream.indirect_vreg.gather [hbm4b:s3+s1], $0x80, v4, vm0, $0xb8;
	[tilespmem:$0x18200] =	vst v63  }
0x48: {  	s31 =	simm.s32 $0x3A00  }
0x49: {  	[tilespmem:s31], [sflag:$0x1] =	stream.indirect_vreg.gather [hbm4b:s7+s1], $0x80, v4, vm1, $0xb8;
	[tilespmem:$0x18200] =	vst v63  }
0x4a: {  	s31 =	simm.s32 $0x3E00  }
0x4b: {  	[tilespmem:s31], [sflag:$0x1] =	stream.indirect_vreg.gather [hbm4b:s3+s1], $0x80, v3, vm0, $0xb8;
	[tilespmem:$0x18200] =	vst v63  }
0x4c: {  	s31 =	simm.s32 $0x4600  }
0x4d: {  	[tilespmem:s31], [sflag:$0x1] =	stream.indirect_vreg.gather [hbm4b:s7+s1], $0x80, v3, vm1, $0xb8;
	[tilespmem:$0x18200] =	vst v63  }
0x4e: {  	v3 =	vld [tilespmem:s30+$0x30];
	_ =	sdelay $0x4  }
0x4f: {  	v51 =	vshrl.u32 v3, $0x3  }
0x50: {  	v4 =	vmul.u32 $0x18, v51  }
0x51: {  	v3 =	vand.u32 $0x7, v3  }
0x52: {  	v3 =	vor.u32 v3, v4  }
0x53: {  	v4 =	vperm.xlane v3, v0;
	_ =	sdelay $0x1  }
0x54: {  	v4 =	vadd.s32 v1, v4;
	_ =	sdelay $0x1  }
0x55: {  	v3 =	vperm.xlane v3, v2;
	_ =	sdelay $0x1  }
0x56: {  	s31 =	simm.s32 $0x4A00;
	v3 =	vadd.s32 v1, v3  }
0x57: {  	[tilespmem:s31], [sflag:$0x1] =	stream.indirect_vreg.gather [hbm4b:s3+s1], $0x80, v4, vm0, $0xb8;
	[tilespmem:$0x18200] =	vst v63  }
0x58: {  	s31 =	simm.s32 $0x5200  }
0x59: {  	[tilespmem:s31], [sflag:$0x1] =	stream.indirect_vreg.gather [hbm4b:s7+s1], $0x80, v4, vm1, $0xb8;
	[tilespmem:$0x18200] =	vst v63  }
0x5a: {  	s31 =	simm.s32 $0x5600  }
0x5b: {  	[tilespmem:s31], [sflag:$0x1] =	stream.indirect_vreg.gather [hbm4b:s3+s1], $0x80, v3, vm0, $0xb8;
	[tilespmem:$0x18200] =	vst v63  }
0x5c: {  	s31 =	simm.s32 $0x5E00  }
0x5d: {  	[tilespmem:s31], [sflag:$0x1] =	stream.indirect_vreg.gather [hbm4b:s7+s1], $0x80, v3, vm1, $0xb8;
	[tilespmem:$0x18200] =	vst v63  }
0x5e: {  	v3 =	vld [tilespmem:s30+$0x40];
	_ =	sdelay $0x4  }
0x5f: {  	v52 =	vshrl.u32 v3, $0x3  }
0x60: {  	v4 =	vmul.u32 $0x18, v52  }
0x61: {  	v3 =	vand.u32 $0x7, v3  }
0x62: {  	v3 =	vor.u32 v3, v4  }
0x63: {  	v4 =	vperm.xlane v3, v0;
	_ =	sdelay $0x1  }
0x64: {  	v4 =	vadd.s32 v1, v4;
	_ =	sdelay $0x1  }
0x65: {  	v3 =	vperm.xlane v3, v2;
	_ =	sdelay $0x1  }
0x66: {  	s31 =	simm.s32 $0x6200;
	v3 =	vadd.s32 v1, v3  }
0x67: {  	[tilespmem:s31], [sflag:$0x1] =	stream.indirect_vreg.gather [hbm4b:s3+s1], $0x80, v4, vm0, $0xb8;
	[tilespmem:$0x18200] =	vst v63  }
0x68: {  	s31 =	simm.s32 $0x6A00  }
0x69: {  	[tilespmem:s31], [sflag:$0x1] =	stream.indirect_vreg.gather [hbm4b:s7+s1], $0x80, v4, vm1, $0xb8;
	[tilespmem:$0x18200] =	vst v63  }
0x6a: {  	s31 =	simm.s32 $0x6E00  }
0x6b: {  	[tilespmem:s31], [sflag:$0x1] =	stream.indirect_vreg.gather [hbm4b:s3+s1], $0x80, v3, vm0, $0xb8;
	[tilespmem:$0x18200] =	vst v63  }
0x6c: {  	s31 =	simm.s32 $0x7600  }
0x6d: {  	[tilespmem:s31], [sflag:$0x1] =	stream.indirect_vreg.gather [hbm4b:s7+s1], $0x80, v3, vm1, $0xb8;
	[tilespmem:$0x18200] =	vst v63  }
0x6e: {  	v3 =	vld [tilespmem:s30+$0x50];
	_ =	sdelay $0x4  }
0x6f: {  	v53 =	vshrl.u32 v3, $0x3  }
0x70: {  	v4 =	vmul.u32 $0x18, v53  }
0x71: {  	v3 =	vand.u32 $0x7, v3  }
0x72: {  	v3 =	vor.u32 v3, v4  }
0x73: {  	v4 =	vperm.xlane v3, v0;
	_ =	sdelay $0x1  }
0x74: {  	v4 =	vadd.s32 v1, v4;
	_ =	sdelay $0x1  }
0x75: {  	v3 =	vperm.xlane v3, v2;
	_ =	sdelay $0x1  }
0x76: {  	s31 =	simm.s32 $0x7A00;
	v3 =	vadd.s32 v1, v3  }
0x77: {  	[tilespmem:s31], [sflag:$0x1] =	stream.indirect_vreg.gather [hbm4b:s3+s1], $0x80, v4, vm0, $0xb8;
	[tilespmem:$0x18200] =	vst v63  }
0x78: {  	s31 =	simm.s32 $0x8200  }
0x79: {  	[tilespmem:s31], [sflag:$0x1] =	stream.indirect_vreg.gather [hbm4b:s7+s1], $0x80, v4, vm1, $0xb8;
	[tilespmem:$0x18200] =	vst v63  }
0x7a: {  	s31 =	simm.s32 $0x8600  }
0x7b: {  	[tilespmem:s31], [sflag:$0x1] =	stream.indirect_vreg.gather [hbm4b:s3+s1], $0x80, v3, vm0, $0xb8;
	[tilespmem:$0x18200] =	vst v63  }
0x7c: {  	s31 =	simm.s32 $0x8E00  }
0x7d: {  	[tilespmem:s31], [sflag:$0x1] =	stream.indirect_vreg.gather [hbm4b:s7+s1], $0x80, v3, vm1, $0xb8;
	[tilespmem:$0x18200] =	vst v63  }
0x7e: {  	v3 =	vld [tilespmem:s30+$0x60];
	_ =	sdelay $0x4  }
0x7f: {  	v54 =	vshrl.u32 v3, $0x3  }
0x80: {  	v4 =	vmul.u32 $0x18, v54  }
0x81: {  	v3 =	vand.u32 $0x7, v3  }
0x82: {  	v3 =	vor.u32 v3, v4  }
0x83: {  	v4 =	vperm.xlane v3, v0;
	_ =	sdelay $0x1  }
0x84: {  	v4 =	vadd.s32 v1, v4;
	_ =	sdelay $0x1  }
0x85: {  	v3 =	vperm.xlane v3, v2;
	_ =	sdelay $0x1  }
0x86: {  	s31 =	simm.s32 $0x9200;
	v3 =	vadd.s32 v1, v3  }
0x87: {  	[tilespmem:s31], [sflag:$0x1] =	stream.indirect_vreg.gather [hbm4b:s3+s1], $0x80, v4, vm0, $0xb8;
	[tilespmem:$0x18200] =	vst v63  }
0x88: {  	s31 =	simm.s32 $0x9A00  }
0x89: {  	[tilespmem:s31], [sflag:$0x1] =	stream.indirect_vreg.gather [hbm4b:s7+s1], $0x80, v4, vm1, $0xb8;
	[tilespmem:$0x18200] =	vst v63  }
0x8a: {  	s31 =	simm.s32 $0x9E00  }
0x8b: {  	[tilespmem:s31], [sflag:$0x1] =	stream.indirect_vreg.gather [hbm4b:s3+s1], $0x80, v3, vm0, $0xb8;
	[tilespmem:$0x18200] =	vst v63  }
0x8c: {  	s31 =	simm.s32 $0xA600  }
0x8d: {  	[tilespmem:s31], [sflag:$0x1] =	stream.indirect_vreg.gather [hbm4b:s7+s1], $0x80, v3, vm1, $0xb8;
	[tilespmem:$0x18200] =	vst v63  }
0x8e: {  	v3 =	vld [tilespmem:s30+$0x70];
	_ =	sdelay $0x4  }
0x8f: {  	v55 =	vshrl.u32 v3, $0x3  }
0x90: {  	v4 =	vmul.u32 $0x18, v55  }
0x91: {  	v3 =	vand.u32 $0x7, v3  }
0x92: {  	v3 =	vor.u32 v3, v4  }
0x93: {  	v4 =	vperm.xlane v3, v0;
	_ =	sdelay $0x1  }
0x94: {  	v4 =	vadd.s32 v1, v4;
	_ =	sdelay $0x1  }
0x95: {  	v3 =	vperm.xlane v3, v2;
	_ =	sdelay $0x1  }
0x96: {  	s31 =	simm.s32 $0xAA00;
	v3 =	vadd.s32 v1, v3  }
0x97: {  	[tilespmem:s31], [sflag:$0x1] =	stream.indirect_vreg.gather [hbm4b:s3+s1], $0x80, v4, vm0, $0xb8;
	[tilespmem:$0x18200] =	vst v63  }
0x98: {  	s31 =	simm.s32 $0xB200  }
0x99: {  	[tilespmem:s31], [sflag:$0x1] =	stream.indirect_vreg.gather [hbm4b:s7+s1], $0x80, v4, vm1, $0xb8;
	[tilespmem:$0x18200] =	vst v63  }
0x9a: {  	s31 =	simm.s32 $0xB600  }
0x9b: {  	[tilespmem:s31], [sflag:$0x1] =	stream.indirect_vreg.gather [hbm4b:s3+s1], $0x80, v3, vm0, $0xb8;
	[tilespmem:$0x18200] =	vst v63  }
0x9c: {  	s31 =	simm.s32 $0xBE00  }
0x9d: {  	[tilespmem:s31], [sflag:$0x1] =	stream.indirect_vreg.gather [hbm4b:s7+s1], $0x80, v3, vm1, $0xb8;
	[tilespmem:$0x18200] =	vst v63  }
0x9e: {  	v3 =	vld [tilespmem:s30+$0x80];
	_ =	sdelay $0x4  }
0x9f: {  	v56 =	vshrl.u32 v3, $0x3  }
0xa0: {  	v4 =	vmul.u32 $0x18, v56  }
0xa1: {  	v3 =	vand.u32 $0x7, v3  }
0xa2: {  	v3 =	vor.u32 v3, v4  }
0xa3: {  	v4 =	vperm.xlane v3, v0;
	_ =	sdelay $0x1  }
0xa4: {  	v4 =	vadd.s32 v1, v4;
	_ =	sdelay $0x1  }
0xa5: {  	v3 =	vperm.xlane v3, v2;
	_ =	sdelay $0x1  }
0xa6: {  	v3 =	vadd.s32 v1, v3  }
0xa7: {  	[tilespmem:s19], [sflag:$0x2] =	stream.indirect_vreg.gather [hbm4b:s3+s1], $0x80, v4, vm0, $0xb8;
	[tilespmem:$0x18200] =	vst v63  }
0xa8: {  	s31 =	simm.s32 $0xCA00  }
0xa9: {  	[tilespmem:s31], [sflag:$0x2] =	stream.indirect_vreg.gather [hbm4b:s7+s1], $0x80, v4, vm1, $0xb8;
	[tilespmem:$0x18200] =	vst v63  }
0xaa: {  	s31 =	simm.s32 $0xCE00  }
0xab: {  	[tilespmem:s31], [sflag:$0x2] =	stream.indirect_vreg.gather [hbm4b:s3+s1], $0x80, v3, vm0, $0xb8;
	[tilespmem:$0x18200] =	vst v63  }
0xac: {  	s31 =	simm.s32 $0xD600  }
0xad: {  	[tilespmem:s31], [sflag:$0x2] =	stream.indirect_vreg.gather [hbm4b:s7+s1], $0x80, v3, vm1, $0xb8;
	[tilespmem:$0x18200] =	vst v63  }
0xae: {  	v3 =	vld [tilespmem:s30+$0x90];
	_ =	sdelay $0x4  }
0xaf: {  	v57 =	vshrl.u32 v3, $0x3  }
0xb0: {  	v4 =	vmul.u32 $0x18, v57  }
0xb1: {  	v3 =	vand.u32 $0x7, v3  }
0xb2: {  	v3 =	vor.u32 v3, v4  }
0xb3: {  	v4 =	vperm.xlane v3, v0;
	_ =	sdelay $0x1  }
0xb4: {  	v4 =	vadd.s32 v1, v4;
	_ =	sdelay $0x1  }
0xb5: {  	v3 =	vperm.xlane v3, v2;
	_ =	sdelay $0x1  }
0xb6: {  	s31 =	simm.s32 $0xDA00;
	v3 =	vadd.s32 v1, v3  }
0xb7: {  	[tilespmem:s31], [sflag:$0x2] =	stream.indirect_vreg.gather [hbm4b:s3+s1], $0x80, v4, vm0, $0xb8;
	[tilespmem:$0x18200] =	vst v63  }
0xb8: {  	s31 =	simm.s32 $0xE200  }
0xb9: {  	[tilespmem:s31], [sflag:$0x2] =	stream.indirect_vreg.gather [hbm4b:s7+s1], $0x80, v4, vm1, $0xb8;
	[tilespmem:$0x18200] =	vst v63  }
0xba: {  	s31 =	simm.s32 $0xE600  }
0xbb: {  	[tilespmem:s31], [sflag:$0x2] =	stream.indirect_vreg.gather [hbm4b:s3+s1], $0x80, v3, vm0, $0xb8;
	[tilespmem:$0x18200] =	vst v63  }
0xbc: {  	s31 =	simm.s32 $0xEE00  }
0xbd: {  	[tilespmem:s31], [sflag:$0x2] =	stream.indirect_vreg.gather [hbm4b:s7+s1], $0x80, v3, vm1, $0xb8;
	[tilespmem:$0x18200] =	vst v63  }
0xbe: {  	v3 =	vld [tilespmem:s30+$0xA0];
	_ =	sdelay $0x4  }
0xbf: {  	v58 =	vshrl.u32 v3, $0x3  }
0xc0: {  	v4 =	vmul.u32 $0x18, v58  }
0xc1: {  	v3 =	vand.u32 $0x7, v3  }
0xc2: {  	v3 =	vor.u32 v3, v4  }
0xc3: {  	v4 =	vperm.xlane v3, v0;
	_ =	sdelay $0x1  }
0xc4: {  	v4 =	vadd.s32 v1, v4;
	_ =	sdelay $0x1  }
0xc5: {  	v3 =	vperm.xlane v3, v2;
	_ =	sdelay $0x1  }
0xc6: {  	s31 =	simm.s32 $0xF200;
	v3 =	vadd.s32 v1, v3  }
0xc7: {  	[tilespmem:s31], [sflag:$0x2] =	stream.indirect_vreg.gather [hbm4b:s3+s1], $0x80, v4, vm0, $0xb8;
	[tilespmem:$0x18200] =	vst v63  }
0xc8: {  	s31 =	simm.s32 $0xFA00  }
0xc9: {  	[tilespmem:s31], [sflag:$0x2] =	stream.indirect_vreg.gather [hbm4b:s7+s1], $0x80, v4, vm1, $0xb8;
	[tilespmem:$0x18200] =	vst v63  }
0xca: {  	s31 =	simm.s32 $0xFE00  }
0xcb: {  	[tilespmem:s31], [sflag:$0x2] =	stream.indirect_vreg.gather [hbm4b:s3+s1], $0x80, v3, vm0, $0xb8;
	[tilespmem:$0x18200] =	vst v63  }
0xcc: {  	s31 =	simm.s32 $0x10600  }
0xcd: {  	[tilespmem:s31], [sflag:$0x2] =	stream.indirect_vreg.gather [hbm4b:s7+s1], $0x80, v3, vm1, $0xb8;
	[tilespmem:$0x18200] =	vst v63  }
0xce: {  	v3 =	vld [tilespmem:s30+$0xB0];
	_ =	sdelay $0x4  }
0xcf: {  	v59 =	vshrl.u32 v3, $0x3  }
0xd0: {  	v4 =	vmul.u32 $0x18, v59  }
0xd1: {  	v3 =	vand.u32 $0x7, v3  }
0xd2: {  	v3 =	vor.u32 v3, v4  }
0xd3: {  	v4 =	vperm.xlane v3, v0;
	_ =	sdelay $0x1  }
0xd4: {  	v4 =	vadd.s32 v1, v4;
	_ =	sdelay $0x1  }
0xd5: {  	v3 =	vperm.xlane v3, v2;
	_ =	sdelay $0x1  }
0xd6: {  	v3 =	vadd.s32 v1, v3  }
0xd7: {  	[tilespmem:s9], [sflag:$0x2] =	stream.indirect_vreg.gather [hbm4b:s3+s1], $0x80, v4, vm0, $0xb8;
	[tilespmem:$0x18200] =	vst v63  }
0xd8: {  	_ = 	snop  }
0xd9: {  	[tilespmem:s10], [sflag:$0x2] =	stream.indirect_vreg.gather [hbm4b:s7+s1], $0x80, v4, vm1, $0xb8;
	[tilespmem:$0x18200] =	vst v63  }
0xda: {  	_ = 	snop  }
0xdb: {  	[tilespmem:s6], [sflag:$0x2] =	stream.indirect_vreg.gather [hbm4b:s3+s1], $0x80, v3, vm0, $0xb8;
	[tilespmem:$0x18200] =	vst v63  }
0xdc: {  	_ = 	snop  }
0xdd: {  	[tilespmem:s8], [sflag:$0x2] =	stream.indirect_vreg.gather [hbm4b:s7+s1], $0x80, v3, vm1, $0xb8;
	[tilespmem:$0x18200] =	vst v63  }
0xde: {  	v3 =	vld [tilespmem:s30+$0xC0];
	_ =	sdelay $0x4  }
0xdf: {  	v60 =	vshrl.u32 v3, $0x3  }
0xe0: {  	v4 =	vmul.u32 $0x18, v60  }
0xe1: {  	v3 =	vand.u32 $0x7, v3  }
0xe2: {  	v3 =	vor.u32 v3, v4  }
0xe3: {  	v4 =	vperm.xlane v3, v0;
	_ =	sdelay $0x1  }
0xe4: {  	v4 =	vadd.s32 v1, v4;
	_ =	sdelay $0x1  }
0xe5: {  	v3 =	vperm.xlane v3, v2;
	_ =	sdelay $0x1  }
0xe6: {  	v3 =	vadd.s32 v1, v3  }
0xe7: {  	[tilespmem:s11], [sflag:$0x2] =	stream.indirect_vreg.gather [hbm4b:s3+s1], $0x80, v4, vm0, $0xb8;
	[tilespmem:$0x18200] =	vst v63  }
0xe8: {  	_ = 	snop  }
0xe9: {  	[tilespmem:s13], [sflag:$0x2] =	stream.indirect_vreg.gather [hbm4b:s7+s1], $0x80, v4, vm1, $0xb8;
	[tilespmem:$0x18200] =	vst v63  }
0xea: {  	_ = 	snop  }
0xeb: {  	[tilespmem:s14], [sflag:$0x2] =	stream.indirect_vreg.gather [hbm4b:s3+s1], $0x80, v3, vm0, $0xb8;
	[tilespmem:$0x18200] =	vst v63  }
0xec: {  	_ = 	snop  }
0xed: {  	[tilespmem:s15], [sflag:$0x2] =	stream.indirect_vreg.gather [hbm4b:s7+s1], $0x80, v3, vm1, $0xb8;
	[tilespmem:$0x18200] =	vst v63  }
0xee: {  	v3 =	vld [tilespmem:s30+$0xD0];
	_ =	sdelay $0x4  }
0xef: {  	v61 =	vshrl.u32 v3, $0x3  }
0xf0: {  	v4 =	vmul.u32 $0x18, v61  }
0xf1: {  	v3 =	vand.u32 $0x7, v3  }
0xf2: {  	v3 =	vor.u32 v3, v4  }
0xf3: {  	v4 =	vperm.xlane v3, v0;
	_ =	sdelay $0x1  }
0xf4: {  	v4 =	vadd.s32 v1, v4;
	_ =	sdelay $0x1  }
0xf5: {  	v3 =	vperm.xlane v3, v2;
	_ =	sdelay $0x1  }
0xf6: {  	v3 =	vadd.s32 v1, v3  }
0xf7: {  	[tilespmem:s16], [sflag:$0x2] =	stream.indirect_vreg.gather [hbm4b:s3+s1], $0x80, v4, vm0, $0xb8;
	[tilespmem:$0x18200] =	vst v63  }
0xf8: {  	_ = 	snop  }
0xf9: {  	[tilespmem:s17], [sflag:$0x2] =	stream.indirect_vreg.gather [hbm4b:s7+s1], $0x80, v4, vm1, $0xb8;
	[tilespmem:$0x18200] =	vst v63  }
0xfa: {  	_ = 	snop  }
0xfb: {  	[tilespmem:s18], [sflag:$0x2] =	stream.indirect_vreg.gather [hbm4b:s3+s1], $0x80, v3, vm0, $0xb8;
	[tilespmem:$0x18200] =	vst v63  }
0xfc: {  	_ = 	snop  }
0xfd: {  	[tilespmem:s20], [sflag:$0x2] =	stream.indirect_vreg.gather [hbm4b:s7+s1], $0x80, v3, vm1, $0xb8;
	[tilespmem:$0x18200] =	vst v63  }
0xfe: {  	v3 =	vld [tilespmem:s30+$0xE0];
	_ =	sdelay $0x4  }
0xff: {  	v62 =	vshrl.u32 v3, $0x3  }
0x100: {  	v4 =	vmul.u32 $0x18, v62  }
0x101: {  	v3 =	vand.u32 $0x7, v3  }
0x102: {  	v3 =	vor.u32 v3, v4  }
0x103: {  	v4 =	vperm.xlane v3, v0;
	_ =	sdelay $0x1  }
0x104: {  	v4 =	vadd.s32 v1, v4;
	_ =	sdelay $0x1  }
0x105: {  	v3 =	vperm.xlane v3, v2;
	_ =	sdelay $0x1  }
0x106: {  	v3 =	vadd.s32 v1, v3  }
0x107: {  	[tilespmem:s21], [sflag:$0x2] =	stream.indirect_vreg.gather [hbm4b:s3+s1], $0x80, v4, vm0, $0xb8;
	[tilespmem:$0x18200] =	vst v63  }
0x108: {  	_ = 	snop  }
0x109: {  	[tilespmem:s22], [sflag:$0x2] =	stream.indirect_vreg.gather [hbm4b:s7+s1], $0x80, v4, vm1, $0xb8;
	[tilespmem:$0x18200] =	vst v63  }
0x10a: {  	_ = 	snop  }
0x10b: {  	[tilespmem:s23], [sflag:$0x2] =	stream.indirect_vreg.gather [hbm4b:s3+s1], $0x80, v3, vm0, $0xb8;
	[tilespmem:$0x18200] =	vst v63  }
0x10c: {  	_ = 	snop  }
0x10d: {  	[tilespmem:s24], [sflag:$0x2] =	stream.indirect_vreg.gather [hbm4b:s7+s1], $0x80, v3, vm1, $0xb8;
	[tilespmem:$0x18200] =	vst v63  }
0x10e: {  	v3 =	vld [tilespmem:s30+$0xF0];
	_ =	sdelay $0x4  }
0x10f: {  	v63 =	vshrl.u32 v3, $0x3  }
0x110: {  	v4 =	vmul.u32 $0x18, v63  }
0x111: {  	v3 =	vand.u32 $0x7, v3  }
0x112: {  	v3 =	vor.u32 v3, v4  }
0x113: {  	v4 =	vperm.xlane v3, v0;
	_ =	sdelay $0x1  }
0x114: {  	v4 =	vadd.s32 v1, v4;
	_ =	sdelay $0x1  }
0x115: {  	v3 =	vperm.xlane v3, v2;
	_ =	sdelay $0x1  }
0x116: {  	v3 =	vadd.s32 v1, v3  }
0x117: {  	[tilespmem:s25], [sflag:$0x2] =	stream.indirect_vreg.gather [hbm4b:s3+s1], $0x80, v4, vm0, $0xb8;
	[tilespmem:$0x18200] =	vst v63  }
0x118: {  	_ = 	snop  }
0x119: {  	[tilespmem:s26], [sflag:$0x2] =	stream.indirect_vreg.gather [hbm4b:s7+s1], $0x80, v4, vm1, $0xb8;
	[tilespmem:$0x18200] =	vst v63  }
0x11a: {  	s30 =	sor.u32 s4, s30  }
0x11b: {  	[tilespmem:s0], [sflag:$0x2] =	stream.indirect_vreg.gather [hbm4b:s3+s1], $0x80, v3, vm0, $0xb8;
	[tilespmem:$0x18200] =	vst v63  }
0x11c: {  	s30 =	sshrl.u32 s30, $0x3  }
0x11d: {  	[tilespmem:s2], [sflag:$0x2] =	stream.indirect_vreg.gather [hbm4b:s7+s1], $0x80, v3, vm1, $0xb8;
	[tilespmem:$0x18200] =	vst v63  }
0x11e: {  	s31 =	smul.u32 $0x180, s30;
	_ =	swait.ge [sflag:s28], $0xC000  }
0x11f: {  	p2 =	por p0, p0;
	[sflag:s28] =	ssyncset.done $0x0  }
0x120: {  	s30 =	smul.u32 $0xC00, s30;
	s31 =	sadd.s32 s5, s31;
	[sflag:s28] =	ssyncadd.s32 $0xFFFF4000  }
0x121: {  	[hbm4b:s31+s1] =	stream.linear.scatter [tilespmem:s12], [sflag:$0x3], $0xC000, $0x38;
	[tilespmem:$0x18200] =	vst v63  }
.Ltmp0:
0x122: {  	s30 =	sshrl.u32 s30, $0x3;
	_ =	swait.ge [sflag:s29], $0xC000;
	(pc) =	sbr.rel @p2 .LBB2_2-.Ltmp0, $4  }
0x123: {  	s30 =	sadd.s32 s5, s30;
	[sflag:s29] =	ssyncset.done $0x0  }
0x124: {  	s30 =	sadd.s32 $0x1800, s30;
	[sflag:s29] =	ssyncadd.s32 $0xFFFF4000  }
0x125: {  	[hbm4b:s30+s1] =	stream.linear.scatter [tilespmem:s19], [sflag:$0x4], $0xC000, $0x38;
	[tilespmem:$0x18200] =	vst v63  }
0x126: {  	p0 =	por $0x0, $0x0;
	p1 =	por $0x1, $0x1;
	s30 =	simm.s32 $0x100  }
0x127: {  	s0 =	simm.s32 $0x3  }
0x128: {  	_ =	swait.ge [sflag:s0], $0xC000  }
0x129: {  	[sflag:s0] =	ssyncset.done $0x0  }
0x12a: {  	s31 =	simm.s32 $0x4;
	[sflag:s0] =	ssyncadd.s32 $0xFFFF4000  }
0x12b: {  	_ =	swait.ge [sflag:s31], $0xC000  }
0x12c: {  	s2 =	rddreg [dreg:$0x4]  }
0x12d: {  	s30 =	rddreg [dreg:$0x3];
	s2 =	sadd.s32 $0x1, s2  }
0x12e: {  	p0 =	sne.s32 s2, s30  }
.Ltmp1:
0x12f: {  	_ = 	snop;
	(pc) =	sbr.rel @p0 .LBB2_1-.Ltmp1, $3  }
0x130: {  	_ =	sdelay $0x1  }
0x131: {  	[sflag:s31] =	ssyncset.done $0x0  }
0x132: {  	[sflag:s31] =	ssyncadd.s32 $0xFFFF4000  }
0x133: {  	_ =	sfence.sel $0x180000  }
0x134: {  	[bflag:$0x0] =	sbarrier.arrive $0xFFFF  }
0x135: {  	_ =	strace $0x9000005C  }
0x136: {  	s0 =	stileid.u32;
	[bflag:$0x2] =	sbarrier.arrive $0xFFFF  }
0x137: {  	p0 =	sne.s32 s0, $0x0;
	s0 =	rddreg [dreg:$0x1]  }
0x138: {  	s0 =	sadd.s32 @!p0 $0x100000, s0  }
0x139: {  	[sflag:s0] =	ssyncadd.tile.s32 @!p0 $0x1;
	_ =	shalt  }
.Lfunc_end2:
_tile_overlayer_lowered:
.L_overlay_start_2:
0x13a: {  	(tag) =	ssettag $0x2  }
0x13b: {  	s0 =	rddreg [dreg:$0x0];
	s2 =	stileid.u32  }
0x13c: {  	s1 =	rddreg [dreg:$0x1];
	p0 =	sne.s32 s2, $0x0  }
0x13d: {  	s3 =	rddreg [dreg:$0x2];
	[bflag:$0x3] =	sbarrier.arrive $0xFFFF;
	s2 =	simm.s32 @!p0 $0x1C05  }
0x13e: {  	[timem:s3], [sflag:s2] =	dma.local @!p0 [hbm:s0], s1  }
0x13f: {  	s0 =	simm.s32 @!p0 $0x5  }
0x140: {  	_ =	swait.ge @!p0 [sflag:s0], s1  }
0x141: {  	s1 =	ssub.s32 @!p0 $0x0, s1;
	[sflag:s0] =	ssyncset.done @!p0 $0x0  }
0x142: {  	[sflag:s0] =	ssyncadd.s32 @!p0 s1  }
0x143: {  	[bflag:$0x3] =	sbarrier.arrive $0xFFFF  }
0x144: {  	_ =	shalt  }

</sc_bundles>
